<compile_context>
chip_gen: v7x
topology: tpu7x:2x2x1
jax: 0.10.2.dev20260603
libtpu: 0.0.44.dev20260713+nightly
codegen_flags: <defaults>
</compile_context>

<pallas_src>
import functools

import jax
import jax.numpy as jnp
from jax import lax
from jax.experimental import pallas as pl
from jax.experimental.pallas import tpu as pltpu
from jax.experimental.pallas import tpu_sc as plsc

_THRESHOLD = 0.01
_NC = 2
_NW = 32
_BLK = 512
_NBLK = 1953
_ABLK = 62
_BU = 512
_BUNITS = 50


def _phase_a(w_t, m_t, tail_rows):
    vocab = w_t.shape[1]
    dim = w_t.shape[0]
    tail = vocab - _NBLK * _BLK
    mesh = plsc.VectorSubcoreMesh(core_axis_name="c", subcore_axis_name="s")

    @functools.partial(
        pl.kernel,
        mesh=mesh,
        compiler_params=pltpu.CompilerParams(use_tc_tiling_on_sc=True,
                                             needs_layout_passes=False),
        out_type=jax.ShapeDtypeStruct((vocab * dim,), jnp.float32),
        scratch_types=[
            pltpu.VMEM((2, dim, _BLK + 1), jnp.float32),
            pltpu.VMEM((2, dim, _BLK + 1), jnp.float32),
            pltpu.VMEM((2, _BLK * dim), jnp.float32),
            [pltpu.SemaphoreType.DMA] * 2,
            [pltpu.SemaphoreType.DMA] * 2,
        ],
    )
    def k(w_hbm, m_hbm, tl_hbm, tab_hbm, wv, mv, ov, sem_in, sem_out):
        wid = lax.axis_index("s") * _NC + lax.axis_index("c")
        iota = lax.iota(jnp.int32, 16)

        def blk_of(k_it):
            return pl.multiple_of(
                lax.rem(wid + k_it * _NW, _NBLK) * _BLK, _BLK)

        def fire_in(k_it, par):
            v0 = blk_of(k_it)
            pltpu.async_copy(w_hbm.at[:, pl.ds(v0, _BLK)],
                             wv.at[par, :, pl.ds(0, _BLK)], sem_in[par])
            pltpu.async_copy(m_hbm.at[:, pl.ds(v0, _BLK)],
                             mv.at[par, :, pl.ds(0, _BLK)], sem_in[par])

        def wait_in(k_it, par):
            v0 = blk_of(k_it)
            pltpu.make_async_copy(w_hbm.at[:, pl.ds(v0, _BLK)],
                                  wv.at[par, :, pl.ds(0, _BLK)],
                                  sem_in[par]).wait()
            pltpu.make_async_copy(m_hbm.at[:, pl.ds(v0, _BLK)],
                                  mv.at[par, :, pl.ds(0, _BLK)],
                                  sem_in[par]).wait()

        def wait_out(k_it, par):
            v0 = blk_of(k_it)
            pltpu.make_async_copy(
                ov.at[par], tab_hbm.at[pl.ds(v0 * dim, _BLK * dim)],
                sem_out[par]).wait()

        @pl.when(wid == 0)
        def _():
            pltpu.sync_copy(tl_hbm, ov.at[0, pl.ds(0, tail * dim)])
            pltpu.sync_copy(ov.at[0, pl.ds(0, tail * dim)],
                            tab_hbm.at[pl.ds(_NBLK * _BLK * dim,
                                             tail * dim)])

        fire_in(0, 0)
        fire_in(1, 1)

        def half_body(k_it, par):
            wait_in(k_it, par)

            @pl.when(k_it >= 2)
            def _():
                wait_out(k_it - 2, par)

            def mrow(r, _):
                @plsc.parallel_loop(0, _BLK // 16, unroll=8)
                def seg(s):
                    off = s * 16
                    w = wv[par, r, pl.ds(off, 16)]
                    m = mv[par, r, pl.ds(off, 16)]
                    wv[par, r, pl.ds(off, 16)] = jnp.where(
                        m > _THRESHOLD, w, 0.0)

                return 0

            lax.fori_loop(0, dim, mrow, 0)

            @plsc.parallel_loop(0, _BLK, unroll=16)
            def col(c):
                ci = jnp.full((16,), c, jnp.int32)
                ov[par, pl.ds(c * dim, dim)] = plsc.load_gather(
                    wv.at[par], [iota, ci])
            v0 = blk_of(k_it)
            pltpu.async_copy(ov.at[par],
                             tab_hbm.at[pl.ds(v0 * dim, _BLK * dim)],
                             sem_out[par])

            @pl.when(k_it < _ABLK - 2)
            def _():
                fire_in(k_it + 2, par)

        def blk_pair(k2, _):
            half_body(k2 * 2, 0)
            half_body(k2 * 2 + 1, 1)
            return 0

        lax.fori_loop(0, _ABLK // 2, blk_pair, 0)
        wait_out(_ABLK - 2, 0)
        wait_out(_ABLK - 1, 1)

    return k(w_t, m_t, tail_rows)


def _phase_b(idx_flat, tab, n_j, n_b):
    mesh = plsc.VectorSubcoreMesh(core_axis_name="c", subcore_axis_name="s")
    dim = tab.shape[1]
    per_w = _BUNITS * _BU
    upj = n_b // _BU

    @functools.partial(
        pl.kernel,
        mesh=mesh,
        compiler_params=pltpu.CompilerParams(use_tc_tiling_on_sc=False,
                                             needs_layout_passes=False),
        out_type=jax.ShapeDtypeStruct((n_j, 2, n_b // 128, 8, 128),
                                      jnp.float32),
        scratch_types=[
            pltpu.VMEM((per_w,), jnp.int32),
            pltpu.VMEM((2, _BU, dim), jnp.float32),
            pltpu.VMEM((2, dim, _BU + 1), jnp.float32),
            [pltpu.SemaphoreType.DMA] * 2,
            [pltpu.SemaphoreType.DMA] * 2,
        ],
    )
    def k(idx_hbm, tab_hbm, out_hbm, iv, gv, tv, sem_g, sem_o):
        wid = lax.axis_index("s") * _NC + lax.axis_index("c")
        iota = lax.iota(jnp.int32, 16)
        u0 = wid * _BUNITS

        pltpu.sync_copy(idx_hbm.at[pl.ds(wid * per_w, per_w)], iv)

        def fire_gather(u, par):
            pltpu.async_copy(tab_hbm.at[iv.at[pl.ds(u * _BU, _BU)]],
                             gv.at[par], sem_g[par])

        def wait_gather(u, par):
            pltpu.make_async_copy(tab_hbm.at[iv.at[pl.ds(u * _BU, _BU)]],
                                  gv.at[par], sem_g[par]).wait()

        def out_copies(u, par, fire):
            uu = u0 + u
            j = uu // upj
            q4 = lax.rem(uu, upj)
            for g in range(2):
                for cq in range(4):
                    src = tv.at[par, pl.ds(g * 8, 8), pl.ds(cq * 128, 128)]
                    dst = out_hbm.at[j, g, q4 * 4 + cq]
                    if fire:
                        pltpu.async_copy(src, dst, sem_o[par])
                    else:
                        pltpu.make_async_copy(src, dst, sem_o[par]).wait()

        fire_gather(0, 0)
        fire_gather(1, 1)

        def unit_half(u, par):
            wait_gather(u, par)

            @pl.when(u >= 2)
            def _():
                out_copies(u - 2, par, fire=False)

            @plsc.parallel_loop(0, _BU, unroll=4)
            def row(b):
                v = gv[par, b, :]
                plsc.store_scatter(tv.at[par],
                                   [iota, jnp.full((16,), b, jnp.int32)], v)

            out_copies(u, par, fire=True)

            @pl.when(u < _BUNITS - 2)
            def _():
                fire_gather(u + 2, par)

        def unit_pair(u2, _):
            unit_half(u2 * 2, 0)
            unit_half(u2 * 2 + 1, 1)
            return 0

        lax.fori_loop(0, _BUNITS // 2, unit_pair, 0)
        out_copies(_BUNITS - 2, 0, fire=False)
        out_copies(_BUNITS - 1, 1, fire=False)

    return k(idx_flat, tab)


def kernel(x, weight, mask_real):
    n_b0, n_j = x.shape
    vocab, dim = weight.shape
    x_t = x.astype(jnp.int32).T
    v0 = _NBLK * _BLK
    tail_rows = ((mask_real[v0:] > _THRESHOLD) * weight[v0:]).reshape(-1)
    idx_flat = x_t.reshape(-1)
    tab_flat = _phase_a(weight.T, mask_real.T, tail_rows)
    tab = tab_flat.reshape(vocab, dim)
    out5 = _phase_b(idx_flat, tab, n_j, n_b0)
    return out5.transpose(2, 4, 0, 1, 3).reshape(n_b0, n_j, dim)

# --- scband reference (transcript-rebuilt; emitter-appended) ---
"""Pipeline reference for scband-masked-embedding-11819749999085 (READ-ONLY COPY).

The authoritative reference and input builder live on the scoring server;
editing this copy changes nothing except your own understanding.
"""

import jax, jax.numpy as jnp
import numpy as np

VOCAB = 1000000
DIM = 16
MASK_SCALE = 0.02
THRESHOLD = 0.01
INITIAL_SPARSITY = 0.1


def setup_inputs(seed: int = 0) -> dict:
    key = jax.random.key(seed)
    k1, k2, k3 = jax.random.split(key, 3)
    x = jax.random.randint(k1, (16384, 50), 0, VOCAB, dtype=jnp.int64)
    weight = jax.random.normal(k2, (VOCAB, DIM), dtype=jnp.float32)
    left = -MASK_SCALE
    right = (MASK_SCALE + THRESHOLD) / INITIAL_SPARSITY - MASK_SCALE
    mask_real = jax.random.uniform(k3, (VOCAB, DIM), dtype=jnp.float32, minval=left, maxval=right)
    return {"x": x, "weight": weight, "mask_real": mask_real}


def reference(x, weight, mask_real):
    # Binarizer.forward: 0 where mask_real <= threshold, 1 where > threshold
    mask_thresholded = (mask_real > THRESHOLD).astype(weight.dtype)
    weight_thresholded = mask_thresholded * weight
    # F.embedding with padding_idx=None -> plain row gather
    out = jnp.take(weight_thresholded, x, axis=0)
    return out

if __name__ == "__main__":
    import jax
    _d = setup_inputs()
    print(jax.jit(kernel)(*tuple(_d.values())))

</pallas_src>

<mosaic_0001>
#map = affine_map<(d0, d1) -> (0, 0)>
#map1 = affine_map<(d0, d1) -> (0)>
module attributes {stable_mosaic.version = 14 : i64} {
  func.func @k(%arg0: i32, %arg1: i32, %arg2: memref<16x1000000xf32, #tpu.memory_space<hbm>>, %arg3: memref<16x1000000xf32, #tpu.memory_space<hbm>>, %arg4: memref<1024xf32, #tpu.memory_space<hbm>>, %arg5: memref<16000000xf32, #tpu.memory_space<hbm>>, %arg6: memref<2x16x513xf32, #tpu.memory_space<vmem>>, %arg7: memref<2x16x513xf32, #tpu.memory_space<vmem>>, %arg8: memref<2x8192xf32, #tpu.memory_space<vmem>>, %arg9: memref<!tpu.dma_semaphore, #tpu.memory_space<semaphore_mem>>, %arg10: memref<!tpu.dma_semaphore, #tpu.memory_space<semaphore_mem>>, %arg11: memref<!tpu.dma_semaphore, #tpu.memory_space<semaphore_mem>>, %arg12: memref<!tpu.dma_semaphore, #tpu.memory_space<semaphore_mem>>) attributes {dimension_semantics = [#tpu.dimension_semantics<core_parallel>, #tpu.dimension_semantics<subcore_parallel>], iteration_bounds = array<i64: 2, 16>, scalar_prefetch = 0 : i64, scratch_operands = 7 : i64, tpu.core_type = #tpu.core_type<sc_vector_subcore>, window_params = [{transform_indices = #map}, {transform_indices = #map}, {transform_indices = #map1}, {transform_indices = #map1}]} {
    %mul3A = arith.constant 2 : i32
    %mul3A_0 = arith.muli %arg1, %mul3A : i32
    %add3A = arith.addi %mul3A_0, %arg0 : i32
    %iota3A = tpu.iota {dimensions = array<i32: 0>} : vector<16xi32>
    %eq3A = arith.constant 0 : i32
    %eq3A_1 = arith.cmpi eq, %add3A, %eq3A : i32
    %convert_element_type3A = arith.extui %eq3A_1 : i1 to i32
    %cond3A = arith.constant 0 : i32
    %cond3A_2 = arith.cmpi ne, %convert_element_type3A, %cond3A : i32
    scf.if %cond3A_2 {
      %run_scoped3A = arith.constant 0 : i32
      "tpu.region"() ({
        %run_scoped3A_108 = tpu.sem_alloc : memref<!tpu.dma_semaphore, #tpu.memory_space<semaphore_mem>>
        %dma_start3A_109 = arith.constant 0 : i32
        %dma_start3A_110 = tpu.memref_slice %arg8[%run_scoped3A, %dma_start3A_109] : memref<2x8192xf32, #tpu.memory_space<vmem>> -> memref<1x1024xf32, #tpu.memory_space<vmem>>
        %dma_start3A_111 = tpu.memref_squeeze %dma_start3A_110 : memref<1x1024xf32, #tpu.memory_space<vmem>> -> memref<1024xf32, #tpu.memory_space<vmem>>
        %dma_start3A_112 = arith.constant 0 : i32
        %dma_start3A_113 = tpu.memref_slice %arg8[%run_scoped3A, %dma_start3A_112] : memref<2x8192xf32, #tpu.memory_space<vmem>> -> memref<1x1024xf32, #tpu.memory_space<vmem>>
        %dma_start3A_114 = tpu.memref_squeeze %dma_start3A_113 : memref<1x1024xf32, #tpu.memory_space<vmem>> -> memref<1024xf32, #tpu.memory_space<vmem>>
        tpu.enqueue_dma source(%arg4 : memref<1024xf32, #tpu.memory_space<hbm>>) target(%dma_start3A_114 : memref<1024xf32, #tpu.memory_space<vmem>>) target_semaphore(%run_scoped3A_108 : memref<!tpu.dma_semaphore, #tpu.memory_space<semaphore_mem>>)
        %dma_wait3A_115 = arith.constant 0 : i32
        %dma_wait3A_116 = tpu.memref_slice %arg8[%run_scoped3A, %dma_wait3A_115] : memref<2x8192xf32, #tpu.memory_space<vmem>> -> memref<1x1024xf32, #tpu.memory_space<vmem>>
        %dma_wait3A_117 = tpu.memref_squeeze %dma_wait3A_116 : memref<1x1024xf32, #tpu.memory_space<vmem>> -> memref<1024xf32, #tpu.memory_space<vmem>>
        %dma_wait3A_118 = arith.constant 0 : i32
        %dma_wait3A_119 = tpu.memref_slice %arg8[%run_scoped3A, %dma_wait3A_118] : memref<2x8192xf32, #tpu.memory_space<vmem>> -> memref<1x1024xf32, #tpu.memory_space<vmem>>
        %dma_wait3A_120 = tpu.memref_squeeze %dma_wait3A_119 : memref<1x1024xf32, #tpu.memory_space<vmem>> -> memref<1024xf32, #tpu.memory_space<vmem>>
        tpu.wait_dma2 semaphore(%run_scoped3A_108 : memref<!tpu.dma_semaphore, #tpu.memory_space<semaphore_mem>>) src(%arg4 : memref<1024xf32, #tpu.memory_space<hbm>>) dst(%dma_wait3A_120 : memref<1024xf32, #tpu.memory_space<vmem>>)
        tpu.yield
      }) : () -> ()
      %run_scoped3A_107 = arith.constant 0 : i32
      "tpu.region"() ({
        %run_scoped3A_108 = tpu.sem_alloc : memref<!tpu.dma_semaphore, #tpu.memory_space<semaphore_mem>>
        %dma_start3A_109 = arith.constant 0 : i32
        %dma_start3A_110 = tpu.memref_slice %arg8[%run_scoped3A_107, %dma_start3A_109] : memref<2x8192xf32, #tpu.memory_space<vmem>> -> memref<1x1024xf32, #tpu.memory_space<vmem>>
        %dma_start3A_111 = tpu.memref_squeeze %dma_start3A_110 : memref<1x1024xf32, #tpu.memory_space<vmem>> -> memref<1024xf32, #tpu.memory_space<vmem>>
        %dma_start3A_112 = arith.constant 15998976 : i32
        %dma_start3A_113 = tpu.memref_slice %arg5[%dma_start3A_112] : memref<16000000xf32, #tpu.memory_space<hbm>> -> memref<1024xf32, #tpu.memory_space<hbm>>
        %dma_start3A_114 = arith.constant 15998976 : i32
        %dma_start3A_115 = tpu.memref_slice %arg5[%dma_start3A_114] : memref<16000000xf32, #tpu.memory_space<hbm>> -> memref<1024xf32, #tpu.memory_space<hbm>>
        %dma_start3A_116 = arith.constant 0 : i32
        %dma_start3A_117 = tpu.memref_slice %arg8[%run_scoped3A_107, %dma_start3A_116] : memref<2x8192xf32, #tpu.memory_space<vmem>> -> memref<1x1024xf32, #tpu.memory_space<vmem>>
        %dma_start3A_118 = tpu.memref_squeeze %dma_start3A_117 : memref<1x1024xf32, #tpu.memory_space<vmem>> -> memref<1024xf32, #tpu.memory_space<vmem>>
        tpu.enqueue_dma source(%dma_start3A_118 : memref<1024xf32, #tpu.memory_space<vmem>>) target(%dma_start3A_115 : memref<1024xf32, #tpu.memory_space<hbm>>) target_semaphore(%run_scoped3A_108 : memref<!tpu.dma_semaphore, #tpu.memory_space<semaphore_mem>>)
        %dma_wait3A_119 = arith.constant 0 : i32
        %dma_wait3A_120 = tpu.memref_slice %arg8[%run_scoped3A_107, %dma_wait3A_119] : memref<2x8192xf32, #tpu.memory_space<vmem>> -> memref<1x1024xf32, #tpu.memory_space<vmem>>
        %dma_wait3A_121 = tpu.memref_squeeze %dma_wait3A_120 : memref<1x1024xf32, #tpu.memory_space<vmem>> -> memref<1024xf32, #tpu.memory_space<vmem>>
        %dma_wait3A_122 = arith.constant 15998976 : i32
        %dma_wait3A_123 = tpu.memref_slice %arg5[%dma_wait3A_122] : memref<16000000xf32, #tpu.memory_space<hbm>> -> memref<1024xf32, #tpu.memory_space<hbm>>
        %dma_wait3A_124 = arith.constant 15998976 : i32
        %dma_wait3A_125 = tpu.memref_slice %arg5[%dma_wait3A_124] : memref<16000000xf32, #tpu.memory_space<hbm>> -> memref<1024xf32, #tpu.memory_space<hbm>>
        %dma_wait3A_126 = arith.constant 0 : i32
        %dma_wait3A_127 = tpu.memref_slice %arg8[%run_scoped3A_107, %dma_wait3A_126] : memref<2x8192xf32, #tpu.memory_space<vmem>> -> memref<1x1024xf32, #tpu.memory_space<vmem>>
        %dma_wait3A_128 = tpu.memref_squeeze %dma_wait3A_127 : memref<1x1024xf32, #tpu.memory_space<vmem>> -> memref<1024xf32, #tpu.memory_space<vmem>>
        tpu.wait_dma2 semaphore(%run_scoped3A_108 : memref<!tpu.dma_semaphore, #tpu.memory_space<semaphore_mem>>) src(%dma_wait3A_128 : memref<1024xf32, #tpu.memory_space<vmem>>) dst(%dma_wait3A_125 : memref<1024xf32, #tpu.memory_space<hbm>>)
        tpu.yield
      }) : () -> ()
    } else {
    }
    %add3A_3 = arith.constant 0 : i32
    %add3A_4 = arith.addi %add3A, %add3A_3 : i32
    %rem3A = arith.constant 1953 : i32
    %rem3A_5 = arith.remsi %add3A_4, %rem3A : i32
    %mul3A_6 = arith.constant 512 : i32
    %mul3A_7 = arith.muli %rem3A_5, %mul3A_6 : i32
    %multiple_of3A = tpu.assume_multiple %mul3A_7, 512 : i32
    %dma_start3A = arith.constant 0 : i32
    %dma_start3A_8 = arith.constant 0 : i32
    %dma_start3A_9 = arith.constant 0 : i32
    %dma_start3A_10 = tpu.memref_slice %arg6[%dma_start3A, %dma_start3A_8, %dma_start3A_9] : memref<2x16x513xf32, #tpu.memory_space<vmem>> -> memref<1x16x512xf32, #tpu.memory_space<vmem>>
    %dma_start3A_11 = tpu.memref_squeeze %dma_start3A_10 : memref<1x16x512xf32, #tpu.memory_space<vmem>> -> memref<16x512xf32, #tpu.memory_space<vmem>>
    %dma_start3A_12 = arith.constant 0 : i32
    %dma_start3A_13 = tpu.memref_slice %arg2[%dma_start3A_12, %multiple_of3A] : memref<16x1000000xf32, #tpu.memory_space<hbm>> -> memref<16x512xf32, #tpu.memory_space<hbm>>
    %dma_start3A_14 = arith.constant 0 : i32
    %dma_start3A_15 = arith.constant 0 : i32
    %dma_start3A_16 = tpu.memref_slice %arg6[%dma_start3A, %dma_start3A_14, %dma_start3A_15] : memref<2x16x513xf32, #tpu.memory_space<vmem>> -> memref<1x16x512xf32, #tpu.memory_space<vmem>>
    %dma_start3A_17 = tpu.memref_squeeze %dma_start3A_16 : memref<1x16x512xf32, #tpu.memory_space<vmem>> -> memref<16x512xf32, #tpu.memory_space<vmem>>
    %dma_start3A_18 = arith.constant 0 : i32
    %dma_start3A_19 = tpu.memref_slice %arg2[%dma_start3A_18, %multiple_of3A] : memref<16x1000000xf32, #tpu.memory_space<hbm>> -> memref<16x512xf32, #tpu.memory_space<hbm>>
    tpu.enqueue_dma source(%dma_start3A_19 : memref<16x512xf32, #tpu.memory_space<hbm>>) target(%dma_start3A_17 : memref<16x512xf32, #tpu.memory_space<vmem>>) target_semaphore(%arg9 : memref<!tpu.dma_semaphore, #tpu.memory_space<semaphore_mem>>)
    %dma_start3A_20 = arith.constant 0 : i32
    %dma_start3A_21 = arith.constant 0 : i32
    %dma_start3A_22 = arith.constant 0 : i32
    %dma_start3A_23 = tpu.memref_slice %arg7[%dma_start3A_20, %dma_start3A_21, %dma_start3A_22] : memref<2x16x513xf32, #tpu.memory_space<vmem>> -> memref<1x16x512xf32, #tpu.memory_space<vmem>>
    %dma_start3A_24 = tpu.memref_squeeze %dma_start3A_23 : memref<1x16x512xf32, #tpu.memory_space<vmem>> -> memref<16x512xf32, #tpu.memory_space<vmem>>
    %dma_start3A_25 = arith.constant 0 : i32
    %dma_start3A_26 = tpu.memref_slice %arg3[%dma_start3A_25, %multiple_of3A] : memref<16x1000000xf32, #tpu.memory_space<hbm>> -> memref<16x512xf32, #tpu.memory_space<hbm>>
    %dma_start3A_27 = arith.constant 0 : i32
    %dma_start3A_28 = arith.constant 0 : i32
    %dma_start3A_29 = tpu.memref_slice %arg7[%dma_start3A_20, %dma_start3A_27, %dma_start3A_28] : memref<2x16x513xf32, #tpu.memory_space<vmem>> -> memref<1x16x512xf32, #tpu.memory_space<vmem>>
    %dma_start3A_30 = tpu.memref_squeeze %dma_start3A_29 : memref<1x16x512xf32, #tpu.memory_space<vmem>> -> memref<16x512xf32, #tpu.memory_space<vmem>>
    %dma_start3A_31 = arith.constant 0 : i32
    %dma_start3A_32 = tpu.memref_slice %arg3[%dma_start3A_31, %multiple_of3A] : memref<16x1000000xf32, #tpu.memory_space<hbm>> -> memref<16x512xf32, #tpu.memory_space<hbm>>
    tpu.enqueue_dma source(%dma_start3A_32 : memref<16x512xf32, #tpu.memory_space<hbm>>) target(%dma_start3A_30 : memref<16x512xf32, #tpu.memory_space<vmem>>) target_semaphore(%arg9 : memref<!tpu.dma_semaphore, #tpu.memory_space<semaphore_mem>>)
    %add3A_33 = arith.constant 32 : i32
    %add3A_34 = arith.addi %add3A, %add3A_33 : i32
    %rem3A_35 = arith.constant 1953 : i32
    %rem3A_36 = arith.remsi %add3A_34, %rem3A_35 : i32
    %mul3A_37 = arith.constant 512 : i32
    %mul3A_38 = arith.muli %rem3A_36, %mul3A_37 : i32
    %multiple_of3A_39 = tpu.assume_multiple %mul3A_38, 512 : i32
    %dma_start3A_40 = arith.constant 1 : i32
    %dma_start3A_41 = arith.constant 0 : i32
    %dma_start3A_42 = arith.constant 0 : i32
    %dma_start3A_43 = tpu.memref_slice %arg6[%dma_start3A_40, %dma_start3A_41, %dma_start3A_42] : memref<2x16x513xf32, #tpu.memory_space<vmem>> -> memref<1x16x512xf32, #tpu.memory_space<vmem>>
    %dma_start3A_44 = tpu.memref_squeeze %dma_start3A_43 : memref<1x16x512xf32, #tpu.memory_space<vmem>> -> memref<16x512xf32, #tpu.memory_space<vmem>>
    %dma_start3A_45 = arith.constant 0 : i32
    %dma_start3A_46 = tpu.memref_slice %arg2[%dma_start3A_45, %multiple_of3A_39] : memref<16x1000000xf32, #tpu.memory_space<hbm>> -> memref<16x512xf32, #tpu.memory_space<hbm>>
    %dma_start3A_47 = arith.constant 0 : i32
    %dma_start3A_48 = arith.constant 0 : i32
    %dma_start3A_49 = tpu.memref_slice %arg6[%dma_start3A_40, %dma_start3A_47, %dma_start3A_48] : memref<2x16x513xf32, #tpu.memory_space<vmem>> -> memref<1x16x512xf32, #tpu.memory_space<vmem>>
    %dma_start3A_50 = tpu.memref_squeeze %dma_start3A_49 : memref<1x16x512xf32, #tpu.memory_space<vmem>> -> memref<16x512xf32, #tpu.memory_space<vmem>>
    %dma_start3A_51 = arith.constant 0 : i32
    %dma_start3A_52 = tpu.memref_slice %arg2[%dma_start3A_51, %multiple_of3A_39] : memref<16x1000000xf32, #tpu.memory_space<hbm>> -> memref<16x512xf32, #tpu.memory_space<hbm>>
    tpu.enqueue_dma source(%dma_start3A_52 : memref<16x512xf32, #tpu.memory_space<hbm>>) target(%dma_start3A_50 : memref<16x512xf32, #tpu.memory_space<vmem>>) target_semaphore(%arg10 : memref<!tpu.dma_semaphore, #tpu.memory_space<semaphore_mem>>)
    %dma_start3A_53 = arith.constant 1 : i32
    %dma_start3A_54 = arith.constant 0 : i32
    %dma_start3A_55 = arith.constant 0 : i32
    %dma_start3A_56 = tpu.memref_slice %arg7[%dma_start3A_53, %dma_start3A_54, %dma_start3A_55] : memref<2x16x513xf32, #tpu.memory_space<vmem>> -> memref<1x16x512xf32, #tpu.memory_space<vmem>>
    %dma_start3A_57 = tpu.memref_squeeze %dma_start3A_56 : memref<1x16x512xf32, #tpu.memory_space<vmem>> -> memref<16x512xf32, #tpu.memory_space<vmem>>
    %dma_start3A_58 = arith.constant 0 : i32
    %dma_start3A_59 = tpu.memref_slice %arg3[%dma_start3A_58, %multiple_of3A_39] : memref<16x1000000xf32, #tpu.memory_space<hbm>> -> memref<16x512xf32, #tpu.memory_space<hbm>>
    %dma_start3A_60 = arith.constant 0 : i32
    %dma_start3A_61 = arith.constant 0 : i32
    %dma_start3A_62 = tpu.memref_slice %arg7[%dma_start3A_53, %dma_start3A_60, %dma_start3A_61] : memref<2x16x513xf32, #tpu.memory_space<vmem>> -> memref<1x16x512xf32, #tpu.memory_space<vmem>>
    %dma_start3A_63 = tpu.memref_squeeze %dma_start3A_62 : memref<1x16x512xf32, #tpu.memory_space<vmem>> -> memref<16x512xf32, #tpu.memory_space<vmem>>
    %dma_start3A_64 = arith.constant 0 : i32
    %dma_start3A_65 = tpu.memref_slice %arg3[%dma_start3A_64, %multiple_of3A_39] : memref<16x1000000xf32, #tpu.memory_space<hbm>> -> memref<16x512xf32, #tpu.memory_space<hbm>>
    tpu.enqueue_dma source(%dma_start3A_65 : memref<16x512xf32, #tpu.memory_space<hbm>>) target(%dma_start3A_63 : memref<16x512xf32, #tpu.memory_space<vmem>>) target_semaphore(%arg10 : memref<!tpu.dma_semaphore, #tpu.memory_space<semaphore_mem>>)
    %scan3A = arith.constant 0 : i32
    %scan3A_66 = arith.constant 0 : i32
    %scan3A_67 = arith.constant 31 : i32
    %scan3A_68 = arith.addi %scan3A_66, %scan3A_67 : i32
    %scan3A_69 = arith.constant 1 : i32
    %scan3A_70 = scf.for %scan3A_107 = %scan3A_66 to %scan3A_68 step %scan3A_69 iter_args(%scan3A_108 = %scan3A) -> (i32)  : i32 {
      %mul3A_109 = arith.constant 2 : i32
      %mul3A_110 = arith.muli %scan3A_107, %mul3A_109 : i32
      %mul3A_111 = arith.constant 32 : i32
      %mul3A_112 = arith.muli %mul3A_110, %mul3A_111 : i32
      %add3A_113 = arith.addi %add3A, %mul3A_112 : i32
      %rem3A_114 = arith.constant 1953 : i32
      %rem3A_115 = arith.remsi %add3A_113, %rem3A_114 : i32
      %mul3A_116 = arith.constant 512 : i32
      %mul3A_117 = arith.muli %rem3A_115, %mul3A_116 : i32
      %multiple_of3A_118 = tpu.assume_multiple %mul3A_117, 512 : i32
      %dma_wait3A_119 = arith.constant 0 : i32
      %dma_wait3A_120 = arith.constant 0 : i32
      %dma_wait3A_121 = arith.constant 0 : i32
      %dma_wait3A_122 = tpu.memref_slice %arg6[%dma_wait3A_119, %dma_wait3A_120, %dma_wait3A_121] : memref<2x16x513xf32, #tpu.memory_space<vmem>> -> memref<1x16x512xf32, #tpu.memory_space<vmem>>
      %dma_wait3A_123 = tpu.memref_squeeze %dma_wait3A_122 : memref<1x16x512xf32, #tpu.memory_space<vmem>> -> memref<16x512xf32, #tpu.memory_space<vmem>>
      %dma_wait3A_124 = arith.constant 0 : i32
      %dma_wait3A_125 = tpu.memref_slice %arg2[%dma_wait3A_124, %multiple_of3A_118] : memref<16x1000000xf32, #tpu.memory_space<hbm>> -> memref<16x512xf32, #tpu.memory_space<hbm>>
      %dma_wait3A_126 = arith.constant 0 : i32
      %dma_wait3A_127 = arith.constant 0 : i32
      %dma_wait3A_128 = tpu.memref_slice %arg6[%dma_wait3A_119, %dma_wait3A_126, %dma_wait3A_127] : memref<2x16x513xf32, #tpu.memory_space<vmem>> -> memref<1x16x512xf32, #tpu.memory_space<vmem>>
      %dma_wait3A_129 = tpu.memref_squeeze %dma_wait3A_128 : memref<1x16x512xf32, #tpu.memory_space<vmem>> -> memref<16x512xf32, #tpu.memory_space<vmem>>
      %dma_wait3A_130 = arith.constant 0 : i32
      %dma_wait3A_131 = tpu.memref_slice %arg2[%dma_wait3A_130, %multiple_of3A_118] : memref<16x1000000xf32, #tpu.memory_space<hbm>> -> memref<16x512xf32, #tpu.memory_space<hbm>>
      tpu.wait_dma2 semaphore(%arg9 : memref<!tpu.dma_semaphore, #tpu.memory_space<semaphore_mem>>) src(%dma_wait3A_131 : memref<16x512xf32, #tpu.memory_space<hbm>>) dst(%dma_wait3A_129 : memref<16x512xf32, #tpu.memory_space<vmem>>)
      %dma_wait3A_132 = arith.constant 0 : i32
      %dma_wait3A_133 = arith.constant 0 : i32
      %dma_wait3A_134 = arith.constant 0 : i32
      %dma_wait3A_135 = tpu.memref_slice %arg7[%dma_wait3A_132, %dma_wait3A_133, %dma_wait3A_134] : memref<2x16x513xf32, #tpu.memory_space<vmem>> -> memref<1x16x512xf32, #tpu.memory_space<vmem>>
      %dma_wait3A_136 = tpu.memref_squeeze %dma_wait3A_135 : memref<1x16x512xf32, #tpu.memory_space<vmem>> -> memref<16x512xf32, #tpu.memory_space<vmem>>
      %dma_wait3A_137 = arith.constant 0 : i32
      %dma_wait3A_138 = tpu.memref_slice %arg3[%dma_wait3A_137, %multiple_of3A_118] : memref<16x1000000xf32, #tpu.memory_space<hbm>> -> memref<16x512xf32, #tpu.memory_space<hbm>>
      %dma_wait3A_139 = arith.constant 0 : i32
      %dma_wait3A_140 = arith.constant 0 : i32
      %dma_wait3A_141 = tpu.memref_slice %arg7[%dma_wait3A_132, %dma_wait3A_139, %dma_wait3A_140] : memref<2x16x513xf32, #tpu.memory_space<vmem>> -> memref<1x16x512xf32, #tpu.memory_space<vmem>>
      %dma_wait3A_142 = tpu.memref_squeeze %dma_wait3A_141 : memref<1x16x512xf32, #tpu.memory_space<vmem>> -> memref<16x512xf32, #tpu.memory_space<vmem>>
      %dma_wait3A_143 = arith.constant 0 : i32
      %dma_wait3A_144 = tpu.memref_slice %arg3[%dma_wait3A_143, %multiple_of3A_118] : memref<16x1000000xf32, #tpu.memory_space<hbm>> -> memref<16x512xf32, #tpu.memory_space<hbm>>
      tpu.wait_dma2 semaphore(%arg9 : memref<!tpu.dma_semaphore, #tpu.memory_space<semaphore_mem>>) src(%dma_wait3A_144 : memref<16x512xf32, #tpu.memory_space<hbm>>) dst(%dma_wait3A_142 : memref<16x512xf32, #tpu.memory_space<vmem>>)
      %ge3A = arith.constant 2 : i32
      %ge3A_145 = arith.cmpi sge, %mul3A_110, %ge3A : i32
      %convert_element_type3A_146 = arith.extui %ge3A_145 : i1 to i32
      %cond3A_147 = arith.constant 0 : i32
      %cond3A_148 = arith.cmpi ne, %convert_element_type3A_146, %cond3A_147 : i32
      scf.if %cond3A_148 {
        %sub3A = arith.constant 2 : i32
        %sub3A_259 = arith.subi %mul3A_110, %sub3A : i32
        %mul3A_260 = arith.constant 32 : i32
        %mul3A_261 = arith.muli %sub3A_259, %mul3A_260 : i32
        %add3A_262 = arith.addi %add3A, %mul3A_261 : i32
        %rem3A_263 = arith.constant 1953 : i32
        %rem3A_264 = arith.remsi %add3A_262, %rem3A_263 : i32
        %mul3A_265 = arith.constant 512 : i32
        %mul3A_266 = arith.muli %rem3A_264, %mul3A_265 : i32
        %multiple_of3A_267 = tpu.assume_multiple %mul3A_266, 512 : i32
        %mul3A_268 = arith.constant 16 : i32
        %mul3A_269 = arith.muli %multiple_of3A_267, %mul3A_268 : i32
        %dma_wait3A_270 = arith.constant 0 : i32
        %dma_wait3A_271 = arith.constant 0 : i32
        %dma_wait3A_272 = tpu.memref_slice %arg8[%dma_wait3A_270, %dma_wait3A_271] : memref<2x8192xf32, #tpu.memory_space<vmem>> -> memref<1x8192xf32, #tpu.memory_space<vmem>>
        %dma_wait3A_273 = tpu.memref_squeeze %dma_wait3A_272 : memref<1x8192xf32, #tpu.memory_space<vmem>> -> memref<8192xf32, #tpu.memory_space<vmem>>
        %dma_wait3A_274 = tpu.memref_slice %arg5[%mul3A_269] : memref<16000000xf32, #tpu.memory_space<hbm>> -> memref<8192xf32, #tpu.memory_space<hbm>>
        %dma_wait3A_275 = tpu.memref_slice %arg5[%mul3A_269] : memref<16000000xf32, #tpu.memory_space<hbm>> -> memref<8192xf32, #tpu.memory_space<hbm>>
        %dma_wait3A_276 = arith.constant 0 : i32
        %dma_wait3A_277 = tpu.memref_slice %arg8[%dma_wait3A_270, %dma_wait3A_276] : memref<2x8192xf32, #tpu.memory_space<vmem>> -> memref<1x8192xf32, #tpu.memory_space<vmem>>
        %dma_wait3A_278 = tpu.memref_squeeze %dma_wait3A_277 : memref<1x8192xf32, #tpu.memory_space<vmem>> -> memref<8192xf32, #tpu.memory_space<vmem>>
        tpu.wait_dma2 semaphore(%arg11 : memref<!tpu.dma_semaphore, #tpu.memory_space<semaphore_mem>>) src(%dma_wait3A_278 : memref<8192xf32, #tpu.memory_space<vmem>>) dst(%dma_wait3A_275 : memref<8192xf32, #tpu.memory_space<hbm>>)
      } else {
      }
      %scan3A_149 = arith.constant 0 : i32
      %scan3A_150 = arith.constant 0 : i32
      %scan3A_151 = arith.constant 16 : i32
      %scan3A_152 = arith.addi %scan3A_150, %scan3A_151 : i32
      %scan3A_153 = arith.constant 1 : i32
      %scan3A_154 = scf.for %scan3A_259 = %scan3A_150 to %scan3A_152 step %scan3A_153 iter_args(%scan3A_260 = %scan3A_149) -> (i32)  : i32 {
        %parallel_loop3A_261 = arith.constant 0 : i32
        %parallel_loop3A_262 = arith.constant 32 : i32
        %parallel_loop3A_263 = arith.constant 1 : i32
        scf.for %parallel_loop3A_265 = %parallel_loop3A_261 to %parallel_loop3A_262 step %parallel_loop3A_263  : i32 {
          %parallel_loop3A_266 = arith.constant 16 : i32
          %parallel_loop3A_267 = arith.muli %parallel_loop3A_265, %parallel_loop3A_266 : i32
          %parallel_loop3A_268 = arith.constant 0 : i32
          %parallel_loop3A_269 = arith.index_cast %parallel_loop3A_268 : i32 to index
          %parallel_loop3A_270 = arith.index_cast %scan3A_259 : i32 to index
          %parallel_loop3A_271 = arith.index_cast %parallel_loop3A_267 : i32 to index
          %parallel_loop3A_272 = tpu.vector_load %arg6[%parallel_loop3A_269, %parallel_loop3A_270, %parallel_loop3A_271] {strides = array<i32>} : memref<2x16x513xf32, #tpu.memory_space<vmem>>, vector<16xf32>,
          %parallel_loop3A_273 = arith.constant 0 : i32
          %parallel_loop3A_274 = arith.index_cast %parallel_loop3A_273 : i32 to index
          %parallel_loop3A_275 = arith.index_cast %scan3A_259 : i32 to index
          %parallel_loop3A_276 = arith.index_cast %parallel_loop3A_267 : i32 to index
          %parallel_loop3A_277 = tpu.vector_load %arg7[%parallel_loop3A_274, %parallel_loop3A_275, %parallel_loop3A_276] {strides = array<i32>} : memref<2x16x513xf32, #tpu.memory_space<vmem>>, vector<16xf32>,
          %parallel_loop3A_278 = arith.constant 0.00999999977 : f32
          %parallel_loop3A_279 = vector.broadcast %parallel_loop3A_278 : f32 to vector<16xf32>
          %parallel_loop3A_280 = arith.cmpf ogt, %parallel_loop3A_277, %parallel_loop3A_279 : vector<16xf32>
          %parallel_loop3A_281 = arith.constant 0.000000e+00 : f32
          %parallel_loop3A_282 = vector.broadcast %parallel_loop3A_281 : f32 to vector<16xf32>
          %parallel_loop3A_283 = arith.select %parallel_loop3A_280, %parallel_loop3A_272, %parallel_loop3A_282 : vector<16xi1>, vector<16xf32>
          %parallel_loop3A_284 = arith.constant 0 : i32
          %parallel_loop3A_285 = arith.index_cast %parallel_loop3A_284 : i32 to index
          %parallel_loop3A_286 = arith.index_cast %scan3A_259 : i32 to index
          %parallel_loop3A_287 = arith.index_cast %parallel_loop3A_267 : i32 to index
          %parallel_loop3A_288 = tpu.vector_load %arg6[%parallel_loop3A_285, %parallel_loop3A_286, %parallel_loop3A_287] {strides = array<i32>} : memref<2x16x513xf32, #tpu.memory_space<vmem>>, vector<16xf32>,
          tpu.vector_store %arg6[%parallel_loop3A_285, %parallel_loop3A_286, %parallel_loop3A_287], %parallel_loop3A_283 {strides = array<i32>} : memref<2x16x513xf32, #tpu.memory_space<vmem>>, vector<16xf32>,
        } {sc.loop_unroll_factor = 8 : i64, sc.parallel_access}
        %scan3A_264 = arith.constant 0 : i32
        scf.yield %scan3A_264 : i32
      }
      %scan3A_155 = arith.constant 16 : i32
      %parallel_loop3A = arith.constant 0 : i32
      %parallel_loop3A_156 = arith.constant 512 : i32
      %parallel_loop3A_157 = arith.constant 1 : i32
      scf.for %parallel_loop3A_259 = %parallel_loop3A to %parallel_loop3A_156 step %parallel_loop3A_157  : i32 {
        %parallel_loop3A_260 = vector.broadcast %parallel_loop3A_259 : i32 to vector<16xi32>
        %parallel_loop3A_261 = arith.constant 0 : i32
        %parallel_loop3A_262 = arith.constant 0 : i32
        %parallel_loop3A_263 = arith.constant 0 : i32
        %parallel_loop3A_264 = tpu.memref_slice %arg6[%parallel_loop3A_261, %parallel_loop3A_262, %parallel_loop3A_263] : memref<2x16x513xf32, #tpu.memory_space<vmem>> -> memref<1x16x513xf32, #tpu.memory_space<vmem>>
        %parallel_loop3A_265 = tpu.memref_squeeze %parallel_loop3A_264 : memref<1x16x513xf32, #tpu.memory_space<vmem>> -> memref<16x513xf32, #tpu.memory_space<vmem>>
        %parallel_loop3A_266 = tpu.vector_load_idx %parallel_loop3A_265[%iota3A, %parallel_loop3A_260] : memref<16x513xf32, #tpu.memory_space<vmem>>[vector<16xi32>, vector<16xi32>], vector<16xf32>,
        %parallel_loop3A_267 = arith.constant 16 : i32
        %parallel_loop3A_268 = arith.muli %parallel_loop3A_259, %parallel_loop3A_267 : i32
        %parallel_loop3A_269 = arith.constant 0 : i32
        %parallel_loop3A_270 = arith.index_cast %parallel_loop3A_269 : i32 to index
        %parallel_loop3A_271 = arith.index_cast %parallel_loop3A_268 : i32 to index
        %parallel_loop3A_272 = tpu.vector_load %arg8[%parallel_loop3A_270, %parallel_loop3A_271] {strides = array<i32>} : memref<2x8192xf32, #tpu.memory_space<vmem>>, vector<16xf32>,
        tpu.vector_store %arg8[%parallel_loop3A_270, %parallel_loop3A_271], %parallel_loop3A_266 {strides = array<i32>} : memref<2x8192xf32, #tpu.memory_space<vmem>>, vector<16xf32>,
      } {sc.loop_unroll_factor = 16 : i64, sc.parallel_access}
      %mul3A_158 = arith.constant 32 : i32
      %mul3A_159 = arith.muli %mul3A_110, %mul3A_158 : i32
      %add3A_160 = arith.addi %add3A, %mul3A_159 : i32
      %rem3A_161 = arith.constant 1953 : i32
      %rem3A_162 = arith.remsi %add3A_160, %rem3A_161 : i32
      %mul3A_163 = arith.constant 512 : i32
      %mul3A_164 = arith.muli %rem3A_162, %mul3A_163 : i32
      %multiple_of3A_165 = tpu.assume_multiple %mul3A_164, 512 : i32
      %mul3A_166 = arith.constant 16 : i32
      %mul3A_167 = arith.muli %multiple_of3A_165, %mul3A_166 : i32
      %dma_start3A_168 = arith.constant 0 : i32
      %dma_start3A_169 = arith.constant 0 : i32
      %dma_start3A_170 = tpu.memref_slice %arg8[%dma_start3A_168, %dma_start3A_169] : memref<2x8192xf32, #tpu.memory_space<vmem>> -> memref<1x8192xf32, #tpu.memory_space<vmem>>
      %dma_start3A_171 = tpu.memref_squeeze %dma_start3A_170 : memref<1x8192xf32, #tpu.memory_space<vmem>> -> memref<8192xf32, #tpu.memory_space<vmem>>
      %dma_start3A_172 = tpu.memref_slice %arg5[%mul3A_167] : memref<16000000xf32, #tpu.memory_space<hbm>> -> memref<8192xf32, #tpu.memory_space<hbm>>
      %dma_start3A_173 = tpu.memref_slice %arg5[%mul3A_167] : memref<16000000xf32, #tpu.memory_space<hbm>> -> memref<8192xf32, #tpu.memory_space<hbm>>
      %dma_start3A_174 = arith.constant 0 : i32
      %dma_start3A_175 = tpu.memref_slice %arg8[%dma_start3A_168, %dma_start3A_174] : memref<2x8192xf32, #tpu.memory_space<vmem>> -> memref<1x8192xf32, #tpu.memory_space<vmem>>
      %dma_start3A_176 = tpu.memref_squeeze %dma_start3A_175 : memref<1x8192xf32, #tpu.memory_space<vmem>> -> memref<8192xf32, #tpu.memory_space<vmem>>
      tpu.enqueue_dma source(%dma_start3A_176 : memref<8192xf32, #tpu.memory_space<vmem>>) target(%dma_start3A_173 : memref<8192xf32, #tpu.memory_space<hbm>>) target_semaphore(%arg11 : memref<!tpu.dma_semaphore, #tpu.memory_space<semaphore_mem>>)
      %lt3A = arith.constant 60 : i32
      %lt3A_177 = arith.cmpi slt, %mul3A_110, %lt3A : i32
      %convert_element_type3A_178 = arith.extui %lt3A_177 : i1 to i32
      %cond3A_179 = arith.constant 0 : i32
      %cond3A_180 = arith.cmpi ne, %convert_element_type3A_178, %cond3A_179 : i32
      scf.if %cond3A_180 {
        %add3A_259 = arith.constant 2 : i32
        %add3A_260 = arith.addi %mul3A_110, %add3A_259 : i32
        %mul3A_261 = arith.constant 32 : i32
        %mul3A_262 = arith.muli %add3A_260, %mul3A_261 : i32
        %add3A_263 = arith.addi %add3A, %mul3A_262 : i32
        %rem3A_264 = arith.constant 1953 : i32
        %rem3A_265 = arith.remsi %add3A_263, %rem3A_264 : i32
        %mul3A_266 = arith.constant 512 : i32
        %mul3A_267 = arith.muli %rem3A_265, %mul3A_266 : i32
        %multiple_of3A_268 = tpu.assume_multiple %mul3A_267, 512 : i32
        %dma_start3A_269 = arith.constant 0 : i32
        %dma_start3A_270 = arith.constant 0 : i32
        %dma_start3A_271 = arith.constant 0 : i32
        %dma_start3A_272 = tpu.memref_slice %arg6[%dma_start3A_269, %dma_start3A_270, %dma_start3A_271] : memref<2x16x513xf32, #tpu.memory_space<vmem>> -> memref<1x16x512xf32, #tpu.memory_space<vmem>>
        %dma_start3A_273 = tpu.memref_squeeze %dma_start3A_272 : memref<1x16x512xf32, #tpu.memory_space<vmem>> -> memref<16x512xf32, #tpu.memory_space<vmem>>
        %dma_start3A_274 = arith.constant 0 : i32
        %dma_start3A_275 = tpu.memref_slice %arg2[%dma_start3A_274, %multiple_of3A_268] : memref<16x1000000xf32, #tpu.memory_space<hbm>> -> memref<16x512xf32, #tpu.memory_space<hbm>>
        %dma_start3A_276 = arith.constant 0 : i32
        %dma_start3A_277 = arith.constant 0 : i32
        %dma_start3A_278 = tpu.memref_slice %arg6[%dma_start3A_269, %dma_start3A_276, %dma_start3A_277] : memref<2x16x513xf32, #tpu.memory_space<vmem>> -> memref<1x16x512xf32, #tpu.memory_space<vmem>>
        %dma_start3A_279 = tpu.memref_squeeze %dma_start3A_278 : memref<1x16x512xf32, #tpu.memory_space<vmem>> -> memref<16x512xf32, #tpu.memory_space<vmem>>
        %dma_start3A_280 = arith.constant 0 : i32
        %dma_start3A_281 = tpu.memref_slice %arg2[%dma_start3A_280, %multiple_of3A_268] : memref<16x1000000xf32, #tpu.memory_space<hbm>> -> memref<16x512xf32, #tpu.memory_space<hbm>>
        tpu.enqueue_dma source(%dma_start3A_281 : memref<16x512xf32, #tpu.memory_space<hbm>>) target(%dma_start3A_279 : memref<16x512xf32, #tpu.memory_space<vmem>>) target_semaphore(%arg9 : memref<!tpu.dma_semaphore, #tpu.memory_space<semaphore_mem>>)
        %dma_start3A_282 = arith.constant 0 : i32
        %dma_start3A_283 = arith.constant 0 : i32
        %dma_start3A_284 = arith.constant 0 : i32
        %dma_start3A_285 = tpu.memref_slice %arg7[%dma_start3A_282, %dma_start3A_283, %dma_start3A_284] : memref<2x16x513xf32, #tpu.memory_space<vmem>> -> memref<1x16x512xf32, #tpu.memory_space<vmem>>
        %dma_start3A_286 = tpu.memref_squeeze %dma_start3A_285 : memref<1x16x512xf32, #tpu.memory_space<vmem>> -> memref<16x512xf32, #tpu.memory_space<vmem>>
        %dma_start3A_287 = arith.constant 0 : i32
        %dma_start3A_288 = tpu.memref_slice %arg3[%dma_start3A_287, %multiple_of3A_268] : memref<16x1000000xf32, #tpu.memory_space<hbm>> -> memref<16x512xf32, #tpu.memory_space<hbm>>
        %dma_start3A_289 = arith.constant 0 : i32
        %dma_start3A_290 = arith.constant 0 : i32
        %dma_start3A_291 = tpu.memref_slice %arg7[%dma_start3A_282, %dma_start3A_289, %dma_start3A_290] : memref<2x16x513xf32, #tpu.memory_space<vmem>> -> memref<1x16x512xf32, #tpu.memory_space<vmem>>
        %dma_start3A_292 = tpu.memref_squeeze %dma_start3A_291 : memref<1x16x512xf32, #tpu.memory_space<vmem>> -> memref<16x512xf32, #tpu.memory_space<vmem>>
        %dma_start3A_293 = arith.constant 0 : i32
        %dma_start3A_294 = tpu.memref_slice %arg3[%dma_start3A_293, %multiple_of3A_268] : memref<16x1000000xf32, #tpu.memory_space<hbm>> -> memref<16x512xf32, #tpu.memory_space<hbm>>
        tpu.enqueue_dma source(%dma_start3A_294 : memref<16x512xf32, #tpu.memory_space<hbm>>) target(%dma_start3A_292 : memref<16x512xf32, #tpu.memory_space<vmem>>) target_semaphore(%arg9 : memref<!tpu.dma_semaphore, #tpu.memory_space<semaphore_mem>>)
      } else {
      }
      %mul3A_181 = arith.constant 2 : i32
      %mul3A_182 = arith.muli %scan3A_107, %mul3A_181 : i32
      %add3A_183 = arith.constant 1 : i32
      %add3A_184 = arith.addi %mul3A_182, %add3A_183 : i32
      %mul3A_185 = arith.constant 32 : i32
      %mul3A_186 = arith.muli %add3A_184, %mul3A_185 : i32
      %add3A_187 = arith.addi %add3A, %mul3A_186 : i32
      %rem3A_188 = arith.constant 1953 : i32
      %rem3A_189 = arith.remsi %add3A_187, %rem3A_188 : i32
      %mul3A_190 = arith.constant 512 : i32
      %mul3A_191 = arith.muli %rem3A_189, %mul3A_190 : i32
      %multiple_of3A_192 = tpu.assume_multiple %mul3A_191, 512 : i32
      %dma_wait3A_193 = arith.constant 1 : i32
      %dma_wait3A_194 = arith.constant 0 : i32
      %dma_wait3A_195 = arith.constant 0 : i32
      %dma_wait3A_196 = tpu.memref_slice %arg6[%dma_wait3A_193, %dma_wait3A_194, %dma_wait3A_195] : memref<2x16x513xf32, #tpu.memory_space<vmem>> -> memref<1x16x512xf32, #tpu.memory_space<vmem>>
      %dma_wait3A_197 = tpu.memref_squeeze %dma_wait3A_196 : memref<1x16x512xf32, #tpu.memory_space<vmem>> -> memref<16x512xf32, #tpu.memory_space<vmem>>
      %dma_wait3A_198 = arith.constant 0 : i32
      %dma_wait3A_199 = tpu.memref_slice %arg2[%dma_wait3A_198, %multiple_of3A_192] : memref<16x1000000xf32, #tpu.memory_space<hbm>> -> memref<16x512xf32, #tpu.memory_space<hbm>>
      %dma_wait3A_200 = arith.constant 0 : i32
      %dma_wait3A_201 = arith.constant 0 : i32
      %dma_wait3A_202 = tpu.memref_slice %arg6[%dma_wait3A_193, %dma_wait3A_200, %dma_wait3A_201] : memref<2x16x513xf32, #tpu.memory_space<vmem>> -> memref<1x16x512xf32, #tpu.memory_space<vmem>>
      %dma_wait3A_203 = tpu.memref_squeeze %dma_wait3A_202 : memref<1x16x512xf32, #tpu.memory_space<vmem>> -> memref<16x512xf32, #tpu.memory_space<vmem>>
      %dma_wait3A_204 = arith.constant 0 : i32
      %dma_wait3A_205 = tpu.memref_slice %arg2[%dma_wait3A_204, %multiple_of3A_192] : memref<16x1000000xf32, #tpu.memory_space<hbm>> -> memref<16x512xf32, #tpu.memory_space<hbm>>
      tpu.wait_dma2 semaphore(%arg10 : memref<!tpu.dma_semaphore, #tpu.memory_space<semaphore_mem>>) src(%dma_wait3A_205 : memref<16x512xf32, #tpu.memory_space<hbm>>) dst(%dma_wait3A_203 : memref<16x512xf32, #tpu.memory_space<vmem>>)
      %dma_wait3A_206 = arith.constant 1 : i32
      %dma_wait3A_207 = arith.constant 0 : i32
      %dma_wait3A_208 = arith.constant 0 : i32
      %dma_wait3A_209 = tpu.memref_slice %arg7[%dma_wait3A_206, %dma_wait3A_207, %dma_wait3A_208] : memref<2x16x513xf32, #tpu.memory_space<vmem>> -> memref<1x16x512xf32, #tpu.memory_space<vmem>>
      %dma_wait3A_210 = tpu.memref_squeeze %dma_wait3A_209 : memref<1x16x512xf32, #tpu.memory_space<vmem>> -> memref<16x512xf32, #tpu.memory_space<vmem>>
      %dma_wait3A_211 = arith.constant 0 : i32
      %dma_wait3A_212 = tpu.memref_slice %arg3[%dma_wait3A_211, %multiple_of3A_192] : memref<16x1000000xf32, #tpu.memory_space<hbm>> -> memref<16x512xf32, #tpu.memory_space<hbm>>
      %dma_wait3A_213 = arith.constant 0 : i32
      %dma_wait3A_214 = arith.constant 0 : i32
      %dma_wait3A_215 = tpu.memref_slice %arg7[%dma_wait3A_206, %dma_wait3A_213, %dma_wait3A_214] : memref<2x16x513xf32, #tpu.memory_space<vmem>> -> memref<1x16x512xf32, #tpu.memory_space<vmem>>
      %dma_wait3A_216 = tpu.memref_squeeze %dma_wait3A_215 : memref<1x16x512xf32, #tpu.memory_space<vmem>> -> memref<16x512xf32, #tpu.memory_space<vmem>>
      %dma_wait3A_217 = arith.constant 0 : i32
      %dma_wait3A_218 = tpu.memref_slice %arg3[%dma_wait3A_217, %multiple_of3A_192] : memref<16x1000000xf32, #tpu.memory_space<hbm>> -> memref<16x512xf32, #tpu.memory_space<hbm>>
      tpu.wait_dma2 semaphore(%arg10 : memref<!tpu.dma_semaphore, #tpu.memory_space<semaphore_mem>>) src(%dma_wait3A_218 : memref<16x512xf32, #tpu.memory_space<hbm>>) dst(%dma_wait3A_216 : memref<16x512xf32, #tpu.memory_space<vmem>>)
      %ge3A_219 = arith.constant 2 : i32
      %ge3A_220 = arith.cmpi sge, %add3A_184, %ge3A_219 : i32
      %convert_element_type3A_221 = arith.extui %ge3A_220 : i1 to i32
      %cond3A_222 = arith.constant 0 : i32
      %cond3A_223 = arith.cmpi ne, %convert_element_type3A_221, %cond3A_222 : i32
      scf.if %cond3A_223 {
        %sub3A = arith.constant 2 : i32
        %sub3A_259 = arith.subi %add3A_184, %sub3A : i32
        %mul3A_260 = arith.constant 32 : i32
        %mul3A_261 = arith.muli %sub3A_259, %mul3A_260 : i32
        %add3A_262 = arith.addi %add3A, %mul3A_261 : i32
        %rem3A_263 = arith.constant 1953 : i32
        %rem3A_264 = arith.remsi %add3A_262, %rem3A_263 : i32
        %mul3A_265 = arith.constant 512 : i32
        %mul3A_266 = arith.muli %rem3A_264, %mul3A_265 : i32
        %multiple_of3A_267 = tpu.assume_multiple %mul3A_266, 512 : i32
        %mul3A_268 = arith.constant 16 : i32
        %mul3A_269 = arith.muli %multiple_of3A_267, %mul3A_268 : i32
        %dma_wait3A_270 = arith.constant 1 : i32
        %dma_wait3A_271 = arith.constant 0 : i32
        %dma_wait3A_272 = tpu.memref_slice %arg8[%dma_wait3A_270, %dma_wait3A_271] : memref<2x8192xf32, #tpu.memory_space<vmem>> -> memref<1x8192xf32, #tpu.memory_space<vmem>>
        %dma_wait3A_273 = tpu.memref_squeeze %dma_wait3A_272 : memref<1x8192xf32, #tpu.memory_space<vmem>> -> memref<8192xf32, #tpu.memory_space<vmem>>
        %dma_wait3A_274 = tpu.memref_slice %arg5[%mul3A_269] : memref<16000000xf32, #tpu.memory_space<hbm>> -> memref<8192xf32, #tpu.memory_space<hbm>>
        %dma_wait3A_275 = tpu.memref_slice %arg5[%mul3A_269] : memref<16000000xf32, #tpu.memory_space<hbm>> -> memref<8192xf32, #tpu.memory_space<hbm>>
        %dma_wait3A_276 = arith.constant 0 : i32
        %dma_wait3A_277 = tpu.memref_slice %arg8[%dma_wait3A_270, %dma_wait3A_276] : memref<2x8192xf32, #tpu.memory_space<vmem>> -> memref<1x8192xf32, #tpu.memory_space<vmem>>
        %dma_wait3A_278 = tpu.memref_squeeze %dma_wait3A_277 : memref<1x8192xf32, #tpu.memory_space<vmem>> -> memref<8192xf32, #tpu.memory_space<vmem>>
        tpu.wait_dma2 semaphore(%arg12 : memref<!tpu.dma_semaphore, #tpu.memory_space<semaphore_mem>>) src(%dma_wait3A_278 : memref<8192xf32, #tpu.memory_space<vmem>>) dst(%dma_wait3A_275 : memref<8192xf32, #tpu.memory_space<hbm>>)
      } else {
      }
      %scan3A_224 = arith.constant 0 : i32
      %scan3A_225 = arith.constant 0 : i32
      %scan3A_226 = arith.constant 16 : i32
      %scan3A_227 = arith.addi %scan3A_225, %scan3A_226 : i32
      %scan3A_228 = arith.constant 1 : i32
      %scan3A_229 = scf.for %scan3A_259 = %scan3A_225 to %scan3A_227 step %scan3A_228 iter_args(%scan3A_260 = %scan3A_224) -> (i32)  : i32 {
        %parallel_loop3A_261 = arith.constant 0 : i32
        %parallel_loop3A_262 = arith.constant 32 : i32
        %parallel_loop3A_263 = arith.constant 1 : i32
        scf.for %parallel_loop3A_265 = %parallel_loop3A_261 to %parallel_loop3A_262 step %parallel_loop3A_263  : i32 {
          %parallel_loop3A_266 = arith.constant 16 : i32
          %parallel_loop3A_267 = arith.muli %parallel_loop3A_265, %parallel_loop3A_266 : i32
          %parallel_loop3A_268 = arith.constant 1 : i32
          %parallel_loop3A_269 = arith.index_cast %parallel_loop3A_268 : i32 to index
          %parallel_loop3A_270 = arith.index_cast %scan3A_259 : i32 to index
          %parallel_loop3A_271 = arith.index_cast %parallel_loop3A_267 : i32 to index
          %parallel_loop3A_272 = tpu.vector_load %arg6[%parallel_loop3A_269, %parallel_loop3A_270, %parallel_loop3A_271] {strides = array<i32>} : memref<2x16x513xf32, #tpu.memory_space<vmem>>, vector<16xf32>,
          %parallel_loop3A_273 = arith.constant 1 : i32
          %parallel_loop3A_274 = arith.index_cast %parallel_loop3A_273 : i32 to index
          %parallel_loop3A_275 = arith.index_cast %scan3A_259 : i32 to index
          %parallel_loop3A_276 = arith.index_cast %parallel_loop3A_267 : i32 to index
          %parallel_loop3A_277 = tpu.vector_load %arg7[%parallel_loop3A_274, %parallel_loop3A_275, %parallel_loop3A_276] {strides = array<i32>} : memref<2x16x513xf32, #tpu.memory_space<vmem>>, vector<16xf32>,
          %parallel_loop3A_278 = arith.constant 0.00999999977 : f32
          %parallel_loop3A_279 = vector.broadcast %parallel_loop3A_278 : f32 to vector<16xf32>
          %parallel_loop3A_280 = arith.cmpf ogt, %parallel_loop3A_277, %parallel_loop3A_279 : vector<16xf32>
          %parallel_loop3A_281 = arith.constant 0.000000e+00 : f32
          %parallel_loop3A_282 = vector.broadcast %parallel_loop3A_281 : f32 to vector<16xf32>
          %parallel_loop3A_283 = arith.select %parallel_loop3A_280, %parallel_loop3A_272, %parallel_loop3A_282 : vector<16xi1>, vector<16xf32>
          %parallel_loop3A_284 = arith.constant 1 : i32
          %parallel_loop3A_285 = arith.index_cast %parallel_loop3A_284 : i32 to index
          %parallel_loop3A_286 = arith.index_cast %scan3A_259 : i32 to index
          %parallel_loop3A_287 = arith.index_cast %parallel_loop3A_267 : i32 to index
          %parallel_loop3A_288 = tpu.vector_load %arg6[%parallel_loop3A_285, %parallel_loop3A_286, %parallel_loop3A_287] {strides = array<i32>} : memref<2x16x513xf32, #tpu.memory_space<vmem>>, vector<16xf32>,
          tpu.vector_store %arg6[%parallel_loop3A_285, %parallel_loop3A_286, %parallel_loop3A_287], %parallel_loop3A_283 {strides = array<i32>} : memref<2x16x513xf32, #tpu.memory_space<vmem>>, vector<16xf32>,
        } {sc.loop_unroll_factor = 8 : i64, sc.parallel_access}
        %scan3A_264 = arith.constant 0 : i32
        scf.yield %scan3A_264 : i32
      }
      %scan3A_230 = arith.constant 16 : i32
      %parallel_loop3A_231 = arith.constant 0 : i32
      %parallel_loop3A_232 = arith.constant 512 : i32
      %parallel_loop3A_233 = arith.constant 1 : i32
      scf.for %parallel_loop3A_259 = %parallel_loop3A_231 to %parallel_loop3A_232 step %parallel_loop3A_233  : i32 {
        %parallel_loop3A_260 = vector.broadcast %parallel_loop3A_259 : i32 to vector<16xi32>
        %parallel_loop3A_261 = arith.constant 1 : i32
        %parallel_loop3A_262 = arith.constant 0 : i32
        %parallel_loop3A_263 = arith.constant 0 : i32
        %parallel_loop3A_264 = tpu.memref_slice %arg6[%parallel_loop3A_261, %parallel_loop3A_262, %parallel_loop3A_263] : memref<2x16x513xf32, #tpu.memory_space<vmem>> -> memref<1x16x513xf32, #tpu.memory_space<vmem>>
        %parallel_loop3A_265 = tpu.memref_squeeze %parallel_loop3A_264 : memref<1x16x513xf32, #tpu.memory_space<vmem>> -> memref<16x513xf32, #tpu.memory_space<vmem>>
        %parallel_loop3A_266 = tpu.vector_load_idx %parallel_loop3A_265[%iota3A, %parallel_loop3A_260] : memref<16x513xf32, #tpu.memory_space<vmem>>[vector<16xi32>, vector<16xi32>], vector<16xf32>,
        %parallel_loop3A_267 = arith.constant 16 : i32
        %parallel_loop3A_268 = arith.muli %parallel_loop3A_259, %parallel_loop3A_267 : i32
        %parallel_loop3A_269 = arith.constant 1 : i32
        %parallel_loop3A_270 = arith.index_cast %parallel_loop3A_269 : i32 to index
        %parallel_loop3A_271 = arith.index_cast %parallel_loop3A_268 : i32 to index
        %parallel_loop3A_272 = tpu.vector_load %arg8[%parallel_loop3A_270, %parallel_loop3A_271] {strides = array<i32>} : memref<2x8192xf32, #tpu.memory_space<vmem>>, vector<16xf32>,
        tpu.vector_store %arg8[%parallel_loop3A_270, %parallel_loop3A_271], %parallel_loop3A_266 {strides = array<i32>} : memref<2x8192xf32, #tpu.memory_space<vmem>>, vector<16xf32>,
      } {sc.loop_unroll_factor = 16 : i64, sc.parallel_access}
      %mul3A_234 = arith.constant 32 : i32
      %mul3A_235 = arith.muli %add3A_184, %mul3A_234 : i32
      %add3A_236 = arith.addi %add3A, %mul3A_235 : i32
      %rem3A_237 = arith.constant 1953 : i32
      %rem3A_238 = arith.remsi %add3A_236, %rem3A_237 : i32
      %mul3A_239 = arith.constant 512 : i32
      %mul3A_240 = arith.muli %rem3A_238, %mul3A_239 : i32
      %multiple_of3A_241 = tpu.assume_multiple %mul3A_240, 512 : i32
      %mul3A_242 = arith.constant 16 : i32
      %mul3A_243 = arith.muli %multiple_of3A_241, %mul3A_242 : i32
      %dma_start3A_244 = arith.constant 1 : i32
      %dma_start3A_245 = arith.constant 0 : i32
      %dma_start3A_246 = tpu.memref_slice %arg8[%dma_start3A_244, %dma_start3A_245] : memref<2x8192xf32, #tpu.memory_space<vmem>> -> memref<1x8192xf32, #tpu.memory_space<vmem>>
      %dma_start3A_247 = tpu.memref_squeeze %dma_start3A_246 : memref<1x8192xf32, #tpu.memory_space<vmem>> -> memref<8192xf32, #tpu.memory_space<vmem>>
      %dma_start3A_248 = tpu.memref_slice %arg5[%mul3A_243] : memref<16000000xf32, #tpu.memory_space<hbm>> -> memref<8192xf32, #tpu.memory_space<hbm>>
      %dma_start3A_249 = tpu.memref_slice %arg5[%mul3A_243] : memref<16000000xf32, #tpu.memory_space<hbm>> -> memref<8192xf32, #tpu.memory_space<hbm>>
      %dma_start3A_250 = arith.constant 0 : i32
      %dma_start3A_251 = tpu.memref_slice %arg8[%dma_start3A_244, %dma_start3A_250] : memref<2x8192xf32, #tpu.memory_space<vmem>> -> memref<1x8192xf32, #tpu.memory_space<vmem>>
      %dma_start3A_252 = tpu.memref_squeeze %dma_start3A_251 : memref<1x8192xf32, #tpu.memory_space<vmem>> -> memref<8192xf32, #tpu.memory_space<vmem>>
      tpu.enqueue_dma source(%dma_start3A_252 : memref<8192xf32, #tpu.memory_space<vmem>>) target(%dma_start3A_249 : memref<8192xf32, #tpu.memory_space<hbm>>) target_semaphore(%arg12 : memref<!tpu.dma_semaphore, #tpu.memory_space<semaphore_mem>>)
      %lt3A_253 = arith.constant 60 : i32
      %lt3A_254 = arith.cmpi slt, %add3A_184, %lt3A_253 : i32
      %convert_element_type3A_255 = arith.extui %lt3A_254 : i1 to i32
      %cond3A_256 = arith.constant 0 : i32
      %cond3A_257 = arith.cmpi ne, %convert_element_type3A_255, %cond3A_256 : i32
      scf.if %cond3A_257 {
        %add3A_259 = arith.constant 2 : i32
        %add3A_260 = arith.addi %add3A_184, %add3A_259 : i32
        %mul3A_261 = arith.constant 32 : i32
        %mul3A_262 = arith.muli %add3A_260, %mul3A_261 : i32
        %add3A_263 = arith.addi %add3A, %mul3A_262 : i32
        %rem3A_264 = arith.constant 1953 : i32
        %rem3A_265 = arith.remsi %add3A_263, %rem3A_264 : i32
        %mul3A_266 = arith.constant 512 : i32
        %mul3A_267 = arith.muli %rem3A_265, %mul3A_266 : i32
        %multiple_of3A_268 = tpu.assume_multiple %mul3A_267, 512 : i32
        %dma_start3A_269 = arith.constant 1 : i32
        %dma_start3A_270 = arith.constant 0 : i32
        %dma_start3A_271 = arith.constant 0 : i32
        %dma_start3A_272 = tpu.memref_slice %arg6[%dma_start3A_269, %dma_start3A_270, %dma_start3A_271] : memref<2x16x513xf32, #tpu.memory_space<vmem>> -> memref<1x16x512xf32, #tpu.memory_space<vmem>>
        %dma_start3A_273 = tpu.memref_squeeze %dma_start3A_272 : memref<1x16x512xf32, #tpu.memory_space<vmem>> -> memref<16x512xf32, #tpu.memory_space<vmem>>
        %dma_start3A_274 = arith.constant 0 : i32
        %dma_start3A_275 = tpu.memref_slice %arg2[%dma_start3A_274, %multiple_of3A_268] : memref<16x1000000xf32, #tpu.memory_space<hbm>> -> memref<16x512xf32, #tpu.memory_space<hbm>>
        %dma_start3A_276 = arith.constant 0 : i32
        %dma_start3A_277 = arith.constant 0 : i32
        %dma_start3A_278 = tpu.memref_slice %arg6[%dma_start3A_269, %dma_start3A_276, %dma_start3A_277] : memref<2x16x513xf32, #tpu.memory_space<vmem>> -> memref<1x16x512xf32, #tpu.memory_space<vmem>>
        %dma_start3A_279 = tpu.memref_squeeze %dma_start3A_278 : memref<1x16x512xf32, #tpu.memory_space<vmem>> -> memref<16x512xf32, #tpu.memory_space<vmem>>
        %dma_start3A_280 = arith.constant 0 : i32
        %dma_start3A_281 = tpu.memref_slice %arg2[%dma_start3A_280, %multiple_of3A_268] : memref<16x1000000xf32, #tpu.memory_space<hbm>> -> memref<16x512xf32, #tpu.memory_space<hbm>>
        tpu.enqueue_dma source(%dma_start3A_281 : memref<16x512xf32, #tpu.memory_space<hbm>>) target(%dma_start3A_279 : memref<16x512xf32, #tpu.memory_space<vmem>>) target_semaphore(%arg10 : memref<!tpu.dma_semaphore, #tpu.memory_space<semaphore_mem>>)
        %dma_start3A_282 = arith.constant 1 : i32
        %dma_start3A_283 = arith.constant 0 : i32
        %dma_start3A_284 = arith.constant 0 : i32
        %dma_start3A_285 = tpu.memref_slice %arg7[%dma_start3A_282, %dma_start3A_283, %dma_start3A_284] : memref<2x16x513xf32, #tpu.memory_space<vmem>> -> memref<1x16x512xf32, #tpu.memory_space<vmem>>
        %dma_start3A_286 = tpu.memref_squeeze %dma_start3A_285 : memref<1x16x512xf32, #tpu.memory_space<vmem>> -> memref<16x512xf32, #tpu.memory_space<vmem>>
        %dma_start3A_287 = arith.constant 0 : i32
        %dma_start3A_288 = tpu.memref_slice %arg3[%dma_start3A_287, %multiple_of3A_268] : memref<16x1000000xf32, #tpu.memory_space<hbm>> -> memref<16x512xf32, #tpu.memory_space<hbm>>
        %dma_start3A_289 = arith.constant 0 : i32
        %dma_start3A_290 = arith.constant 0 : i32
        %dma_start3A_291 = tpu.memref_slice %arg7[%dma_start3A_282, %dma_start3A_289, %dma_start3A_290] : memref<2x16x513xf32, #tpu.memory_space<vmem>> -> memref<1x16x512xf32, #tpu.memory_space<vmem>>
        %dma_start3A_292 = tpu.memref_squeeze %dma_start3A_291 : memref<1x16x512xf32, #tpu.memory_space<vmem>> -> memref<16x512xf32, #tpu.memory_space<vmem>>
        %dma_start3A_293 = arith.constant 0 : i32
        %dma_start3A_294 = tpu.memref_slice %arg3[%dma_start3A_293, %multiple_of3A_268] : memref<16x1000000xf32, #tpu.memory_space<hbm>> -> memref<16x512xf32, #tpu.memory_space<hbm>>
        tpu.enqueue_dma source(%dma_start3A_294 : memref<16x512xf32, #tpu.memory_space<hbm>>) target(%dma_start3A_292 : memref<16x512xf32, #tpu.memory_space<vmem>>) target_semaphore(%arg10 : memref<!tpu.dma_semaphore, #tpu.memory_space<semaphore_mem>>)
      } else {
      }
      %scan3A_258 = arith.constant 0 : i32
      scf.yield %scan3A_258 : i32
    }
    %scan3A_71 = arith.constant 31 : i32
    %add3A_72 = arith.constant 1920 : i32
    %add3A_73 = arith.addi %add3A, %add3A_72 : i32
    %rem3A_74 = arith.constant 1953 : i32
    %rem3A_75 = arith.remsi %add3A_73, %rem3A_74 : i32
    %mul3A_76 = arith.constant 512 : i32
    %mul3A_77 = arith.muli %rem3A_75, %mul3A_76 : i32
    %multiple_of3A_78 = tpu.assume_multiple %mul3A_77, 512 : i32
    %mul3A_79 = arith.constant 16 : i32
    %mul3A_80 = arith.muli %multiple_of3A_78, %mul3A_79 : i32
    %dma_wait3A = arith.constant 0 : i32
    %dma_wait3A_81 = arith.constant 0 : i32
    %dma_wait3A_82 = tpu.memref_slice %arg8[%dma_wait3A, %dma_wait3A_81] : memref<2x8192xf32, #tpu.memory_space<vmem>> -> memref<1x8192xf32, #tpu.memory_space<vmem>>
    %dma_wait3A_83 = tpu.memref_squeeze %dma_wait3A_82 : memref<1x8192xf32, #tpu.memory_space<vmem>> -> memref<8192xf32, #tpu.memory_space<vmem>>
    %dma_wait3A_84 = tpu.memref_slice %arg5[%mul3A_80] : memref<16000000xf32, #tpu.memory_space<hbm>> -> memref<8192xf32, #tpu.memory_space<hbm>>
    %dma_wait3A_85 = tpu.memref_slice %arg5[%mul3A_80] : memref<16000000xf32, #tpu.memory_space<hbm>> -> memref<8192xf32, #tpu.memory_space<hbm>>
    %dma_wait3A_86 = arith.constant 0 : i32
    %dma_wait3A_87 = tpu.memref_slice %arg8[%dma_wait3A, %dma_wait3A_86] : memref<2x8192xf32, #tpu.memory_space<vmem>> -> memref<1x8192xf32, #tpu.memory_space<vmem>>
    %dma_wait3A_88 = tpu.memref_squeeze %dma_wait3A_87 : memref<1x8192xf32, #tpu.memory_space<vmem>> -> memref<8192xf32, #tpu.memory_space<vmem>>
    tpu.wait_dma2 semaphore(%arg11 : memref<!tpu.dma_semaphore, #tpu.memory_space<semaphore_mem>>) src(%dma_wait3A_88 : memref<8192xf32, #tpu.memory_space<vmem>>) dst(%dma_wait3A_85 : memref<8192xf32, #tpu.memory_space<hbm>>)
    %add3A_89 = arith.constant 1952 : i32
    %add3A_90 = arith.addi %add3A, %add3A_89 : i32
    %rem3A_91 = arith.constant 1953 : i32
    %rem3A_92 = arith.remsi %add3A_90, %rem3A_91 : i32
    %mul3A_93 = arith.constant 512 : i32
    %mul3A_94 = arith.muli %rem3A_92, %mul3A_93 : i32
    %multiple_of3A_95 = tpu.assume_multiple %mul3A_94, 512 : i32
    %mul3A_96 = arith.constant 16 : i32
    %mul3A_97 = arith.muli %multiple_of3A_95, %mul3A_96 : i32
    %dma_wait3A_98 = arith.constant 1 : i32
    %dma_wait3A_99 = arith.constant 0 : i32
    %dma_wait3A_100 = tpu.memref_slice %arg8[%dma_wait3A_98, %dma_wait3A_99] : memref<2x8192xf32, #tpu.memory_space<vmem>> -> memref<1x8192xf32, #tpu.memory_space<vmem>>
    %dma_wait3A_101 = tpu.memref_squeeze %dma_wait3A_100 : memref<1x8192xf32, #tpu.memory_space<vmem>> -> memref<8192xf32, #tpu.memory_space<vmem>>
    %dma_wait3A_102 = tpu.memref_slice %arg5[%mul3A_97] : memref<16000000xf32, #tpu.memory_space<hbm>> -> memref<8192xf32, #tpu.memory_space<hbm>>
    %dma_wait3A_103 = tpu.memref_slice %arg5[%mul3A_97] : memref<16000000xf32, #tpu.memory_space<hbm>> -> memref<8192xf32, #tpu.memory_space<hbm>>
    %dma_wait3A_104 = arith.constant 0 : i32
    %dma_wait3A_105 = tpu.memref_slice %arg8[%dma_wait3A_98, %dma_wait3A_104] : memref<2x8192xf32, #tpu.memory_space<vmem>> -> memref<1x8192xf32, #tpu.memory_space<vmem>>
    %dma_wait3A_106 = tpu.memref_squeeze %dma_wait3A_105 : memref<1x8192xf32, #tpu.memory_space<vmem>> -> memref<8192xf32, #tpu.memory_space<vmem>>
    tpu.wait_dma2 semaphore(%arg12 : memref<!tpu.dma_semaphore, #tpu.memory_space<semaphore_mem>>) src(%dma_wait3A_106 : memref<8192xf32, #tpu.memory_space<vmem>>) dst(%dma_wait3A_103 : memref<8192xf32, #tpu.memory_space<hbm>>)
    return
  }
}

#map = affine_map<(d0, d1) -> (0)>
#map1 = affine_map<(d0, d1) -> (0, 0)>
#map2 = affine_map<(d0, d1) -> (0, 0, 0, 0, 0)>
module attributes {stable_mosaic.version = 14 : i64} {
  func.func @k(%arg0: i32, %arg1: i32, %arg2: memref<819200xi32, #tpu.memory_space<hbm>>, %arg3: memref<1000000x16xf32, #tpu.memory_space<hbm>>, %arg4: memref<50x2x128x8x128xf32, #tpu.memory_space<hbm>>, %arg5: memref<25600xi32, #tpu.memory_space<vmem>>, %arg6: memref<2x512x16xf32, #tpu.memory_space<vmem>>, %arg7: memref<2x16x513xf32, #tpu.memory_space<vmem>>, %arg8: memref<!tpu.dma_semaphore, #tpu.memory_space<semaphore_mem>>, %arg9: memref<!tpu.dma_semaphore, #tpu.memory_space<semaphore_mem>>, %arg10: memref<!tpu.dma_semaphore, #tpu.memory_space<semaphore_mem>>, %arg11: memref<!tpu.dma_semaphore, #tpu.memory_space<semaphore_mem>>) attributes {dimension_semantics = [#tpu.dimension_semantics<core_parallel>, #tpu.dimension_semantics<subcore_parallel>], iteration_bounds = array<i64: 2, 16>, scalar_prefetch = 0 : i64, scratch_operands = 7 : i64, tpu.core_type = #tpu.core_type<sc_vector_subcore>, window_params = [{transform_indices = #map}, {transform_indices = #map1}, {transform_indices = #map2}]} {
    %mul3A = arith.constant 2 : i32
    %mul3A_0 = arith.muli %arg1, %mul3A : i32
    %add3A = arith.addi %mul3A_0, %arg0 : i32
    %iota3A = tpu.iota {dimensions = array<i32: 0>} : vector<16xi32>
    %mul3A_1 = arith.constant 50 : i32
    %mul3A_2 = arith.muli %add3A, %mul3A_1 : i32
    %mul3A_3 = arith.constant 25600 : i32
    %mul3A_4 = arith.muli %add3A, %mul3A_3 : i32
    "tpu.region"() ({
      %run_scoped3A = tpu.sem_alloc : memref<!tpu.dma_semaphore, #tpu.memory_space<semaphore_mem>>
      %dma_start3A_429 = tpu.memref_slice %arg2[%mul3A_4] : memref<819200xi32, #tpu.memory_space<hbm>> -> memref<25600xi32, #tpu.memory_space<hbm>>
      %dma_start3A_430 = tpu.memref_slice %arg2[%mul3A_4] : memref<819200xi32, #tpu.memory_space<hbm>> -> memref<25600xi32, #tpu.memory_space<hbm>>
      tpu.enqueue_dma source(%dma_start3A_430 : memref<25600xi32, #tpu.memory_space<hbm>>) target(%arg5 : memref<25600xi32, #tpu.memory_space<vmem>>) target_semaphore(%run_scoped3A : memref<!tpu.dma_semaphore, #tpu.memory_space<semaphore_mem>>)
      %dma_wait3A_431 = tpu.memref_slice %arg2[%mul3A_4] : memref<819200xi32, #tpu.memory_space<hbm>> -> memref<25600xi32, #tpu.memory_space<hbm>>
      %dma_wait3A_432 = tpu.memref_slice %arg2[%mul3A_4] : memref<819200xi32, #tpu.memory_space<hbm>> -> memref<25600xi32, #tpu.memory_space<hbm>>
      tpu.wait_dma2 semaphore(%run_scoped3A : memref<!tpu.dma_semaphore, #tpu.memory_space<semaphore_mem>>) src(%dma_wait3A_432 : memref<25600xi32, #tpu.memory_space<hbm>>) dst(%arg5 : memref<25600xi32, #tpu.memory_space<vmem>>)
      tpu.yield
    }) : () -> ()
    %dma_start3A = arith.constant 0 : i32
    %dma_start3A_5 = arith.constant 0 : i32
    %dma_start3A_6 = arith.constant 0 : i32
    %dma_start3A_7 = tpu.memref_slice %arg6[%dma_start3A, %dma_start3A_5, %dma_start3A_6] : memref<2x512x16xf32, #tpu.memory_space<vmem>> -> memref<1x512x16xf32, #tpu.memory_space<vmem>>
    %dma_start3A_8 = tpu.memref_squeeze %dma_start3A_7 : memref<1x512x16xf32, #tpu.memory_space<vmem>> -> memref<512x16xf32, #tpu.memory_space<vmem>>
    %dma_start3A_9 = arith.constant 0 : i32
    %dma_start3A_10 = tpu.memref_slice %arg5[%dma_start3A_9] : memref<25600xi32, #tpu.memory_space<vmem>> -> memref<512xi32, #tpu.memory_space<vmem>>
    %dma_start3A_11 = arith.constant 0 : i32
    %dma_start3A_12 = arith.constant 0 : i32
    %dma_start3A_13 = tpu.memref_slice %arg3[%dma_start3A_11, %dma_start3A_12] : memref<1000000x16xf32, #tpu.memory_space<hbm>> -> memref<1000000x16xf32, #tpu.memory_space<hbm>>
    tpu.enqueue_indirect_dma source(%dma_start3A_13 : memref<1000000x16xf32, #tpu.memory_space<hbm>>) target(%dma_start3A_8 : memref<512x16xf32, #tpu.memory_space<vmem>>) offsets(%dma_start3A_10 : memref<512xi32, #tpu.memory_space<vmem>>) semaphore(%arg8 : memref<!tpu.dma_semaphore, #tpu.memory_space<semaphore_mem>>)
    %dma_start3A_14 = arith.constant 1 : i32
    %dma_start3A_15 = arith.constant 0 : i32
    %dma_start3A_16 = arith.constant 0 : i32
    %dma_start3A_17 = tpu.memref_slice %arg6[%dma_start3A_14, %dma_start3A_15, %dma_start3A_16] : memref<2x512x16xf32, #tpu.memory_space<vmem>> -> memref<1x512x16xf32, #tpu.memory_space<vmem>>
    %dma_start3A_18 = tpu.memref_squeeze %dma_start3A_17 : memref<1x512x16xf32, #tpu.memory_space<vmem>> -> memref<512x16xf32, #tpu.memory_space<vmem>>
    %dma_start3A_19 = arith.constant 512 : i32
    %dma_start3A_20 = tpu.memref_slice %arg5[%dma_start3A_19] : memref<25600xi32, #tpu.memory_space<vmem>> -> memref<512xi32, #tpu.memory_space<vmem>>
    %dma_start3A_21 = arith.constant 0 : i32
    %dma_start3A_22 = arith.constant 0 : i32
    %dma_start3A_23 = tpu.memref_slice %arg3[%dma_start3A_21, %dma_start3A_22] : memref<1000000x16xf32, #tpu.memory_space<hbm>> -> memref<1000000x16xf32, #tpu.memory_space<hbm>>
    tpu.enqueue_indirect_dma source(%dma_start3A_23 : memref<1000000x16xf32, #tpu.memory_space<hbm>>) target(%dma_start3A_18 : memref<512x16xf32, #tpu.memory_space<vmem>>) offsets(%dma_start3A_20 : memref<512xi32, #tpu.memory_space<vmem>>) semaphore(%arg9 : memref<!tpu.dma_semaphore, #tpu.memory_space<semaphore_mem>>)
    %scan3A = arith.constant 0 : i32
    %scan3A_24 = arith.constant 0 : i32
    %scan3A_25 = arith.constant 25 : i32
    %scan3A_26 = arith.addi %scan3A_24, %scan3A_25 : i32
    %scan3A_27 = arith.constant 1 : i32
    %scan3A_28 = scf.for %scan3A_429 = %scan3A_24 to %scan3A_26 step %scan3A_27 iter_args(%scan3A_430 = %scan3A) -> (i32)  : i32 {
      %mul3A_431 = arith.constant 2 : i32
      %mul3A_432 = arith.muli %scan3A_429, %mul3A_431 : i32
      %mul3A_433 = arith.constant 512 : i32
      %mul3A_434 = arith.muli %mul3A_432, %mul3A_433 : i32
      %dma_wait3A_435 = arith.constant 0 : i32
      %dma_wait3A_436 = arith.constant 0 : i32
      %dma_wait3A_437 = arith.constant 0 : i32
      %dma_wait3A_438 = tpu.memref_slice %arg6[%dma_wait3A_435, %dma_wait3A_436, %dma_wait3A_437] : memref<2x512x16xf32, #tpu.memory_space<vmem>> -> memref<1x512x16xf32, #tpu.memory_space<vmem>>
      %dma_wait3A_439 = tpu.memref_squeeze %dma_wait3A_438 : memref<1x512x16xf32, #tpu.memory_space<vmem>> -> memref<512x16xf32, #tpu.memory_space<vmem>>
      %dma_wait3A_440 = tpu.memref_slice %arg5[%mul3A_434] : memref<25600xi32, #tpu.memory_space<vmem>> -> memref<512xi32, #tpu.memory_space<vmem>>
      %dma_wait3A_441 = arith.constant 0 : i32
      %dma_wait3A_442 = arith.constant 0 : i32
      %dma_wait3A_443 = tpu.memref_slice %arg3[%dma_wait3A_441, %dma_wait3A_442] : memref<1000000x16xf32, #tpu.memory_space<hbm>> -> memref<1000000x16xf32, #tpu.memory_space<hbm>>
      tpu.wait_indirect_dma semaphore(%arg8 : memref<!tpu.dma_semaphore, #tpu.memory_space<semaphore_mem>>) src(%dma_wait3A_443 : memref<1000000x16xf32, #tpu.memory_space<hbm>>) dst(%dma_wait3A_439 : memref<512x16xf32, #tpu.memory_space<vmem>>)
      %ge3A = arith.constant 2 : i32
      %ge3A_444 = arith.cmpi sge, %mul3A_432, %ge3A : i32
      %convert_element_type3A = arith.extui %ge3A_444 : i1 to i32
      %cond3A = arith.constant 0 : i32
      %cond3A_445 = arith.cmpi ne, %convert_element_type3A, %cond3A : i32
      scf.if %cond3A_445 {
        %sub3A_887 = arith.constant 2 : i32
        %sub3A_888 = arith.subi %mul3A_432, %sub3A_887 : i32
        %add3A_889 = arith.addi %mul3A_2, %sub3A_888 : i32
        %jit3A_890 = arith.constant 32 : i32
        %div3A_891 = arith.divsi %add3A_889, %jit3A_890 : i32
        %sign3A_892 = arith.constant 0 : i32
        %sign3A_893 = arith.cmpi sgt, %add3A_889, %sign3A_892 : i32
        %sign3A_894 = arith.extui %sign3A_893 : i1 to i32
        %sign3A_895 = arith.constant 0 : i32
        %sign3A_896 = arith.cmpi slt, %add3A_889, %sign3A_895 : i32
        %sign3A_897 = arith.extui %sign3A_896 : i1 to i32
        %sign3A_898 = arith.subi %sign3A_894, %sign3A_897 : i32
        %sign3A_899 = arith.constant 0 : i32
        %sign3A_900 = arith.cmpi sgt, %jit3A_890, %sign3A_899 : i32
        %sign3A_901 = arith.extui %sign3A_900 : i1 to i32
        %sign3A_902 = arith.constant 0 : i32
        %sign3A_903 = arith.cmpi slt, %jit3A_890, %sign3A_902 : i32
        %sign3A_904 = arith.extui %sign3A_903 : i1 to i32
        %sign3A_905 = arith.subi %sign3A_901, %sign3A_904 : i32
        %ne3A_906 = arith.cmpi ne, %sign3A_898, %sign3A_905 : i32
        %rem3A_907 = arith.remsi %add3A_889, %jit3A_890 : i32
        %ne3A_908 = arith.constant 0 : i32
        %ne3A_909 = arith.cmpi ne, %rem3A_907, %ne3A_908 : i32
        %and3A_910 = arith.andi %ne3A_906, %ne3A_909 : i1
        %sub3A_911 = arith.constant 1 : i32
        %sub3A_912 = arith.subi %div3A_891, %sub3A_911 : i32
        %select_n3A_913 = arith.select %and3A_910, %sub3A_912, %div3A_891 : i32
        %rem3A_914 = arith.constant 32 : i32
        %rem3A_915 = arith.remsi %add3A_889, %rem3A_914 : i32
        %mul3A_916 = arith.constant 4 : i32
        %mul3A_917 = arith.muli %rem3A_915, %mul3A_916 : i32
        %add3A_918 = arith.constant 0 : i32
        %add3A_919 = arith.addi %mul3A_917, %add3A_918 : i32
        %dma_wait3A_920 = arith.constant 0 : i32
        %dma_wait3A_921 = arith.constant 0 : i32
        %dma_wait3A_922 = arith.constant 0 : i32
        %dma_wait3A_923 = arith.constant 0 : i32
        %dma_wait3A_924 = tpu.memref_slice %arg7[%dma_wait3A_920, %dma_wait3A_922, %dma_wait3A_923] : memref<2x16x513xf32, #tpu.memory_space<vmem>> -> memref<1x8x128xf32, #tpu.memory_space<vmem>>
        %dma_wait3A_925 = tpu.memref_squeeze %dma_wait3A_924 : memref<1x8x128xf32, #tpu.memory_space<vmem>> -> memref<8x128xf32, #tpu.memory_space<vmem>>
        %dma_wait3A_926 = arith.constant 0 : i32
        %dma_wait3A_927 = arith.constant 0 : i32
        %dma_wait3A_928 = tpu.memref_slice %arg4[%select_n3A_913, %dma_wait3A_921, %add3A_919, %dma_wait3A_926, %dma_wait3A_927] : memref<50x2x128x8x128xf32, #tpu.memory_space<hbm>> -> memref<1x1x1x8x128xf32, #tpu.memory_space<hbm>>
        %dma_wait3A_929 = tpu.memref_squeeze %dma_wait3A_928 : memref<1x1x1x8x128xf32, #tpu.memory_space<hbm>> -> memref<8x128xf32, #tpu.memory_space<hbm>>
        %dma_wait3A_930 = arith.constant 0 : i32
        %dma_wait3A_931 = arith.constant 0 : i32
        %dma_wait3A_932 = tpu.memref_slice %arg4[%select_n3A_913, %dma_wait3A_921, %add3A_919, %dma_wait3A_930, %dma_wait3A_931] : memref<50x2x128x8x128xf32, #tpu.memory_space<hbm>> -> memref<1x1x1x8x128xf32, #tpu.memory_space<hbm>>
        %dma_wait3A_933 = tpu.memref_squeeze %dma_wait3A_932 : memref<1x1x1x8x128xf32, #tpu.memory_space<hbm>> -> memref<8x128xf32, #tpu.memory_space<hbm>>
        %dma_wait3A_934 = arith.constant 0 : i32
        %dma_wait3A_935 = arith.constant 0 : i32
        %dma_wait3A_936 = tpu.memref_slice %arg7[%dma_wait3A_920, %dma_wait3A_934, %dma_wait3A_935] : memref<2x16x513xf32, #tpu.memory_space<vmem>> -> memref<1x8x128xf32, #tpu.memory_space<vmem>>
        %dma_wait3A_937 = tpu.memref_squeeze %dma_wait3A_936 : memref<1x8x128xf32, #tpu.memory_space<vmem>> -> memref<8x128xf32, #tpu.memory_space<vmem>>
        tpu.wait_dma2 semaphore(%arg10 : memref<!tpu.dma_semaphore, #tpu.memory_space<semaphore_mem>>) src(%dma_wait3A_937 : memref<8x128xf32, #tpu.memory_space<vmem>>) dst(%dma_wait3A_933 : memref<8x128xf32, #tpu.memory_space<hbm>>)
        %mul3A_938 = arith.constant 4 : i32
        %mul3A_939 = arith.muli %rem3A_915, %mul3A_938 : i32
        %add3A_940 = arith.constant 1 : i32
        %add3A_941 = arith.addi %mul3A_939, %add3A_940 : i32
        %dma_wait3A_942 = arith.constant 0 : i32
        %dma_wait3A_943 = arith.constant 0 : i32
        %dma_wait3A_944 = arith.constant 0 : i32
        %dma_wait3A_945 = arith.constant 128 : i32
        %dma_wait3A_946 = tpu.memref_slice %arg7[%dma_wait3A_942, %dma_wait3A_944, %dma_wait3A_945] : memref<2x16x513xf32, #tpu.memory_space<vmem>> -> memref<1x8x128xf32, #tpu.memory_space<vmem>>
        %dma_wait3A_947 = tpu.memref_squeeze %dma_wait3A_946 : memref<1x8x128xf32, #tpu.memory_space<vmem>> -> memref<8x128xf32, #tpu.memory_space<vmem>>
        %dma_wait3A_948 = arith.constant 0 : i32
        %dma_wait3A_949 = arith.constant 0 : i32
        %dma_wait3A_950 = tpu.memref_slice %arg4[%select_n3A_913, %dma_wait3A_943, %add3A_941, %dma_wait3A_948, %dma_wait3A_949] : memref<50x2x128x8x128xf32, #tpu.memory_space<hbm>> -> memref<1x1x1x8x128xf32, #tpu.memory_space<hbm>>
        %dma_wait3A_951 = tpu.memref_squeeze %dma_wait3A_950 : memref<1x1x1x8x128xf32, #tpu.memory_space<hbm>> -> memref<8x128xf32, #tpu.memory_space<hbm>>
        %dma_wait3A_952 = arith.constant 0 : i32
        %dma_wait3A_953 = arith.constant 0 : i32
        %dma_wait3A_954 = tpu.memref_slice %arg4[%select_n3A_913, %dma_wait3A_943, %add3A_941, %dma_wait3A_952, %dma_wait3A_953] : memref<50x2x128x8x128xf32, #tpu.memory_space<hbm>> -> memref<1x1x1x8x128xf32, #tpu.memory_space<hbm>>
        %dma_wait3A_955 = tpu.memref_squeeze %dma_wait3A_954 : memref<1x1x1x8x128xf32, #tpu.memory_space<hbm>> -> memref<8x128xf32, #tpu.memory_space<hbm>>
        %dma_wait3A_956 = arith.constant 0 : i32
        %dma_wait3A_957 = arith.constant 128 : i32
        %dma_wait3A_958 = tpu.memref_slice %arg7[%dma_wait3A_942, %dma_wait3A_956, %dma_wait3A_957] : memref<2x16x513xf32, #tpu.memory_space<vmem>> -> memref<1x8x128xf32, #tpu.memory_space<vmem>>
        %dma_wait3A_959 = tpu.memref_squeeze %dma_wait3A_958 : memref<1x8x128xf32, #tpu.memory_space<vmem>> -> memref<8x128xf32, #tpu.memory_space<vmem>>
        tpu.wait_dma2 semaphore(%arg10 : memref<!tpu.dma_semaphore, #tpu.memory_space<semaphore_mem>>) src(%dma_wait3A_959 : memref<8x128xf32, #tpu.memory_space<vmem>>) dst(%dma_wait3A_955 : memref<8x128xf32, #tpu.memory_space<hbm>>)
        %mul3A_960 = arith.constant 4 : i32
        %mul3A_961 = arith.muli %rem3A_915, %mul3A_960 : i32
        %add3A_962 = arith.constant 2 : i32
        %add3A_963 = arith.addi %mul3A_961, %add3A_962 : i32
        %dma_wait3A_964 = arith.constant 0 : i32
        %dma_wait3A_965 = arith.constant 0 : i32
        %dma_wait3A_966 = arith.constant 0 : i32
        %dma_wait3A_967 = arith.constant 256 : i32
        %dma_wait3A_968 = tpu.memref_slice %arg7[%dma_wait3A_964, %dma_wait3A_966, %dma_wait3A_967] : memref<2x16x513xf32, #tpu.memory_space<vmem>> -> memref<1x8x128xf32, #tpu.memory_space<vmem>>
        %dma_wait3A_969 = tpu.memref_squeeze %dma_wait3A_968 : memref<1x8x128xf32, #tpu.memory_space<vmem>> -> memref<8x128xf32, #tpu.memory_space<vmem>>
        %dma_wait3A_970 = arith.constant 0 : i32
        %dma_wait3A_971 = arith.constant 0 : i32
        %dma_wait3A_972 = tpu.memref_slice %arg4[%select_n3A_913, %dma_wait3A_965, %add3A_963, %dma_wait3A_970, %dma_wait3A_971] : memref<50x2x128x8x128xf32, #tpu.memory_space<hbm>> -> memref<1x1x1x8x128xf32, #tpu.memory_space<hbm>>
        %dma_wait3A_973 = tpu.memref_squeeze %dma_wait3A_972 : memref<1x1x1x8x128xf32, #tpu.memory_space<hbm>> -> memref<8x128xf32, #tpu.memory_space<hbm>>
        %dma_wait3A_974 = arith.constant 0 : i32
        %dma_wait3A_975 = arith.constant 0 : i32
        %dma_wait3A_976 = tpu.memref_slice %arg4[%select_n3A_913, %dma_wait3A_965, %add3A_963, %dma_wait3A_974, %dma_wait3A_975] : memref<50x2x128x8x128xf32, #tpu.memory_space<hbm>> -> memref<1x1x1x8x128xf32, #tpu.memory_space<hbm>>
        %dma_wait3A_977 = tpu.memref_squeeze %dma_wait3A_976 : memref<1x1x1x8x128xf32, #tpu.memory_space<hbm>> -> memref<8x128xf32, #tpu.memory_space<hbm>>
        %dma_wait3A_978 = arith.constant 0 : i32
        %dma_wait3A_979 = arith.constant 256 : i32
        %dma_wait3A_980 = tpu.memref_slice %arg7[%dma_wait3A_964, %dma_wait3A_978, %dma_wait3A_979] : memref<2x16x513xf32, #tpu.memory_space<vmem>> -> memref<1x8x128xf32, #tpu.memory_space<vmem>>
        %dma_wait3A_981 = tpu.memref_squeeze %dma_wait3A_980 : memref<1x8x128xf32, #tpu.memory_space<vmem>> -> memref<8x128xf32, #tpu.memory_space<vmem>>
        tpu.wait_dma2 semaphore(%arg10 : memref<!tpu.dma_semaphore, #tpu.memory_space<semaphore_mem>>) src(%dma_wait3A_981 : memref<8x128xf32, #tpu.memory_space<vmem>>) dst(%dma_wait3A_977 : memref<8x128xf32, #tpu.memory_space<hbm>>)
        %mul3A_982 = arith.constant 4 : i32
        %mul3A_983 = arith.muli %rem3A_915, %mul3A_982 : i32
        %add3A_984 = arith.constant 3 : i32
        %add3A_985 = arith.addi %mul3A_983, %add3A_984 : i32
        %dma_wait3A_986 = arith.constant 0 : i32
        %dma_wait3A_987 = arith.constant 0 : i32
        %dma_wait3A_988 = arith.constant 0 : i32
        %dma_wait3A_989 = arith.constant 384 : i32
        %dma_wait3A_990 = tpu.memref_slice %arg7[%dma_wait3A_986, %dma_wait3A_988, %dma_wait3A_989] : memref<2x16x513xf32, #tpu.memory_space<vmem>> -> memref<1x8x128xf32, #tpu.memory_space<vmem>>
        %dma_wait3A_991 = tpu.memref_squeeze %dma_wait3A_990 : memref<1x8x128xf32, #tpu.memory_space<vmem>> -> memref<8x128xf32, #tpu.memory_space<vmem>>
        %dma_wait3A_992 = arith.constant 0 : i32
        %dma_wait3A_993 = arith.constant 0 : i32
        %dma_wait3A_994 = tpu.memref_slice %arg4[%select_n3A_913, %dma_wait3A_987, %add3A_985, %dma_wait3A_992, %dma_wait3A_993] : memref<50x2x128x8x128xf32, #tpu.memory_space<hbm>> -> memref<1x1x1x8x128xf32, #tpu.memory_space<hbm>>
        %dma_wait3A_995 = tpu.memref_squeeze %dma_wait3A_994 : memref<1x1x1x8x128xf32, #tpu.memory_space<hbm>> -> memref<8x128xf32, #tpu.memory_space<hbm>>
        %dma_wait3A_996 = arith.constant 0 : i32
        %dma_wait3A_997 = arith.constant 0 : i32
        %dma_wait3A_998 = tpu.memref_slice %arg4[%select_n3A_913, %dma_wait3A_987, %add3A_985, %dma_wait3A_996, %dma_wait3A_997] : memref<50x2x128x8x128xf32, #tpu.memory_space<hbm>> -> memref<1x1x1x8x128xf32, #tpu.memory_space<hbm>>
        %dma_wait3A_999 = tpu.memref_squeeze %dma_wait3A_998 : memref<1x1x1x8x128xf32, #tpu.memory_space<hbm>> -> memref<8x128xf32, #tpu.memory_space<hbm>>
        %dma_wait3A_1000 = arith.constant 0 : i32
        %dma_wait3A_1001 = arith.constant 384 : i32
        %dma_wait3A_1002 = tpu.memref_slice %arg7[%dma_wait3A_986, %dma_wait3A_1000, %dma_wait3A_1001] : memref<2x16x513xf32, #tpu.memory_space<vmem>> -> memref<1x8x128xf32, #tpu.memory_space<vmem>>
        %dma_wait3A_1003 = tpu.memref_squeeze %dma_wait3A_1002 : memref<1x8x128xf32, #tpu.memory_space<vmem>> -> memref<8x128xf32, #tpu.memory_space<vmem>>
        tpu.wait_dma2 semaphore(%arg10 : memref<!tpu.dma_semaphore, #tpu.memory_space<semaphore_mem>>) src(%dma_wait3A_1003 : memref<8x128xf32, #tpu.memory_space<vmem>>) dst(%dma_wait3A_999 : memref<8x128xf32, #tpu.memory_space<hbm>>)
        %mul3A_1004 = arith.constant 4 : i32
        %mul3A_1005 = arith.muli %rem3A_915, %mul3A_1004 : i32
        %add3A_1006 = arith.constant 0 : i32
        %add3A_1007 = arith.addi %mul3A_1005, %add3A_1006 : i32
        %dma_wait3A_1008 = arith.constant 0 : i32
        %dma_wait3A_1009 = arith.constant 1 : i32
        %dma_wait3A_1010 = arith.constant 8 : i32
        %dma_wait3A_1011 = arith.constant 0 : i32
        %dma_wait3A_1012 = tpu.memref_slice %arg7[%dma_wait3A_1008, %dma_wait3A_1010, %dma_wait3A_1011] : memref<2x16x513xf32, #tpu.memory_space<vmem>> -> memref<1x8x128xf32, #tpu.memory_space<vmem>>
        %dma_wait3A_1013 = tpu.memref_squeeze %dma_wait3A_1012 : memref<1x8x128xf32, #tpu.memory_space<vmem>> -> memref<8x128xf32, #tpu.memory_space<vmem>>
        %dma_wait3A_1014 = arith.constant 0 : i32
        %dma_wait3A_1015 = arith.constant 0 : i32
        %dma_wait3A_1016 = tpu.memref_slice %arg4[%select_n3A_913, %dma_wait3A_1009, %add3A_1007, %dma_wait3A_1014, %dma_wait3A_1015] : memref<50x2x128x8x128xf32, #tpu.memory_space<hbm>> -> memref<1x1x1x8x128xf32, #tpu.memory_space<hbm>>
        %dma_wait3A_1017 = tpu.memref_squeeze %dma_wait3A_1016 : memref<1x1x1x8x128xf32, #tpu.memory_space<hbm>> -> memref<8x128xf32, #tpu.memory_space<hbm>>
        %dma_wait3A_1018 = arith.constant 0 : i32
        %dma_wait3A_1019 = arith.constant 0 : i32
        %dma_wait3A_1020 = tpu.memref_slice %arg4[%select_n3A_913, %dma_wait3A_1009, %add3A_1007, %dma_wait3A_1018, %dma_wait3A_1019] : memref<50x2x128x8x128xf32, #tpu.memory_space<hbm>> -> memref<1x1x1x8x128xf32, #tpu.memory_space<hbm>>
        %dma_wait3A_1021 = tpu.memref_squeeze %dma_wait3A_1020 : memref<1x1x1x8x128xf32, #tpu.memory_space<hbm>> -> memref<8x128xf32, #tpu.memory_space<hbm>>
        %dma_wait3A_1022 = arith.constant 8 : i32
        %dma_wait3A_1023 = arith.constant 0 : i32
        %dma_wait3A_1024 = tpu.memref_slice %arg7[%dma_wait3A_1008, %dma_wait3A_1022, %dma_wait3A_1023] : memref<2x16x513xf32, #tpu.memory_space<vmem>> -> memref<1x8x128xf32, #tpu.memory_space<vmem>>
        %dma_wait3A_1025 = tpu.memref_squeeze %dma_wait3A_1024 : memref<1x8x128xf32, #tpu.memory_space<vmem>> -> memref<8x128xf32, #tpu.memory_space<vmem>>
        tpu.wait_dma2 semaphore(%arg10 : memref<!tpu.dma_semaphore, #tpu.memory_space<semaphore_mem>>) src(%dma_wait3A_1025 : memref<8x128xf32, #tpu.memory_space<vmem>>) dst(%dma_wait3A_1021 : memref<8x128xf32, #tpu.memory_space<hbm>>)
        %mul3A_1026 = arith.constant 4 : i32
        %mul3A_1027 = arith.muli %rem3A_915, %mul3A_1026 : i32
        %add3A_1028 = arith.constant 1 : i32
        %add3A_1029 = arith.addi %mul3A_1027, %add3A_1028 : i32
        %dma_wait3A_1030 = arith.constant 0 : i32
        %dma_wait3A_1031 = arith.constant 1 : i32
        %dma_wait3A_1032 = arith.constant 8 : i32
        %dma_wait3A_1033 = arith.constant 128 : i32
        %dma_wait3A_1034 = tpu.memref_slice %arg7[%dma_wait3A_1030, %dma_wait3A_1032, %dma_wait3A_1033] : memref<2x16x513xf32, #tpu.memory_space<vmem>> -> memref<1x8x128xf32, #tpu.memory_space<vmem>>
        %dma_wait3A_1035 = tpu.memref_squeeze %dma_wait3A_1034 : memref<1x8x128xf32, #tpu.memory_space<vmem>> -> memref<8x128xf32, #tpu.memory_space<vmem>>
        %dma_wait3A_1036 = arith.constant 0 : i32
        %dma_wait3A_1037 = arith.constant 0 : i32
        %dma_wait3A_1038 = tpu.memref_slice %arg4[%select_n3A_913, %dma_wait3A_1031, %add3A_1029, %dma_wait3A_1036, %dma_wait3A_1037] : memref<50x2x128x8x128xf32, #tpu.memory_space<hbm>> -> memref<1x1x1x8x128xf32, #tpu.memory_space<hbm>>
        %dma_wait3A_1039 = tpu.memref_squeeze %dma_wait3A_1038 : memref<1x1x1x8x128xf32, #tpu.memory_space<hbm>> -> memref<8x128xf32, #tpu.memory_space<hbm>>
        %dma_wait3A_1040 = arith.constant 0 : i32
        %dma_wait3A_1041 = arith.constant 0 : i32
        %dma_wait3A_1042 = tpu.memref_slice %arg4[%select_n3A_913, %dma_wait3A_1031, %add3A_1029, %dma_wait3A_1040, %dma_wait3A_1041] : memref<50x2x128x8x128xf32, #tpu.memory_space<hbm>> -> memref<1x1x1x8x128xf32, #tpu.memory_space<hbm>>
        %dma_wait3A_1043 = tpu.memref_squeeze %dma_wait3A_1042 : memref<1x1x1x8x128xf32, #tpu.memory_space<hbm>> -> memref<8x128xf32, #tpu.memory_space<hbm>>
        %dma_wait3A_1044 = arith.constant 8 : i32
        %dma_wait3A_1045 = arith.constant 128 : i32
        %dma_wait3A_1046 = tpu.memref_slice %arg7[%dma_wait3A_1030, %dma_wait3A_1044, %dma_wait3A_1045] : memref<2x16x513xf32, #tpu.memory_space<vmem>> -> memref<1x8x128xf32, #tpu.memory_space<vmem>>
        %dma_wait3A_1047 = tpu.memref_squeeze %dma_wait3A_1046 : memref<1x8x128xf32, #tpu.memory_space<vmem>> -> memref<8x128xf32, #tpu.memory_space<vmem>>
        tpu.wait_dma2 semaphore(%arg10 : memref<!tpu.dma_semaphore, #tpu.memory_space<semaphore_mem>>) src(%dma_wait3A_1047 : memref<8x128xf32, #tpu.memory_space<vmem>>) dst(%dma_wait3A_1043 : memref<8x128xf32, #tpu.memory_space<hbm>>)
        %mul3A_1048 = arith.constant 4 : i32
        %mul3A_1049 = arith.muli %rem3A_915, %mul3A_1048 : i32
        %add3A_1050 = arith.constant 2 : i32
        %add3A_1051 = arith.addi %mul3A_1049, %add3A_1050 : i32
        %dma_wait3A_1052 = arith.constant 0 : i32
        %dma_wait3A_1053 = arith.constant 1 : i32
        %dma_wait3A_1054 = arith.constant 8 : i32
        %dma_wait3A_1055 = arith.constant 256 : i32
        %dma_wait3A_1056 = tpu.memref_slice %arg7[%dma_wait3A_1052, %dma_wait3A_1054, %dma_wait3A_1055] : memref<2x16x513xf32, #tpu.memory_space<vmem>> -> memref<1x8x128xf32, #tpu.memory_space<vmem>>
        %dma_wait3A_1057 = tpu.memref_squeeze %dma_wait3A_1056 : memref<1x8x128xf32, #tpu.memory_space<vmem>> -> memref<8x128xf32, #tpu.memory_space<vmem>>
        %dma_wait3A_1058 = arith.constant 0 : i32
        %dma_wait3A_1059 = arith.constant 0 : i32
        %dma_wait3A_1060 = tpu.memref_slice %arg4[%select_n3A_913, %dma_wait3A_1053, %add3A_1051, %dma_wait3A_1058, %dma_wait3A_1059] : memref<50x2x128x8x128xf32, #tpu.memory_space<hbm>> -> memref<1x1x1x8x128xf32, #tpu.memory_space<hbm>>
        %dma_wait3A_1061 = tpu.memref_squeeze %dma_wait3A_1060 : memref<1x1x1x8x128xf32, #tpu.memory_space<hbm>> -> memref<8x128xf32, #tpu.memory_space<hbm>>
        %dma_wait3A_1062 = arith.constant 0 : i32
        %dma_wait3A_1063 = arith.constant 0 : i32
        %dma_wait3A_1064 = tpu.memref_slice %arg4[%select_n3A_913, %dma_wait3A_1053, %add3A_1051, %dma_wait3A_1062, %dma_wait3A_1063] : memref<50x2x128x8x128xf32, #tpu.memory_space<hbm>> -> memref<1x1x1x8x128xf32, #tpu.memory_space<hbm>>
        %dma_wait3A_1065 = tpu.memref_squeeze %dma_wait3A_1064 : memref<1x1x1x8x128xf32, #tpu.memory_space<hbm>> -> memref<8x128xf32, #tpu.memory_space<hbm>>
        %dma_wait3A_1066 = arith.constant 8 : i32
        %dma_wait3A_1067 = arith.constant 256 : i32
        %dma_wait3A_1068 = tpu.memref_slice %arg7[%dma_wait3A_1052, %dma_wait3A_1066, %dma_wait3A_1067] : memref<2x16x513xf32, #tpu.memory_space<vmem>> -> memref<1x8x128xf32, #tpu.memory_space<vmem>>
        %dma_wait3A_1069 = tpu.memref_squeeze %dma_wait3A_1068 : memref<1x8x128xf32, #tpu.memory_space<vmem>> -> memref<8x128xf32, #tpu.memory_space<vmem>>
        tpu.wait_dma2 semaphore(%arg10 : memref<!tpu.dma_semaphore, #tpu.memory_space<semaphore_mem>>) src(%dma_wait3A_1069 : memref<8x128xf32, #tpu.memory_space<vmem>>) dst(%dma_wait3A_1065 : memref<8x128xf32, #tpu.memory_space<hbm>>)
        %mul3A_1070 = arith.constant 4 : i32
        %mul3A_1071 = arith.muli %rem3A_915, %mul3A_1070 : i32
        %add3A_1072 = arith.constant 3 : i32
        %add3A_1073 = arith.addi %mul3A_1071, %add3A_1072 : i32
        %dma_wait3A_1074 = arith.constant 0 : i32
        %dma_wait3A_1075 = arith.constant 1 : i32
        %dma_wait3A_1076 = arith.constant 8 : i32
        %dma_wait3A_1077 = arith.constant 384 : i32
        %dma_wait3A_1078 = tpu.memref_slice %arg7[%dma_wait3A_1074, %dma_wait3A_1076, %dma_wait3A_1077] : memref<2x16x513xf32, #tpu.memory_space<vmem>> -> memref<1x8x128xf32, #tpu.memory_space<vmem>>
        %dma_wait3A_1079 = tpu.memref_squeeze %dma_wait3A_1078 : memref<1x8x128xf32, #tpu.memory_space<vmem>> -> memref<8x128xf32, #tpu.memory_space<vmem>>
        %dma_wait3A_1080 = arith.constant 0 : i32
        %dma_wait3A_1081 = arith.constant 0 : i32
        %dma_wait3A_1082 = tpu.memref_slice %arg4[%select_n3A_913, %dma_wait3A_1075, %add3A_1073, %dma_wait3A_1080, %dma_wait3A_1081] : memref<50x2x128x8x128xf32, #tpu.memory_space<hbm>> -> memref<1x1x1x8x128xf32, #tpu.memory_space<hbm>>
        %dma_wait3A_1083 = tpu.memref_squeeze %dma_wait3A_1082 : memref<1x1x1x8x128xf32, #tpu.memory_space<hbm>> -> memref<8x128xf32, #tpu.memory_space<hbm>>
        %dma_wait3A_1084 = arith.constant 0 : i32
        %dma_wait3A_1085 = arith.constant 0 : i32
        %dma_wait3A_1086 = tpu.memref_slice %arg4[%select_n3A_913, %dma_wait3A_1075, %add3A_1073, %dma_wait3A_1084, %dma_wait3A_1085] : memref<50x2x128x8x128xf32, #tpu.memory_space<hbm>> -> memref<1x1x1x8x128xf32, #tpu.memory_space<hbm>>
        %dma_wait3A_1087 = tpu.memref_squeeze %dma_wait3A_1086 : memref<1x1x1x8x128xf32, #tpu.memory_space<hbm>> -> memref<8x128xf32, #tpu.memory_space<hbm>>
        %dma_wait3A_1088 = arith.constant 8 : i32
        %dma_wait3A_1089 = arith.constant 384 : i32
        %dma_wait3A_1090 = tpu.memref_slice %arg7[%dma_wait3A_1074, %dma_wait3A_1088, %dma_wait3A_1089] : memref<2x16x513xf32, #tpu.memory_space<vmem>> -> memref<1x8x128xf32, #tpu.memory_space<vmem>>
        %dma_wait3A_1091 = tpu.memref_squeeze %dma_wait3A_1090 : memref<1x8x128xf32, #tpu.memory_space<vmem>> -> memref<8x128xf32, #tpu.memory_space<vmem>>
        tpu.wait_dma2 semaphore(%arg10 : memref<!tpu.dma_semaphore, #tpu.memory_space<semaphore_mem>>) src(%dma_wait3A_1091 : memref<8x128xf32, #tpu.memory_space<vmem>>) dst(%dma_wait3A_1087 : memref<8x128xf32, #tpu.memory_space<hbm>>)
      } else {
      }
      %parallel_loop3A = arith.constant 0 : i32
      %parallel_loop3A_446 = arith.constant 512 : i32
      %parallel_loop3A_447 = arith.constant 1 : i32
      scf.for %parallel_loop3A_887 = %parallel_loop3A to %parallel_loop3A_446 step %parallel_loop3A_447  : i32 {
        %parallel_loop3A_888 = arith.constant 0 : i32
        %parallel_loop3A_889 = arith.index_cast %parallel_loop3A_888 : i32 to index
        %parallel_loop3A_890 = arith.index_cast %parallel_loop3A_887 : i32 to index
        %parallel_loop3A_891 = arith.constant 0 : index
        %parallel_loop3A_892 = tpu.vector_load %arg6[%parallel_loop3A_889, %parallel_loop3A_890, %parallel_loop3A_891] {strides = array<i32>} : memref<2x512x16xf32, #tpu.memory_space<vmem>>, vector<16xf32>,
        %parallel_loop3A_893 = vector.broadcast %parallel_loop3A_887 : i32 to vector<16xi32>
        %parallel_loop3A_894 = arith.constant 0 : i32
        %parallel_loop3A_895 = arith.constant 0 : i32
        %parallel_loop3A_896 = arith.constant 0 : i32
        %parallel_loop3A_897 = tpu.memref_slice %arg7[%parallel_loop3A_894, %parallel_loop3A_895, %parallel_loop3A_896] : memref<2x16x513xf32, #tpu.memory_space<vmem>> -> memref<1x16x513xf32, #tpu.memory_space<vmem>>
        %parallel_loop3A_898 = tpu.memref_squeeze %parallel_loop3A_897 : memref<1x16x513xf32, #tpu.memory_space<vmem>> -> memref<16x513xf32, #tpu.memory_space<vmem>>
        tpu.vector_store_idx %parallel_loop3A_898[%iota3A, %parallel_loop3A_893], %parallel_loop3A_892 : memref<16x513xf32, #tpu.memory_space<vmem>>[vector<16xi32>, vector<16xi32>], vector<16xf32>,
      } {sc.loop_unroll_factor = 4 : i64, sc.parallel_access}
      %add3A_448 = arith.addi %mul3A_2, %mul3A_432 : i32
      %jit3A_449 = arith.constant 32 : i32
      %div3A_450 = arith.divsi %add3A_448, %jit3A_449 : i32
      %sign3A_451 = arith.constant 0 : i32
      %sign3A_452 = arith.cmpi sgt, %add3A_448, %sign3A_451 : i32
      %sign3A_453 = arith.extui %sign3A_452 : i1 to i32
      %sign3A_454 = arith.constant 0 : i32
      %sign3A_455 = arith.cmpi slt, %add3A_448, %sign3A_454 : i32
      %sign3A_456 = arith.extui %sign3A_455 : i1 to i32
      %sign3A_457 = arith.subi %sign3A_453, %sign3A_456 : i32
      %sign3A_458 = arith.constant 0 : i32
      %sign3A_459 = arith.cmpi sgt, %jit3A_449, %sign3A_458 : i32
      %sign3A_460 = arith.extui %sign3A_459 : i1 to i32
      %sign3A_461 = arith.constant 0 : i32
      %sign3A_462 = arith.cmpi slt, %jit3A_449, %sign3A_461 : i32
      %sign3A_463 = arith.extui %sign3A_462 : i1 to i32
      %sign3A_464 = arith.subi %sign3A_460, %sign3A_463 : i32
      %ne3A_465 = arith.cmpi ne, %sign3A_457, %sign3A_464 : i32
      %rem3A_466 = arith.remsi %add3A_448, %jit3A_449 : i32
      %ne3A_467 = arith.constant 0 : i32
      %ne3A_468 = arith.cmpi ne, %rem3A_466, %ne3A_467 : i32
      %and3A_469 = arith.andi %ne3A_465, %ne3A_468 : i1
      %sub3A_470 = arith.constant 1 : i32
      %sub3A_471 = arith.subi %div3A_450, %sub3A_470 : i32
      %select_n3A_472 = arith.select %and3A_469, %sub3A_471, %div3A_450 : i32
      %rem3A_473 = arith.constant 32 : i32
      %rem3A_474 = arith.remsi %add3A_448, %rem3A_473 : i32
      %mul3A_475 = arith.constant 4 : i32
      %mul3A_476 = arith.muli %rem3A_474, %mul3A_475 : i32
      %add3A_477 = arith.constant 0 : i32
      %add3A_478 = arith.addi %mul3A_476, %add3A_477 : i32
      %dma_start3A_479 = arith.constant 0 : i32
      %dma_start3A_480 = arith.constant 0 : i32
      %dma_start3A_481 = arith.constant 0 : i32
      %dma_start3A_482 = arith.constant 0 : i32
      %dma_start3A_483 = tpu.memref_slice %arg7[%dma_start3A_479, %dma_start3A_481, %dma_start3A_482] : memref<2x16x513xf32, #tpu.memory_space<vmem>> -> memref<1x8x128xf32, #tpu.memory_space<vmem>>
      %dma_start3A_484 = tpu.memref_squeeze %dma_start3A_483 : memref<1x8x128xf32, #tpu.memory_space<vmem>> -> memref<8x128xf32, #tpu.memory_space<vmem>>
      %dma_start3A_485 = arith.constant 0 : i32
      %dma_start3A_486 = arith.constant 0 : i32
      %dma_start3A_487 = tpu.memref_slice %arg4[%select_n3A_472, %dma_start3A_480, %add3A_478, %dma_start3A_485, %dma_start3A_486] : memref<50x2x128x8x128xf32, #tpu.memory_space<hbm>> -> memref<1x1x1x8x128xf32, #tpu.memory_space<hbm>>
      %dma_start3A_488 = tpu.memref_squeeze %dma_start3A_487 : memref<1x1x1x8x128xf32, #tpu.memory_space<hbm>> -> memref<8x128xf32, #tpu.memory_space<hbm>>
      %dma_start3A_489 = arith.constant 0 : i32
      %dma_start3A_490 = arith.constant 0 : i32
      %dma_start3A_491 = tpu.memref_slice %arg4[%select_n3A_472, %dma_start3A_480, %add3A_478, %dma_start3A_489, %dma_start3A_490] : memref<50x2x128x8x128xf32, #tpu.memory_space<hbm>> -> memref<1x1x1x8x128xf32, #tpu.memory_space<hbm>>
      %dma_start3A_492 = tpu.memref_squeeze %dma_start3A_491 : memref<1x1x1x8x128xf32, #tpu.memory_space<hbm>> -> memref<8x128xf32, #tpu.memory_space<hbm>>
      %dma_start3A_493 = arith.constant 0 : i32
      %dma_start3A_494 = arith.constant 0 : i32
      %dma_start3A_495 = tpu.memref_slice %arg7[%dma_start3A_479, %dma_start3A_493, %dma_start3A_494] : memref<2x16x513xf32, #tpu.memory_space<vmem>> -> memref<1x8x128xf32, #tpu.memory_space<vmem>>
      %dma_start3A_496 = tpu.memref_squeeze %dma_start3A_495 : memref<1x8x128xf32, #tpu.memory_space<vmem>> -> memref<8x128xf32, #tpu.memory_space<vmem>>
      tpu.enqueue_dma source(%dma_start3A_496 : memref<8x128xf32, #tpu.memory_space<vmem>>) target(%dma_start3A_492 : memref<8x128xf32, #tpu.memory_space<hbm>>) target_semaphore(%arg10 : memref<!tpu.dma_semaphore, #tpu.memory_space<semaphore_mem>>)
      %mul3A_497 = arith.constant 4 : i32
      %mul3A_498 = arith.muli %rem3A_474, %mul3A_497 : i32
      %add3A_499 = arith.constant 1 : i32
      %add3A_500 = arith.addi %mul3A_498, %add3A_499 : i32
      %dma_start3A_501 = arith.constant 0 : i32
      %dma_start3A_502 = arith.constant 0 : i32
      %dma_start3A_503 = arith.constant 0 : i32
      %dma_start3A_504 = arith.constant 128 : i32
      %dma_start3A_505 = tpu.memref_slice %arg7[%dma_start3A_501, %dma_start3A_503, %dma_start3A_504] : memref<2x16x513xf32, #tpu.memory_space<vmem>> -> memref<1x8x128xf32, #tpu.memory_space<vmem>>
      %dma_start3A_506 = tpu.memref_squeeze %dma_start3A_505 : memref<1x8x128xf32, #tpu.memory_space<vmem>> -> memref<8x128xf32, #tpu.memory_space<vmem>>
      %dma_start3A_507 = arith.constant 0 : i32
      %dma_start3A_508 = arith.constant 0 : i32
      %dma_start3A_509 = tpu.memref_slice %arg4[%select_n3A_472, %dma_start3A_502, %add3A_500, %dma_start3A_507, %dma_start3A_508] : memref<50x2x128x8x128xf32, #tpu.memory_space<hbm>> -> memref<1x1x1x8x128xf32, #tpu.memory_space<hbm>>
      %dma_start3A_510 = tpu.memref_squeeze %dma_start3A_509 : memref<1x1x1x8x128xf32, #tpu.memory_space<hbm>> -> memref<8x128xf32, #tpu.memory_space<hbm>>
      %dma_start3A_511 = arith.constant 0 : i32
      %dma_start3A_512 = arith.constant 0 : i32
      %dma_start3A_513 = tpu.memref_slice %arg4[%select_n3A_472, %dma_start3A_502, %add3A_500, %dma_start3A_511, %dma_start3A_512] : memref<50x2x128x8x128xf32, #tpu.memory_space<hbm>> -> memref<1x1x1x8x128xf32, #tpu.memory_space<hbm>>
      %dma_start3A_514 = tpu.memref_squeeze %dma_start3A_513 : memref<1x1x1x8x128xf32, #tpu.memory_space<hbm>> -> memref<8x128xf32, #tpu.memory_space<hbm>>
      %dma_start3A_515 = arith.constant 0 : i32
      %dma_start3A_516 = arith.constant 128 : i32
      %dma_start3A_517 = tpu.memref_slice %arg7[%dma_start3A_501, %dma_start3A_515, %dma_start3A_516] : memref<2x16x513xf32, #tpu.memory_space<vmem>> -> memref<1x8x128xf32, #tpu.memory_space<vmem>>
      %dma_start3A_518 = tpu.memref_squeeze %dma_start3A_517 : memref<1x8x128xf32, #tpu.memory_space<vmem>> -> memref<8x128xf32, #tpu.memory_space<vmem>>
      tpu.enqueue_dma source(%dma_start3A_518 : memref<8x128xf32, #tpu.memory_space<vmem>>) target(%dma_start3A_514 : memref<8x128xf32, #tpu.memory_space<hbm>>) target_semaphore(%arg10 : memref<!tpu.dma_semaphore, #tpu.memory_space<semaphore_mem>>)
      %mul3A_519 = arith.constant 4 : i32
      %mul3A_520 = arith.muli %rem3A_474, %mul3A_519 : i32
      %add3A_521 = arith.constant 2 : i32
      %add3A_522 = arith.addi %mul3A_520, %add3A_521 : i32
      %dma_start3A_523 = arith.constant 0 : i32
      %dma_start3A_524 = arith.constant 0 : i32
      %dma_start3A_525 = arith.constant 0 : i32
      %dma_start3A_526 = arith.constant 256 : i32
      %dma_start3A_527 = tpu.memref_slice %arg7[%dma_start3A_523, %dma_start3A_525, %dma_start3A_526] : memref<2x16x513xf32, #tpu.memory_space<vmem>> -> memref<1x8x128xf32, #tpu.memory_space<vmem>>
      %dma_start3A_528 = tpu.memref_squeeze %dma_start3A_527 : memref<1x8x128xf32, #tpu.memory_space<vmem>> -> memref<8x128xf32, #tpu.memory_space<vmem>>
      %dma_start3A_529 = arith.constant 0 : i32
      %dma_start3A_530 = arith.constant 0 : i32
      %dma_start3A_531 = tpu.memref_slice %arg4[%select_n3A_472, %dma_start3A_524, %add3A_522, %dma_start3A_529, %dma_start3A_530] : memref<50x2x128x8x128xf32, #tpu.memory_space<hbm>> -> memref<1x1x1x8x128xf32, #tpu.memory_space<hbm>>
      %dma_start3A_532 = tpu.memref_squeeze %dma_start3A_531 : memref<1x1x1x8x128xf32, #tpu.memory_space<hbm>> -> memref<8x128xf32, #tpu.memory_space<hbm>>
      %dma_start3A_533 = arith.constant 0 : i32
      %dma_start3A_534 = arith.constant 0 : i32
      %dma_start3A_535 = tpu.memref_slice %arg4[%select_n3A_472, %dma_start3A_524, %add3A_522, %dma_start3A_533, %dma_start3A_534] : memref<50x2x128x8x128xf32, #tpu.memory_space<hbm>> -> memref<1x1x1x8x128xf32, #tpu.memory_space<hbm>>
      %dma_start3A_536 = tpu.memref_squeeze %dma_start3A_535 : memref<1x1x1x8x128xf32, #tpu.memory_space<hbm>> -> memref<8x128xf32, #tpu.memory_space<hbm>>
      %dma_start3A_537 = arith.constant 0 : i32
      %dma_start3A_538 = arith.constant 256 : i32
      %dma_start3A_539 = tpu.memref_slice %arg7[%dma_start3A_523, %dma_start3A_537, %dma_start3A_538] : memref<2x16x513xf32, #tpu.memory_space<vmem>> -> memref<1x8x128xf32, #tpu.memory_space<vmem>>
      %dma_start3A_540 = tpu.memref_squeeze %dma_start3A_539 : memref<1x8x128xf32, #tpu.memory_space<vmem>> -> memref<8x128xf32, #tpu.memory_space<vmem>>
      tpu.enqueue_dma source(%dma_start3A_540 : memref<8x128xf32, #tpu.memory_space<vmem>>) target(%dma_start3A_536 : memref<8x128xf32, #tpu.memory_space<hbm>>) target_semaphore(%arg10 : memref<!tpu.dma_semaphore, #tpu.memory_space<semaphore_mem>>)
      %mul3A_541 = arith.constant 4 : i32
      %mul3A_542 = arith.muli %rem3A_474, %mul3A_541 : i32
      %add3A_543 = arith.constant 3 : i32
      %add3A_544 = arith.addi %mul3A_542, %add3A_543 : i32
      %dma_start3A_545 = arith.constant 0 : i32
      %dma_start3A_546 = arith.constant 0 : i32
      %dma_start3A_547 = arith.constant 0 : i32
      %dma_start3A_548 = arith.constant 384 : i32
      %dma_start3A_549 = tpu.memref_slice %arg7[%dma_start3A_545, %dma_start3A_547, %dma_start3A_548] : memref<2x16x513xf32, #tpu.memory_space<vmem>> -> memref<1x8x128xf32, #tpu.memory_space<vmem>>
      %dma_start3A_550 = tpu.memref_squeeze %dma_start3A_549 : memref<1x8x128xf32, #tpu.memory_space<vmem>> -> memref<8x128xf32, #tpu.memory_space<vmem>>
      %dma_start3A_551 = arith.constant 0 : i32
      %dma_start3A_552 = arith.constant 0 : i32
      %dma_start3A_553 = tpu.memref_slice %arg4[%select_n3A_472, %dma_start3A_546, %add3A_544, %dma_start3A_551, %dma_start3A_552] : memref<50x2x128x8x128xf32, #tpu.memory_space<hbm>> -> memref<1x1x1x8x128xf32, #tpu.memory_space<hbm>>
      %dma_start3A_554 = tpu.memref_squeeze %dma_start3A_553 : memref<1x1x1x8x128xf32, #tpu.memory_space<hbm>> -> memref<8x128xf32, #tpu.memory_space<hbm>>
      %dma_start3A_555 = arith.constant 0 : i32
      %dma_start3A_556 = arith.constant 0 : i32
      %dma_start3A_557 = tpu.memref_slice %arg4[%select_n3A_472, %dma_start3A_546, %add3A_544, %dma_start3A_555, %dma_start3A_556] : memref<50x2x128x8x128xf32, #tpu.memory_space<hbm>> -> memref<1x1x1x8x128xf32, #tpu.memory_space<hbm>>
      %dma_start3A_558 = tpu.memref_squeeze %dma_start3A_557 : memref<1x1x1x8x128xf32, #tpu.memory_space<hbm>> -> memref<8x128xf32, #tpu.memory_space<hbm>>
      %dma_start3A_559 = arith.constant 0 : i32
      %dma_start3A_560 = arith.constant 384 : i32
      %dma_start3A_561 = tpu.memref_slice %arg7[%dma_start3A_545, %dma_start3A_559, %dma_start3A_560] : memref<2x16x513xf32, #tpu.memory_space<vmem>> -> memref<1x8x128xf32, #tpu.memory_space<vmem>>
      %dma_start3A_562 = tpu.memref_squeeze %dma_start3A_561 : memref<1x8x128xf32, #tpu.memory_space<vmem>> -> memref<8x128xf32, #tpu.memory_space<vmem>>
      tpu.enqueue_dma source(%dma_start3A_562 : memref<8x128xf32, #tpu.memory_space<vmem>>) target(%dma_start3A_558 : memref<8x128xf32, #tpu.memory_space<hbm>>) target_semaphore(%arg10 : memref<!tpu.dma_semaphore, #tpu.memory_space<semaphore_mem>>)
      %mul3A_563 = arith.constant 4 : i32
      %mul3A_564 = arith.muli %rem3A_474, %mul3A_563 : i32
      %add3A_565 = arith.constant 0 : i32
      %add3A_566 = arith.addi %mul3A_564, %add3A_565 : i32
      %dma_start3A_567 = arith.constant 0 : i32
      %dma_start3A_568 = arith.constant 1 : i32
      %dma_start3A_569 = arith.constant 8 : i32
      %dma_start3A_570 = arith.constant 0 : i32
      %dma_start3A_571 = tpu.memref_slice %arg7[%dma_start3A_567, %dma_start3A_569, %dma_start3A_570] : memref<2x16x513xf32, #tpu.memory_space<vmem>> -> memref<1x8x128xf32, #tpu.memory_space<vmem>>
      %dma_start3A_572 = tpu.memref_squeeze %dma_start3A_571 : memref<1x8x128xf32, #tpu.memory_space<vmem>> -> memref<8x128xf32, #tpu.memory_space<vmem>>
      %dma_start3A_573 = arith.constant 0 : i32
      %dma_start3A_574 = arith.constant 0 : i32
      %dma_start3A_575 = tpu.memref_slice %arg4[%select_n3A_472, %dma_start3A_568, %add3A_566, %dma_start3A_573, %dma_start3A_574] : memref<50x2x128x8x128xf32, #tpu.memory_space<hbm>> -> memref<1x1x1x8x128xf32, #tpu.memory_space<hbm>>
      %dma_start3A_576 = tpu.memref_squeeze %dma_start3A_575 : memref<1x1x1x8x128xf32, #tpu.memory_space<hbm>> -> memref<8x128xf32, #tpu.memory_space<hbm>>
      %dma_start3A_577 = arith.constant 0 : i32
      %dma_start3A_578 = arith.constant 0 : i32
      %dma_start3A_579 = tpu.memref_slice %arg4[%select_n3A_472, %dma_start3A_568, %add3A_566, %dma_start3A_577, %dma_start3A_578] : memref<50x2x128x8x128xf32, #tpu.memory_space<hbm>> -> memref<1x1x1x8x128xf32, #tpu.memory_space<hbm>>
      %dma_start3A_580 = tpu.memref_squeeze %dma_start3A_579 : memref<1x1x1x8x128xf32, #tpu.memory_space<hbm>> -> memref<8x128xf32, #tpu.memory_space<hbm>>
      %dma_start3A_581 = arith.constant 8 : i32
      %dma_start3A_582 = arith.constant 0 : i32
      %dma_start3A_583 = tpu.memref_slice %arg7[%dma_start3A_567, %dma_start3A_581, %dma_start3A_582] : memref<2x16x513xf32, #tpu.memory_space<vmem>> -> memref<1x8x128xf32, #tpu.memory_space<vmem>>
      %dma_start3A_584 = tpu.memref_squeeze %dma_start3A_583 : memref<1x8x128xf32, #tpu.memory_space<vmem>> -> memref<8x128xf32, #tpu.memory_space<vmem>>
      tpu.enqueue_dma source(%dma_start3A_584 : memref<8x128xf32, #tpu.memory_space<vmem>>) target(%dma_start3A_580 : memref<8x128xf32, #tpu.memory_space<hbm>>) target_semaphore(%arg10 : memref<!tpu.dma_semaphore, #tpu.memory_space<semaphore_mem>>)
      %mul3A_585 = arith.constant 4 : i32
      %mul3A_586 = arith.muli %rem3A_474, %mul3A_585 : i32
      %add3A_587 = arith.constant 1 : i32
      %add3A_588 = arith.addi %mul3A_586, %add3A_587 : i32
      %dma_start3A_589 = arith.constant 0 : i32
      %dma_start3A_590 = arith.constant 1 : i32
      %dma_start3A_591 = arith.constant 8 : i32
      %dma_start3A_592 = arith.constant 128 : i32
      %dma_start3A_593 = tpu.memref_slice %arg7[%dma_start3A_589, %dma_start3A_591, %dma_start3A_592] : memref<2x16x513xf32, #tpu.memory_space<vmem>> -> memref<1x8x128xf32, #tpu.memory_space<vmem>>
      %dma_start3A_594 = tpu.memref_squeeze %dma_start3A_593 : memref<1x8x128xf32, #tpu.memory_space<vmem>> -> memref<8x128xf32, #tpu.memory_space<vmem>>
      %dma_start3A_595 = arith.constant 0 : i32
      %dma_start3A_596 = arith.constant 0 : i32
      %dma_start3A_597 = tpu.memref_slice %arg4[%select_n3A_472, %dma_start3A_590, %add3A_588, %dma_start3A_595, %dma_start3A_596] : memref<50x2x128x8x128xf32, #tpu.memory_space<hbm>> -> memref<1x1x1x8x128xf32, #tpu.memory_space<hbm>>
      %dma_start3A_598 = tpu.memref_squeeze %dma_start3A_597 : memref<1x1x1x8x128xf32, #tpu.memory_space<hbm>> -> memref<8x128xf32, #tpu.memory_space<hbm>>
      %dma_start3A_599 = arith.constant 0 : i32
      %dma_start3A_600 = arith.constant 0 : i32
      %dma_start3A_601 = tpu.memref_slice %arg4[%select_n3A_472, %dma_start3A_590, %add3A_588, %dma_start3A_599, %dma_start3A_600] : memref<50x2x128x8x128xf32, #tpu.memory_space<hbm>> -> memref<1x1x1x8x128xf32, #tpu.memory_space<hbm>>
      %dma_start3A_602 = tpu.memref_squeeze %dma_start3A_601 : memref<1x1x1x8x128xf32, #tpu.memory_space<hbm>> -> memref<8x128xf32, #tpu.memory_space<hbm>>
      %dma_start3A_603 = arith.constant 8 : i32
      %dma_start3A_604 = arith.constant 128 : i32
      %dma_start3A_605 = tpu.memref_slice %arg7[%dma_start3A_589, %dma_start3A_603, %dma_start3A_604] : memref<2x16x513xf32, #tpu.memory_space<vmem>> -> memref<1x8x128xf32, #tpu.memory_space<vmem>>
      %dma_start3A_606 = tpu.memref_squeeze %dma_start3A_605 : memref<1x8x128xf32, #tpu.memory_space<vmem>> -> memref<8x128xf32, #tpu.memory_space<vmem>>
      tpu.enqueue_dma source(%dma_start3A_606 : memref<8x128xf32, #tpu.memory_space<vmem>>) target(%dma_start3A_602 : memref<8x128xf32, #tpu.memory_space<hbm>>) target_semaphore(%arg10 : memref<!tpu.dma_semaphore, #tpu.memory_space<semaphore_mem>>)
      %mul3A_607 = arith.constant 4 : i32
      %mul3A_608 = arith.muli %rem3A_474, %mul3A_607 : i32
      %add3A_609 = arith.constant 2 : i32
      %add3A_610 = arith.addi %mul3A_608, %add3A_609 : i32
      %dma_start3A_611 = arith.constant 0 : i32
      %dma_start3A_612 = arith.constant 1 : i32
      %dma_start3A_613 = arith.constant 8 : i32
      %dma_start3A_614 = arith.constant 256 : i32
      %dma_start3A_615 = tpu.memref_slice %arg7[%dma_start3A_611, %dma_start3A_613, %dma_start3A_614] : memref<2x16x513xf32, #tpu.memory_space<vmem>> -> memref<1x8x128xf32, #tpu.memory_space<vmem>>
      %dma_start3A_616 = tpu.memref_squeeze %dma_start3A_615 : memref<1x8x128xf32, #tpu.memory_space<vmem>> -> memref<8x128xf32, #tpu.memory_space<vmem>>
      %dma_start3A_617 = arith.constant 0 : i32
      %dma_start3A_618 = arith.constant 0 : i32
      %dma_start3A_619 = tpu.memref_slice %arg4[%select_n3A_472, %dma_start3A_612, %add3A_610, %dma_start3A_617, %dma_start3A_618] : memref<50x2x128x8x128xf32, #tpu.memory_space<hbm>> -> memref<1x1x1x8x128xf32, #tpu.memory_space<hbm>>
      %dma_start3A_620 = tpu.memref_squeeze %dma_start3A_619 : memref<1x1x1x8x128xf32, #tpu.memory_space<hbm>> -> memref<8x128xf32, #tpu.memory_space<hbm>>
      %dma_start3A_621 = arith.constant 0 : i32
      %dma_start3A_622 = arith.constant 0 : i32
      %dma_start3A_623 = tpu.memref_slice %arg4[%select_n3A_472, %dma_start3A_612, %add3A_610, %dma_start3A_621, %dma_start3A_622] : memref<50x2x128x8x128xf32, #tpu.memory_space<hbm>> -> memref<1x1x1x8x128xf32, #tpu.memory_space<hbm>>
      %dma_start3A_624 = tpu.memref_squeeze %dma_start3A_623 : memref<1x1x1x8x128xf32, #tpu.memory_space<hbm>> -> memref<8x128xf32, #tpu.memory_space<hbm>>
      %dma_start3A_625 = arith.constant 8 : i32
      %dma_start3A_626 = arith.constant 256 : i32
      %dma_start3A_627 = tpu.memref_slice %arg7[%dma_start3A_611, %dma_start3A_625, %dma_start3A_626] : memref<2x16x513xf32, #tpu.memory_space<vmem>> -> memref<1x8x128xf32, #tpu.memory_space<vmem>>
      %dma_start3A_628 = tpu.memref_squeeze %dma_start3A_627 : memref<1x8x128xf32, #tpu.memory_space<vmem>> -> memref<8x128xf32, #tpu.memory_space<vmem>>
      tpu.enqueue_dma source(%dma_start3A_628 : memref<8x128xf32, #tpu.memory_space<vmem>>) target(%dma_start3A_624 : memref<8x128xf32, #tpu.memory_space<hbm>>) target_semaphore(%arg10 : memref<!tpu.dma_semaphore, #tpu.memory_space<semaphore_mem>>)
      %mul3A_629 = arith.constant 4 : i32
      %mul3A_630 = arith.muli %rem3A_474, %mul3A_629 : i32
      %add3A_631 = arith.constant 3 : i32
      %add3A_632 = arith.addi %mul3A_630, %add3A_631 : i32
      %dma_start3A_633 = arith.constant 0 : i32
      %dma_start3A_634 = arith.constant 1 : i32
      %dma_start3A_635 = arith.constant 8 : i32
      %dma_start3A_636 = arith.constant 384 : i32
      %dma_start3A_637 = tpu.memref_slice %arg7[%dma_start3A_633, %dma_start3A_635, %dma_start3A_636] : memref<2x16x513xf32, #tpu.memory_space<vmem>> -> memref<1x8x128xf32, #tpu.memory_space<vmem>>
      %dma_start3A_638 = tpu.memref_squeeze %dma_start3A_637 : memref<1x8x128xf32, #tpu.memory_space<vmem>> -> memref<8x128xf32, #tpu.memory_space<vmem>>
      %dma_start3A_639 = arith.constant 0 : i32
      %dma_start3A_640 = arith.constant 0 : i32
      %dma_start3A_641 = tpu.memref_slice %arg4[%select_n3A_472, %dma_start3A_634, %add3A_632, %dma_start3A_639, %dma_start3A_640] : memref<50x2x128x8x128xf32, #tpu.memory_space<hbm>> -> memref<1x1x1x8x128xf32, #tpu.memory_space<hbm>>
      %dma_start3A_642 = tpu.memref_squeeze %dma_start3A_641 : memref<1x1x1x8x128xf32, #tpu.memory_space<hbm>> -> memref<8x128xf32, #tpu.memory_space<hbm>>
      %dma_start3A_643 = arith.constant 0 : i32
      %dma_start3A_644 = arith.constant 0 : i32
      %dma_start3A_645 = tpu.memref_slice %arg4[%select_n3A_472, %dma_start3A_634, %add3A_632, %dma_start3A_643, %dma_start3A_644] : memref<50x2x128x8x128xf32, #tpu.memory_space<hbm>> -> memref<1x1x1x8x128xf32, #tpu.memory_space<hbm>>
      %dma_start3A_646 = tpu.memref_squeeze %dma_start3A_645 : memref<1x1x1x8x128xf32, #tpu.memory_space<hbm>> -> memref<8x128xf32, #tpu.memory_space<hbm>>
      %dma_start3A_647 = arith.constant 8 : i32
      %dma_start3A_648 = arith.constant 384 : i32
      %dma_start3A_649 = tpu.memref_slice %arg7[%dma_start3A_633, %dma_start3A_647, %dma_start3A_648] : memref<2x16x513xf32, #tpu.memory_space<vmem>> -> memref<1x8x128xf32, #tpu.memory_space<vmem>>
      %dma_start3A_650 = tpu.memref_squeeze %dma_start3A_649 : memref<1x8x128xf32, #tpu.memory_space<vmem>> -> memref<8x128xf32, #tpu.memory_space<vmem>>
      tpu.enqueue_dma source(%dma_start3A_650 : memref<8x128xf32, #tpu.memory_space<vmem>>) target(%dma_start3A_646 : memref<8x128xf32, #tpu.memory_space<hbm>>) target_semaphore(%arg10 : memref<!tpu.dma_semaphore, #tpu.memory_space<semaphore_mem>>)
      %lt3A = arith.constant 48 : i32
      %lt3A_651 = arith.cmpi slt, %mul3A_432, %lt3A : i32
      %convert_element_type3A_652 = arith.extui %lt3A_651 : i1 to i32
      %cond3A_653 = arith.constant 0 : i32
      %cond3A_654 = arith.cmpi ne, %convert_element_type3A_652, %cond3A_653 : i32
      scf.if %cond3A_654 {
        %add3A_887 = arith.constant 2 : i32
        %add3A_888 = arith.addi %mul3A_432, %add3A_887 : i32
        %mul3A_889 = arith.constant 512 : i32
        %mul3A_890 = arith.muli %add3A_888, %mul3A_889 : i32
        %dma_start3A_891 = arith.constant 0 : i32
        %dma_start3A_892 = arith.constant 0 : i32
        %dma_start3A_893 = arith.constant 0 : i32
        %dma_start3A_894 = tpu.memref_slice %arg6[%dma_start3A_891, %dma_start3A_892, %dma_start3A_893] : memref<2x512x16xf32, #tpu.memory_space<vmem>> -> memref<1x512x16xf32, #tpu.memory_space<vmem>>
        %dma_start3A_895 = tpu.memref_squeeze %dma_start3A_894 : memref<1x512x16xf32, #tpu.memory_space<vmem>> -> memref<512x16xf32, #tpu.memory_space<vmem>>
        %dma_start3A_896 = tpu.memref_slice %arg5[%mul3A_890] : memref<25600xi32, #tpu.memory_space<vmem>> -> memref<512xi32, #tpu.memory_space<vmem>>
        %dma_start3A_897 = arith.constant 0 : i32
        %dma_start3A_898 = arith.constant 0 : i32
        %dma_start3A_899 = tpu.memref_slice %arg3[%dma_start3A_897, %dma_start3A_898] : memref<1000000x16xf32, #tpu.memory_space<hbm>> -> memref<1000000x16xf32, #tpu.memory_space<hbm>>
        tpu.enqueue_indirect_dma source(%dma_start3A_899 : memref<1000000x16xf32, #tpu.memory_space<hbm>>) target(%dma_start3A_895 : memref<512x16xf32, #tpu.memory_space<vmem>>) offsets(%dma_start3A_896 : memref<512xi32, #tpu.memory_space<vmem>>) semaphore(%arg8 : memref<!tpu.dma_semaphore, #tpu.memory_space<semaphore_mem>>)
      } else {
      }
      %mul3A_655 = arith.constant 2 : i32
      %mul3A_656 = arith.muli %scan3A_429, %mul3A_655 : i32
      %add3A_657 = arith.constant 1 : i32
      %add3A_658 = arith.addi %mul3A_656, %add3A_657 : i32
      %mul3A_659 = arith.constant 512 : i32
      %mul3A_660 = arith.muli %add3A_658, %mul3A_659 : i32
      %dma_wait3A_661 = arith.constant 1 : i32
      %dma_wait3A_662 = arith.constant 0 : i32
      %dma_wait3A_663 = arith.constant 0 : i32
      %dma_wait3A_664 = tpu.memref_slice %arg6[%dma_wait3A_661, %dma_wait3A_662, %dma_wait3A_663] : memref<2x512x16xf32, #tpu.memory_space<vmem>> -> memref<1x512x16xf32, #tpu.memory_space<vmem>>
      %dma_wait3A_665 = tpu.memref_squeeze %dma_wait3A_664 : memref<1x512x16xf32, #tpu.memory_space<vmem>> -> memref<512x16xf32, #tpu.memory_space<vmem>>
      %dma_wait3A_666 = tpu.memref_slice %arg5[%mul3A_660] : memref<25600xi32, #tpu.memory_space<vmem>> -> memref<512xi32, #tpu.memory_space<vmem>>
      %dma_wait3A_667 = arith.constant 0 : i32
      %dma_wait3A_668 = arith.constant 0 : i32
      %dma_wait3A_669 = tpu.memref_slice %arg3[%dma_wait3A_667, %dma_wait3A_668] : memref<1000000x16xf32, #tpu.memory_space<hbm>> -> memref<1000000x16xf32, #tpu.memory_space<hbm>>
      tpu.wait_indirect_dma semaphore(%arg9 : memref<!tpu.dma_semaphore, #tpu.memory_space<semaphore_mem>>) src(%dma_wait3A_669 : memref<1000000x16xf32, #tpu.memory_space<hbm>>) dst(%dma_wait3A_665 : memref<512x16xf32, #tpu.memory_space<vmem>>)
      %ge3A_670 = arith.constant 2 : i32
      %ge3A_671 = arith.cmpi sge, %add3A_658, %ge3A_670 : i32
      %convert_element_type3A_672 = arith.extui %ge3A_671 : i1 to i32
      %cond3A_673 = arith.constant 0 : i32
      %cond3A_674 = arith.cmpi ne, %convert_element_type3A_672, %cond3A_673 : i32
      scf.if %cond3A_674 {
        %sub3A_887 = arith.constant 2 : i32
        %sub3A_888 = arith.subi %add3A_658, %sub3A_887 : i32
        %add3A_889 = arith.addi %mul3A_2, %sub3A_888 : i32
        %jit3A_890 = arith.constant 32 : i32
        %div3A_891 = arith.divsi %add3A_889, %jit3A_890 : i32
        %sign3A_892 = arith.constant 0 : i32
        %sign3A_893 = arith.cmpi sgt, %add3A_889, %sign3A_892 : i32
        %sign3A_894 = arith.extui %sign3A_893 : i1 to i32
        %sign3A_895 = arith.constant 0 : i32
        %sign3A_896 = arith.cmpi slt, %add3A_889, %sign3A_895 : i32
        %sign3A_897 = arith.extui %sign3A_896 : i1 to i32
        %sign3A_898 = arith.subi %sign3A_894, %sign3A_897 : i32
        %sign3A_899 = arith.constant 0 : i32
        %sign3A_900 = arith.cmpi sgt, %jit3A_890, %sign3A_899 : i32
        %sign3A_901 = arith.extui %sign3A_900 : i1 to i32
        %sign3A_902 = arith.constant 0 : i32
        %sign3A_903 = arith.cmpi slt, %jit3A_890, %sign3A_902 : i32
        %sign3A_904 = arith.extui %sign3A_903 : i1 to i32
        %sign3A_905 = arith.subi %sign3A_901, %sign3A_904 : i32
        %ne3A_906 = arith.cmpi ne, %sign3A_898, %sign3A_905 : i32
        %rem3A_907 = arith.remsi %add3A_889, %jit3A_890 : i32
        %ne3A_908 = arith.constant 0 : i32
        %ne3A_909 = arith.cmpi ne, %rem3A_907, %ne3A_908 : i32
        %and3A_910 = arith.andi %ne3A_906, %ne3A_909 : i1
        %sub3A_911 = arith.constant 1 : i32
        %sub3A_912 = arith.subi %div3A_891, %sub3A_911 : i32
        %select_n3A_913 = arith.select %and3A_910, %sub3A_912, %div3A_891 : i32
        %rem3A_914 = arith.constant 32 : i32
        %rem3A_915 = arith.remsi %add3A_889, %rem3A_914 : i32
        %mul3A_916 = arith.constant 4 : i32
        %mul3A_917 = arith.muli %rem3A_915, %mul3A_916 : i32
        %add3A_918 = arith.constant 0 : i32
        %add3A_919 = arith.addi %mul3A_917, %add3A_918 : i32
        %dma_wait3A_920 = arith.constant 1 : i32
        %dma_wait3A_921 = arith.constant 0 : i32
        %dma_wait3A_922 = arith.constant 0 : i32
        %dma_wait3A_923 = arith.constant 0 : i32
        %dma_wait3A_924 = tpu.memref_slice %arg7[%dma_wait3A_920, %dma_wait3A_922, %dma_wait3A_923] : memref<2x16x513xf32, #tpu.memory_space<vmem>> -> memref<1x8x128xf32, #tpu.memory_space<vmem>>
        %dma_wait3A_925 = tpu.memref_squeeze %dma_wait3A_924 : memref<1x8x128xf32, #tpu.memory_space<vmem>> -> memref<8x128xf32, #tpu.memory_space<vmem>>
        %dma_wait3A_926 = arith.constant 0 : i32
        %dma_wait3A_927 = arith.constant 0 : i32
        %dma_wait3A_928 = tpu.memref_slice %arg4[%select_n3A_913, %dma_wait3A_921, %add3A_919, %dma_wait3A_926, %dma_wait3A_927] : memref<50x2x128x8x128xf32, #tpu.memory_space<hbm>> -> memref<1x1x1x8x128xf32, #tpu.memory_space<hbm>>
        %dma_wait3A_929 = tpu.memref_squeeze %dma_wait3A_928 : memref<1x1x1x8x128xf32, #tpu.memory_space<hbm>> -> memref<8x128xf32, #tpu.memory_space<hbm>>
        %dma_wait3A_930 = arith.constant 0 : i32
        %dma_wait3A_931 = arith.constant 0 : i32
        %dma_wait3A_932 = tpu.memref_slice %arg4[%select_n3A_913, %dma_wait3A_921, %add3A_919, %dma_wait3A_930, %dma_wait3A_931] : memref<50x2x128x8x128xf32, #tpu.memory_space<hbm>> -> memref<1x1x1x8x128xf32, #tpu.memory_space<hbm>>
        %dma_wait3A_933 = tpu.memref_squeeze %dma_wait3A_932 : memref<1x1x1x8x128xf32, #tpu.memory_space<hbm>> -> memref<8x128xf32, #tpu.memory_space<hbm>>
        %dma_wait3A_934 = arith.constant 0 : i32
        %dma_wait3A_935 = arith.constant 0 : i32
        %dma_wait3A_936 = tpu.memref_slice %arg7[%dma_wait3A_920, %dma_wait3A_934, %dma_wait3A_935] : memref<2x16x513xf32, #tpu.memory_space<vmem>> -> memref<1x8x128xf32, #tpu.memory_space<vmem>>
        %dma_wait3A_937 = tpu.memref_squeeze %dma_wait3A_936 : memref<1x8x128xf32, #tpu.memory_space<vmem>> -> memref<8x128xf32, #tpu.memory_space<vmem>>
        tpu.wait_dma2 semaphore(%arg11 : memref<!tpu.dma_semaphore, #tpu.memory_space<semaphore_mem>>) src(%dma_wait3A_937 : memref<8x128xf32, #tpu.memory_space<vmem>>) dst(%dma_wait3A_933 : memref<8x128xf32, #tpu.memory_space<hbm>>)
        %mul3A_938 = arith.constant 4 : i32
        %mul3A_939 = arith.muli %rem3A_915, %mul3A_938 : i32
        %add3A_940 = arith.constant 1 : i32
        %add3A_941 = arith.addi %mul3A_939, %add3A_940 : i32
        %dma_wait3A_942 = arith.constant 1 : i32
        %dma_wait3A_943 = arith.constant 0 : i32
        %dma_wait3A_944 = arith.constant 0 : i32
        %dma_wait3A_945 = arith.constant 128 : i32
        %dma_wait3A_946 = tpu.memref_slice %arg7[%dma_wait3A_942, %dma_wait3A_944, %dma_wait3A_945] : memref<2x16x513xf32, #tpu.memory_space<vmem>> -> memref<1x8x128xf32, #tpu.memory_space<vmem>>
        %dma_wait3A_947 = tpu.memref_squeeze %dma_wait3A_946 : memref<1x8x128xf32, #tpu.memory_space<vmem>> -> memref<8x128xf32, #tpu.memory_space<vmem>>
        %dma_wait3A_948 = arith.constant 0 : i32
        %dma_wait3A_949 = arith.constant 0 : i32
        %dma_wait3A_950 = tpu.memref_slice %arg4[%select_n3A_913, %dma_wait3A_943, %add3A_941, %dma_wait3A_948, %dma_wait3A_949] : memref<50x2x128x8x128xf32, #tpu.memory_space<hbm>> -> memref<1x1x1x8x128xf32, #tpu.memory_space<hbm>>
        %dma_wait3A_951 = tpu.memref_squeeze %dma_wait3A_950 : memref<1x1x1x8x128xf32, #tpu.memory_space<hbm>> -> memref<8x128xf32, #tpu.memory_space<hbm>>
        %dma_wait3A_952 = arith.constant 0 : i32
        %dma_wait3A_953 = arith.constant 0 : i32
        %dma_wait3A_954 = tpu.memref_slice %arg4[%select_n3A_913, %dma_wait3A_943, %add3A_941, %dma_wait3A_952, %dma_wait3A_953] : memref<50x2x128x8x128xf32, #tpu.memory_space<hbm>> -> memref<1x1x1x8x128xf32, #tpu.memory_space<hbm>>
        %dma_wait3A_955 = tpu.memref_squeeze %dma_wait3A_954 : memref<1x1x1x8x128xf32, #tpu.memory_space<hbm>> -> memref<8x128xf32, #tpu.memory_space<hbm>>
        %dma_wait3A_956 = arith.constant 0 : i32
        %dma_wait3A_957 = arith.constant 128 : i32
        %dma_wait3A_958 = tpu.memref_slice %arg7[%dma_wait3A_942, %dma_wait3A_956, %dma_wait3A_957] : memref<2x16x513xf32, #tpu.memory_space<vmem>> -> memref<1x8x128xf32, #tpu.memory_space<vmem>>
        %dma_wait3A_959 = tpu.memref_squeeze %dma_wait3A_958 : memref<1x8x128xf32, #tpu.memory_space<vmem>> -> memref<8x128xf32, #tpu.memory_space<vmem>>
        tpu.wait_dma2 semaphore(%arg11 : memref<!tpu.dma_semaphore, #tpu.memory_space<semaphore_mem>>) src(%dma_wait3A_959 : memref<8x128xf32, #tpu.memory_space<vmem>>) dst(%dma_wait3A_955 : memref<8x128xf32, #tpu.memory_space<hbm>>)
        %mul3A_960 = arith.constant 4 : i32
        %mul3A_961 = arith.muli %rem3A_915, %mul3A_960 : i32
        %add3A_962 = arith.constant 2 : i32
        %add3A_963 = arith.addi %mul3A_961, %add3A_962 : i32
        %dma_wait3A_964 = arith.constant 1 : i32
        %dma_wait3A_965 = arith.constant 0 : i32
        %dma_wait3A_966 = arith.constant 0 : i32
        %dma_wait3A_967 = arith.constant 256 : i32
        %dma_wait3A_968 = tpu.memref_slice %arg7[%dma_wait3A_964, %dma_wait3A_966, %dma_wait3A_967] : memref<2x16x513xf32, #tpu.memory_space<vmem>> -> memref<1x8x128xf32, #tpu.memory_space<vmem>>
        %dma_wait3A_969 = tpu.memref_squeeze %dma_wait3A_968 : memref<1x8x128xf32, #tpu.memory_space<vmem>> -> memref<8x128xf32, #tpu.memory_space<vmem>>
        %dma_wait3A_970 = arith.constant 0 : i32
        %dma_wait3A_971 = arith.constant 0 : i32
        %dma_wait3A_972 = tpu.memref_slice %arg4[%select_n3A_913, %dma_wait3A_965, %add3A_963, %dma_wait3A_970, %dma_wait3A_971] : memref<50x2x128x8x128xf32, #tpu.memory_space<hbm>> -> memref<1x1x1x8x128xf32, #tpu.memory_space<hbm>>
        %dma_wait3A_973 = tpu.memref_squeeze %dma_wait3A_972 : memref<1x1x1x8x128xf32, #tpu.memory_space<hbm>> -> memref<8x128xf32, #tpu.memory_space<hbm>>
        %dma_wait3A_974 = arith.constant 0 : i32
        %dma_wait3A_975 = arith.constant 0 : i32
        %dma_wait3A_976 = tpu.memref_slice %arg4[%select_n3A_913, %dma_wait3A_965, %add3A_963, %dma_wait3A_974, %dma_wait3A_975] : memref<50x2x128x8x128xf32, #tpu.memory_space<hbm>> -> memref<1x1x1x8x128xf32, #tpu.memory_space<hbm>>
        %dma_wait3A_977 = tpu.memref_squeeze %dma_wait3A_976 : memref<1x1x1x8x128xf32, #tpu.memory_space<hbm>> -> memref<8x128xf32, #tpu.memory_space<hbm>>
        %dma_wait3A_978 = arith.constant 0 : i32
        %dma_wait3A_979 = arith.constant 256 : i32
        %dma_wait3A_980 = tpu.memref_slice %arg7[%dma_wait3A_964, %dma_wait3A_978, %dma_wait3A_979] : memref<2x16x513xf32, #tpu.memory_space<vmem>> -> memref<1x8x128xf32, #tpu.memory_space<vmem>>
        %dma_wait3A_981 = tpu.memref_squeeze %dma_wait3A_980 : memref<1x8x128xf32, #tpu.memory_space<vmem>> -> memref<8x128xf32, #tpu.memory_space<vmem>>
        tpu.wait_dma2 semaphore(%arg11 : memref<!tpu.dma_semaphore, #tpu.memory_space<semaphore_mem>>) src(%dma_wait3A_981 : memref<8x128xf32, #tpu.memory_space<vmem>>) dst(%dma_wait3A_977 : memref<8x128xf32, #tpu.memory_space<hbm>>)
        %mul3A_982 = arith.constant 4 : i32
        %mul3A_983 = arith.muli %rem3A_915, %mul3A_982 : i32
        %add3A_984 = arith.constant 3 : i32
        %add3A_985 = arith.addi %mul3A_983, %add3A_984 : i32
        %dma_wait3A_986 = arith.constant 1 : i32
        %dma_wait3A_987 = arith.constant 0 : i32
        %dma_wait3A_988 = arith.constant 0 : i32
        %dma_wait3A_989 = arith.constant 384 : i32
        %dma_wait3A_990 = tpu.memref_slice %arg7[%dma_wait3A_986, %dma_wait3A_988, %dma_wait3A_989] : memref<2x16x513xf32, #tpu.memory_space<vmem>> -> memref<1x8x128xf32, #tpu.memory_space<vmem>>
        %dma_wait3A_991 = tpu.memref_squeeze %dma_wait3A_990 : memref<1x8x128xf32, #tpu.memory_space<vmem>> -> memref<8x128xf32, #tpu.memory_space<vmem>>
        %dma_wait3A_992 = arith.constant 0 : i32
        %dma_wait3A_993 = arith.constant 0 : i32
        %dma_wait3A_994 = tpu.memref_slice %arg4[%select_n3A_913, %dma_wait3A_987, %add3A_985, %dma_wait3A_992, %dma_wait3A_993] : memref<50x2x128x8x128xf32, #tpu.memory_space<hbm>> -> memref<1x1x1x8x128xf32, #tpu.memory_space<hbm>>
        %dma_wait3A_995 = tpu.memref_squeeze %dma_wait3A_994 : memref<1x1x1x8x128xf32, #tpu.memory_space<hbm>> -> memref<8x128xf32, #tpu.memory_space<hbm>>
        %dma_wait3A_996 = arith.constant 0 : i32
        %dma_wait3A_997 = arith.constant 0 : i32
        %dma_wait3A_998 = tpu.memref_slice %arg4[%select_n3A_913, %dma_wait3A_987, %add3A_985, %dma_wait3A_996, %dma_wait3A_997] : memref<50x2x128x8x128xf32, #tpu.memory_space<hbm>> -> memref<1x1x1x8x128xf32, #tpu.memory_space<hbm>>
        %dma_wait3A_999 = tpu.memref_squeeze %dma_wait3A_998 : memref<1x1x1x8x128xf32, #tpu.memory_space<hbm>> -> memref<8x128xf32, #tpu.memory_space<hbm>>
        %dma_wait3A_1000 = arith.constant 0 : i32
        %dma_wait3A_1001 = arith.constant 384 : i32
        %dma_wait3A_1002 = tpu.memref_slice %arg7[%dma_wait3A_986, %dma_wait3A_1000, %dma_wait3A_1001] : memref<2x16x513xf32, #tpu.memory_space<vmem>> -> memref<1x8x128xf32, #tpu.memory_space<vmem>>
        %dma_wait3A_1003 = tpu.memref_squeeze %dma_wait3A_1002 : memref<1x8x128xf32, #tpu.memory_space<vmem>> -> memref<8x128xf32, #tpu.memory_space<vmem>>
        tpu.wait_dma2 semaphore(%arg11 : memref<!tpu.dma_semaphore, #tpu.memory_space<semaphore_mem>>) src(%dma_wait3A_1003 : memref<8x128xf32, #tpu.memory_space<vmem>>) dst(%dma_wait3A_999 : memref<8x128xf32, #tpu.memory_space<hbm>>)
        %mul3A_1004 = arith.constant 4 : i32
        %mul3A_1005 = arith.muli %rem3A_915, %mul3A_1004 : i32
        %add3A_1006 = arith.constant 0 : i32
        %add3A_1007 = arith.addi %mul3A_1005, %add3A_1006 : i32
        %dma_wait3A_1008 = arith.constant 1 : i32
        %dma_wait3A_1009 = arith.constant 1 : i32
        %dma_wait3A_1010 = arith.constant 8 : i32
        %dma_wait3A_1011 = arith.constant 0 : i32
        %dma_wait3A_1012 = tpu.memref_slice %arg7[%dma_wait3A_1008, %dma_wait3A_1010, %dma_wait3A_1011] : memref<2x16x513xf32, #tpu.memory_space<vmem>> -> memref<1x8x128xf32, #tpu.memory_space<vmem>>
        %dma_wait3A_1013 = tpu.memref_squeeze %dma_wait3A_1012 : memref<1x8x128xf32, #tpu.memory_space<vmem>> -> memref<8x128xf32, #tpu.memory_space<vmem>>
        %dma_wait3A_1014 = arith.constant 0 : i32
        %dma_wait3A_1015 = arith.constant 0 : i32
        %dma_wait3A_1016 = tpu.memref_slice %arg4[%select_n3A_913, %dma_wait3A_1009, %add3A_1007, %dma_wait3A_1014, %dma_wait3A_1015] : memref<50x2x128x8x128xf32, #tpu.memory_space<hbm>> -> memref<1x1x1x8x128xf32, #tpu.memory_space<hbm>>
        %dma_wait3A_1017 = tpu.memref_squeeze %dma_wait3A_1016 : memref<1x1x1x8x128xf32, #tpu.memory_space<hbm>> -> memref<8x128xf32, #tpu.memory_space<hbm>>
        %dma_wait3A_1018 = arith.constant 0 : i32
        %dma_wait3A_1019 = arith.constant 0 : i32
        %dma_wait3A_1020 = tpu.memref_slice %arg4[%select_n3A_913, %dma_wait3A_1009, %add3A_1007, %dma_wait3A_1018, %dma_wait3A_1019] : memref<50x2x128x8x128xf32, #tpu.memory_space<hbm>> -> memref<1x1x1x8x128xf32, #tpu.memory_space<hbm>>
        %dma_wait3A_1021 = tpu.memref_squeeze %dma_wait3A_1020 : memref<1x1x1x8x128xf32, #tpu.memory_space<hbm>> -> memref<8x128xf32, #tpu.memory_space<hbm>>
        %dma_wait3A_1022 = arith.constant 8 : i32
        %dma_wait3A_1023 = arith.constant 0 : i32
        %dma_wait3A_1024 = tpu.memref_slice %arg7[%dma_wait3A_1008, %dma_wait3A_1022, %dma_wait3A_1023] : memref<2x16x513xf32, #tpu.memory_space<vmem>> -> memref<1x8x128xf32, #tpu.memory_space<vmem>>
        %dma_wait3A_1025 = tpu.memref_squeeze %dma_wait3A_1024 : memref<1x8x128xf32, #tpu.memory_space<vmem>> -> memref<8x128xf32, #tpu.memory_space<vmem>>
        tpu.wait_dma2 semaphore(%arg11 : memref<!tpu.dma_semaphore, #tpu.memory_space<semaphore_mem>>) src(%dma_wait3A_1025 : memref<8x128xf32, #tpu.memory_space<vmem>>) dst(%dma_wait3A_1021 : memref<8x128xf32, #tpu.memory_space<hbm>>)
        %mul3A_1026 = arith.constant 4 : i32
        %mul3A_1027 = arith.muli %rem3A_915, %mul3A_1026 : i32
        %add3A_1028 = arith.constant 1 : i32
        %add3A_1029 = arith.addi %mul3A_1027, %add3A_1028 : i32
        %dma_wait3A_1030 = arith.constant 1 : i32
        %dma_wait3A_1031 = arith.constant 1 : i32
        %dma_wait3A_1032 = arith.constant 8 : i32
        %dma_wait3A_1033 = arith.constant 128 : i32
        %dma_wait3A_1034 = tpu.memref_slice %arg7[%dma_wait3A_1030, %dma_wait3A_1032, %dma_wait3A_1033] : memref<2x16x513xf32, #tpu.memory_space<vmem>> -> memref<1x8x128xf32, #tpu.memory_space<vmem>>
        %dma_wait3A_1035 = tpu.memref_squeeze %dma_wait3A_1034 : memref<1x8x128xf32, #tpu.memory_space<vmem>> -> memref<8x128xf32, #tpu.memory_space<vmem>>
        %dma_wait3A_1036 = arith.constant 0 : i32
        %dma_wait3A_1037 = arith.constant 0 : i32
        %dma_wait3A_1038 = tpu.memref_slice %arg4[%select_n3A_913, %dma_wait3A_1031, %add3A_1029, %dma_wait3A_1036, %dma_wait3A_1037] : memref<50x2x128x8x128xf32, #tpu.memory_space<hbm>> -> memref<1x1x1x8x128xf32, #tpu.memory_space<hbm>>
        %dma_wait3A_1039 = tpu.memref_squeeze %dma_wait3A_1038 : memref<1x1x1x8x128xf32, #tpu.memory_space<hbm>> -> memref<8x128xf32, #tpu.memory_space<hbm>>
        %dma_wait3A_1040 = arith.constant 0 : i32
        %dma_wait3A_1041 = arith.constant 0 : i32
        %dma_wait3A_1042 = tpu.memref_slice %arg4[%select_n3A_913, %dma_wait3A_1031, %add3A_1029, %dma_wait3A_1040, %dma_wait3A_1041] : memref<50x2x128x8x128xf32, #tpu.memory_space<hbm>> -> memref<1x1x1x8x128xf32, #tpu.memory_space<hbm>>
        %dma_wait3A_1043 = tpu.memref_squeeze %dma_wait3A_1042 : memref<1x1x1x8x128xf32, #tpu.memory_space<hbm>> -> memref<8x128xf32, #tpu.memory_space<hbm>>
        %dma_wait3A_1044 = arith.constant 8 : i32
        %dma_wait3A_1045 = arith.constant 128 : i32
        %dma_wait3A_1046 = tpu.memref_slice %arg7[%dma_wait3A_1030, %dma_wait3A_1044, %dma_wait3A_1045] : memref<2x16x513xf32, #tpu.memory_space<vmem>> -> memref<1x8x128xf32, #tpu.memory_space<vmem>>
        %dma_wait3A_1047 = tpu.memref_squeeze %dma_wait3A_1046 : memref<1x8x128xf32, #tpu.memory_space<vmem>> -> memref<8x128xf32, #tpu.memory_space<vmem>>
        tpu.wait_dma2 semaphore(%arg11 : memref<!tpu.dma_semaphore, #tpu.memory_space<semaphore_mem>>) src(%dma_wait3A_1047 : memref<8x128xf32, #tpu.memory_space<vmem>>) dst(%dma_wait3A_1043 : memref<8x128xf32, #tpu.memory_space<hbm>>)
        %mul3A_1048 = arith.constant 4 : i32
        %mul3A_1049 = arith.muli %rem3A_915, %mul3A_1048 : i32
        %add3A_1050 = arith.constant 2 : i32
        %add3A_1051 = arith.addi %mul3A_1049, %add3A_1050 : i32
        %dma_wait3A_1052 = arith.constant 1 : i32
        %dma_wait3A_1053 = arith.constant 1 : i32
        %dma_wait3A_1054 = arith.constant 8 : i32
        %dma_wait3A_1055 = arith.constant 256 : i32
        %dma_wait3A_1056 = tpu.memref_slice %arg7[%dma_wait3A_1052, %dma_wait3A_1054, %dma_wait3A_1055] : memref<2x16x513xf32, #tpu.memory_space<vmem>> -> memref<1x8x128xf32, #tpu.memory_space<vmem>>
        %dma_wait3A_1057 = tpu.memref_squeeze %dma_wait3A_1056 : memref<1x8x128xf32, #tpu.memory_space<vmem>> -> memref<8x128xf32, #tpu.memory_space<vmem>>
        %dma_wait3A_1058 = arith.constant 0 : i32
        %dma_wait3A_1059 = arith.constant 0 : i32
        %dma_wait3A_1060 = tpu.memref_slice %arg4[%select_n3A_913, %dma_wait3A_1053, %add3A_1051, %dma_wait3A_1058, %dma_wait3A_1059] : memref<50x2x128x8x128xf32, #tpu.memory_space<hbm>> -> memref<1x1x1x8x128xf32, #tpu.memory_space<hbm>>
        %dma_wait3A_1061 = tpu.memref_squeeze %dma_wait3A_1060 : memref<1x1x1x8x128xf32, #tpu.memory_space<hbm>> -> memref<8x128xf32, #tpu.memory_space<hbm>>
        %dma_wait3A_1062 = arith.constant 0 : i32
        %dma_wait3A_1063 = arith.constant 0 : i32
        %dma_wait3A_1064 = tpu.memref_slice %arg4[%select_n3A_913, %dma_wait3A_1053, %add3A_1051, %dma_wait3A_1062, %dma_wait3A_1063] : memref<50x2x128x8x128xf32, #tpu.memory_space<hbm>> -> memref<1x1x1x8x128xf32, #tpu.memory_space<hbm>>
        %dma_wait3A_1065 = tpu.memref_squeeze %dma_wait3A_1064 : memref<1x1x1x8x128xf32, #tpu.memory_space<hbm>> -> memref<8x128xf32, #tpu.memory_space<hbm>>
        %dma_wait3A_1066 = arith.constant 8 : i32
        %dma_wait3A_1067 = arith.constant 256 : i32
        %dma_wait3A_1068 = tpu.memref_slice %arg7[%dma_wait3A_1052, %dma_wait3A_1066, %dma_wait3A_1067] : memref<2x16x513xf32, #tpu.memory_space<vmem>> -> memref<1x8x128xf32, #tpu.memory_space<vmem>>
        %dma_wait3A_1069 = tpu.memref_squeeze %dma_wait3A_1068 : memref<1x8x128xf32, #tpu.memory_space<vmem>> -> memref<8x128xf32, #tpu.memory_space<vmem>>
        tpu.wait_dma2 semaphore(%arg11 : memref<!tpu.dma_semaphore, #tpu.memory_space<semaphore_mem>>) src(%dma_wait3A_1069 : memref<8x128xf32, #tpu.memory_space<vmem>>) dst(%dma_wait3A_1065 : memref<8x128xf32, #tpu.memory_space<hbm>>)
        %mul3A_1070 = arith.constant 4 : i32
        %mul3A_1071 = arith.muli %rem3A_915, %mul3A_1070 : i32
        %add3A_1072 = arith.constant 3 : i32
        %add3A_1073 = arith.addi %mul3A_1071, %add3A_1072 : i32
        %dma_wait3A_1074 = arith.constant 1 : i32
        %dma_wait3A_1075 = arith.constant 1 : i32
        %dma_wait3A_1076 = arith.constant 8 : i32
        %dma_wait3A_1077 = arith.constant 384 : i32
        %dma_wait3A_1078 = tpu.memref_slice %arg7[%dma_wait3A_1074, %dma_wait3A_1076, %dma_wait3A_1077] : memref<2x16x513xf32, #tpu.memory_space<vmem>> -> memref<1x8x128xf32, #tpu.memory_space<vmem>>
        %dma_wait3A_1079 = tpu.memref_squeeze %dma_wait3A_1078 : memref<1x8x128xf32, #tpu.memory_space<vmem>> -> memref<8x128xf32, #tpu.memory_space<vmem>>
        %dma_wait3A_1080 = arith.constant 0 : i32
        %dma_wait3A_1081 = arith.constant 0 : i32
        %dma_wait3A_1082 = tpu.memref_slice %arg4[%select_n3A_913, %dma_wait3A_1075, %add3A_1073, %dma_wait3A_1080, %dma_wait3A_1081] : memref<50x2x128x8x128xf32, #tpu.memory_space<hbm>> -> memref<1x1x1x8x128xf32, #tpu.memory_space<hbm>>
        %dma_wait3A_1083 = tpu.memref_squeeze %dma_wait3A_1082 : memref<1x1x1x8x128xf32, #tpu.memory_space<hbm>> -> memref<8x128xf32, #tpu.memory_space<hbm>>
        %dma_wait3A_1084 = arith.constant 0 : i32
        %dma_wait3A_1085 = arith.constant 0 : i32
        %dma_wait3A_1086 = tpu.memref_slice %arg4[%select_n3A_913, %dma_wait3A_1075, %add3A_1073, %dma_wait3A_1084, %dma_wait3A_1085] : memref<50x2x128x8x128xf32, #tpu.memory_space<hbm>> -> memref<1x1x1x8x128xf32, #tpu.memory_space<hbm>>
        %dma_wait3A_1087 = tpu.memref_squeeze %dma_wait3A_1086 : memref<1x1x1x8x128xf32, #tpu.memory_space<hbm>> -> memref<8x128xf32, #tpu.memory_space<hbm>>
        %dma_wait3A_1088 = arith.constant 8 : i32
        %dma_wait3A_1089 = arith.constant 384 : i32
        %dma_wait3A_1090 = tpu.memref_slice %arg7[%dma_wait3A_1074, %dma_wait3A_1088, %dma_wait3A_1089] : memref<2x16x513xf32, #tpu.memory_space<vmem>> -> memref<1x8x128xf32, #tpu.memory_space<vmem>>
        %dma_wait3A_1091 = tpu.memref_squeeze %dma_wait3A_1090 : memref<1x8x128xf32, #tpu.memory_space<vmem>> -> memref<8x128xf32, #tpu.memory_space<vmem>>
        tpu.wait_dma2 semaphore(%arg11 : memref<!tpu.dma_semaphore, #tpu.memory_space<semaphore_mem>>) src(%dma_wait3A_1091 : memref<8x128xf32, #tpu.memory_space<vmem>>) dst(%dma_wait3A_1087 : memref<8x128xf32, #tpu.memory_space<hbm>>)
      } else {
      }
      %parallel_loop3A_675 = arith.constant 0 : i32
      %parallel_loop3A_676 = arith.constant 512 : i32
      %parallel_loop3A_677 = arith.constant 1 : i32
      scf.for %parallel_loop3A_887 = %parallel_loop3A_675 to %parallel_loop3A_676 step %parallel_loop3A_677  : i32 {
        %parallel_loop3A_888 = arith.constant 1 : i32
        %parallel_loop3A_889 = arith.index_cast %parallel_loop3A_888 : i32 to index
        %parallel_loop3A_890 = arith.index_cast %parallel_loop3A_887 : i32 to index
        %parallel_loop3A_891 = arith.constant 0 : index
        %parallel_loop3A_892 = tpu.vector_load %arg6[%parallel_loop3A_889, %parallel_loop3A_890, %parallel_loop3A_891] {strides = array<i32>} : memref<2x512x16xf32, #tpu.memory_space<vmem>>, vector<16xf32>,
        %parallel_loop3A_893 = vector.broadcast %parallel_loop3A_887 : i32 to vector<16xi32>
        %parallel_loop3A_894 = arith.constant 1 : i32
        %parallel_loop3A_895 = arith.constant 0 : i32
        %parallel_loop3A_896 = arith.constant 0 : i32
        %parallel_loop3A_897 = tpu.memref_slice %arg7[%parallel_loop3A_894, %parallel_loop3A_895, %parallel_loop3A_896] : memref<2x16x513xf32, #tpu.memory_space<vmem>> -> memref<1x16x513xf32, #tpu.memory_space<vmem>>
        %parallel_loop3A_898 = tpu.memref_squeeze %parallel_loop3A_897 : memref<1x16x513xf32, #tpu.memory_space<vmem>> -> memref<16x513xf32, #tpu.memory_space<vmem>>
        tpu.vector_store_idx %parallel_loop3A_898[%iota3A, %parallel_loop3A_893], %parallel_loop3A_892 : memref<16x513xf32, #tpu.memory_space<vmem>>[vector<16xi32>, vector<16xi32>], vector<16xf32>,
      } {sc.loop_unroll_factor = 4 : i64, sc.parallel_access}
      %add3A_678 = arith.addi %mul3A_2, %add3A_658 : i32
      %jit3A_679 = arith.constant 32 : i32
      %div3A_680 = arith.divsi %add3A_678, %jit3A_679 : i32
      %sign3A_681 = arith.constant 0 : i32
      %sign3A_682 = arith.cmpi sgt, %add3A_678, %sign3A_681 : i32
      %sign3A_683 = arith.extui %sign3A_682 : i1 to i32
      %sign3A_684 = arith.constant 0 : i32
      %sign3A_685 = arith.cmpi slt, %add3A_678, %sign3A_684 : i32
      %sign3A_686 = arith.extui %sign3A_685 : i1 to i32
      %sign3A_687 = arith.subi %sign3A_683, %sign3A_686 : i32
      %sign3A_688 = arith.constant 0 : i32
      %sign3A_689 = arith.cmpi sgt, %jit3A_679, %sign3A_688 : i32
      %sign3A_690 = arith.extui %sign3A_689 : i1 to i32
      %sign3A_691 = arith.constant 0 : i32
      %sign3A_692 = arith.cmpi slt, %jit3A_679, %sign3A_691 : i32
      %sign3A_693 = arith.extui %sign3A_692 : i1 to i32
      %sign3A_694 = arith.subi %sign3A_690, %sign3A_693 : i32
      %ne3A_695 = arith.cmpi ne, %sign3A_687, %sign3A_694 : i32
      %rem3A_696 = arith.remsi %add3A_678, %jit3A_679 : i32
      %ne3A_697 = arith.constant 0 : i32
      %ne3A_698 = arith.cmpi ne, %rem3A_696, %ne3A_697 : i32
      %and3A_699 = arith.andi %ne3A_695, %ne3A_698 : i1
      %sub3A_700 = arith.constant 1 : i32
      %sub3A_701 = arith.subi %div3A_680, %sub3A_700 : i32
      %select_n3A_702 = arith.select %and3A_699, %sub3A_701, %div3A_680 : i32
      %rem3A_703 = arith.constant 32 : i32
      %rem3A_704 = arith.remsi %add3A_678, %rem3A_703 : i32
      %mul3A_705 = arith.constant 4 : i32
      %mul3A_706 = arith.muli %rem3A_704, %mul3A_705 : i32
      %add3A_707 = arith.constant 0 : i32
      %add3A_708 = arith.addi %mul3A_706, %add3A_707 : i32
      %dma_start3A_709 = arith.constant 1 : i32
      %dma_start3A_710 = arith.constant 0 : i32
      %dma_start3A_711 = arith.constant 0 : i32
      %dma_start3A_712 = arith.constant 0 : i32
      %dma_start3A_713 = tpu.memref_slice %arg7[%dma_start3A_709, %dma_start3A_711, %dma_start3A_712] : memref<2x16x513xf32, #tpu.memory_space<vmem>> -> memref<1x8x128xf32, #tpu.memory_space<vmem>>
      %dma_start3A_714 = tpu.memref_squeeze %dma_start3A_713 : memref<1x8x128xf32, #tpu.memory_space<vmem>> -> memref<8x128xf32, #tpu.memory_space<vmem>>
      %dma_start3A_715 = arith.constant 0 : i32
      %dma_start3A_716 = arith.constant 0 : i32
      %dma_start3A_717 = tpu.memref_slice %arg4[%select_n3A_702, %dma_start3A_710, %add3A_708, %dma_start3A_715, %dma_start3A_716] : memref<50x2x128x8x128xf32, #tpu.memory_space<hbm>> -> memref<1x1x1x8x128xf32, #tpu.memory_space<hbm>>
      %dma_start3A_718 = tpu.memref_squeeze %dma_start3A_717 : memref<1x1x1x8x128xf32, #tpu.memory_space<hbm>> -> memref<8x128xf32, #tpu.memory_space<hbm>>
      %dma_start3A_719 = arith.constant 0 : i32
      %dma_start3A_720 = arith.constant 0 : i32
      %dma_start3A_721 = tpu.memref_slice %arg4[%select_n3A_702, %dma_start3A_710, %add3A_708, %dma_start3A_719, %dma_start3A_720] : memref<50x2x128x8x128xf32, #tpu.memory_space<hbm>> -> memref<1x1x1x8x128xf32, #tpu.memory_space<hbm>>
      %dma_start3A_722 = tpu.memref_squeeze %dma_start3A_721 : memref<1x1x1x8x128xf32, #tpu.memory_space<hbm>> -> memref<8x128xf32, #tpu.memory_space<hbm>>
      %dma_start3A_723 = arith.constant 0 : i32
      %dma_start3A_724 = arith.constant 0 : i32
      %dma_start3A_725 = tpu.memref_slice %arg7[%dma_start3A_709, %dma_start3A_723, %dma_start3A_724] : memref<2x16x513xf32, #tpu.memory_space<vmem>> -> memref<1x8x128xf32, #tpu.memory_space<vmem>>
      %dma_start3A_726 = tpu.memref_squeeze %dma_start3A_725 : memref<1x8x128xf32, #tpu.memory_space<vmem>> -> memref<8x128xf32, #tpu.memory_space<vmem>>
      tpu.enqueue_dma source(%dma_start3A_726 : memref<8x128xf32, #tpu.memory_space<vmem>>) target(%dma_start3A_722 : memref<8x128xf32, #tpu.memory_space<hbm>>) target_semaphore(%arg11 : memref<!tpu.dma_semaphore, #tpu.memory_space<semaphore_mem>>)
      %mul3A_727 = arith.constant 4 : i32
      %mul3A_728 = arith.muli %rem3A_704, %mul3A_727 : i32
      %add3A_729 = arith.constant 1 : i32
      %add3A_730 = arith.addi %mul3A_728, %add3A_729 : i32
      %dma_start3A_731 = arith.constant 1 : i32
      %dma_start3A_732 = arith.constant 0 : i32
      %dma_start3A_733 = arith.constant 0 : i32
      %dma_start3A_734 = arith.constant 128 : i32
      %dma_start3A_735 = tpu.memref_slice %arg7[%dma_start3A_731, %dma_start3A_733, %dma_start3A_734] : memref<2x16x513xf32, #tpu.memory_space<vmem>> -> memref<1x8x128xf32, #tpu.memory_space<vmem>>
      %dma_start3A_736 = tpu.memref_squeeze %dma_start3A_735 : memref<1x8x128xf32, #tpu.memory_space<vmem>> -> memref<8x128xf32, #tpu.memory_space<vmem>>
      %dma_start3A_737 = arith.constant 0 : i32
      %dma_start3A_738 = arith.constant 0 : i32
      %dma_start3A_739 = tpu.memref_slice %arg4[%select_n3A_702, %dma_start3A_732, %add3A_730, %dma_start3A_737, %dma_start3A_738] : memref<50x2x128x8x128xf32, #tpu.memory_space<hbm>> -> memref<1x1x1x8x128xf32, #tpu.memory_space<hbm>>
      %dma_start3A_740 = tpu.memref_squeeze %dma_start3A_739 : memref<1x1x1x8x128xf32, #tpu.memory_space<hbm>> -> memref<8x128xf32, #tpu.memory_space<hbm>>
      %dma_start3A_741 = arith.constant 0 : i32
      %dma_start3A_742 = arith.constant 0 : i32
      %dma_start3A_743 = tpu.memref_slice %arg4[%select_n3A_702, %dma_start3A_732, %add3A_730, %dma_start3A_741, %dma_start3A_742] : memref<50x2x128x8x128xf32, #tpu.memory_space<hbm>> -> memref<1x1x1x8x128xf32, #tpu.memory_space<hbm>>
      %dma_start3A_744 = tpu.memref_squeeze %dma_start3A_743 : memref<1x1x1x8x128xf32, #tpu.memory_space<hbm>> -> memref<8x128xf32, #tpu.memory_space<hbm>>
      %dma_start3A_745 = arith.constant 0 : i32
      %dma_start3A_746 = arith.constant 128 : i32
      %dma_start3A_747 = tpu.memref_slice %arg7[%dma_start3A_731, %dma_start3A_745, %dma_start3A_746] : memref<2x16x513xf32, #tpu.memory_space<vmem>> -> memref<1x8x128xf32, #tpu.memory_space<vmem>>
      %dma_start3A_748 = tpu.memref_squeeze %dma_start3A_747 : memref<1x8x128xf32, #tpu.memory_space<vmem>> -> memref<8x128xf32, #tpu.memory_space<vmem>>
      tpu.enqueue_dma source(%dma_start3A_748 : memref<8x128xf32, #tpu.memory_space<vmem>>) target(%dma_start3A_744 : memref<8x128xf32, #tpu.memory_space<hbm>>) target_semaphore(%arg11 : memref<!tpu.dma_semaphore, #tpu.memory_space<semaphore_mem>>)
      %mul3A_749 = arith.constant 4 : i32
      %mul3A_750 = arith.muli %rem3A_704, %mul3A_749 : i32
      %add3A_751 = arith.constant 2 : i32
      %add3A_752 = arith.addi %mul3A_750, %add3A_751 : i32
      %dma_start3A_753 = arith.constant 1 : i32
      %dma_start3A_754 = arith.constant 0 : i32
      %dma_start3A_755 = arith.constant 0 : i32
      %dma_start3A_756 = arith.constant 256 : i32
      %dma_start3A_757 = tpu.memref_slice %arg7[%dma_start3A_753, %dma_start3A_755, %dma_start3A_756] : memref<2x16x513xf32, #tpu.memory_space<vmem>> -> memref<1x8x128xf32, #tpu.memory_space<vmem>>
      %dma_start3A_758 = tpu.memref_squeeze %dma_start3A_757 : memref<1x8x128xf32, #tpu.memory_space<vmem>> -> memref<8x128xf32, #tpu.memory_space<vmem>>
      %dma_start3A_759 = arith.constant 0 : i32
      %dma_start3A_760 = arith.constant 0 : i32
      %dma_start3A_761 = tpu.memref_slice %arg4[%select_n3A_702, %dma_start3A_754, %add3A_752, %dma_start3A_759, %dma_start3A_760] : memref<50x2x128x8x128xf32, #tpu.memory_space<hbm>> -> memref<1x1x1x8x128xf32, #tpu.memory_space<hbm>>
      %dma_start3A_762 = tpu.memref_squeeze %dma_start3A_761 : memref<1x1x1x8x128xf32, #tpu.memory_space<hbm>> -> memref<8x128xf32, #tpu.memory_space<hbm>>
      %dma_start3A_763 = arith.constant 0 : i32
      %dma_start3A_764 = arith.constant 0 : i32
      %dma_start3A_765 = tpu.memref_slice %arg4[%select_n3A_702, %dma_start3A_754, %add3A_752, %dma_start3A_763, %dma_start3A_764] : memref<50x2x128x8x128xf32, #tpu.memory_space<hbm>> -> memref<1x1x1x8x128xf32, #tpu.memory_space<hbm>>
      %dma_start3A_766 = tpu.memref_squeeze %dma_start3A_765 : memref<1x1x1x8x128xf32, #tpu.memory_space<hbm>> -> memref<8x128xf32, #tpu.memory_space<hbm>>
      %dma_start3A_767 = arith.constant 0 : i32
      %dma_start3A_768 = arith.constant 256 : i32
      %dma_start3A_769 = tpu.memref_slice %arg7[%dma_start3A_753, %dma_start3A_767, %dma_start3A_768] : memref<2x16x513xf32, #tpu.memory_space<vmem>> -> memref<1x8x128xf32, #tpu.memory_space<vmem>>
      %dma_start3A_770 = tpu.memref_squeeze %dma_start3A_769 : memref<1x8x128xf32, #tpu.memory_space<vmem>> -> memref<8x128xf32, #tpu.memory_space<vmem>>
      tpu.enqueue_dma source(%dma_start3A_770 : memref<8x128xf32, #tpu.memory_space<vmem>>) target(%dma_start3A_766 : memref<8x128xf32, #tpu.memory_space<hbm>>) target_semaphore(%arg11 : memref<!tpu.dma_semaphore, #tpu.memory_space<semaphore_mem>>)
      %mul3A_771 = arith.constant 4 : i32
      %mul3A_772 = arith.muli %rem3A_704, %mul3A_771 : i32
      %add3A_773 = arith.constant 3 : i32
      %add3A_774 = arith.addi %mul3A_772, %add3A_773 : i32
      %dma_start3A_775 = arith.constant 1 : i32
      %dma_start3A_776 = arith.constant 0 : i32
      %dma_start3A_777 = arith.constant 0 : i32
      %dma_start3A_778 = arith.constant 384 : i32
      %dma_start3A_779 = tpu.memref_slice %arg7[%dma_start3A_775, %dma_start3A_777, %dma_start3A_778] : memref<2x16x513xf32, #tpu.memory_space<vmem>> -> memref<1x8x128xf32, #tpu.memory_space<vmem>>
      %dma_start3A_780 = tpu.memref_squeeze %dma_start3A_779 : memref<1x8x128xf32, #tpu.memory_space<vmem>> -> memref<8x128xf32, #tpu.memory_space<vmem>>
      %dma_start3A_781 = arith.constant 0 : i32
      %dma_start3A_782 = arith.constant 0 : i32
      %dma_start3A_783 = tpu.memref_slice %arg4[%select_n3A_702, %dma_start3A_776, %add3A_774, %dma_start3A_781, %dma_start3A_782] : memref<50x2x128x8x128xf32, #tpu.memory_space<hbm>> -> memref<1x1x1x8x128xf32, #tpu.memory_space<hbm>>
      %dma_start3A_784 = tpu.memref_squeeze %dma_start3A_783 : memref<1x1x1x8x128xf32, #tpu.memory_space<hbm>> -> memref<8x128xf32, #tpu.memory_space<hbm>>
      %dma_start3A_785 = arith.constant 0 : i32
      %dma_start3A_786 = arith.constant 0 : i32
      %dma_start3A_787 = tpu.memref_slice %arg4[%select_n3A_702, %dma_start3A_776, %add3A_774, %dma_start3A_785, %dma_start3A_786] : memref<50x2x128x8x128xf32, #tpu.memory_space<hbm>> -> memref<1x1x1x8x128xf32, #tpu.memory_space<hbm>>
      %dma_start3A_788 = tpu.memref_squeeze %dma_start3A_787 : memref<1x1x1x8x128xf32, #tpu.memory_space<hbm>> -> memref<8x128xf32, #tpu.memory_space<hbm>>
      %dma_start3A_789 = arith.constant 0 : i32
      %dma_start3A_790 = arith.constant 384 : i32
      %dma_start3A_791 = tpu.memref_slice %arg7[%dma_start3A_775, %dma_start3A_789, %dma_start3A_790] : memref<2x16x513xf32, #tpu.memory_space<vmem>> -> memref<1x8x128xf32, #tpu.memory_space<vmem>>
      %dma_start3A_792 = tpu.memref_squeeze %dma_start3A_791 : memref<1x8x128xf32, #tpu.memory_space<vmem>> -> memref<8x128xf32, #tpu.memory_space<vmem>>
      tpu.enqueue_dma source(%dma_start3A_792 : memref<8x128xf32, #tpu.memory_space<vmem>>) target(%dma_start3A_788 : memref<8x128xf32, #tpu.memory_space<hbm>>) target_semaphore(%arg11 : memref<!tpu.dma_semaphore, #tpu.memory_space<semaphore_mem>>)
      %mul3A_793 = arith.constant 4 : i32
      %mul3A_794 = arith.muli %rem3A_704, %mul3A_793 : i32
      %add3A_795 = arith.constant 0 : i32
      %add3A_796 = arith.addi %mul3A_794, %add3A_795 : i32
      %dma_start3A_797 = arith.constant 1 : i32
      %dma_start3A_798 = arith.constant 1 : i32
      %dma_start3A_799 = arith.constant 8 : i32
      %dma_start3A_800 = arith.constant 0 : i32
      %dma_start3A_801 = tpu.memref_slice %arg7[%dma_start3A_797, %dma_start3A_799, %dma_start3A_800] : memref<2x16x513xf32, #tpu.memory_space<vmem>> -> memref<1x8x128xf32, #tpu.memory_space<vmem>>
      %dma_start3A_802 = tpu.memref_squeeze %dma_start3A_801 : memref<1x8x128xf32, #tpu.memory_space<vmem>> -> memref<8x128xf32, #tpu.memory_space<vmem>>
      %dma_start3A_803 = arith.constant 0 : i32
      %dma_start3A_804 = arith.constant 0 : i32
      %dma_start3A_805 = tpu.memref_slice %arg4[%select_n3A_702, %dma_start3A_798, %add3A_796, %dma_start3A_803, %dma_start3A_804] : memref<50x2x128x8x128xf32, #tpu.memory_space<hbm>> -> memref<1x1x1x8x128xf32, #tpu.memory_space<hbm>>
      %dma_start3A_806 = tpu.memref_squeeze %dma_start3A_805 : memref<1x1x1x8x128xf32, #tpu.memory_space<hbm>> -> memref<8x128xf32, #tpu.memory_space<hbm>>
      %dma_start3A_807 = arith.constant 0 : i32
      %dma_start3A_808 = arith.constant 0 : i32
      %dma_start3A_809 = tpu.memref_slice %arg4[%select_n3A_702, %dma_start3A_798, %add3A_796, %dma_start3A_807, %dma_start3A_808] : memref<50x2x128x8x128xf32, #tpu.memory_space<hbm>> -> memref<1x1x1x8x128xf32, #tpu.memory_space<hbm>>
      %dma_start3A_810 = tpu.memref_squeeze %dma_start3A_809 : memref<1x1x1x8x128xf32, #tpu.memory_space<hbm>> -> memref<8x128xf32, #tpu.memory_space<hbm>>
      %dma_start3A_811 = arith.constant 8 : i32
      %dma_start3A_812 = arith.constant 0 : i32
      %dma_start3A_813 = tpu.memref_slice %arg7[%dma_start3A_797, %dma_start3A_811, %dma_start3A_812] : memref<2x16x513xf32, #tpu.memory_space<vmem>> -> memref<1x8x128xf32, #tpu.memory_space<vmem>>
      %dma_start3A_814 = tpu.memref_squeeze %dma_start3A_813 : memref<1x8x128xf32, #tpu.memory_space<vmem>> -> memref<8x128xf32, #tpu.memory_space<vmem>>
      tpu.enqueue_dma source(%dma_start3A_814 : memref<8x128xf32, #tpu.memory_space<vmem>>) target(%dma_start3A_810 : memref<8x128xf32, #tpu.memory_space<hbm>>) target_semaphore(%arg11 : memref<!tpu.dma_semaphore, #tpu.memory_space<semaphore_mem>>)
      %mul3A_815 = arith.constant 4 : i32
      %mul3A_816 = arith.muli %rem3A_704, %mul3A_815 : i32
      %add3A_817 = arith.constant 1 : i32
      %add3A_818 = arith.addi %mul3A_816, %add3A_817 : i32
      %dma_start3A_819 = arith.constant 1 : i32
      %dma_start3A_820 = arith.constant 1 : i32
      %dma_start3A_821 = arith.constant 8 : i32
      %dma_start3A_822 = arith.constant 128 : i32
      %dma_start3A_823 = tpu.memref_slice %arg7[%dma_start3A_819, %dma_start3A_821, %dma_start3A_822] : memref<2x16x513xf32, #tpu.memory_space<vmem>> -> memref<1x8x128xf32, #tpu.memory_space<vmem>>
      %dma_start3A_824 = tpu.memref_squeeze %dma_start3A_823 : memref<1x8x128xf32, #tpu.memory_space<vmem>> -> memref<8x128xf32, #tpu.memory_space<vmem>>
      %dma_start3A_825 = arith.constant 0 : i32
      %dma_start3A_826 = arith.constant 0 : i32
      %dma_start3A_827 = tpu.memref_slice %arg4[%select_n3A_702, %dma_start3A_820, %add3A_818, %dma_start3A_825, %dma_start3A_826] : memref<50x2x128x8x128xf32, #tpu.memory_space<hbm>> -> memref<1x1x1x8x128xf32, #tpu.memory_space<hbm>>
      %dma_start3A_828 = tpu.memref_squeeze %dma_start3A_827 : memref<1x1x1x8x128xf32, #tpu.memory_space<hbm>> -> memref<8x128xf32, #tpu.memory_space<hbm>>
      %dma_start3A_829 = arith.constant 0 : i32
      %dma_start3A_830 = arith.constant 0 : i32
      %dma_start3A_831 = tpu.memref_slice %arg4[%select_n3A_702, %dma_start3A_820, %add3A_818, %dma_start3A_829, %dma_start3A_830] : memref<50x2x128x8x128xf32, #tpu.memory_space<hbm>> -> memref<1x1x1x8x128xf32, #tpu.memory_space<hbm>>
      %dma_start3A_832 = tpu.memref_squeeze %dma_start3A_831 : memref<1x1x1x8x128xf32, #tpu.memory_space<hbm>> -> memref<8x128xf32, #tpu.memory_space<hbm>>
      %dma_start3A_833 = arith.constant 8 : i32
      %dma_start3A_834 = arith.constant 128 : i32
      %dma_start3A_835 = tpu.memref_slice %arg7[%dma_start3A_819, %dma_start3A_833, %dma_start3A_834] : memref<2x16x513xf32, #tpu.memory_space<vmem>> -> memref<1x8x128xf32, #tpu.memory_space<vmem>>
      %dma_start3A_836 = tpu.memref_squeeze %dma_start3A_835 : memref<1x8x128xf32, #tpu.memory_space<vmem>> -> memref<8x128xf32, #tpu.memory_space<vmem>>
      tpu.enqueue_dma source(%dma_start3A_836 : memref<8x128xf32, #tpu.memory_space<vmem>>) target(%dma_start3A_832 : memref<8x128xf32, #tpu.memory_space<hbm>>) target_semaphore(%arg11 : memref<!tpu.dma_semaphore, #tpu.memory_space<semaphore_mem>>)
      %mul3A_837 = arith.constant 4 : i32
      %mul3A_838 = arith.muli %rem3A_704, %mul3A_837 : i32
      %add3A_839 = arith.constant 2 : i32
      %add3A_840 = arith.addi %mul3A_838, %add3A_839 : i32
      %dma_start3A_841 = arith.constant 1 : i32
      %dma_start3A_842 = arith.constant 1 : i32
      %dma_start3A_843 = arith.constant 8 : i32
      %dma_start3A_844 = arith.constant 256 : i32
      %dma_start3A_845 = tpu.memref_slice %arg7[%dma_start3A_841, %dma_start3A_843, %dma_start3A_844] : memref<2x16x513xf32, #tpu.memory_space<vmem>> -> memref<1x8x128xf32, #tpu.memory_space<vmem>>
      %dma_start3A_846 = tpu.memref_squeeze %dma_start3A_845 : memref<1x8x128xf32, #tpu.memory_space<vmem>> -> memref<8x128xf32, #tpu.memory_space<vmem>>
      %dma_start3A_847 = arith.constant 0 : i32
      %dma_start3A_848 = arith.constant 0 : i32
      %dma_start3A_849 = tpu.memref_slice %arg4[%select_n3A_702, %dma_start3A_842, %add3A_840, %dma_start3A_847, %dma_start3A_848] : memref<50x2x128x8x128xf32, #tpu.memory_space<hbm>> -> memref<1x1x1x8x128xf32, #tpu.memory_space<hbm>>
      %dma_start3A_850 = tpu.memref_squeeze %dma_start3A_849 : memref<1x1x1x8x128xf32, #tpu.memory_space<hbm>> -> memref<8x128xf32, #tpu.memory_space<hbm>>
      %dma_start3A_851 = arith.constant 0 : i32
      %dma_start3A_852 = arith.constant 0 : i32
      %dma_start3A_853 = tpu.memref_slice %arg4[%select_n3A_702, %dma_start3A_842, %add3A_840, %dma_start3A_851, %dma_start3A_852] : memref<50x2x128x8x128xf32, #tpu.memory_space<hbm>> -> memref<1x1x1x8x128xf32, #tpu.memory_space<hbm>>
      %dma_start3A_854 = tpu.memref_squeeze %dma_start3A_853 : memref<1x1x1x8x128xf32, #tpu.memory_space<hbm>> -> memref<8x128xf32, #tpu.memory_space<hbm>>
      %dma_start3A_855 = arith.constant 8 : i32
      %dma_start3A_856 = arith.constant 256 : i32
      %dma_start3A_857 = tpu.memref_slice %arg7[%dma_start3A_841, %dma_start3A_855, %dma_start3A_856] : memref<2x16x513xf32, #tpu.memory_space<vmem>> -> memref<1x8x128xf32, #tpu.memory_space<vmem>>
      %dma_start3A_858 = tpu.memref_squeeze %dma_start3A_857 : memref<1x8x128xf32, #tpu.memory_space<vmem>> -> memref<8x128xf32, #tpu.memory_space<vmem>>
      tpu.enqueue_dma source(%dma_start3A_858 : memref<8x128xf32, #tpu.memory_space<vmem>>) target(%dma_start3A_854 : memref<8x128xf32, #tpu.memory_space<hbm>>) target_semaphore(%arg11 : memref<!tpu.dma_semaphore, #tpu.memory_space<semaphore_mem>>)
      %mul3A_859 = arith.constant 4 : i32
      %mul3A_860 = arith.muli %rem3A_704, %mul3A_859 : i32
      %add3A_861 = arith.constant 3 : i32
      %add3A_862 = arith.addi %mul3A_860, %add3A_861 : i32
      %dma_start3A_863 = arith.constant 1 : i32
      %dma_start3A_864 = arith.constant 1 : i32
      %dma_start3A_865 = arith.constant 8 : i32
      %dma_start3A_866 = arith.constant 384 : i32
      %dma_start3A_867 = tpu.memref_slice %arg7[%dma_start3A_863, %dma_start3A_865, %dma_start3A_866] : memref<2x16x513xf32, #tpu.memory_space<vmem>> -> memref<1x8x128xf32, #tpu.memory_space<vmem>>
      %dma_start3A_868 = tpu.memref_squeeze %dma_start3A_867 : memref<1x8x128xf32, #tpu.memory_space<vmem>> -> memref<8x128xf32, #tpu.memory_space<vmem>>
      %dma_start3A_869 = arith.constant 0 : i32
      %dma_start3A_870 = arith.constant 0 : i32
      %dma_start3A_871 = tpu.memref_slice %arg4[%select_n3A_702, %dma_start3A_864, %add3A_862, %dma_start3A_869, %dma_start3A_870] : memref<50x2x128x8x128xf32, #tpu.memory_space<hbm>> -> memref<1x1x1x8x128xf32, #tpu.memory_space<hbm>>
      %dma_start3A_872 = tpu.memref_squeeze %dma_start3A_871 : memref<1x1x1x8x128xf32, #tpu.memory_space<hbm>> -> memref<8x128xf32, #tpu.memory_space<hbm>>
      %dma_start3A_873 = arith.constant 0 : i32
      %dma_start3A_874 = arith.constant 0 : i32
      %dma_start3A_875 = tpu.memref_slice %arg4[%select_n3A_702, %dma_start3A_864, %add3A_862, %dma_start3A_873, %dma_start3A_874] : memref<50x2x128x8x128xf32, #tpu.memory_space<hbm>> -> memref<1x1x1x8x128xf32, #tpu.memory_space<hbm>>
      %dma_start3A_876 = tpu.memref_squeeze %dma_start3A_875 : memref<1x1x1x8x128xf32, #tpu.memory_space<hbm>> -> memref<8x128xf32, #tpu.memory_space<hbm>>
      %dma_start3A_877 = arith.constant 8 : i32
      %dma_start3A_878 = arith.constant 384 : i32
      %dma_start3A_879 = tpu.memref_slice %arg7[%dma_start3A_863, %dma_start3A_877, %dma_start3A_878] : memref<2x16x513xf32, #tpu.memory_space<vmem>> -> memref<1x8x128xf32, #tpu.memory_space<vmem>>
      %dma_start3A_880 = tpu.memref_squeeze %dma_start3A_879 : memref<1x8x128xf32, #tpu.memory_space<vmem>> -> memref<8x128xf32, #tpu.memory_space<vmem>>
      tpu.enqueue_dma source(%dma_start3A_880 : memref<8x128xf32, #tpu.memory_space<vmem>>) target(%dma_start3A_876 : memref<8x128xf32, #tpu.memory_space<hbm>>) target_semaphore(%arg11 : memref<!tpu.dma_semaphore, #tpu.memory_space<semaphore_mem>>)
      %lt3A_881 = arith.constant 48 : i32
      %lt3A_882 = arith.cmpi slt, %add3A_658, %lt3A_881 : i32
      %convert_element_type3A_883 = arith.extui %lt3A_882 : i1 to i32
      %cond3A_884 = arith.constant 0 : i32
      %cond3A_885 = arith.cmpi ne, %convert_element_type3A_883, %cond3A_884 : i32
      scf.if %cond3A_885 {
        %add3A_887 = arith.constant 2 : i32
        %add3A_888 = arith.addi %add3A_658, %add3A_887 : i32
        %mul3A_889 = arith.constant 512 : i32
        %mul3A_890 = arith.muli %add3A_888, %mul3A_889 : i32
        %dma_start3A_891 = arith.constant 1 : i32
        %dma_start3A_892 = arith.constant 0 : i32
        %dma_start3A_893 = arith.constant 0 : i32
        %dma_start3A_894 = tpu.memref_slice %arg6[%dma_start3A_891, %dma_start3A_892, %dma_start3A_893] : memref<2x512x16xf32, #tpu.memory_space<vmem>> -> memref<1x512x16xf32, #tpu.memory_space<vmem>>
        %dma_start3A_895 = tpu.memref_squeeze %dma_start3A_894 : memref<1x512x16xf32, #tpu.memory_space<vmem>> -> memref<512x16xf32, #tpu.memory_space<vmem>>
        %dma_start3A_896 = tpu.memref_slice %arg5[%mul3A_890] : memref<25600xi32, #tpu.memory_space<vmem>> -> memref<512xi32, #tpu.memory_space<vmem>>
        %dma_start3A_897 = arith.constant 0 : i32
        %dma_start3A_898 = arith.constant 0 : i32
        %dma_start3A_899 = tpu.memref_slice %arg3[%dma_start3A_897, %dma_start3A_898] : memref<1000000x16xf32, #tpu.memory_space<hbm>> -> memref<1000000x16xf32, #tpu.memory_space<hbm>>
        tpu.enqueue_indirect_dma source(%dma_start3A_899 : memref<1000000x16xf32, #tpu.memory_space<hbm>>) target(%dma_start3A_895 : memref<512x16xf32, #tpu.memory_space<vmem>>) offsets(%dma_start3A_896 : memref<512xi32, #tpu.memory_space<vmem>>) semaphore(%arg9 : memref<!tpu.dma_semaphore, #tpu.memory_space<semaphore_mem>>)
      } else {
      }
      %scan3A_886 = arith.constant 0 : i32
      scf.yield %scan3A_886 : i32
    }
    %scan3A_29 = arith.constant 25 : i32
    %add3A_30 = arith.constant 48 : i32
    %add3A_31 = arith.addi %mul3A_2, %add3A_30 : i32
    %jit3A = arith.constant 32 : i32
    %div3A = arith.divsi %add3A_31, %jit3A : i32
    %sign3A = arith.constant 0 : i32
    %sign3A_32 = arith.cmpi sgt, %add3A_31, %sign3A : i32
    %sign3A_33 = arith.extui %sign3A_32 : i1 to i32
    %sign3A_34 = arith.constant 0 : i32
    %sign3A_35 = arith.cmpi slt, %add3A_31, %sign3A_34 : i32
    %sign3A_36 = arith.extui %sign3A_35 : i1 to i32
    %sign3A_37 = arith.subi %sign3A_33, %sign3A_36 : i32
    %sign3A_38 = arith.constant 0 : i32
    %sign3A_39 = arith.cmpi sgt, %jit3A, %sign3A_38 : i32
    %sign3A_40 = arith.extui %sign3A_39 : i1 to i32
    %sign3A_41 = arith.constant 0 : i32
    %sign3A_42 = arith.cmpi slt, %jit3A, %sign3A_41 : i32
    %sign3A_43 = arith.extui %sign3A_42 : i1 to i32
    %sign3A_44 = arith.subi %sign3A_40, %sign3A_43 : i32
    %ne3A = arith.cmpi ne, %sign3A_37, %sign3A_44 : i32
    %rem3A = arith.remsi %add3A_31, %jit3A : i32
    %ne3A_45 = arith.constant 0 : i32
    %ne3A_46 = arith.cmpi ne, %rem3A, %ne3A_45 : i32
    %and3A = arith.andi %ne3A, %ne3A_46 : i1
    %sub3A = arith.constant 1 : i32
    %sub3A_47 = arith.subi %div3A, %sub3A : i32
    %select_n3A = arith.select %and3A, %sub3A_47, %div3A : i32
    %rem3A_48 = arith.constant 32 : i32
    %rem3A_49 = arith.remsi %add3A_31, %rem3A_48 : i32
    %mul3A_50 = arith.constant 4 : i32
    %mul3A_51 = arith.muli %rem3A_49, %mul3A_50 : i32
    %add3A_52 = arith.constant 0 : i32
    %add3A_53 = arith.addi %mul3A_51, %add3A_52 : i32
    %dma_wait3A = arith.constant 0 : i32
    %dma_wait3A_54 = arith.constant 0 : i32
    %dma_wait3A_55 = arith.constant 0 : i32
    %dma_wait3A_56 = arith.constant 0 : i32
    %dma_wait3A_57 = tpu.memref_slice %arg7[%dma_wait3A, %dma_wait3A_55, %dma_wait3A_56] : memref<2x16x513xf32, #tpu.memory_space<vmem>> -> memref<1x8x128xf32, #tpu.memory_space<vmem>>
    %dma_wait3A_58 = tpu.memref_squeeze %dma_wait3A_57 : memref<1x8x128xf32, #tpu.memory_space<vmem>> -> memref<8x128xf32, #tpu.memory_space<vmem>>
    %dma_wait3A_59 = arith.constant 0 : i32
    %dma_wait3A_60 = arith.constant 0 : i32
    %dma_wait3A_61 = tpu.memref_slice %arg4[%select_n3A, %dma_wait3A_54, %add3A_53, %dma_wait3A_59, %dma_wait3A_60] : memref<50x2x128x8x128xf32, #tpu.memory_space<hbm>> -> memref<1x1x1x8x128xf32, #tpu.memory_space<hbm>>
    %dma_wait3A_62 = tpu.memref_squeeze %dma_wait3A_61 : memref<1x1x1x8x128xf32, #tpu.memory_space<hbm>> -> memref<8x128xf32, #tpu.memory_space<hbm>>
    %dma_wait3A_63 = arith.constant 0 : i32
    %dma_wait3A_64 = arith.constant 0 : i32
    %dma_wait3A_65 = tpu.memref_slice %arg4[%select_n3A, %dma_wait3A_54, %add3A_53, %dma_wait3A_63, %dma_wait3A_64] : memref<50x2x128x8x128xf32, #tpu.memory_space<hbm>> -> memref<1x1x1x8x128xf32, #tpu.memory_space<hbm>>
    %dma_wait3A_66 = tpu.memref_squeeze %dma_wait3A_65 : memref<1x1x1x8x128xf32, #tpu.memory_space<hbm>> -> memref<8x128xf32, #tpu.memory_space<hbm>>
    %dma_wait3A_67 = arith.constant 0 : i32
    %dma_wait3A_68 = arith.constant 0 : i32
    %dma_wait3A_69 = tpu.memref_slice %arg7[%dma_wait3A, %dma_wait3A_67, %dma_wait3A_68] : memref<2x16x513xf32, #tpu.memory_space<vmem>> -> memref<1x8x128xf32, #tpu.memory_space<vmem>>
    %dma_wait3A_70 = tpu.memref_squeeze %dma_wait3A_69 : memref<1x8x128xf32, #tpu.memory_space<vmem>> -> memref<8x128xf32, #tpu.memory_space<vmem>>
    tpu.wait_dma2 semaphore(%arg10 : memref<!tpu.dma_semaphore, #tpu.memory_space<semaphore_mem>>) src(%dma_wait3A_70 : memref<8x128xf32, #tpu.memory_space<vmem>>) dst(%dma_wait3A_66 : memref<8x128xf32, #tpu.memory_space<hbm>>)
    %mul3A_71 = arith.constant 4 : i32
    %mul3A_72 = arith.muli %rem3A_49, %mul3A_71 : i32
    %add3A_73 = arith.constant 1 : i32
    %add3A_74 = arith.addi %mul3A_72, %add3A_73 : i32
    %dma_wait3A_75 = arith.constant 0 : i32
    %dma_wait3A_76 = arith.constant 0 : i32
    %dma_wait3A_77 = arith.constant 0 : i32
    %dma_wait3A_78 = arith.constant 128 : i32
    %dma_wait3A_79 = tpu.memref_slice %arg7[%dma_wait3A_75, %dma_wait3A_77, %dma_wait3A_78] : memref<2x16x513xf32, #tpu.memory_space<vmem>> -> memref<1x8x128xf32, #tpu.memory_space<vmem>>
    %dma_wait3A_80 = tpu.memref_squeeze %dma_wait3A_79 : memref<1x8x128xf32, #tpu.memory_space<vmem>> -> memref<8x128xf32, #tpu.memory_space<vmem>>
    %dma_wait3A_81 = arith.constant 0 : i32
    %dma_wait3A_82 = arith.constant 0 : i32
    %dma_wait3A_83 = tpu.memref_slice %arg4[%select_n3A, %dma_wait3A_76, %add3A_74, %dma_wait3A_81, %dma_wait3A_82] : memref<50x2x128x8x128xf32, #tpu.memory_space<hbm>> -> memref<1x1x1x8x128xf32, #tpu.memory_space<hbm>>
    %dma_wait3A_84 = tpu.memref_squeeze %dma_wait3A_83 : memref<1x1x1x8x128xf32, #tpu.memory_space<hbm>> -> memref<8x128xf32, #tpu.memory_space<hbm>>
    %dma_wait3A_85 = arith.constant 0 : i32
    %dma_wait3A_86 = arith.constant 0 : i32
    %dma_wait3A_87 = tpu.memref_slice %arg4[%select_n3A, %dma_wait3A_76, %add3A_74, %dma_wait3A_85, %dma_wait3A_86] : memref<50x2x128x8x128xf32, #tpu.memory_space<hbm>> -> memref<1x1x1x8x128xf32, #tpu.memory_space<hbm>>
    %dma_wait3A_88 = tpu.memref_squeeze %dma_wait3A_87 : memref<1x1x1x8x128xf32, #tpu.memory_space<hbm>> -> memref<8x128xf32, #tpu.memory_space<hbm>>
    %dma_wait3A_89 = arith.constant 0 : i32
    %dma_wait3A_90 = arith.constant 128 : i32
    %dma_wait3A_91 = tpu.memref_slice %arg7[%dma_wait3A_75, %dma_wait3A_89, %dma_wait3A_90] : memref<2x16x513xf32, #tpu.memory_space<vmem>> -> memref<1x8x128xf32, #tpu.memory_space<vmem>>
    %dma_wait3A_92 = tpu.memref_squeeze %dma_wait3A_91 : memref<1x8x128xf32, #tpu.memory_space<vmem>> -> memref<8x128xf32, #tpu.memory_space<vmem>>
    tpu.wait_dma2 semaphore(%arg10 : memref<!tpu.dma_semaphore, #tpu.memory_space<semaphore_mem>>) src(%dma_wait3A_92 : memref<8x128xf32, #tpu.memory_space<vmem>>) dst(%dma_wait3A_88 : memref<8x128xf32, #tpu.memory_space<hbm>>)
    %mul3A_93 = arith.constant 4 : i32
    %mul3A_94 = arith.muli %rem3A_49, %mul3A_93 : i32
    %add3A_95 = arith.constant 2 : i32
    %add3A_96 = arith.addi %mul3A_94, %add3A_95 : i32
    %dma_wait3A_97 = arith.constant 0 : i32
    %dma_wait3A_98 = arith.constant 0 : i32
    %dma_wait3A_99 = arith.constant 0 : i32
    %dma_wait3A_100 = arith.constant 256 : i32
    %dma_wait3A_101 = tpu.memref_slice %arg7[%dma_wait3A_97, %dma_wait3A_99, %dma_wait3A_100] : memref<2x16x513xf32, #tpu.memory_space<vmem>> -> memref<1x8x128xf32, #tpu.memory_space<vmem>>
    %dma_wait3A_102 = tpu.memref_squeeze %dma_wait3A_101 : memref<1x8x128xf32, #tpu.memory_space<vmem>> -> memref<8x128xf32, #tpu.memory_space<vmem>>
    %dma_wait3A_103 = arith.constant 0 : i32
    %dma_wait3A_104 = arith.constant 0 : i32
    %dma_wait3A_105 = tpu.memref_slice %arg4[%select_n3A, %dma_wait3A_98, %add3A_96, %dma_wait3A_103, %dma_wait3A_104] : memref<50x2x128x8x128xf32, #tpu.memory_space<hbm>> -> memref<1x1x1x8x128xf32, #tpu.memory_space<hbm>>
    %dma_wait3A_106 = tpu.memref_squeeze %dma_wait3A_105 : memref<1x1x1x8x128xf32, #tpu.memory_space<hbm>> -> memref<8x128xf32, #tpu.memory_space<hbm>>
    %dma_wait3A_107 = arith.constant 0 : i32
    %dma_wait3A_108 = arith.constant 0 : i32
    %dma_wait3A_109 = tpu.memref_slice %arg4[%select_n3A, %dma_wait3A_98, %add3A_96, %dma_wait3A_107, %dma_wait3A_108] : memref<50x2x128x8x128xf32, #tpu.memory_space<hbm>> -> memref<1x1x1x8x128xf32, #tpu.memory_space<hbm>>
    %dma_wait3A_110 = tpu.memref_squeeze %dma_wait3A_109 : memref<1x1x1x8x128xf32, #tpu.memory_space<hbm>> -> memref<8x128xf32, #tpu.memory_space<hbm>>
    %dma_wait3A_111 = arith.constant 0 : i32
    %dma_wait3A_112 = arith.constant 256 : i32
    %dma_wait3A_113 = tpu.memref_slice %arg7[%dma_wait3A_97, %dma_wait3A_111, %dma_wait3A_112] : memref<2x16x513xf32, #tpu.memory_space<vmem>> -> memref<1x8x128xf32, #tpu.memory_space<vmem>>
    %dma_wait3A_114 = tpu.memref_squeeze %dma_wait3A_113 : memref<1x8x128xf32, #tpu.memory_space<vmem>> -> memref<8x128xf32, #tpu.memory_space<vmem>>
    tpu.wait_dma2 semaphore(%arg10 : memref<!tpu.dma_semaphore, #tpu.memory_space<semaphore_mem>>) src(%dma_wait3A_114 : memref<8x128xf32, #tpu.memory_space<vmem>>) dst(%dma_wait3A_110 : memref<8x128xf32, #tpu.memory_space<hbm>>)
    %mul3A_115 = arith.constant 4 : i32
    %mul3A_116 = arith.muli %rem3A_49, %mul3A_115 : i32
    %add3A_117 = arith.constant 3 : i32
    %add3A_118 = arith.addi %mul3A_116, %add3A_117 : i32
    %dma_wait3A_119 = arith.constant 0 : i32
    %dma_wait3A_120 = arith.constant 0 : i32
    %dma_wait3A_121 = arith.constant 0 : i32
    %dma_wait3A_122 = arith.constant 384 : i32
    %dma_wait3A_123 = tpu.memref_slice %arg7[%dma_wait3A_119, %dma_wait3A_121, %dma_wait3A_122] : memref<2x16x513xf32, #tpu.memory_space<vmem>> -> memref<1x8x128xf32, #tpu.memory_space<vmem>>
    %dma_wait3A_124 = tpu.memref_squeeze %dma_wait3A_123 : memref<1x8x128xf32, #tpu.memory_space<vmem>> -> memref<8x128xf32, #tpu.memory_space<vmem>>
    %dma_wait3A_125 = arith.constant 0 : i32
    %dma_wait3A_126 = arith.constant 0 : i32
    %dma_wait3A_127 = tpu.memref_slice %arg4[%select_n3A, %dma_wait3A_120, %add3A_118, %dma_wait3A_125, %dma_wait3A_126] : memref<50x2x128x8x128xf32, #tpu.memory_space<hbm>> -> memref<1x1x1x8x128xf32, #tpu.memory_space<hbm>>
    %dma_wait3A_128 = tpu.memref_squeeze %dma_wait3A_127 : memref<1x1x1x8x128xf32, #tpu.memory_space<hbm>> -> memref<8x128xf32, #tpu.memory_space<hbm>>
    %dma_wait3A_129 = arith.constant 0 : i32
    %dma_wait3A_130 = arith.constant 0 : i32
    %dma_wait3A_131 = tpu.memref_slice %arg4[%select_n3A, %dma_wait3A_120, %add3A_118, %dma_wait3A_129, %dma_wait3A_130] : memref<50x2x128x8x128xf32, #tpu.memory_space<hbm>> -> memref<1x1x1x8x128xf32, #tpu.memory_space<hbm>>
    %dma_wait3A_132 = tpu.memref_squeeze %dma_wait3A_131 : memref<1x1x1x8x128xf32, #tpu.memory_space<hbm>> -> memref<8x128xf32, #tpu.memory_space<hbm>>
    %dma_wait3A_133 = arith.constant 0 : i32
    %dma_wait3A_134 = arith.constant 384 : i32
    %dma_wait3A_135 = tpu.memref_slice %arg7[%dma_wait3A_119, %dma_wait3A_133, %dma_wait3A_134] : memref<2x16x513xf32, #tpu.memory_space<vmem>> -> memref<1x8x128xf32, #tpu.memory_space<vmem>>
    %dma_wait3A_136 = tpu.memref_squeeze %dma_wait3A_135 : memref<1x8x128xf32, #tpu.memory_space<vmem>> -> memref<8x128xf32, #tpu.memory_space<vmem>>
    tpu.wait_dma2 semaphore(%arg10 : memref<!tpu.dma_semaphore, #tpu.memory_space<semaphore_mem>>) src(%dma_wait3A_136 : memref<8x128xf32, #tpu.memory_space<vmem>>) dst(%dma_wait3A_132 : memref<8x128xf32, #tpu.memory_space<hbm>>)
    %mul3A_137 = arith.constant 4 : i32
    %mul3A_138 = arith.muli %rem3A_49, %mul3A_137 : i32
    %add3A_139 = arith.constant 0 : i32
    %add3A_140 = arith.addi %mul3A_138, %add3A_139 : i32
    %dma_wait3A_141 = arith.constant 0 : i32
    %dma_wait3A_142 = arith.constant 1 : i32
    %dma_wait3A_143 = arith.constant 8 : i32
    %dma_wait3A_144 = arith.constant 0 : i32
    %dma_wait3A_145 = tpu.memref_slice %arg7[%dma_wait3A_141, %dma_wait3A_143, %dma_wait3A_144] : memref<2x16x513xf32, #tpu.memory_space<vmem>> -> memref<1x8x128xf32, #tpu.memory_space<vmem>>
    %dma_wait3A_146 = tpu.memref_squeeze %dma_wait3A_145 : memref<1x8x128xf32, #tpu.memory_space<vmem>> -> memref<8x128xf32, #tpu.memory_space<vmem>>
    %dma_wait3A_147 = arith.constant 0 : i32
    %dma_wait3A_148 = arith.constant 0 : i32
    %dma_wait3A_149 = tpu.memref_slice %arg4[%select_n3A, %dma_wait3A_142, %add3A_140, %dma_wait3A_147, %dma_wait3A_148] : memref<50x2x128x8x128xf32, #tpu.memory_space<hbm>> -> memref<1x1x1x8x128xf32, #tpu.memory_space<hbm>>
    %dma_wait3A_150 = tpu.memref_squeeze %dma_wait3A_149 : memref<1x1x1x8x128xf32, #tpu.memory_space<hbm>> -> memref<8x128xf32, #tpu.memory_space<hbm>>
    %dma_wait3A_151 = arith.constant 0 : i32
    %dma_wait3A_152 = arith.constant 0 : i32
    %dma_wait3A_153 = tpu.memref_slice %arg4[%select_n3A, %dma_wait3A_142, %add3A_140, %dma_wait3A_151, %dma_wait3A_152] : memref<50x2x128x8x128xf32, #tpu.memory_space<hbm>> -> memref<1x1x1x8x128xf32, #tpu.memory_space<hbm>>
    %dma_wait3A_154 = tpu.memref_squeeze %dma_wait3A_153 : memref<1x1x1x8x128xf32, #tpu.memory_space<hbm>> -> memref<8x128xf32, #tpu.memory_space<hbm>>
    %dma_wait3A_155 = arith.constant 8 : i32
    %dma_wait3A_156 = arith.constant 0 : i32
    %dma_wait3A_157 = tpu.memref_slice %arg7[%dma_wait3A_141, %dma_wait3A_155, %dma_wait3A_156] : memref<2x16x513xf32, #tpu.memory_space<vmem>> -> memref<1x8x128xf32, #tpu.memory_space<vmem>>
    %dma_wait3A_158 = tpu.memref_squeeze %dma_wait3A_157 : memref<1x8x128xf32, #tpu.memory_space<vmem>> -> memref<8x128xf32, #tpu.memory_space<vmem>>
    tpu.wait_dma2 semaphore(%arg10 : memref<!tpu.dma_semaphore, #tpu.memory_space<semaphore_mem>>) src(%dma_wait3A_158 : memref<8x128xf32, #tpu.memory_space<vmem>>) dst(%dma_wait3A_154 : memref<8x128xf32, #tpu.memory_space<hbm>>)
    %mul3A_159 = arith.constant 4 : i32
    %mul3A_160 = arith.muli %rem3A_49, %mul3A_159 : i32
    %add3A_161 = arith.constant 1 : i32
    %add3A_162 = arith.addi %mul3A_160, %add3A_161 : i32
    %dma_wait3A_163 = arith.constant 0 : i32
    %dma_wait3A_164 = arith.constant 1 : i32
    %dma_wait3A_165 = arith.constant 8 : i32
    %dma_wait3A_166 = arith.constant 128 : i32
    %dma_wait3A_167 = tpu.memref_slice %arg7[%dma_wait3A_163, %dma_wait3A_165, %dma_wait3A_166] : memref<2x16x513xf32, #tpu.memory_space<vmem>> -> memref<1x8x128xf32, #tpu.memory_space<vmem>>
    %dma_wait3A_168 = tpu.memref_squeeze %dma_wait3A_167 : memref<1x8x128xf32, #tpu.memory_space<vmem>> -> memref<8x128xf32, #tpu.memory_space<vmem>>
    %dma_wait3A_169 = arith.constant 0 : i32
    %dma_wait3A_170 = arith.constant 0 : i32
    %dma_wait3A_171 = tpu.memref_slice %arg4[%select_n3A, %dma_wait3A_164, %add3A_162, %dma_wait3A_169, %dma_wait3A_170] : memref<50x2x128x8x128xf32, #tpu.memory_space<hbm>> -> memref<1x1x1x8x128xf32, #tpu.memory_space<hbm>>
    %dma_wait3A_172 = tpu.memref_squeeze %dma_wait3A_171 : memref<1x1x1x8x128xf32, #tpu.memory_space<hbm>> -> memref<8x128xf32, #tpu.memory_space<hbm>>
    %dma_wait3A_173 = arith.constant 0 : i32
    %dma_wait3A_174 = arith.constant 0 : i32
    %dma_wait3A_175 = tpu.memref_slice %arg4[%select_n3A, %dma_wait3A_164, %add3A_162, %dma_wait3A_173, %dma_wait3A_174] : memref<50x2x128x8x128xf32, #tpu.memory_space<hbm>> -> memref<1x1x1x8x128xf32, #tpu.memory_space<hbm>>
    %dma_wait3A_176 = tpu.memref_squeeze %dma_wait3A_175 : memref<1x1x1x8x128xf32, #tpu.memory_space<hbm>> -> memref<8x128xf32, #tpu.memory_space<hbm>>
    %dma_wait3A_177 = arith.constant 8 : i32
    %dma_wait3A_178 = arith.constant 128 : i32
    %dma_wait3A_179 = tpu.memref_slice %arg7[%dma_wait3A_163, %dma_wait3A_177, %dma_wait3A_178] : memref<2x16x513xf32, #tpu.memory_space<vmem>> -> memref<1x8x128xf32, #tpu.memory_space<vmem>>
    %dma_wait3A_180 = tpu.memref_squeeze %dma_wait3A_179 : memref<1x8x128xf32, #tpu.memory_space<vmem>> -> memref<8x128xf32, #tpu.memory_space<vmem>>
    tpu.wait_dma2 semaphore(%arg10 : memref<!tpu.dma_semaphore, #tpu.memory_space<semaphore_mem>>) src(%dma_wait3A_180 : memref<8x128xf32, #tpu.memory_space<vmem>>) dst(%dma_wait3A_176 : memref<8x128xf32, #tpu.memory_space<hbm>>)
    %mul3A_181 = arith.constant 4 : i32
    %mul3A_182 = arith.muli %rem3A_49, %mul3A_181 : i32
    %add3A_183 = arith.constant 2 : i32
    %add3A_184 = arith.addi %mul3A_182, %add3A_183 : i32
    %dma_wait3A_185 = arith.constant 0 : i32
    %dma_wait3A_186 = arith.constant 1 : i32
    %dma_wait3A_187 = arith.constant 8 : i32
    %dma_wait3A_188 = arith.constant 256 : i32
    %dma_wait3A_189 = tpu.memref_slice %arg7[%dma_wait3A_185, %dma_wait3A_187, %dma_wait3A_188] : memref<2x16x513xf32, #tpu.memory_space<vmem>> -> memref<1x8x128xf32, #tpu.memory_space<vmem>>
    %dma_wait3A_190 = tpu.memref_squeeze %dma_wait3A_189 : memref<1x8x128xf32, #tpu.memory_space<vmem>> -> memref<8x128xf32, #tpu.memory_space<vmem>>
    %dma_wait3A_191 = arith.constant 0 : i32
    %dma_wait3A_192 = arith.constant 0 : i32
    %dma_wait3A_193 = tpu.memref_slice %arg4[%select_n3A, %dma_wait3A_186, %add3A_184, %dma_wait3A_191, %dma_wait3A_192] : memref<50x2x128x8x128xf32, #tpu.memory_space<hbm>> -> memref<1x1x1x8x128xf32, #tpu.memory_space<hbm>>
    %dma_wait3A_194 = tpu.memref_squeeze %dma_wait3A_193 : memref<1x1x1x8x128xf32, #tpu.memory_space<hbm>> -> memref<8x128xf32, #tpu.memory_space<hbm>>
    %dma_wait3A_195 = arith.constant 0 : i32
    %dma_wait3A_196 = arith.constant 0 : i32
    %dma_wait3A_197 = tpu.memref_slice %arg4[%select_n3A, %dma_wait3A_186, %add3A_184, %dma_wait3A_195, %dma_wait3A_196] : memref<50x2x128x8x128xf32, #tpu.memory_space<hbm>> -> memref<1x1x1x8x128xf32, #tpu.memory_space<hbm>>
    %dma_wait3A_198 = tpu.memref_squeeze %dma_wait3A_197 : memref<1x1x1x8x128xf32, #tpu.memory_space<hbm>> -> memref<8x128xf32, #tpu.memory_space<hbm>>
    %dma_wait3A_199 = arith.constant 8 : i32
    %dma_wait3A_200 = arith.constant 256 : i32
    %dma_wait3A_201 = tpu.memref_slice %arg7[%dma_wait3A_185, %dma_wait3A_199, %dma_wait3A_200] : memref<2x16x513xf32, #tpu.memory_space<vmem>> -> memref<1x8x128xf32, #tpu.memory_space<vmem>>
    %dma_wait3A_202 = tpu.memref_squeeze %dma_wait3A_201 : memref<1x8x128xf32, #tpu.memory_space<vmem>> -> memref<8x128xf32, #tpu.memory_space<vmem>>
    tpu.wait_dma2 semaphore(%arg10 : memref<!tpu.dma_semaphore, #tpu.memory_space<semaphore_mem>>) src(%dma_wait3A_202 : memref<8x128xf32, #tpu.memory_space<vmem>>) dst(%dma_wait3A_198 : memref<8x128xf32, #tpu.memory_space<hbm>>)
    %mul3A_203 = arith.constant 4 : i32
    %mul3A_204 = arith.muli %rem3A_49, %mul3A_203 : i32
    %add3A_205 = arith.constant 3 : i32
    %add3A_206 = arith.addi %mul3A_204, %add3A_205 : i32
    %dma_wait3A_207 = arith.constant 0 : i32
    %dma_wait3A_208 = arith.constant 1 : i32
    %dma_wait3A_209 = arith.constant 8 : i32
    %dma_wait3A_210 = arith.constant 384 : i32
    %dma_wait3A_211 = tpu.memref_slice %arg7[%dma_wait3A_207, %dma_wait3A_209, %dma_wait3A_210] : memref<2x16x513xf32, #tpu.memory_space<vmem>> -> memref<1x8x128xf32, #tpu.memory_space<vmem>>
    %dma_wait3A_212 = tpu.memref_squeeze %dma_wait3A_211 : memref<1x8x128xf32, #tpu.memory_space<vmem>> -> memref<8x128xf32, #tpu.memory_space<vmem>>
    %dma_wait3A_213 = arith.constant 0 : i32
    %dma_wait3A_214 = arith.constant 0 : i32
    %dma_wait3A_215 = tpu.memref_slice %arg4[%select_n3A, %dma_wait3A_208, %add3A_206, %dma_wait3A_213, %dma_wait3A_214] : memref<50x2x128x8x128xf32, #tpu.memory_space<hbm>> -> memref<1x1x1x8x128xf32, #tpu.memory_space<hbm>>
    %dma_wait3A_216 = tpu.memref_squeeze %dma_wait3A_215 : memref<1x1x1x8x128xf32, #tpu.memory_space<hbm>> -> memref<8x128xf32, #tpu.memory_space<hbm>>
    %dma_wait3A_217 = arith.constant 0 : i32
    %dma_wait3A_218 = arith.constant 0 : i32
    %dma_wait3A_219 = tpu.memref_slice %arg4[%select_n3A, %dma_wait3A_208, %add3A_206, %dma_wait3A_217, %dma_wait3A_218] : memref<50x2x128x8x128xf32, #tpu.memory_space<hbm>> -> memref<1x1x1x8x128xf32, #tpu.memory_space<hbm>>
    %dma_wait3A_220 = tpu.memref_squeeze %dma_wait3A_219 : memref<1x1x1x8x128xf32, #tpu.memory_space<hbm>> -> memref<8x128xf32, #tpu.memory_space<hbm>>
    %dma_wait3A_221 = arith.constant 8 : i32
    %dma_wait3A_222 = arith.constant 384 : i32
    %dma_wait3A_223 = tpu.memref_slice %arg7[%dma_wait3A_207, %dma_wait3A_221, %dma_wait3A_222] : memref<2x16x513xf32, #tpu.memory_space<vmem>> -> memref<1x8x128xf32, #tpu.memory_space<vmem>>
    %dma_wait3A_224 = tpu.memref_squeeze %dma_wait3A_223 : memref<1x8x128xf32, #tpu.memory_space<vmem>> -> memref<8x128xf32, #tpu.memory_space<vmem>>
    tpu.wait_dma2 semaphore(%arg10 : memref<!tpu.dma_semaphore, #tpu.memory_space<semaphore_mem>>) src(%dma_wait3A_224 : memref<8x128xf32, #tpu.memory_space<vmem>>) dst(%dma_wait3A_220 : memref<8x128xf32, #tpu.memory_space<hbm>>)
    %add3A_225 = arith.constant 49 : i32
    %add3A_226 = arith.addi %mul3A_2, %add3A_225 : i32
    %jit3A_227 = arith.constant 32 : i32
    %div3A_228 = arith.divsi %add3A_226, %jit3A_227 : i32
    %sign3A_229 = arith.constant 0 : i32
    %sign3A_230 = arith.cmpi sgt, %add3A_226, %sign3A_229 : i32
    %sign3A_231 = arith.extui %sign3A_230 : i1 to i32
    %sign3A_232 = arith.constant 0 : i32
    %sign3A_233 = arith.cmpi slt, %add3A_226, %sign3A_232 : i32
    %sign3A_234 = arith.extui %sign3A_233 : i1 to i32
    %sign3A_235 = arith.subi %sign3A_231, %sign3A_234 : i32
    %sign3A_236 = arith.constant 0 : i32
    %sign3A_237 = arith.cmpi sgt, %jit3A_227, %sign3A_236 : i32
    %sign3A_238 = arith.extui %sign3A_237 : i1 to i32
    %sign3A_239 = arith.constant 0 : i32
    %sign3A_240 = arith.cmpi slt, %jit3A_227, %sign3A_239 : i32
    %sign3A_241 = arith.extui %sign3A_240 : i1 to i32
    %sign3A_242 = arith.subi %sign3A_238, %sign3A_241 : i32
    %ne3A_243 = arith.cmpi ne, %sign3A_235, %sign3A_242 : i32
    %rem3A_244 = arith.remsi %add3A_226, %jit3A_227 : i32
    %ne3A_245 = arith.constant 0 : i32
    %ne3A_246 = arith.cmpi ne, %rem3A_244, %ne3A_245 : i32
    %and3A_247 = arith.andi %ne3A_243, %ne3A_246 : i1
    %sub3A_248 = arith.constant 1 : i32
    %sub3A_249 = arith.subi %div3A_228, %sub3A_248 : i32
    %select_n3A_250 = arith.select %and3A_247, %sub3A_249, %div3A_228 : i32
    %rem3A_251 = arith.constant 32 : i32
    %rem3A_252 = arith.remsi %add3A_226, %rem3A_251 : i32
    %mul3A_253 = arith.constant 4 : i32
    %mul3A_254 = arith.muli %rem3A_252, %mul3A_253 : i32
    %add3A_255 = arith.constant 0 : i32
    %add3A_256 = arith.addi %mul3A_254, %add3A_255 : i32
    %dma_wait3A_257 = arith.constant 1 : i32
    %dma_wait3A_258 = arith.constant 0 : i32
    %dma_wait3A_259 = arith.constant 0 : i32
    %dma_wait3A_260 = arith.constant 0 : i32
    %dma_wait3A_261 = tpu.memref_slice %arg7[%dma_wait3A_257, %dma_wait3A_259, %dma_wait3A_260] : memref<2x16x513xf32, #tpu.memory_space<vmem>> -> memref<1x8x128xf32, #tpu.memory_space<vmem>>
    %dma_wait3A_262 = tpu.memref_squeeze %dma_wait3A_261 : memref<1x8x128xf32, #tpu.memory_space<vmem>> -> memref<8x128xf32, #tpu.memory_space<vmem>>
    %dma_wait3A_263 = arith.constant 0 : i32
    %dma_wait3A_264 = arith.constant 0 : i32
    %dma_wait3A_265 = tpu.memref_slice %arg4[%select_n3A_250, %dma_wait3A_258, %add3A_256, %dma_wait3A_263, %dma_wait3A_264] : memref<50x2x128x8x128xf32, #tpu.memory_space<hbm>> -> memref<1x1x1x8x128xf32, #tpu.memory_space<hbm>>
    %dma_wait3A_266 = tpu.memref_squeeze %dma_wait3A_265 : memref<1x1x1x8x128xf32, #tpu.memory_space<hbm>> -> memref<8x128xf32, #tpu.memory_space<hbm>>
    %dma_wait3A_267 = arith.constant 0 : i32
    %dma_wait3A_268 = arith.constant 0 : i32
    %dma_wait3A_269 = tpu.memref_slice %arg4[%select_n3A_250, %dma_wait3A_258, %add3A_256, %dma_wait3A_267, %dma_wait3A_268] : memref<50x2x128x8x128xf32, #tpu.memory_space<hbm>> -> memref<1x1x1x8x128xf32, #tpu.memory_space<hbm>>
    %dma_wait3A_270 = tpu.memref_squeeze %dma_wait3A_269 : memref<1x1x1x8x128xf32, #tpu.memory_space<hbm>> -> memref<8x128xf32, #tpu.memory_space<hbm>>
    %dma_wait3A_271 = arith.constant 0 : i32
    %dma_wait3A_272 = arith.constant 0 : i32
    %dma_wait3A_273 = tpu.memref_slice %arg7[%dma_wait3A_257, %dma_wait3A_271, %dma_wait3A_272] : memref<2x16x513xf32, #tpu.memory_space<vmem>> -> memref<1x8x128xf32, #tpu.memory_space<vmem>>
    %dma_wait3A_274 = tpu.memref_squeeze %dma_wait3A_273 : memref<1x8x128xf32, #tpu.memory_space<vmem>> -> memref<8x128xf32, #tpu.memory_space<vmem>>
    tpu.wait_dma2 semaphore(%arg11 : memref<!tpu.dma_semaphore, #tpu.memory_space<semaphore_mem>>) src(%dma_wait3A_274 : memref<8x128xf32, #tpu.memory_space<vmem>>) dst(%dma_wait3A_270 : memref<8x128xf32, #tpu.memory_space<hbm>>)
    %mul3A_275 = arith.constant 4 : i32
    %mul3A_276 = arith.muli %rem3A_252, %mul3A_275 : i32
    %add3A_277 = arith.constant 1 : i32
    %add3A_278 = arith.addi %mul3A_276, %add3A_277 : i32
    %dma_wait3A_279 = arith.constant 1 : i32
    %dma_wait3A_280 = arith.constant 0 : i32
    %dma_wait3A_281 = arith.constant 0 : i32
    %dma_wait3A_282 = arith.constant 128 : i32
    %dma_wait3A_283 = tpu.memref_slice %arg7[%dma_wait3A_279, %dma_wait3A_281, %dma_wait3A_282] : memref<2x16x513xf32, #tpu.memory_space<vmem>> -> memref<1x8x128xf32, #tpu.memory_space<vmem>>
    %dma_wait3A_284 = tpu.memref_squeeze %dma_wait3A_283 : memref<1x8x128xf32, #tpu.memory_space<vmem>> -> memref<8x128xf32, #tpu.memory_space<vmem>>
    %dma_wait3A_285 = arith.constant 0 : i32
    %dma_wait3A_286 = arith.constant 0 : i32
    %dma_wait3A_287 = tpu.memref_slice %arg4[%select_n3A_250, %dma_wait3A_280, %add3A_278, %dma_wait3A_285, %dma_wait3A_286] : memref<50x2x128x8x128xf32, #tpu.memory_space<hbm>> -> memref<1x1x1x8x128xf32, #tpu.memory_space<hbm>>
    %dma_wait3A_288 = tpu.memref_squeeze %dma_wait3A_287 : memref<1x1x1x8x128xf32, #tpu.memory_space<hbm>> -> memref<8x128xf32, #tpu.memory_space<hbm>>
    %dma_wait3A_289 = arith.constant 0 : i32
    %dma_wait3A_290 = arith.constant 0 : i32
    %dma_wait3A_291 = tpu.memref_slice %arg4[%select_n3A_250, %dma_wait3A_280, %add3A_278, %dma_wait3A_289, %dma_wait3A_290] : memref<50x2x128x8x128xf32, #tpu.memory_space<hbm>> -> memref<1x1x1x8x128xf32, #tpu.memory_space<hbm>>
    %dma_wait3A_292 = tpu.memref_squeeze %dma_wait3A_291 : memref<1x1x1x8x128xf32, #tpu.memory_space<hbm>> -> memref<8x128xf32, #tpu.memory_space<hbm>>
    %dma_wait3A_293 = arith.constant 0 : i32
    %dma_wait3A_294 = arith.constant 128 : i32
    %dma_wait3A_295 = tpu.memref_slice %arg7[%dma_wait3A_279, %dma_wait3A_293, %dma_wait3A_294] : memref<2x16x513xf32, #tpu.memory_space<vmem>> -> memref<1x8x128xf32, #tpu.memory_space<vmem>>
    %dma_wait3A_296 = tpu.memref_squeeze %dma_wait3A_295 : memref<1x8x128xf32, #tpu.memory_space<vmem>> -> memref<8x128xf32, #tpu.memory_space<vmem>>
    tpu.wait_dma2 semaphore(%arg11 : memref<!tpu.dma_semaphore, #tpu.memory_space<semaphore_mem>>) src(%dma_wait3A_296 : memref<8x128xf32, #tpu.memory_space<vmem>>) dst(%dma_wait3A_292 : memref<8x128xf32, #tpu.memory_space<hbm>>)
    %mul3A_297 = arith.constant 4 : i32
    %mul3A_298 = arith.muli %rem3A_252, %mul3A_297 : i32
    %add3A_299 = arith.constant 2 : i32
    %add3A_300 = arith.addi %mul3A_298, %add3A_299 : i32
    %dma_wait3A_301 = arith.constant 1 : i32
    %dma_wait3A_302 = arith.constant 0 : i32
    %dma_wait3A_303 = arith.constant 0 : i32
    %dma_wait3A_304 = arith.constant 256 : i32
    %dma_wait3A_305 = tpu.memref_slice %arg7[%dma_wait3A_301, %dma_wait3A_303, %dma_wait3A_304] : memref<2x16x513xf32, #tpu.memory_space<vmem>> -> memref<1x8x128xf32, #tpu.memory_space<vmem>>
    %dma_wait3A_306 = tpu.memref_squeeze %dma_wait3A_305 : memref<1x8x128xf32, #tpu.memory_space<vmem>> -> memref<8x128xf32, #tpu.memory_space<vmem>>
    %dma_wait3A_307 = arith.constant 0 : i32
    %dma_wait3A_308 = arith.constant 0 : i32
    %dma_wait3A_309 = tpu.memref_slice %arg4[%select_n3A_250, %dma_wait3A_302, %add3A_300, %dma_wait3A_307, %dma_wait3A_308] : memref<50x2x128x8x128xf32, #tpu.memory_space<hbm>> -> memref<1x1x1x8x128xf32, #tpu.memory_space<hbm>>
    %dma_wait3A_310 = tpu.memref_squeeze %dma_wait3A_309 : memref<1x1x1x8x128xf32, #tpu.memory_space<hbm>> -> memref<8x128xf32, #tpu.memory_space<hbm>>
    %dma_wait3A_311 = arith.constant 0 : i32
    %dma_wait3A_312 = arith.constant 0 : i32
    %dma_wait3A_313 = tpu.memref_slice %arg4[%select_n3A_250, %dma_wait3A_302, %add3A_300, %dma_wait3A_311, %dma_wait3A_312] : memref<50x2x128x8x128xf32, #tpu.memory_space<hbm>> -> memref<1x1x1x8x128xf32, #tpu.memory_space<hbm>>
    %dma_wait3A_314 = tpu.memref_squeeze %dma_wait3A_313 : memref<1x1x1x8x128xf32, #tpu.memory_space<hbm>> -> memref<8x128xf32, #tpu.memory_space<hbm>>
    %dma_wait3A_315 = arith.constant 0 : i32
    %dma_wait3A_316 = arith.constant 256 : i32
    %dma_wait3A_317 = tpu.memref_slice %arg7[%dma_wait3A_301, %dma_wait3A_315, %dma_wait3A_316] : memref<2x16x513xf32, #tpu.memory_space<vmem>> -> memref<1x8x128xf32, #tpu.memory_space<vmem>>
    %dma_wait3A_318 = tpu.memref_squeeze %dma_wait3A_317 : memref<1x8x128xf32, #tpu.memory_space<vmem>> -> memref<8x128xf32, #tpu.memory_space<vmem>>
    tpu.wait_dma2 semaphore(%arg11 : memref<!tpu.dma_semaphore, #tpu.memory_space<semaphore_mem>>) src(%dma_wait3A_318 : memref<8x128xf32, #tpu.memory_space<vmem>>) dst(%dma_wait3A_314 : memref<8x128xf32, #tpu.memory_space<hbm>>)
    %mul3A_319 = arith.constant 4 : i32
    %mul3A_320 = arith.muli %rem3A_252, %mul3A_319 : i32
    %add3A_321 = arith.constant 3 : i32
    %add3A_322 = arith.addi %mul3A_320, %add3A_321 : i32
    %dma_wait3A_323 = arith.constant 1 : i32
    %dma_wait3A_324 = arith.constant 0 : i32
    %dma_wait3A_325 = arith.constant 0 : i32
    %dma_wait3A_326 = arith.constant 384 : i32
    %dma_wait3A_327 = tpu.memref_slice %arg7[%dma_wait3A_323, %dma_wait3A_325, %dma_wait3A_326] : memref<2x16x513xf32, #tpu.memory_space<vmem>> -> memref<1x8x128xf32, #tpu.memory_space<vmem>>
    %dma_wait3A_328 = tpu.memref_squeeze %dma_wait3A_327 : memref<1x8x128xf32, #tpu.memory_space<vmem>> -> memref<8x128xf32, #tpu.memory_space<vmem>>
    %dma_wait3A_329 = arith.constant 0 : i32
    %dma_wait3A_330 = arith.constant 0 : i32
    %dma_wait3A_331 = tpu.memref_slice %arg4[%select_n3A_250, %dma_wait3A_324, %add3A_322, %dma_wait3A_329, %dma_wait3A_330] : memref<50x2x128x8x128xf32, #tpu.memory_space<hbm>> -> memref<1x1x1x8x128xf32, #tpu.memory_space<hbm>>
    %dma_wait3A_332 = tpu.memref_squeeze %dma_wait3A_331 : memref<1x1x1x8x128xf32, #tpu.memory_space<hbm>> -> memref<8x128xf32, #tpu.memory_space<hbm>>
    %dma_wait3A_333 = arith.constant 0 : i32
    %dma_wait3A_334 = arith.constant 0 : i32
    %dma_wait3A_335 = tpu.memref_slice %arg4[%select_n3A_250, %dma_wait3A_324, %add3A_322, %dma_wait3A_333, %dma_wait3A_334] : memref<50x2x128x8x128xf32, #tpu.memory_space<hbm>> -> memref<1x1x1x8x128xf32, #tpu.memory_space<hbm>>
    %dma_wait3A_336 = tpu.memref_squeeze %dma_wait3A_335 : memref<1x1x1x8x128xf32, #tpu.memory_space<hbm>> -> memref<8x128xf32, #tpu.memory_space<hbm>>
    %dma_wait3A_337 = arith.constant 0 : i32
    %dma_wait3A_338 = arith.constant 384 : i32
    %dma_wait3A_339 = tpu.memref_slice %arg7[%dma_wait3A_323, %dma_wait3A_337, %dma_wait3A_338] : memref<2x16x513xf32, #tpu.memory_space<vmem>> -> memref<1x8x128xf32, #tpu.memory_space<vmem>>
    %dma_wait3A_340 = tpu.memref_squeeze %dma_wait3A_339 : memref<1x8x128xf32, #tpu.memory_space<vmem>> -> memref<8x128xf32, #tpu.memory_space<vmem>>
    tpu.wait_dma2 semaphore(%arg11 : memref<!tpu.dma_semaphore, #tpu.memory_space<semaphore_mem>>) src(%dma_wait3A_340 : memref<8x128xf32, #tpu.memory_space<vmem>>) dst(%dma_wait3A_336 : memref<8x128xf32, #tpu.memory_space<hbm>>)
    %mul3A_341 = arith.constant 4 : i32
    %mul3A_342 = arith.muli %rem3A_252, %mul3A_341 : i32
    %add3A_343 = arith.constant 0 : i32
    %add3A_344 = arith.addi %mul3A_342, %add3A_343 : i32
    %dma_wait3A_345 = arith.constant 1 : i32
    %dma_wait3A_346 = arith.constant 1 : i32
    %dma_wait3A_347 = arith.constant 8 : i32
    %dma_wait3A_348 = arith.constant 0 : i32
    %dma_wait3A_349 = tpu.memref_slice %arg7[%dma_wait3A_345, %dma_wait3A_347, %dma_wait3A_348] : memref<2x16x513xf32, #tpu.memory_space<vmem>> -> memref<1x8x128xf32, #tpu.memory_space<vmem>>
    %dma_wait3A_350 = tpu.memref_squeeze %dma_wait3A_349 : memref<1x8x128xf32, #tpu.memory_space<vmem>> -> memref<8x128xf32, #tpu.memory_space<vmem>>
    %dma_wait3A_351 = arith.constant 0 : i32
    %dma_wait3A_352 = arith.constant 0 : i32
    %dma_wait3A_353 = tpu.memref_slice %arg4[%select_n3A_250, %dma_wait3A_346, %add3A_344, %dma_wait3A_351, %dma_wait3A_352] : memref<50x2x128x8x128xf32, #tpu.memory_space<hbm>> -> memref<1x1x1x8x128xf32, #tpu.memory_space<hbm>>
    %dma_wait3A_354 = tpu.memref_squeeze %dma_wait3A_353 : memref<1x1x1x8x128xf32, #tpu.memory_space<hbm>> -> memref<8x128xf32, #tpu.memory_space<hbm>>
    %dma_wait3A_355 = arith.constant 0 : i32
    %dma_wait3A_356 = arith.constant 0 : i32
    %dma_wait3A_357 = tpu.memref_slice %arg4[%select_n3A_250, %dma_wait3A_346, %add3A_344, %dma_wait3A_355, %dma_wait3A_356] : memref<50x2x128x8x128xf32, #tpu.memory_space<hbm>> -> memref<1x1x1x8x128xf32, #tpu.memory_space<hbm>>
    %dma_wait3A_358 = tpu.memref_squeeze %dma_wait3A_357 : memref<1x1x1x8x128xf32, #tpu.memory_space<hbm>> -> memref<8x128xf32, #tpu.memory_space<hbm>>
    %dma_wait3A_359 = arith.constant 8 : i32
    %dma_wait3A_360 = arith.constant 0 : i32
    %dma_wait3A_361 = tpu.memref_slice %arg7[%dma_wait3A_345, %dma_wait3A_359, %dma_wait3A_360] : memref<2x16x513xf32, #tpu.memory_space<vmem>> -> memref<1x8x128xf32, #tpu.memory_space<vmem>>
    %dma_wait3A_362 = tpu.memref_squeeze %dma_wait3A_361 : memref<1x8x128xf32, #tpu.memory_space<vmem>> -> memref<8x128xf32, #tpu.memory_space<vmem>>
    tpu.wait_dma2 semaphore(%arg11 : memref<!tpu.dma_semaphore, #tpu.memory_space<semaphore_mem>>) src(%dma_wait3A_362 : memref<8x128xf32, #tpu.memory_space<vmem>>) dst(%dma_wait3A_358 : memref<8x128xf32, #tpu.memory_space<hbm>>)
    %mul3A_363 = arith.constant 4 : i32
    %mul3A_364 = arith.muli %rem3A_252, %mul3A_363 : i32
    %add3A_365 = arith.constant 1 : i32
    %add3A_366 = arith.addi %mul3A_364, %add3A_365 : i32
    %dma_wait3A_367 = arith.constant 1 : i32
    %dma_wait3A_368 = arith.constant 1 : i32
    %dma_wait3A_369 = arith.constant 8 : i32
    %dma_wait3A_370 = arith.constant 128 : i32
    %dma_wait3A_371 = tpu.memref_slice %arg7[%dma_wait3A_367, %dma_wait3A_369, %dma_wait3A_370] : memref<2x16x513xf32, #tpu.memory_space<vmem>> -> memref<1x8x128xf32, #tpu.memory_space<vmem>>
    %dma_wait3A_372 = tpu.memref_squeeze %dma_wait3A_371 : memref<1x8x128xf32, #tpu.memory_space<vmem>> -> memref<8x128xf32, #tpu.memory_space<vmem>>
    %dma_wait3A_373 = arith.constant 0 : i32
    %dma_wait3A_374 = arith.constant 0 : i32
    %dma_wait3A_375 = tpu.memref_slice %arg4[%select_n3A_250, %dma_wait3A_368, %add3A_366, %dma_wait3A_373, %dma_wait3A_374] : memref<50x2x128x8x128xf32, #tpu.memory_space<hbm>> -> memref<1x1x1x8x128xf32, #tpu.memory_space<hbm>>
    %dma_wait3A_376 = tpu.memref_squeeze %dma_wait3A_375 : memref<1x1x1x8x128xf32, #tpu.memory_space<hbm>> -> memref<8x128xf32, #tpu.memory_space<hbm>>
    %dma_wait3A_377 = arith.constant 0 : i32
    %dma_wait3A_378 = arith.constant 0 : i32
    %dma_wait3A_379 = tpu.memref_slice %arg4[%select_n3A_250, %dma_wait3A_368, %add3A_366, %dma_wait3A_377, %dma_wait3A_378] : memref<50x2x128x8x128xf32, #tpu.memory_space<hbm>> -> memref<1x1x1x8x128xf32, #tpu.memory_space<hbm>>
    %dma_wait3A_380 = tpu.memref_squeeze %dma_wait3A_379 : memref<1x1x1x8x128xf32, #tpu.memory_space<hbm>> -> memref<8x128xf32, #tpu.memory_space<hbm>>
    %dma_wait3A_381 = arith.constant 8 : i32
    %dma_wait3A_382 = arith.constant 128 : i32
    %dma_wait3A_383 = tpu.memref_slice %arg7[%dma_wait3A_367, %dma_wait3A_381, %dma_wait3A_382] : memref<2x16x513xf32, #tpu.memory_space<vmem>> -> memref<1x8x128xf32, #tpu.memory_space<vmem>>
    %dma_wait3A_384 = tpu.memref_squeeze %dma_wait3A_383 : memref<1x8x128xf32, #tpu.memory_space<vmem>> -> memref<8x128xf32, #tpu.memory_space<vmem>>
    tpu.wait_dma2 semaphore(%arg11 : memref<!tpu.dma_semaphore, #tpu.memory_space<semaphore_mem>>) src(%dma_wait3A_384 : memref<8x128xf32, #tpu.memory_space<vmem>>) dst(%dma_wait3A_380 : memref<8x128xf32, #tpu.memory_space<hbm>>)
    %mul3A_385 = arith.constant 4 : i32
    %mul3A_386 = arith.muli %rem3A_252, %mul3A_385 : i32
    %add3A_387 = arith.constant 2 : i32
    %add3A_388 = arith.addi %mul3A_386, %add3A_387 : i32
    %dma_wait3A_389 = arith.constant 1 : i32
    %dma_wait3A_390 = arith.constant 1 : i32
    %dma_wait3A_391 = arith.constant 8 : i32
    %dma_wait3A_392 = arith.constant 256 : i32
    %dma_wait3A_393 = tpu.memref_slice %arg7[%dma_wait3A_389, %dma_wait3A_391, %dma_wait3A_392] : memref<2x16x513xf32, #tpu.memory_space<vmem>> -> memref<1x8x128xf32, #tpu.memory_space<vmem>>
    %dma_wait3A_394 = tpu.memref_squeeze %dma_wait3A_393 : memref<1x8x128xf32, #tpu.memory_space<vmem>> -> memref<8x128xf32, #tpu.memory_space<vmem>>
    %dma_wait3A_395 = arith.constant 0 : i32
    %dma_wait3A_396 = arith.constant 0 : i32
    %dma_wait3A_397 = tpu.memref_slice %arg4[%select_n3A_250, %dma_wait3A_390, %add3A_388, %dma_wait3A_395, %dma_wait3A_396] : memref<50x2x128x8x128xf32, #tpu.memory_space<hbm>> -> memref<1x1x1x8x128xf32, #tpu.memory_space<hbm>>
    %dma_wait3A_398 = tpu.memref_squeeze %dma_wait3A_397 : memref<1x1x1x8x128xf32, #tpu.memory_space<hbm>> -> memref<8x128xf32, #tpu.memory_space<hbm>>
    %dma_wait3A_399 = arith.constant 0 : i32
    %dma_wait3A_400 = arith.constant 0 : i32
    %dma_wait3A_401 = tpu.memref_slice %arg4[%select_n3A_250, %dma_wait3A_390, %add3A_388, %dma_wait3A_399, %dma_wait3A_400] : memref<50x2x128x8x128xf32, #tpu.memory_space<hbm>> -> memref<1x1x1x8x128xf32, #tpu.memory_space<hbm>>
    %dma_wait3A_402 = tpu.memref_squeeze %dma_wait3A_401 : memref<1x1x1x8x128xf32, #tpu.memory_space<hbm>> -> memref<8x128xf32, #tpu.memory_space<hbm>>
    %dma_wait3A_403 = arith.constant 8 : i32
    %dma_wait3A_404 = arith.constant 256 : i32
    %dma_wait3A_405 = tpu.memref_slice %arg7[%dma_wait3A_389, %dma_wait3A_403, %dma_wait3A_404] : memref<2x16x513xf32, #tpu.memory_space<vmem>> -> memref<1x8x128xf32, #tpu.memory_space<vmem>>
    %dma_wait3A_406 = tpu.memref_squeeze %dma_wait3A_405 : memref<1x8x128xf32, #tpu.memory_space<vmem>> -> memref<8x128xf32, #tpu.memory_space<vmem>>
    tpu.wait_dma2 semaphore(%arg11 : memref<!tpu.dma_semaphore, #tpu.memory_space<semaphore_mem>>) src(%dma_wait3A_406 : memref<8x128xf32, #tpu.memory_space<vmem>>) dst(%dma_wait3A_402 : memref<8x128xf32, #tpu.memory_space<hbm>>)
    %mul3A_407 = arith.constant 4 : i32
    %mul3A_408 = arith.muli %rem3A_252, %mul3A_407 : i32
    %add3A_409 = arith.constant 3 : i32
    %add3A_410 = arith.addi %mul3A_408, %add3A_409 : i32
    %dma_wait3A_411 = arith.constant 1 : i32
    %dma_wait3A_412 = arith.constant 1 : i32
    %dma_wait3A_413 = arith.constant 8 : i32
    %dma_wait3A_414 = arith.constant 384 : i32
    %dma_wait3A_415 = tpu.memref_slice %arg7[%dma_wait3A_411, %dma_wait3A_413, %dma_wait3A_414] : memref<2x16x513xf32, #tpu.memory_space<vmem>> -> memref<1x8x128xf32, #tpu.memory_space<vmem>>
    %dma_wait3A_416 = tpu.memref_squeeze %dma_wait3A_415 : memref<1x8x128xf32, #tpu.memory_space<vmem>> -> memref<8x128xf32, #tpu.memory_space<vmem>>
    %dma_wait3A_417 = arith.constant 0 : i32
    %dma_wait3A_418 = arith.constant 0 : i32
    %dma_wait3A_419 = tpu.memref_slice %arg4[%select_n3A_250, %dma_wait3A_412, %add3A_410, %dma_wait3A_417, %dma_wait3A_418] : memref<50x2x128x8x128xf32, #tpu.memory_space<hbm>> -> memref<1x1x1x8x128xf32, #tpu.memory_space<hbm>>
    %dma_wait3A_420 = tpu.memref_squeeze %dma_wait3A_419 : memref<1x1x1x8x128xf32, #tpu.memory_space<hbm>> -> memref<8x128xf32, #tpu.memory_space<hbm>>
    %dma_wait3A_421 = arith.constant 0 : i32
    %dma_wait3A_422 = arith.constant 0 : i32
    %dma_wait3A_423 = tpu.memref_slice %arg4[%select_n3A_250, %dma_wait3A_412, %add3A_410, %dma_wait3A_421, %dma_wait3A_422] : memref<50x2x128x8x128xf32, #tpu.memory_space<hbm>> -> memref<1x1x1x8x128xf32, #tpu.memory_space<hbm>>
    %dma_wait3A_424 = tpu.memref_squeeze %dma_wait3A_423 : memref<1x1x1x8x128xf32, #tpu.memory_space<hbm>> -> memref<8x128xf32, #tpu.memory_space<hbm>>
    %dma_wait3A_425 = arith.constant 8 : i32
    %dma_wait3A_426 = arith.constant 384 : i32
    %dma_wait3A_427 = tpu.memref_slice %arg7[%dma_wait3A_411, %dma_wait3A_425, %dma_wait3A_426] : memref<2x16x513xf32, #tpu.memory_space<vmem>> -> memref<1x8x128xf32, #tpu.memory_space<vmem>>
    %dma_wait3A_428 = tpu.memref_squeeze %dma_wait3A_427 : memref<1x8x128xf32, #tpu.memory_space<vmem>> -> memref<8x128xf32, #tpu.memory_space<vmem>>
    tpu.wait_dma2 semaphore(%arg11 : memref<!tpu.dma_semaphore, #tpu.memory_space<semaphore_mem>>) src(%dma_wait3A_428 : memref<8x128xf32, #tpu.memory_space<vmem>>) dst(%dma_wait3A_424 : memref<8x128xf32, #tpu.memory_space<hbm>>)
    return
  }
}

</mosaic_0001>

<sc_bundles>
// kernel: kernel.4.cloned.1.call-start
scs
__scs_entry_jumppad:
0x0: {  	(pc) =	sbr.rel $0x88, $3  }
0x1: {  	(tag) =	ssettag $0x0;
	lr =	simm.s32 $0x1  }
0x2: {  	[smem:$0x3F9E] =	sst lr;
	_ =	strace $0xD0000000  }
0x3: {  	_ = 	snop  }
0x4: {  	_ = 	snop  }
0x5: {  	_ = 	snop  }
0x6: {  	_ = 	snop  }
0x7: {  	_ = 	snop  }
__scs_overlays_trampoline_lowered:
0x8: {  	[smem:$0x3FAD] =	sst s0  }
0x9: {  	[smem:$0x3FAE] =	sst s1  }
0xa: {  	[smem:$0x3FAF] =	sst s2  }
0xb: {  	[smem:$0x3FB0] =	sst s3  }
0xc: {  	[smem:$0x3FB1] =	sst s4  }
0xd: {  	[smem:$0x3FB2] =	sst s5  }
0xe: {  	[smem:$0x3FB3] =	sst s6  }
0xf: {  	[smem:$0x3FB4] =	sst s7  }
0x10: {  	[smem:$0x3FB5] =	sst s8  }
0x11: {  	[smem:$0x3FB6] =	sst s9;
	s0 =	simm.s32 @!p0 $0x0  }
0x12: {  	s1 =	sld [smem:$0x3F9C];
	s0 =	simm.s32 @p0 $0x1  }
0x13: {  	[smem:$0x3FB7] =	sst s0;
	s0 =	simm.s32 @!p1 $0x0  }
0x14: {  	s2 =	sld [smem:$0x3F9B];
	s0 =	simm.s32 @p1 $0x1  }
0x15: {  	[smem:$0x3FB8] =	sst s0;
	s0 =	simm.s32 @!p2 $0x0  }
0x16: {  	s3 =	sld [smem:$0x3FDB];
	s0 =	simm.s32 @p2 $0x1  }
0x17: {  	s4 =	simm.s32 $0x1BF5;
	[smem:$0x3FBA] =	sst s0  }
0x18: {  	s0 =	sld [smem:$0x3F9D];
	_ =	swait.ge [sflag:s4], $0x0  }
0x19: {  	s7 =	sld [smem:$0x3F9E]  }
0x1a: {  	s8 =	sadd.s32 $0xFFFFE003, lr  }
0x1b: {  	s9 =	sadd.s32 $0xFFFFFEF7, lr;
	s5 =	simm.s32 $0xFFFFFFFF;
	p2 =	slt.u32 s8, $0xFFFFF086  }
0x1c: {  	p1 =	slt.u32 s9, $0xF7A;
	s5 =	simm.s32 @!p2 $0x0  }
0x1d: {  	s5 =	simm.s32 @p1 $0x1;
	p0 =	seq.s32 s7, s2  }
0x1e: {  	s7 =	smul.u32 @!p0 $0xF7A, s2;
	p2 =	seq.s32 @!p0 s5, $0x0  }
0x1f: {  	s9 =	smul.u32 $0xF7A, s1;
	s8 =	simm.s32 @!p0 $0x1BF5;
	p2 =	por !p2, p0  }
0x20: {  	[sflag:s8] =	ssyncset.s32 @!p0 $0xFFFFF086;
	s6 =	sadd.s32 @!p0 s3, s7;
	s7 =	simm.s32 @!p0 $0x108  }
0x21: {  	s3 =	sadd.s32 s3, s9;
	s6 =	sadd.s32 @!p0 $0x88, s6;
	s7 =	simm.s32 @p2 $0x1082  }
0x22: {  	[simem:s7], [sflag:s8] =	dma.local @!p0 [hbm:s6], $0xF7A  }
0x23: {  	s9 =	sor.u32 $0xD0000000, s2;
	s6 =	simm.s32 $0x108;
	_ =	swait.ge @!p0 [sflag:s8], $0x0  }
0x24: {  	s3 =	sadd.s32 $0x88, s3;
	s6 =	simm.s32 @!p1 $0x1082;
	[sflag:s4] =	ssyncset.s32 $0xFFFFF086  }
0x25: {  	[simem:s6], [sflag:s4] =	dma.local [hbm:s3], $0xF7A  }
0x26: {  	[smem:$0x3F9E] =	sst s1;
	(tag) =	ssettag s2;
	_ =	strace s9  }
0x27: {  	s1 =	sld [smem:$0x3FAE]  }
0x28: {  	s2 =	sld [smem:$0x3FAF]  }
0x29: {  	s4 =	sld [smem:$0x3FB1]  }
0x2a: {  	p0 =	seq.s32 s5, $0x0;
	s5 =	sld [smem:$0x3FB2]  }
0x2b: {  	s6 =	sld [smem:$0x3FB3]  }
0x2c: {  	s7 =	sld [smem:$0x3FB4]  }
0x2d: {  	s3 =	simm.s32 $0x108;
	s8 =	sld [smem:$0x3FB5]  }
0x2e: {  	s3 =	simm.s32 @!p0 $0x1082;
	s9 =	sld [smem:$0x3FB6]  }
0x2f: {  	lr =	sadd.s32 s0, s3;
	s0 =	sld [smem:$0x3FAD]  }
0x30: {  	s3 =	sld [smem:$0x3FB0]  }
0x31: {  	[smem:$0x3FB9] =	sst s10  }
0x32: {  	s10 =	sld [smem:$0x3FB7];
	_ =	sdelay $0x3  }
0x33: {  	p0 =	seq.s32 s10, $0x1;
	s10 =	sld [smem:$0x3FB9];
	_ =	sdelay $0x3  }
0x34: {  	[smem:$0x3FB9] =	sst s10  }
0x35: {  	s10 =	sld [smem:$0x3FB8];
	_ =	sdelay $0x3  }
0x36: {  	p1 =	seq.s32 s10, $0x1;
	s10 =	sld [smem:$0x3FB9];
	_ =	sdelay $0x3  }
0x37: {  	[smem:$0x3FB9] =	sst s10  }
0x38: {  	s10 =	sld [smem:$0x3FBA]  }
0x39: {  	_ = 	snop;
	(pc) =	sbr.ind lr, $3  }
0x3a: {  	_ = 	snop  }
0x3b: {  	_ = 	snop  }
0x3c: {  	p2 =	seq.s32 s10, $0x1;
	s10 =	sld [smem:$0x3FB9]  }
0x3d: {  	_ =	shalt  }
0x3e: {  	_ =	shalt  }
0x3f: {  	_ =	shalt  }
0x40: {  	_ =	shalt  }
0x41: {  	_ =	shalt  }
0x42: {  	_ =	shalt  }
0x43: {  	_ =	shalt  }
0x44: {  	_ =	shalt  }
0x45: {  	_ =	shalt  }
0x46: {  	_ =	shalt  }
0x47: {  	_ =	shalt  }
0x48: {  	_ =	shalt  }
0x49: {  	_ =	shalt  }
0x4a: {  	_ =	shalt  }
0x4b: {  	_ =	shalt  }
0x4c: {  	_ =	shalt  }
0x4d: {  	_ =	shalt  }
0x4e: {  	_ =	shalt  }
0x4f: {  	_ =	shalt  }
0x50: {  	_ =	shalt  }
0x51: {  	_ =	shalt  }
0x52: {  	_ =	shalt  }
0x53: {  	_ =	shalt  }
0x54: {  	_ =	shalt  }
0x55: {  	_ =	shalt  }
0x56: {  	_ =	shalt  }
0x57: {  	_ =	shalt  }
0x58: {  	_ =	shalt  }
0x59: {  	_ =	shalt  }
0x5a: {  	_ =	shalt  }
0x5b: {  	_ =	shalt  }
0x5c: {  	_ =	shalt  }
0x5d: {  	_ =	shalt  }
0x5e: {  	_ =	shalt  }
0x5f: {  	_ =	shalt  }
0x60: {  	_ =	shalt  }
0x61: {  	_ =	shalt  }
0x62: {  	_ =	shalt  }
0x63: {  	_ =	shalt  }
0x64: {  	_ =	shalt  }
0x65: {  	_ =	shalt  }
0x66: {  	_ =	shalt  }
0x67: {  	_ =	shalt  }
0x68: {  	_ =	shalt  }
0x69: {  	_ =	shalt  }
0x6a: {  	_ =	shalt  }
0x6b: {  	_ =	shalt  }
0x6c: {  	_ =	shalt  }
0x6d: {  	_ =	shalt  }
0x6e: {  	_ =	shalt  }
0x6f: {  	_ =	shalt  }
0x70: {  	_ =	shalt  }
0x71: {  	_ =	shalt  }
0x72: {  	_ =	shalt  }
0x73: {  	_ =	shalt  }
0x74: {  	_ =	shalt  }
0x75: {  	_ =	shalt  }
0x76: {  	_ =	shalt  }
0x77: {  	_ =	shalt  }
0x78: {  	_ =	shalt  }
0x79: {  	_ =	shalt  }
0x7a: {  	_ =	shalt  }
0x7b: {  	_ =	shalt  }
0x7c: {  	_ =	shalt  }
0x7d: {  	_ =	shalt  }
0x7e: {  	_ =	shalt  }
0x7f: {  	_ =	shalt  }
0x80: {  	_ =	shalt  }
0x81: {  	_ =	shalt  }
0x82: {  	_ =	shalt  }
0x83: {  	_ =	shalt  }
0x84: {  	_ =	shalt  }
0x85: {  	_ =	shalt  }
0x86: {  	_ =	shalt  }
0x87: {  	_ =	shalt  }
.Lfunc_end0:
.L_simem_size_0:
called_computation_lowered:
.L_overlay_start_0:
0x88: {  	s2 =	sld [smem:$0x3FD9]  }
0x89: {  	s3 =	sld [smem:$0x3FFE];
	_ =	sdelay $0x1  }
0x8a: {  	s1 =	srdreg.scid  }
0x8b: {  	s0 =	sand.u32 $0x1, s1  }
0x8c: {  	s17 =	sshll.u32 s0, $0xA;
	s2 =	sadd.s32 s3, s2  }
0x8d: {  	s2 =	sadd.s32 s2, s17  }
0x8e: {  	[smem:$0x3FC5] =	sst s2  }
0x8f: {  	_ = 	snop  }
0x90: {  	s2 =	sld [smem:$0x3FC8]  }
0x91: {  	s18 =	sld [smem:$0x3FC7]  }
0x92: {  	s4 =	sld [smem:$0x3FD0];
	(tm) =	ssettm $0x1  }
0x93: {  	s5 =	sld [smem:$0x3FFB];
	_ =	sdelay $0x3  }
0x94: {  	_ =	strace s5  }
0x95: {  	s5 =	sld [smem:$0x3FFC];
	_ =	sdelay $0x3  }
0x96: {  	_ =	strace s5  }
0x97: {  	s5 =	sld [smem:$0x3FFD];
	_ =	sdelay $0x3  }
0x98: {  	_ =	strace s5  }
0x99: {  	_ =	strace $0x8FFFFFFF  }
0x9a: {  	s19 =	sld [smem:$0x3FDB];
	_ =	sdelay $0x1  }
0x9b: {  	s6 =	simm.s32 $_scs_section_size  }
0x9c: {  	s7 =	simm.s32 $_size__tile_overlayer_lowered;
	s8 =	simm.s32 $_tile_overlayer_lowered  }
0x9d: {  	s22 =	simm.s32 $0x1BFF;
	s21 =	sshll.u32 s8, $0x1;
	s5 =	sadd.s32 s6, s19  }
0x9e: {  	s9 =	simm.s32 $0x0;
	s20 =	sshll.u32 s7, $0x1;
	s7 =	sadd.s32 s21, s5  }
0x9f: {  	[timem:s9], [sflag:s22] =	dma.local [hbm:s7], s20  }
0xa0: {  	_ =	swait.ge [sflag:s22], s20  }
0xa1: {  	s6 =	ssub.s32 $0x0, s20;
	[sflag:s22] =	ssyncset.done $0x0  }
0xa2: {  	[sflag:s22] =	ssyncadd.s32 s6;
	_ =	sdelay $0x1  }
0xa3: {  	s23 =	simm.s32 $0x1B8B  }
0xa4: {  	_ =	swait.ge [sflag:s23], $0x1  }
0xa5: {  	[sflag:s23] =	ssyncset.done $0x0  }
0xa6: {  	s25 =	simm.s32 $0x1B8E;
	s24 =	sld [smem:$0x3FFE];
	[sflag:s23] =	ssyncadd.s32 $0xFFFFFFFF  }
0xa7: {  	s26 =	simm.s32 $execute0_lowered;
	[smem:$0x3FD2] =	sst s25  }
0xa8: {  	s7 =	sshll.u32 s26, $0x1;
	_ =	strace $0x80000046;
	[dreg:$0x1] =	wrdreg $0xFFFFFFFF  }
0xa9: {  	s28 =	simm.s32 $_size_execute0_lowered;
	s5 =	sadd.s32 s5, s7;
	[dreg:$0x0] =	wrdreg $0x0  }
0xaa: {  	s7 =	sshll.u32 s28, $0x1;
	[dreg:$0x2] =	wrdreg s5  }
0xab: {  	[dreg:$0x3] =	wrdreg s7  }
0xac: {  	[dreg:$0x4] =	wrdreg $0xC0  }
0xad: {  	_ =	task [dreg:s9], $0x5FFFF  }
0xae: {  	[dreg:$0x1] =	wrdreg $0xFFFFFFFF  }
0xaf: {  	[dreg:$0x0] =	wrdreg $0x60  }
0xb0: {  	[dreg:$0x2] =	wrdreg s2  }
0xb1: {  	[dreg:$0x3] =	wrdreg s18  }
0xb2: {  	[dreg:$0x4] =	wrdreg s4  }
0xb3: {  	[dreg:$0x5] =	wrdreg s24  }
0xb4: {  	[dreg:$0x6] =	wrdreg $0x9  }
0xb5: {  	_ =	task.clear_ibuf [dreg:s9], $0x7FFFF;
	_ =	strace $0x90000046  }
0xb6: {  	s29 =	simm.s32 $0x9;
	_ =	strace $0x80000048  }
0xb7: {  	_ =	swait.ge [sflag:s29], $0x1  }
0xb8: {  	[sflag:s29] =	ssyncadd.s32 $0xFFFFFFFF  }
0xb9: {  	_ =	strace $0x90000048  }
0xba: {  	_ =	sfence  }
0xbb: {  	s30 =	sld [smem:$0x0];
	_ =	sdelay $0x2  }
0xbc: {  	s31 =	sshll.u32 s1, $0xD;
	s1 =	sshrl.u32 s1, $0x2  }
0xbd: {  	s3 =	sand.u32 $0x4000, s31;
	s1 =	sadd.s32 s1, s30  }
0xbe: {  	s0 =	sor.u32 s3, s0;
	s1 =	sshll.u32 s1, $0x11  }
0xbf: {  	s0 =	sor.u32 s1, s0  }
0xc0: {  	s0 =	sadd.s32 $0x8F2B, s0  }
0xc1: {  	[sflag:s0] =	ssyncadd.remote.s32 $0x1  }
0xc2: {  	_ =	sfence.sel $0xFFFF  }
0xc3: {  	[dreg:$0x0] =	wrdreg $0xFFFFFFFF;
	(pc) =	sbr.abs _section_cstart, $3  }
0xc4: {  	[dreg:$0x1] =	wrdreg $0xFFFFFFFF  }
0xc5: {  	_ =	task.clear_ibuf [dreg:s9], $0x2FFFF;
	_ =	strace $0x9FFFFFFF  }
0xc6: {  	(tm) =	ssettm $0x7FFFFFFF  }
0xc7: {  	_ =	shalt  }
tec
execute0_lowered:
.L_overlay_start_1:
0x0: {  	(tag) =	ssettag $0x1  }
0x1: {  	s1 =	rddreg [dreg:$0x0]  }
0x2: {  	s2 =	rddreg [dreg:$0x1]  }
0x3: {  	s9 =	rddreg [dreg:$0x2]  }
0x4: {  	s0 =	rddreg [dreg:$0x3];
	s5 =	simm.s32 $0x0;
	s3 =	srdreg.scid  }
0x5: {  	s4 =	stileid.u32;
	s30 =	simm.s32 $0x2800;
	s31 =	simm.s32 $0x3C00  }
0x6: {  	v0 =	vimm.s32 $0x1780;
	vm0 =	vcmask $0x300;
	s28 =	simm.s32 $0x2;
	[smem:$0x7FF] =	sst s5;
	s21 =	sadd.s32 $0x10, s9  }
0x7: {  	vm14 =	vcmask $0x704;
	v0 =	vsel vm0, $0x0, v0;
	s22 =	sadd.s32 $0x20, s9;
	_ =	strace $0x80000047;
	[dreg:$0x7] =	wrdreg s21  }
0x8: {  	vm15 =	vcmask $0xB08;
	s15 =	simm.s32 $0x0;
	s23 =	sadd.s32 $0x30, s9;
	v0 =	vsel vm14, $0x80, v0;
	[dreg:$0x8] =	wrdreg s22  }
0x9: {  	vm4 =	vcmask $0xF0C;
	s3 =	sand.u32 $0x1, s3;
	s24 =	sadd.s32 $0x40, s9;
	[dreg:$0x9] =	wrdreg s23;
	v0 =	vsel vm15, $0x100, v0  }
0xa: {  	vm5 =	vcmask $0x1310;
	s4 =	sshll.u32 s4, $0x1;
	s25 =	sadd.s32 $0x50, s9;
	[dreg:$0xa] =	wrdreg s24;
	v0 =	vsel vm4, $0x180, v0  }
0xb: {  	vm6 =	vcmask $0x1714;
	s7 =	sadd.s32 $0xA00, s0;
	s26 =	sadd.s32 $0x60, s9;
	[dreg:$0xb] =	wrdreg s25;
	v0 =	vsel vm5, $0x200, v0  }
0xc: {  	vm7 =	vcmask $0x1B18;
	s29 =	sadd.s32 $0x70, s9;
	s8 =	ssub.s32 $0x2, s3;
	[dreg:$0xc] =	wrdreg s26;
	v0 =	vsel vm6, $0x280, v0  }
0xd: {  	vm8 =	vcmask $0x1F1C;
	s6 =	sor.u32 s3, s4;
	[dreg:$0xd] =	wrdreg s29;
	s26 =	simm.s32 $0x1;
	v0 =	vsel vm7, $0x300, v0  }
0xe: {  	vm9 =	vcmask $0x2320;
	s18 =	sshrl.u32 s8, $0x1;
	s4 =	sshll.u32 s6, $0x9;
	s13 =	sor.u32 $0x40, s6;
	v0 =	vsel vm8, $0x380, v0  }
0xf: {  	vm10 =	vcmask $0x2724;
	s14 =	sor.u32 $0x60, s6;
	p0 =	sne.s32 s6, $0x0;
	s3 =	ssub.s32 s8, s18;
	v0 =	vsel vm9, $0x1400, v0  }
0x10: {  	vm11 =	vcmask $0x2B28;
	s8 =	sadd.s32 $0x1E8E00, s0;
	s19 =	sor.u32 $0x4000, s4;
	s10 =	sadd.s32 s1, s4;
	v0 =	vsel vm10, $0x1480, v0  }
.Ltmp0:
0x11: {  	vm12 =	vcmask $0x2F2C;
	[dreg:$0x5] =	wrdreg s10;
	s20 =	smax.u32 s3, $0x1;
	v0 =	vsel vm11, $0x1500, v0;
	(pc) =	sbr.rel .LBB2_1-.Ltmp0, $4  }
0x12: {  	vm13 =	vcmask $0x3330;
	s10 =	sadd.s32 s2, s4;
	s0 =	sadd.s32 @!p0 $0x10, s8;
	[dreg:$0x6] =	wrdreg s20;
	v0 =	vsel vm12, $0x1580, v0  }
0x13: {  	vm14 =	vcmask $0x3734;
	s11 =	sadd.s32 s1, s19;
	[dreg:$0xe] =	wrdreg s0;
	s0 =	sadd.s32 @!p0 $0x20, s8;
	v0 =	vsel vm13, $0x1600, v0  }
0x14: {  	vm15 =	vcmask $0x3B38;
	s12 =	sadd.s32 s2, s19;
	[dreg:$0xf] =	wrdreg s0;
	s0 =	sadd.s32 @!p0 $0x30, s8;
	v0 =	vsel vm14, $0x1680, v0  }
0x15: {  	s4 =	simm.s32 $0x8C00;
	[dreg:$0x10] =	wrdreg s0;
	s0 =	simm.s32 $0x7800;
	v0 =	vsel vm15, $0x1700, v0  }
.LBB2_20:
0x16: {  	s3 =	simm.s32 $0x3  }
0x17: {  	_ =	swait.ge [sflag:s3], $0x2000  }
0x18: {  	[sflag:s3] =	ssyncset.done $0x0  }
0x19: {  	s9 =	simm.s32 $0x4;
	[sflag:s3] =	ssyncadd.s32 $0xFFFFE000  }
0x1a: {  	_ =	swait.ge [sflag:s9], $0x2000  }
0x1b: {  	s15 =	sadd.s32 $0x1, s15;
	s29 =	rddreg [dreg:$0x6]  }
0x1c: {  	p1 =	sne.s32 s15, s29  }
.Ltmp1:
0x1d: {  	_ = 	snop;
	(pc) =	sbr.rel @!p1 .LBB2_21-.Ltmp1, $3  }
0x1e: {  	_ =	sdelay $0x1  }
0x1f: {  	[sflag:s9] =	ssyncset.done $0x0  }
0x20: {  	[sflag:s9] =	ssyncadd.s32 $0xFFFFE000  }
.LBB2_1:
0x21: {  	s16 =	simm.s32 @!p0 $0x0;
	s17 =	simm.s32 @!p0 $0xA000;
	s3 =	rddreg [dreg:$0x2]  }
0x22: {  	[tilespmem:s17], [sflag:$0x5] =	stream.linear.gather @!p0 [hbm4b:s3+s16], $0x80, $0x38;
	[tilespmem:$0xE000] =	vst v63  }
0x23: {  	s18 =	simm.s32 @!p0 $0xA100;
	s3 =	rddreg [dreg:$0x7]  }
0x24: {  	[tilespmem:s18], [sflag:$0x5] =	stream.linear.gather @!p0 [hbm4b:s3+s16], $0x80, $0x38;
	[tilespmem:$0xE000] =	vst v63  }
0x25: {  	s19 =	simm.s32 @!p0 $0xA200;
	s3 =	rddreg [dreg:$0x8]  }
0x26: {  	[tilespmem:s19], [sflag:$0x5] =	stream.linear.gather @!p0 [hbm4b:s3+s16], $0x80, $0x38;
	[tilespmem:$0xE000] =	vst v63  }
0x27: {  	s20 =	simm.s32 @!p0 $0xA300;
	s3 =	rddreg [dreg:$0x9]  }
0x28: {  	[tilespmem:s20], [sflag:$0x5] =	stream.linear.gather @!p0 [hbm4b:s3+s16], $0x80, $0x38;
	[tilespmem:$0xE000] =	vst v63  }
0x29: {  	s21 =	simm.s32 @!p0 $0xA400;
	s3 =	rddreg [dreg:$0xa]  }
0x2a: {  	[tilespmem:s21], [sflag:$0x5] =	stream.linear.gather @!p0 [hbm4b:s3+s16], $0x80, $0x38;
	[tilespmem:$0xE000] =	vst v63  }
0x2b: {  	s22 =	simm.s32 @!p0 $0xA500;
	s3 =	rddreg [dreg:$0xb]  }
0x2c: {  	[tilespmem:s22], [sflag:$0x5] =	stream.linear.gather @!p0 [hbm4b:s3+s16], $0x80, $0x38;
	[tilespmem:$0xE000] =	vst v63  }
0x2d: {  	s23 =	simm.s32 @!p0 $0xA600;
	s3 =	rddreg [dreg:$0xc]  }
0x2e: {  	[tilespmem:s23], [sflag:$0x5] =	stream.linear.gather @!p0 [hbm4b:s3+s16], $0x80, $0x38;
	[tilespmem:$0xE000] =	vst v63  }
0x2f: {  	s24 =	simm.s32 @!p0 $0xA700;
	s25 =	simm.s32 @!p0 $0x5;
	s3 =	rddreg [dreg:$0xd]  }
0x30: {  	[tilespmem:s24], [sflag:$0x5] =	stream.linear.gather @!p0 [hbm4b:s3+s16], $0x80, $0x38;
	[tilespmem:$0xE000] =	vst v63  }
0x31: {  	_ =	swait.ge @!p0 [sflag:s25], $0x400  }
0x32: {  	[sflag:s25] =	ssyncset.done @!p0 $0x0  }
0x33: {  	[sflag:s25] =	ssyncadd.s32 @!p0 $0xFFFFFC00  }
0x34: {  	[hbm4b:s8+s16] =	stream.linear.scatter @!p0 [tilespmem:s17], [sflag:$0x5], $0x80, $0x38;
	[tilespmem:$0xE000] =	vst v63  }
0x35: {  	s3 =	rddreg [dreg:$0xe]  }
0x36: {  	[hbm4b:s3+s16] =	stream.linear.scatter @!p0 [tilespmem:s18], [sflag:$0x5], $0x80, $0x38;
	[tilespmem:$0xE000] =	vst v63  }
0x37: {  	s3 =	rddreg [dreg:$0xf]  }
0x38: {  	[hbm4b:s3+s16] =	stream.linear.scatter @!p0 [tilespmem:s19], [sflag:$0x5], $0x80, $0x38;
	[tilespmem:$0xE000] =	vst v63  }
0x39: {  	s3 =	rddreg [dreg:$0x10]  }
0x3a: {  	[hbm4b:s3+s16] =	stream.linear.scatter @!p0 [tilespmem:s20], [sflag:$0x5], $0x80, $0x38;
	[tilespmem:$0xE000] =	vst v63  }
0x3b: {  	s17 =	sadd.s32 @!p0 $0x40, s8  }
0x3c: {  	[hbm4b:s17+s16] =	stream.linear.scatter @!p0 [tilespmem:s21], [sflag:$0x5], $0x80, $0x38;
	[tilespmem:$0xE000] =	vst v63  }
0x3d: {  	s17 =	sadd.s32 @!p0 $0x50, s8  }
0x3e: {  	[hbm4b:s17+s16] =	stream.linear.scatter @!p0 [tilespmem:s22], [sflag:$0x5], $0x80, $0x38;
	[tilespmem:$0xE000] =	vst v63  }
0x3f: {  	s17 =	sadd.s32 @!p0 $0x60, s8  }
0x40: {  	[hbm4b:s17+s16] =	stream.linear.scatter @!p0 [tilespmem:s23], [sflag:$0x5], $0x80, $0x38;
	[tilespmem:$0xE000] =	vst v63  }
0x41: {  	s17 =	sadd.s32 @!p0 $0x70, s8  }
0x42: {  	[hbm4b:s17+s16] =	stream.linear.scatter @!p0 [tilespmem:s24], [sflag:$0x5], $0x80, $0x38;
	[tilespmem:$0xE000] =	vst v63  }
0x43: {  	_ =	swait.ge @!p0 [sflag:s25], $0x400  }
0x44: {  	[sflag:s25] =	ssyncset.done @!p0 $0x0  }
0x45: {  	s19 =	rddreg [dreg:$0x5];
	[sflag:s25] =	ssyncadd.s32 @!p0 $0xFFFFFC00  }
0x46: {  	[tilespmem:s5], [sflag:$0x1] =	stream.linear.gather [hbm4b:s19+s5], $0x1000, $0x38;
	[tilespmem:$0xE000] =	vst v63  }
0x47: {  	s21 =	simm.s32 $0x1400;
	s20 =	sadd.s32 $0xF4280, s19  }
0x48: {  	[tilespmem:s21], [sflag:$0x1] =	stream.linear.gather [hbm4b:s20+s5], $0x1000, $0x38;
	[tilespmem:$0xE000] =	vst v63  }
0x49: {  	s22 =	simm.s32 $0x5000  }
0x4a: {  	[tilespmem:s22], [sflag:$0x1] =	stream.linear.gather [hbm4b:s10+s5], $0x1000, $0x38;
	[tilespmem:$0xE000] =	vst v63  }
0x4b: {  	s23 =	sadd.s32 $0xF4280, s10;
	s24 =	simm.s32 $0x6400  }
0x4c: {  	[tilespmem:s24], [sflag:$0x1] =	stream.linear.gather [hbm4b:s23+s5], $0x1000, $0x38;
	[tilespmem:$0xE000] =	vst v63  }
0x4d: {  	_ = 	snop  }
0x4e: {  	[tilespmem:s30], [sflag:$0x2] =	stream.linear.gather [hbm4b:s11+s5], $0x1000, $0x38;
	[tilespmem:$0xE000] =	vst v63  }
0x4f: {  	s25 =	sadd.s32 $0xF4280, s11  }
0x50: {  	[tilespmem:s31], [sflag:$0x2] =	stream.linear.gather [hbm4b:s25+s5], $0x1000, $0x38;
	[tilespmem:$0xE000] =	vst v63  }
0x51: {  	_ = 	snop  }
0x52: {  	[tilespmem:s0], [sflag:$0x2] =	stream.linear.gather [hbm4b:s12+s5], $0x1000, $0x38;
	[tilespmem:$0xE000] =	vst v63  }
0x53: {  	s29 =	sadd.s32 $0xF4280, s12;
	s16 =	simm.s32 $0x0  }
0x54: {  	[tilespmem:s4], [sflag:$0x2] =	stream.linear.gather [hbm4b:s29+s5], $0x1000, $0x38;
	[tilespmem:$0xE000] =	vst v63  }
.LBB2_2:
0x55: {  	_ =	swait.ge [sflag:s26], $0x2000  }
0x56: {  	[sflag:s26] =	ssyncset.done $0x0  }
0x57: {  	[sflag:s26] =	ssyncadd.s32 $0xFFFFE000  }
0x58: {  	_ =	swait.ge [sflag:s26], $0x2000  }
0x59: {  	p2 =	seq.s32 s16, $0x0;
	[sflag:s26] =	ssyncset.done $0x0  }
0x5a: {  	s19 =	simm.s32 @!p2 $0x3;
	[sflag:s26] =	ssyncadd.s32 $0xFFFFE000  }
0x5b: {  	_ =	swait.ge @!p2 [sflag:s19], $0x2000  }
0x5c: {  	s17 =	sshll.u32 s16, $0x6;
	s20 =	simm.s32 $0x0;
	[sflag:s19] =	ssyncset.done @!p2 $0x0  }
0x5d: {  	s18 =	sor.u32 s6, s17;
	[sflag:s19] =	ssyncadd.s32 @!p2 $0xFFFFE000;
	s19 =	simm.s32 $0x0  }
.LBB2_3:
0x5e: {  	s21 =	sshrl.u32 s20, $0x3  }
0x5f: {  	s22 =	sand.u32 $0x7, s19;
	s21 =	smul.u32 $0x5000, s21  }
0x60: {  	s22 =	sshll.u32 s22, $0x9  }
0x61: {  	s21 =	sor.u32 s22, s21  }
0x62: {  	s21 =	sshra.s32 s21, $0x2  }
0x63: {  	s23 =	sadd.s32 $0x5040, s21  }
0x64: {  	s24 =	sor.u32 $0x40, s21;
	v1 =	vld [tilespmem:s23+$0x30]  }
0x65: {  	v2 =	vld [tilespmem:s24+$0x30]  }
0x66: {  	v4 =	vld [tilespmem:s23+$0xFFFFFFC0]  }
0x67: {  	v5 =	vld [tilespmem:s23+$0xFFFFFFD0]  }
0x68: {  	v6 =	vld [tilespmem:s23+$0xFFFFFFE0]  }
0x69: {  	v7 =	vld [tilespmem:s23+$0xFFFFFFF0]  }
0x6a: {  	v8 =	vld [tilespmem:s23+$0x0]  }
0x6b: {  	v9 =	vld [tilespmem:s23+$0x10]  }
0x6c: {  	v10 =	vld [tilespmem:s23+$0x20]  }
0x6d: {  	v11 =	vld [tilespmem:s24+$0xFFFFFFD0]  }
0x6e: {  	v12 =	vld [tilespmem:s24+$0xFFFFFFE0]  }
0x6f: {  	v3 =	vld [tilespmem:s24+$0xFFFFFFF0]  }
0x70: {  	vm1 =	vgt.f32 v1, $9.999999770e-03;
	vm0 =	vgt.f32 v4, $9.999999770e-03;
	v1 =	vld [tilespmem:s24+$0x0]  }
0x71: {  	vm3 =	vgt.f32 v5, $9.999999770e-03;
	vm5 =	vgt.f32 v6, $9.999999770e-03;
	v4 =	vnsel vm1, $0x0, v2;
	v2 =	vld [tilespmem:s24+$0x10]  }
0x72: {  	vm4 =	vgt.f32 v7, $9.999999770e-03;
	vm2 =	vgt.f32 v8, $9.999999770e-03;
	v6 =	vnsel vm3, $0x0, v11;
	[tilespmem:s24+$0x30] =	vst v4;
	v4 =	vld [tilespmem:s24+$0x20]  }
0x73: {  	s22 =	simm.s32 $0x0;
	s23 =	sadd.s32 $0x400, s23;
	s21 =	smov.u32 s24;
	v5 =	vld [tilespmem:s24+$0xFFFFFFC0];
	vm3 =	vgt.f32 v9, $9.999999770e-03;
	vm1 =	vgt.f32 v10, $9.999999770e-03;
	[tilespmem:s24+$0xFFFFFFD0] =	vst v6;
	v6 =	vnsel vm5, $0x0, v12  }
.LBB2_4:
0x74: {  	v7 =	vld [tilespmem:s23+$0x30];
	s22 =	sadd.s32 $0x8, s22;
	[tilespmem:s24+$0xFFFFFFE0] =	vst v6;
	v3 =	vnsel vm4, $0x0, v3;
	s21 =	sadd.s32 $0x400, s21  }
0x75: {  	v6 =	vld [tilespmem:s21+$0x30];
	p1 =	slt.u32 s22, $0x18;
	[tilespmem:s24+$0xFFFFFFF0] =	vst v3;
	v1 =	vnsel vm2, $0x0, v1  }
0x76: {  	v3 =	vld [tilespmem:s23+$0xFFFFFFC0];
	[tilespmem:s24+$0x0] =	vst v1;
	v1 =	vnsel vm3, $0x0, v2  }
0x77: {  	v2 =	vld [tilespmem:s23+$0xFFFFFFD0];
	[tilespmem:s24+$0x10] =	vst v1;
	v1 =	vnsel vm1, $0x0, v4  }
0x78: {  	v4 =	vld [tilespmem:s23+$0xFFFFFFE0];
	v5 =	vnsel vm0, $0x0, v5;
	[tilespmem:s24+$0x20] =	vst v1  }
0x79: {  	v1 =	vld [tilespmem:s23+$0xFFFFFFF0];
	vm0 =	vgt.f32 v7, $9.999999770e-03;
	[tilespmem:s24+$0xFFFFFFC0] =	vst v5;
	s24 =	smov.u32 s21  }
0x7a: {  	v5 =	vld [tilespmem:s23+$0x0];
	v6 =	vnsel vm0, $0x0, v6  }
0x7b: {  	vm0 =	vgt.f32 v3, $9.999999770e-03;
	v7 =	vld [tilespmem:s23+$0x10];
	[tilespmem:s21+$0x30] =	vst v6  }
0x7c: {  	vm5 =	vgt.f32 v2, $9.999999770e-03;
	v6 =	vld [tilespmem:s23+$0x20]  }
0x7d: {  	v8 =	vld [tilespmem:s21+$0xFFFFFFD0];
	vm6 =	vgt.f32 v4, $9.999999770e-03  }
0x7e: {  	v9 =	vld [tilespmem:s21+$0xFFFFFFE0];
	vm4 =	vgt.f32 v1, $9.999999770e-03  }
.Ltmp2:
0x7f: {  	v3 =	vld [tilespmem:s21+$0xFFFFFFF0];
	vm2 =	vgt.f32 v5, $9.999999770e-03;
	(pc) =	sbr.rel @p1 .LBB2_4-.Ltmp2, $4  }
0x80: {  	v1 =	vld [tilespmem:s21+$0x0];
	vm3 =	vgt.f32 v7, $9.999999770e-03  }
0x81: {  	v2 =	vld [tilespmem:s21+$0x10];
	vm1 =	vgt.f32 v6, $9.999999770e-03  }
0x82: {  	v6 =	vnsel vm5, $0x0, v8;
	v4 =	vld [tilespmem:s21+$0x20]  }
0x83: {  	s23 =	sadd.s32 $0x400, s23;
	v5 =	vld [tilespmem:s21+$0xFFFFFFC0];
	[tilespmem:s21+$0xFFFFFFD0] =	vst v6;
	v6 =	vnsel vm6, $0x0, v9  }
0x84: {  	s20 =	sadd.s32 $0x1, s20  }
0x85: {  	[tilespmem:s24+$0xFFFFFFE0] =	vst v6;
	v3 =	vnsel vm4, $0x0, v3;
	p1 =	sne.s32 s20, $0x10  }
.Ltmp3:
0x86: {  	[tilespmem:s24+$0xFFFFFFF0] =	vst v3;
	v1 =	vnsel vm2, $0x0, v1;
	(pc) =	sbr.rel @p1 .LBB2_3-.Ltmp3, $4  }
0x87: {  	[tilespmem:s24+$0x0] =	vst v1;
	v1 =	vnsel vm3, $0x0, v2  }
0x88: {  	[tilespmem:s24+$0x10] =	vst v1;
	v1 =	vnsel vm1, $0x0, v4  }
0x89: {  	v2 =	vnsel vm0, $0x0, v5;
	[tilespmem:s24+$0x20] =	vst v1  }
0x8a: {  	s19 =	sadd.s32 $0x1, s19;
	[tilespmem:s24+$0xFFFFFFC0] =	vst v2  }
0x8b: {  	s19 =	simm.s32 $0x0;
	s22 =	simm.s32 $0x1  }
0x8c: {  	s20 =	simm.s32 $0x2;
	s23 =	simm.s32 $0x4;
	s24 =	simm.s32 $0x6;
	v1 =	vmov s19;
	v3 =	vmov s22  }
0x8d: {  	s25 =	simm.s32 $0x7;
	s29 =	simm.s32 $0x8;
	s21 =	simm.s32 $0x3;
	v4 =	vmov s20;
	v5 =	vmov s23;
	v6 =	vmov s24  }
0x8e: {  	s3 =	simm.s32 $0x9;
	s9 =	simm.s32 $0xA;
	v8 =	vmov s25;
	v9 =	vmov s29;
	v10 =	vmov s21  }
0x8f: {  	v11 =	vmov s3;
	v12 =	vmov s9;
	v2 =	vshll.u32 v1, $0x3  }
0x90: {  	s21 =	simm.s32 $0xB;
	v1 =	vand.u32 $0x70, v1;
	v7 =	vand.u32 $0x71, v3;
	v14 =	vand.u32 $0x73, v10  }
0x91: {  	s22 =	simm.s32 $0xC;
	v13 =	vshll.u32 v5, $0x3;
	v15 =	vmov s21;
	v5 =	vand.u32 $0x74, v5  }
0x92: {  	s23 =	simm.s32 $0xD;
	v17 =	vmov s22;
	v18 =	vand.u32 $0x72, v4;
	v19 =	vand.u32 $0x76, v6  }
0x93: {  	s24 =	simm.s32 $0xF;
	v20 =	vmov s23;
	v21 =	vshll.u32 v10, $0x3;
	v10 =	vand.u32 $0x77, v8  }
0x94: {  	s25 =	simm.s32 $0x5;
	v22 =	vand.u32 $0x7A, v12;
	v8 =	vshll.u32 v8, $0x3;
	v23 =	vmov s24  }
0x95: {  	s29 =	simm.s32 $0xE;
	v24 =	vmov s25;
	v4 =	vshll.u32 v4, $0x3;
	v12 =	vshll.u32 v12, $0x3  }
0x96: {  	v3 =	vshll.u32 v3, $0x3;
	v55 =	vmov s29;
	v27 =	vand.u32 $0x79, v11  }
0x97: {  	v11 =	vshll.u32 v11, $0x3;
	v6 =	vshll.u32 v6, $0x3;
	v16 =	vshll.u32 v15, $0x3  }
0x98: {  	v2 =	vand.u32 $0xC00, v2;
	v8 =	vand.u32 $0xC00, v8;
	v25 =	vshll.u32 v23, $0x3  }
0x99: {  	v26 =	vshll.u32 v24, $0x3;
	v23 =	vand.u32 $0x7F, v23;
	v52 =	vand.u32 $0x75, v24  }
0x9a: {  	v53 =	vand.u32 $0x7D, v20;
	v20 =	vshll.u32 v20, $0x3;
	v54 =	vshll.u32 v17, $0x3  }
0x9b: {  	v12 =	vand.u32 $0xC00, v12;
	v13 =	vand.u32 $0xC00, v13;
	v17 =	vand.u32 $0x7C, v17  }
0x9c: {  	v15 =	vand.u32 $0x7B, v15;
	v56 =	vand.u32 $0x7E, v55;
	v3 =	vand.u32 $0xC00, v3  }
0x9d: {  	v25 =	vand.u32 $0xC00, v25;
	v26 =	vand.u32 $0xC00, v26;
	v8 =	vor.u32 v10, v8  }
0x9e: {  	v20 =	vand.u32 $0xC00, v20;
	v12 =	vor.u32 v22, v12;
	v8 =	vadd.s32 v0, v8  }
0x9f: {  	v5 =	vor.u32 v5, v13;
	v10 =	vor.u32 v23, v25;
	v12 =	vadd.s32 v0, v12  }
0xa0: {  	v13 =	vand.u32 $0x78, v9;
	v20 =	vor.u32 v53, v20;
	v10 =	vadd.s32 v0, v10  }
0xa1: {  	v9 =	vshll.u32 v9, $0x3;
	v16 =	vand.u32 $0xC00, v16;
	v20 =	vadd.s32 v0, v20  }
0xa2: {  	v22 =	vshll.u32 v55, $0x3;
	v1 =	vor.u32 v1, v2;
	v5 =	vadd.s32 v0, v5  }
0xa3: {  	v2 =	vand.u32 $0xC00, v4;
	v25 =	vand.u32 $0xC00, v54;
	v15 =	vor.u32 v15, v16;
	v8 =	vld.idx.msk [tilespmem:v8+s5+$0x0], $0xffff  }
0xa4: {  	v57 =	vand.u32 $0xC00, v9;
	v58 =	vand.u32 $0xC00, v22;
	v9 =	vor.u32 v17, v25;
	v62 =	vld.idx.msk [tilespmem:v12+s5+$0x0], $0xffff  }
0xa5: {  	v59 =	vld.idx.msk [tilespmem:v10+s5+$0x0], $0xffff;
	v10 =	vand.u32 $0xC00, v11;
	v11 =	vadd.s32 v0, v9;
	v9 =	vor.u32 v56, v58  }
0xa6: {  	v12 =	vadd.s32 v0, v15;
	v60 =	vld.idx.msk [tilespmem:v20+s5+$0x0], $0xffff;
	v61 =	vadd.s32 v0, v9;
	v9 =	vor.u32 v7, v3  }
0xa7: {  	s19 =	simm.s32 $0xA100;
	v3 =	vand.u32 $0xC00, v6;
	v63 =	vor.u32 v27, v10;
	v6 =	vor.u32 v13, v57;
	v7 =	vld.idx.msk [tilespmem:v5+s5+$0x0], $0xffff  }
0xa8: {  	v5 =	vor.u32 v52, v26;
	v3 =	vor.u32 v19, v3;
	v13 =	vadd.s32 v0, v6;
	[tilespmem:s19+$0xFFFFFF70] =	vst v8  }
0xa9: {  	v4 =	vadd.s32 v0, v63;
	v10 =	vadd.s32 v0, v3;
	v3 =	vadd.s32 v0, v5;
	[tilespmem:s19+$0x20] =	vst v62  }
0xaa: {  	v8 =	vadd.s32 v0, v1;
	v1 =	vor.u32 v18, v2;
	v2 =	vand.u32 $0xC00, v21;
	[tilespmem:s19+$0x70] =	vst v59;
	v11 =	vld.idx.msk [tilespmem:v11+s5+$0x0], $0xffff  }
0xab: {  	s20 =	simm.s32 $0x10;
	s21 =	simm.s32 $0xA300;
	[tilespmem:s19+$0x50] =	vst v60;
	v5 =	vadd.s32 v0, v1;
	v1 =	vor.u32 v14, v2;
	v6 =	vld.idx.msk [tilespmem:v61+s5+$0x0], $0xffff  }
.LBB2_7:
0xac: {  	s22 =	sadd.s32 $0x1, s20  }
0xad: {  	v2 =	vmov s20;
	s23 =	sadd.s32 $0x2, s20;
	s24 =	sadd.s32 $0x3, s20;
	v9 =	vadd.s32 v0, v9;
	v14 =	vadd.s32 v0, v1;
	v12 =	vld.idx.msk [tilespmem:v12+s5+$0x0], $0xffff;
	s25 =	smov.u32 s20  }
0xae: {  	s29 =	sadd.s32 $0xC, s20;
	v15 =	vshll.u32 v2, $0x3;
	v16 =	vmov s22;
	v17 =	vmov s23;
	s22 =	sadd.s32 $0x4, s20;
	s23 =	sadd.s32 $0x6, s20;
	v13 =	vld.idx.msk [tilespmem:v13+s5+$0x0], $0xffff  }
0xaf: {  	s3 =	sadd.s32 $0x8, s20;
	v1 =	vand.u32 $0x70, v2;
	v18 =	vmov s22;
	v19 =	vmov s23;
	s23 =	sadd.s32 $0x7, s20;
	s22 =	sadd.s32 $0xE, s20;
	[tilespmem:s19+$0xFFFFFF40] =	vst v7;
	v7 =	vld.idx.msk [tilespmem:v10+s5+$0x0], $0xffff  }
0xb0: {  	s9 =	sadd.s32 $0x5, s20;
	v21 =	vmov s3;
	s3 =	sadd.s32 $0x9, s20;
	v10 =	vand.u32 $0x71, v16;
	v20 =	vmov s23;
	s23 =	sadd.s32 $0xA, s20;
	[tilespmem:s19+$0x40] =	vst v11  }
0xb1: {  	p1 =	slt.u32 s20, $0x1F0;
	v22 =	vmov s3;
	s3 =	sadd.s32 $0xB, s25;
	v11 =	vmov s24;
	s20 =	sadd.s32 $0x10, s20;
	v23 =	vmov s23;
	v8 =	vld.idx.msk [tilespmem:v8+s5+$0x0], $0xffff  }
0xb2: {  	v24 =	vshll.u32 v18, $0x3;
	v25 =	vmov s3;
	v2 =	vand.u32 $0x73, v11;
	v14 =	vld.idx.msk [tilespmem:v14+s5+$0x0], $0xffff  }
0xb3: {  	v27 =	vmov s29;
	v18 =	vand.u32 $0x74, v18;
	s3 =	sadd.s32 $0xD, s25;
	v26 =	vshll.u32 v25, $0x3;
	v5 =	vld.idx.msk [tilespmem:v5+s5+$0x0], $0xffff;
	[tilespmem:s19+$0x60] =	vst v6  }
0xb4: {  	v28 =	vand.u32 $0x76, v19;
	v29 =	vmov s3;
	v6 =	vand.u32 $0x72, v17;
	v3 =	vld.idx.msk [tilespmem:v3+s5+$0x0], $0xffff;
	[tilespmem:s19+$0x0] =	vst v13  }
0xb5: {  	v30 =	vshll.u32 v11, $0x3;
	v11 =	vand.u32 $0x77, v20;
	s3 =	sadd.s32 $0xF, s25;
	v13 =	vand.u32 $0x7A, v23;
	[tilespmem:s19+$0xFFFFFF60] =	vst v7;
	v4 =	vld.idx.msk [tilespmem:v4+s5+$0x0], $0xffff  }
0xb6: {  	v15 =	vand.u32 $0xC00, v15;
	v7 =	vshll.u32 v20, $0x3;
	v20 =	vmov s3;
	v9 =	vld.idx.msk [tilespmem:v9+s5+$0x0], $0xffff  }
0xb7: {  	v31 =	vmov s9;
	v7 =	vand.u32 $0xC00, v7;
	v32 =	vshll.u32 v20, $0x3;
	[tilespmem:s19+$0xFFFFFF00] =	vst v8  }
0xb8: {  	v20 =	vand.u32 $0x7F, v20;
	v8 =	vshll.u32 v31, $0x3;
	v32 =	vand.u32 $0xC00, v32;
	[tilespmem:s19+$0xFFFFFF30] =	vst v14  }
0xb9: {  	v7 =	vor.u32 v11, v7;
	v8 =	vand.u32 $0xC00, v8;
	v11 =	vor.u32 v20, v32;
	[tilespmem:s19+$0x30] =	vst v12  }
0xba: {  	v14 =	vshll.u32 v17, $0x3;
	v7 =	vadd.s32 v0, v7;
	v11 =	vadd.s32 v0, v11;
	[tilespmem:s19+$0xFFFFFF50] =	vst v3  }
0xbb: {  	v17 =	vshll.u32 v29, $0x3;
	v12 =	vand.u32 $0x7D, v29;
	v3 =	vand.u32 $0x75, v31;
	[tilespmem:s19+$0x10] =	vst v4  }
0xbc: {  	v20 =	vshll.u32 v27, $0x3;
	v17 =	vand.u32 $0xC00, v17;
	v4 =	vshll.u32 v23, $0x3;
	[tilespmem:s19+$0xFFFFFF10] =	vst v9  }
0xbd: {  	v12 =	vor.u32 v12, v17;
	v9 =	vshll.u32 v16, $0x3;
	v4 =	vand.u32 $0xC00, v4;
	[tilespmem:s19+$0xFFFFFF20] =	vst v5;
	s19 =	smov.u32 s21  }
0xbe: {  	v4 =	vor.u32 v13, v4;
	v5 =	vadd.s32 v0, v12;
	v12 =	vmov s22  }
0xbf: {  	v16 =	vand.u32 $0x7C, v27;
	v13 =	vand.u32 $0xC00, v24;
	v4 =	vadd.s32 v0, v4;
	v7 =	vld.idx.msk [tilespmem:v7+s5+$0x0], $0xffff  }
0xc0: {  	v17 =	vand.u32 $0x78, v21;
	v13 =	vor.u32 v18, v13;
	v18 =	vand.u32 $0x7B, v25;
	v11 =	vld.idx.msk [tilespmem:v11+s5+$0x0], $0xffff  }
0xc1: {  	v21 =	vshll.u32 v21, $0x3;
	v23 =	vand.u32 $0xC00, v26;
	v24 =	vand.u32 $0x7E, v12  }
0xc2: {  	v20 =	vand.u32 $0xC00, v20;
	v12 =	vshll.u32 v12, $0x3;
	v13 =	vadd.s32 v0, v13  }
0xc3: {  	v25 =	vand.u32 $0x79, v22;
	v22 =	vshll.u32 v22, $0x3;
	v18 =	vor.u32 v18, v23  }
0xc4: {  	v21 =	vand.u32 $0xC00, v21;
	v16 =	vor.u32 v16, v20;
	v12 =	vand.u32 $0xC00, v12;
	v5 =	vld.idx.msk [tilespmem:v5+s5+$0x0], $0xffff  }
0xc5: {  	v16 =	vadd.s32 v0, v16;
	v12 =	vor.u32 v24, v12;
	[tilespmem:s21+$0xFFFFFF70] =	vst v7;
	v7 =	vand.u32 $0xC00, v22  }
0xc6: {  	v19 =	vshll.u32 v19, $0x3;
	v9 =	vand.u32 $0xC00, v9;
	v20 =	vld.idx.msk [tilespmem:v4+s5+$0x0], $0xffff;
	v4 =	vadd.s32 v0, v12;
	[tilespmem:s21+$0x70] =	vst v11  }
0xc7: {  	v9 =	vor.u32 v10, v9;
	v10 =	vand.u32 $0xC00, v19;
	v19 =	vor.u32 v25, v7  }
.Ltmp4:
0xc8: {  	v10 =	vor.u32 v28, v10;
	v11 =	vor.u32 v17, v21;
	v12 =	vadd.s32 v0, v18;
	(pc) =	sbr.rel @p1 .LBB2_7-.Ltmp4, $4  }
0xc9: {  	v3 =	vor.u32 v3, v8;
	v10 =	vadd.s32 v0, v10;
	v7 =	vld.idx.msk [tilespmem:v13+s5+$0x0], $0xffff;
	v13 =	vadd.s32 v0, v11  }
0xca: {  	v1 =	vor.u32 v1, v15;
	v14 =	vand.u32 $0xC00, v14;
	v3 =	vadd.s32 v0, v3;
	v11 =	vld.idx.msk [tilespmem:v16+s5+$0x0], $0xffff;
	[tilespmem:s21+$0x50] =	vst v5  }
0xcb: {  	v8 =	vadd.s32 v0, v1;
	v1 =	vor.u32 v6, v14;
	v14 =	vand.u32 $0xC00, v30;
	v6 =	vld.idx.msk [tilespmem:v4+s5+$0x0], $0xffff  }
0xcc: {  	v5 =	vadd.s32 v0, v1;
	v1 =	vor.u32 v2, v14;
	s21 =	sadd.s32 $0x200, s21;
	v4 =	vadd.s32 v0, v19;
	[tilespmem:s19+$0x20] =	vst v20  }
0xcd: {  	_ =	sdelay $0x3  }
0xce: {  	v2 =	vld.idx.msk [tilespmem:v13+s5+$0x0], $0xffff  }
0xcf: {  	v1 =	vadd.s32 v0, v1;
	v10 =	vld.idx.msk [tilespmem:v10+s5+$0x0], $0xffff  }
0xd0: {  	v61 =	vld.idx.msk [tilespmem:v8+s5+$0x0], $0xffff;
	[tilespmem:s19+$0xFFFFFF40] =	vst v7  }
0xd1: {  	v9 =	vadd.s32 v0, v9;
	v62 =	vld.idx.msk [tilespmem:v12+s5+$0x0], $0xffff;
	[tilespmem:s19+$0x40] =	vst v11  }
0xd2: {  	v3 =	vld.idx.msk [tilespmem:v3+s5+$0x0], $0xffff;
	[tilespmem:s19+$0x60] =	vst v6  }
0xd3: {  	v5 =	vld.idx.msk [tilespmem:v5+s5+$0x0], $0xffff;
	[tilespmem:s19+$0x0] =	vst v2  }
0xd4: {  	v1 =	vld.idx.msk [tilespmem:v1+s5+$0x0], $0xffff;
	[tilespmem:s19+$0xFFFFFF60] =	vst v10  }
0xd5: {  	v2 =	vld.idx.msk [tilespmem:v4+s5+$0x0], $0xffff;
	[tilespmem:s19+$0xFFFFFF00] =	vst v61  }
0xd6: {  	v63 =	vld.idx.msk [tilespmem:v9+s5+$0x0], $0xffff;
	[tilespmem:s19+$0x30] =	vst v62  }
0xd7: {  	[tilespmem:s19+$0xFFFFFF50] =	vst v3  }
0xd8: {  	[tilespmem:s19+$0xFFFFFF20] =	vst v5  }
0xd9: {  	s3 =	sshll.u32 s18, $0xA;
	[tilespmem:s19+$0xFFFFFF30] =	vst v1  }
0xda: {  	s20 =	simm.s32 $0xA000;
	s21 =	sadd.s32 s7, s3;
	[tilespmem:s19+$0x10] =	vst v2  }
0xdb: {  	s22 =	simm.s32 $0xA100;
	s23 =	sadd.s32 $0x0, s21;
	[tilespmem:s19+$0xFFFFFF10] =	vst v63;
	s19 =	simm.s32 $0x10  }
.LBB2_9:
0xdc: {  	[hbm4b:s23+s5] =	stream.linear.scatter [tilespmem:s20], [sflag:$0x3], $0x80, $0x38;
	[tilespmem:$0xE000] =	vst v63  }
0xdd: {  	s3 =	smov.u32 s19;
	s20 =	smov.u32 s22;
	p1 =	sne.s32 s19, $0x3F0  }
.Ltmp5:
0xde: {  	s19 =	sadd.s32 $0x10, s19;
	(pc) =	sbr.rel @p1 .LBB2_9-.Ltmp5, $2  }
0xdf: {  	_ =	sdelay $0x2  }
0xe0: {  	s22 =	sadd.s32 $0x100, s22;
	s23 =	sadd.s32 s3, s21  }
0xe1: {  	p1 =	seq.s32 s16, $0x1E  }
0xe2: {  	s3 =	sadd.s32 @!p1 s13, s17  }
0xe3: {  	s9 =	smulhi.u32 @!p1 $0x8639F003, s3;
	_ =	sdelay $0x1  }
0xe4: {  	s9 =	sshrl.u32 @!p1 s9, $0xA  }
0xe5: {  	s9 =	smul.u32 @!p1 $0x7A1, s9  }
0xe6: {  	[hbm4b:s23+s5] =	stream.linear.scatter [tilespmem:s20], [sflag:$0x3], $0x80, $0x38;
	[tilespmem:$0xE000] =	vst v63  }
0xe7: {  	s3 =	ssub.s32 @!p1 s3, s9  }
0xe8: {  	s3 =	sshll.u32 @!p1 s3, $0x9  }
0xe9: {  	s19 =	simm.s32 @!p1 $0x0;
	s9 =	sadd.s32 @!p1 s1, s3  }
0xea: {  	[tilespmem:s19], [sflag:$0x1] =	stream.linear.gather @!p1 [hbm4b:s9+s19], $0x1000, $0x38;
	[tilespmem:$0xE000] =	vst v63  }
0xeb: {  	s20 =	simm.s32 @!p1 $0x1400;
	s9 =	sadd.s32 @!p1 $0xF4280, s9  }
0xec: {  	[tilespmem:s20], [sflag:$0x1] =	stream.linear.gather @!p1 [hbm4b:s9+s19], $0x1000, $0x38;
	[tilespmem:$0xE000] =	vst v63  }
0xed: {  	s3 =	sadd.s32 @!p1 s2, s3;
	s9 =	simm.s32 @!p1 $0x5000  }
0xee: {  	[tilespmem:s9], [sflag:$0x1] =	stream.linear.gather @!p1 [hbm4b:s3+s19], $0x1000, $0x38;
	[tilespmem:$0xE000] =	vst v63  }
0xef: {  	s3 =	sadd.s32 @!p1 $0xF4280, s3;
	s9 =	simm.s32 @!p1 $0x6400  }
0xf0: {  	[tilespmem:s9], [sflag:$0x1] =	stream.linear.gather @!p1 [hbm4b:s3+s19], $0x1000, $0x38;
	[tilespmem:$0xE000] =	vst v63  }
0xf1: {  	_ =	swait.ge [sflag:s28], $0x2000  }
0xf2: {  	[sflag:s28] =	ssyncset.done $0x0  }
0xf3: {  	s25 =	sor.u32 $0x20, s18;
	[sflag:s28] =	ssyncadd.s32 $0xFFFFE000  }
0xf4: {  	s29 =	smulhi.u32 $0x8639F003, s25;
	_ =	swait.ge [sflag:s28], $0x2000  }
0xf5: {  	[sflag:s28] =	ssyncset.done $0x0  }
0xf6: {  	s9 =	sshrl.u32 s29, $0xA;
	s19 =	simm.s32 @!p2 $0x4;
	[sflag:s28] =	ssyncadd.s32 $0xFFFFE000  }
0xf7: {  	s9 =	smul.u32 $0x7A1, s9;
	_ =	swait.ge @!p2 [sflag:s19], $0x2000  }
0xf8: {  	s20 =	simm.s32 $0x0;
	[sflag:s19] =	ssyncset.done @!p2 $0x0  }
0xf9: {  	s18 =	ssub.s32 s25, s9;
	[sflag:s19] =	ssyncadd.s32 @!p2 $0xFFFFE000;
	s19 =	simm.s32 $0x0  }
.LBB2_11:
0xfa: {  	s3 =	sshrl.u32 s20, $0x3  }
0xfb: {  	s9 =	sand.u32 $0x7, s19;
	s3 =	smul.u32 $0x5000, s3  }
0xfc: {  	s9 =	sshll.u32 s9, $0x9  }
0xfd: {  	s3 =	sor.u32 s9, s3  }
0xfe: {  	s3 =	sshra.s32 s3, $0x2  }
0xff: {  	s29 =	sadd.s32 $0x7870, s3  }
0x100: {  	s21 =	sadd.s32 $0x2870, s3;
	v1 =	vld [tilespmem:s29+$0x0]  }
0x101: {  	v2 =	vld [tilespmem:s21+$0x0]  }
0x102: {  	v4 =	vld [tilespmem:s29+$0xFFFFFF90]  }
0x103: {  	v5 =	vld [tilespmem:s29+$0xFFFFFFA0]  }
0x104: {  	v6 =	vld [tilespmem:s29+$0xFFFFFFB0]  }
0x105: {  	v7 =	vld [tilespmem:s29+$0xFFFFFFC0]  }
0x106: {  	v8 =	vld [tilespmem:s29+$0xFFFFFFD0]  }
0x107: {  	v9 =	vld [tilespmem:s29+$0xFFFFFFE0]  }
0x108: {  	v10 =	vld [tilespmem:s29+$0xFFFFFFF0]  }
0x109: {  	v11 =	vld [tilespmem:s21+$0xFFFFFFA0]  }
0x10a: {  	v12 =	vld [tilespmem:s21+$0xFFFFFFB0]  }
0x10b: {  	v3 =	vld [tilespmem:s21+$0xFFFFFFC0]  }
0x10c: {  	vm1 =	vgt.f32 v1, $9.999999770e-03;
	vm0 =	vgt.f32 v4, $9.999999770e-03;
	v1 =	vld [tilespmem:s21+$0xFFFFFFD0]  }
0x10d: {  	vm3 =	vgt.f32 v5, $9.999999770e-03;
	vm5 =	vgt.f32 v6, $9.999999770e-03;
	v4 =	vnsel vm1, $0x0, v2;
	v2 =	vld [tilespmem:s21+$0xFFFFFFE0]  }
0x10e: {  	vm4 =	vgt.f32 v7, $9.999999770e-03;
	vm2 =	vgt.f32 v8, $9.999999770e-03;
	v6 =	vnsel vm3, $0x0, v11;
	[tilespmem:s21+$0x0] =	vst v4;
	v4 =	vld [tilespmem:s21+$0xFFFFFFF0]  }
0x10f: {  	s22 =	simm.s32 $0x0;
	s23 =	sadd.s32 $0x400, s29;
	s24 =	smov.u32 s21;
	v5 =	vld [tilespmem:s21+$0xFFFFFF90];
	vm3 =	vgt.f32 v9, $9.999999770e-03;
	vm1 =	vgt.f32 v10, $9.999999770e-03;
	[tilespmem:s21+$0xFFFFFFA0] =	vst v6;
	v6 =	vnsel vm5, $0x0, v12  }
.LBB2_12:
0x110: {  	v7 =	vld [tilespmem:s23+$0x0];
	s22 =	sadd.s32 $0x8, s22;
	[tilespmem:s21+$0xFFFFFFB0] =	vst v6;
	v3 =	vnsel vm4, $0x0, v3;
	s24 =	sadd.s32 $0x400, s24  }
0x111: {  	v6 =	vld [tilespmem:s24+$0x0];
	p2 =	slt.u32 s22, $0x18;
	[tilespmem:s21+$0xFFFFFFC0] =	vst v3;
	v1 =	vnsel vm2, $0x0, v1  }
0x112: {  	v3 =	vld [tilespmem:s23+$0xFFFFFF90];
	[tilespmem:s21+$0xFFFFFFD0] =	vst v1;
	v1 =	vnsel vm3, $0x0, v2  }
0x113: {  	v2 =	vld [tilespmem:s23+$0xFFFFFFA0];
	[tilespmem:s21+$0xFFFFFFE0] =	vst v1;
	v1 =	vnsel vm1, $0x0, v4  }
0x114: {  	v4 =	vld [tilespmem:s23+$0xFFFFFFB0];
	v5 =	vnsel vm0, $0x0, v5;
	[tilespmem:s21+$0xFFFFFFF0] =	vst v1  }
0x115: {  	v1 =	vld [tilespmem:s23+$0xFFFFFFC0];
	vm0 =	vgt.f32 v7, $9.999999770e-03;
	[tilespmem:s21+$0xFFFFFF90] =	vst v5;
	s21 =	smov.u32 s24  }
0x116: {  	v5 =	vld [tilespmem:s23+$0xFFFFFFD0];
	v6 =	vnsel vm0, $0x0, v6  }
0x117: {  	vm0 =	vgt.f32 v3, $9.999999770e-03;
	v7 =	vld [tilespmem:s23+$0xFFFFFFE0];
	[tilespmem:s24+$0x0] =	vst v6  }
0x118: {  	vm5 =	vgt.f32 v2, $9.999999770e-03;
	v6 =	vld [tilespmem:s23+$0xFFFFFFF0]  }
0x119: {  	v8 =	vld [tilespmem:s24+$0xFFFFFFA0];
	vm6 =	vgt.f32 v4, $9.999999770e-03  }
0x11a: {  	v9 =	vld [tilespmem:s24+$0xFFFFFFB0];
	vm4 =	vgt.f32 v1, $9.999999770e-03  }
.Ltmp6:
0x11b: {  	v3 =	vld [tilespmem:s24+$0xFFFFFFC0];
	vm2 =	vgt.f32 v5, $9.999999770e-03;
	(pc) =	sbr.rel @p2 .LBB2_12-.Ltmp6, $4  }
0x11c: {  	v1 =	vld [tilespmem:s24+$0xFFFFFFD0];
	vm3 =	vgt.f32 v7, $9.999999770e-03  }
0x11d: {  	v2 =	vld [tilespmem:s24+$0xFFFFFFE0];
	vm1 =	vgt.f32 v6, $9.999999770e-03  }
0x11e: {  	v6 =	vnsel vm5, $0x0, v8;
	v4 =	vld [tilespmem:s24+$0xFFFFFFF0]  }
0x11f: {  	s23 =	sadd.s32 $0x400, s23;
	v5 =	vld [tilespmem:s24+$0xFFFFFF90];
	[tilespmem:s24+$0xFFFFFFA0] =	vst v6;
	v6 =	vnsel vm6, $0x0, v9  }
0x120: {  	s20 =	sadd.s32 $0x1, s20  }
0x121: {  	[tilespmem:s21+$0xFFFFFFB0] =	vst v6;
	v3 =	vnsel vm4, $0x0, v3;
	p2 =	sne.s32 s20, $0x10  }
.Ltmp7:
0x122: {  	[tilespmem:s21+$0xFFFFFFC0] =	vst v3;
	v1 =	vnsel vm2, $0x0, v1;
	(pc) =	sbr.rel @p2 .LBB2_11-.Ltmp7, $4  }
0x123: {  	[tilespmem:s21+$0xFFFFFFD0] =	vst v1;
	v1 =	vnsel vm3, $0x0, v2  }
0x124: {  	[tilespmem:s21+$0xFFFFFFE0] =	vst v1;
	v1 =	vnsel vm1, $0x0, v4  }
0x125: {  	v2 =	vnsel vm0, $0x0, v5;
	[tilespmem:s21+$0xFFFFFFF0] =	vst v1  }
0x126: {  	s19 =	sadd.s32 $0x1, s19;
	[tilespmem:s21+$0xFFFFFF90] =	vst v2  }
0x127: {  	s3 =	simm.s32 $0xE;
	s21 =	simm.s32 $0xF;
	s24 =	simm.s32 $0x2  }
0x128: {  	s9 =	simm.s32 $0x3;
	s25 =	simm.s32 $0x4;
	s29 =	simm.s32 $0x5;
	v1 =	vmov s3;
	v3 =	vmov s21;
	v6 =	vmov s24  }
0x129: {  	s19 =	simm.s32 $0x6;
	s20 =	simm.s32 $0x9;
	v7 =	vmov s9;
	v8 =	vmov s25;
	v9 =	vmov s29  }
0x12a: {  	v10 =	vmov s19;
	s9 =	simm.s32 $0x7;
	v13 =	vmov s20;
	v2 =	vshll.u32 v1, $0x3  }
0x12b: {  	s19 =	simm.s32 $0x8;
	s21 =	simm.s32 $0xA;
	v1 =	vand.u32 $0x7E, v1;
	v4 =	vshll.u32 v3, $0x3;
	v11 =	vmov s9  }
0x12c: {  	v12 =	vmov s19;
	v14 =	vmov s21;
	v18 =	vand.u32 $0x72, v6  }
0x12d: {  	v19 =	vand.u32 $0x73, v7;
	v20 =	vand.u32 $0x74, v8;
	v21 =	vand.u32 $0x75, v9  }
0x12e: {  	v22 =	vand.u32 $0x76, v10;
	v25 =	vand.u32 $0x79, v13;
	v6 =	vshll.u32 v6, $0x3  }
0x12f: {  	s24 =	simm.s32 $0xD;
	v7 =	vshll.u32 v7, $0x3;
	v8 =	vshll.u32 v8, $0x3;
	v9 =	vshll.u32 v9, $0x3  }
0x130: {  	v10 =	vshll.u32 v10, $0x3;
	v29 =	vmov s24;
	v13 =	vshll.u32 v13, $0x3  }
0x131: {  	v2 =	vand.u32 $0xC00, v2;
	v23 =	vand.u32 $0x77, v11;
	v24 =	vand.u32 $0x78, v12  }
0x132: {  	v26 =	vand.u32 $0x7A, v14;
	v11 =	vshll.u32 v11, $0x3;
	v12 =	vshll.u32 v12, $0x3  }
0x133: {  	v14 =	vshll.u32 v14, $0x3;
	v30 =	vshll.u32 v29, $0x3;
	v29 =	vand.u32 $0x7D, v29  }
0x134: {  	v6 =	vand.u32 $0xC00, v6;
	v7 =	vand.u32 $0xC00, v7;
	v8 =	vand.u32 $0xC00, v8  }
0x135: {  	v9 =	vand.u32 $0xC00, v9;
	v10 =	vand.u32 $0xC00, v10;
	v13 =	vand.u32 $0xC00, v13  }
0x136: {  	s22 =	simm.s32 $0x0;
	v1 =	vor.u32 v1, v2;
	v2 =	vand.u32 $0x7F, v3;
	v3 =	vand.u32 $0xC00, v4  }
0x137: {  	v4 =	vmov s22;
	v30 =	vand.u32 $0xC00, v30;
	v6 =	vor.u32 v18, v6  }
0x138: {  	v7 =	vor.u32 v19, v7;
	v8 =	vor.u32 v20, v8;
	v9 =	vor.u32 v21, v9  }
0x139: {  	v10 =	vor.u32 v22, v10;
	v11 =	vand.u32 $0xC00, v11;
	v12 =	vand.u32 $0xC00, v12  }
0x13a: {  	s23 =	simm.s32 $0x1;
	v13 =	vor.u32 v25, v13;
	v14 =	vand.u32 $0xC00, v14;
	v5 =	vadd.s32 v0, v1  }
0x13b: {  	s22 =	simm.s32 $0xB;
	v1 =	vor.u32 v2, v3;
	v2 =	vand.u32 $0x70, v4;
	v3 =	vmov s23  }
0x13c: {  	v4 =	vshll.u32 v4, $0x3;
	v15 =	vmov s22;
	v6 =	vadd.s32 v0, v6  }
0x13d: {  	v29 =	vor.u32 v29, v30;
	v7 =	vadd.s32 v0, v7;
	v8 =	vadd.s32 v0, v8  }
0x13e: {  	v9 =	vadd.s32 v0, v9;
	v10 =	vadd.s32 v0, v10;
	v1 =	vadd.s32 v0, v1  }
0x13f: {  	v11 =	vor.u32 v23, v11;
	v12 =	vor.u32 v24, v12;
	v13 =	vadd.s32 v0, v13  }
0x140: {  	s23 =	simm.s32 $0xC;
	v14 =	vor.u32 v26, v14;
	v17 =	vand.u32 $0x71, v3;
	v3 =	vshll.u32 v3, $0x3  }
0x141: {  	v16 =	vmov s23;
	v27 =	vand.u32 $0x7B, v15;
	v3 =	vand.u32 $0xC00, v3;
	v6 =	vld.idx.msk [tilespmem:v6+s30+$0x0], $0xffff  }
0x142: {  	v15 =	vshll.u32 v15, $0x3;
	v3 =	vor.u32 v17, v3;
	v17 =	vadd.s32 v0, v29;
	v7 =	vld.idx.msk [tilespmem:v7+s30+$0x0], $0xffff  }
0x143: {  	s22 =	simm.s32 $0x11;
	v11 =	vadd.s32 v0, v11;
	v12 =	vadd.s32 v0, v12;
	v14 =	vadd.s32 v0, v14;
	v1 =	vld.idx.msk [tilespmem:v1+s30+$0x0], $0xffff  }
0x144: {  	v24 =	vmov s22;
	s23 =	simm.s32 $0x12;
	v28 =	vand.u32 $0x7C, v16;
	v3 =	vadd.s32 v0, v3;
	v8 =	vld.idx.msk [tilespmem:v8+s30+$0x0], $0xffff  }
0x145: {  	s20 =	simm.s32 $0x1E0;
	s22 =	simm.s32 $0x19;
	v16 =	vshll.u32 v16, $0x3;
	v15 =	vand.u32 $0xC00, v15;
	v26 =	vmov s23;
	v9 =	vld.idx.msk [tilespmem:v9+s30+$0x0], $0xffff  }
0x146: {  	s19 =	simm.s32 $0xA0F0;
	s24 =	simm.s32 $0x13;
	v18 =	vmov s22;
	s23 =	simm.s32 $0x1A;
	v19 =	vand.u32 $0x71, v24;
	v15 =	vor.u32 v27, v15;
	v10 =	vld.idx.msk [tilespmem:v10+s30+$0x0], $0xffff  }
0x147: {  	s25 =	sor.u32 $0x70, s20;
	s21 =	simm.s32 $0x10;
	v16 =	vand.u32 $0xC00, v16;
	v29 =	vmov s24;
	s24 =	simm.s32 $0x1B;
	v23 =	vmov s23;
	v17 =	vld.idx.msk [tilespmem:v17+s30+$0x0], $0xffff;
	[tilespmem:s19+$0xFFFFFFC0] =	vst v7  }
0x148: {  	s29 =	simm.s32 $0x1E;
	v22 =	vmov s24;
	v7 =	vld.idx.msk [tilespmem:v13+s30+$0x0], $0xffff;
	v13 =	vmov s21;
	[tilespmem:s25+$0xA000] =	vst v1;
	v1 =	vand.u32 $0xC00, v4  }
0x149: {  	v3 =	vld.idx.msk [tilespmem:v3+s30+$0x0], $0xffff;
	[tilespmem:s19+$0xFFFFFFB0] =	vst v6;
	s21 =	simm.s32 $0x16;
	v4 =	vadd.s32 v0, v15;
	v15 =	vor.u32 v28, v16;
	v16 =	vmov s29  }
0x14a: {  	v11 =	vld.idx.msk [tilespmem:v11+s30+$0x0], $0xffff;
	[tilespmem:s19+$0xFFFFFFD0] =	vst v8;
	s25 =	simm.s32 $0x14;
	v32 =	vmov s21;
	v28 =	vshll.u32 v24, $0x3;
	v1 =	vor.u32 v2, v1  }
0x14b: {  	v6 =	vld.idx.msk [tilespmem:v12+s30+$0x0], $0xffff;
	[tilespmem:s19+$0xFFFFFFE0] =	vst v9;
	s29 =	simm.s32 $0x15;
	s21 =	simm.s32 $0x18;
	v15 =	vadd.s32 v0, v15;
	v2 =	vshll.u32 v16, $0x3;
	v30 =	vmov s25  }
0x14c: {  	v31 =	vmov s29;
	v21 =	vmov s21;
	[tilespmem:s19+$0xE0] =	vst v17;
	v17 =	vadd.s32 v0, v1  }
0x14d: {  	s9 =	simm.s32 $0x1F;
	v8 =	vld.idx.msk [tilespmem:v14+s30+$0x0], $0xffff;
	[tilespmem:s19+$0xFFFFFFF0] =	vst v10;
	v24 =	vshll.u32 v32, $0x3;
	v1 =	vand.u32 $0x7E, v16;
	v2 =	vand.u32 $0xC00, v2  }
0x14e: {  	v33 =	vld.idx.msk [tilespmem:v5+s30+$0x0], $0xffff;
	v16 =	vand.u32 $0x72, v26;
	v14 =	vand.u32 $0x74, v30;
	[tilespmem:s19+$0xFFFFFFA0] =	vst v3;
	v3 =	vmov s9  }
0x14f: {  	[tilespmem:s19+$0x0] =	vst v11;
	v10 =	vand.u32 $0x78, v21;
	v1 =	vor.u32 v1, v2;
	v12 =	vshll.u32 v3, $0x3;
	v9 =	vld.idx.msk [tilespmem:v4+s30+$0x0], $0xffff  }
0x150: {  	s9 =	simm.s32 $0x17;
	v3 =	vand.u32 $0x7F, v3;
	v2 =	vadd.s32 v0, v1;
	v1 =	vand.u32 $0x70, v13;
	[tilespmem:s19+$0x90] =	vst v6;
	v25 =	vld.idx.msk [tilespmem:v15+s30+$0x0], $0xffff  }
0x151: {  	s29 =	simm.s32 $0x1C0;
	v20 =	vmov s9;
	[tilespmem:s19+$0xA0] =	vst v7;
	v7 =	vand.u32 $0x7A, v23;
	v6 =	vand.u32 $0x7B, v22;
	v27 =	vld.idx.msk [tilespmem:v17+s30+$0x0], $0xffff  }
0x152: {  	s3 =	sor.u32 $0x60, s29;
	[tilespmem:s19+$0xB0] =	vst v8;
	v8 =	vshll.u32 v31, $0x3;
	v12 =	vand.u32 $0xC00, v12;
	v11 =	vand.u32 $0x77, v20  }
0x153: {  	s25 =	simm.s32 $0x1C;
	[tilespmem:s3+$0xA000] =	vst v33;
	v3 =	vor.u32 v3, v12;
	v15 =	vand.u32 $0x73, v29;
	v12 =	vand.u32 $0x76, v32  }
0x154: {  	v4 =	vadd.s32 v0, v3;
	v3 =	vshll.u32 v13, $0x3;
	v17 =	vmov s25;
	[tilespmem:s19+$0xC0] =	vst v9  }
0x155: {  	v13 =	vand.u32 $0x75, v31;
	v5 =	vand.u32 $0x7C, v17;
	v9 =	vand.u32 $0x79, v18;
	[tilespmem:s19+$0xD0] =	vst v25  }
0x156: {  	s22 =	simm.s32 $0x1D;
	s21 =	simm.s32 $0x20;
	v25 =	vshll.u32 v30, $0x3;
	[tilespmem:s19+$0xFFFFFF90] =	vst v27;
	v27 =	vshll.u32 v26, $0x3;
	v26 =	vshll.u32 v29, $0x3  }
.LBB2_15:
0x157: {  	p2 =	slt.u32 s21, $0x1F0;
	v20 =	vshll.u32 v20, $0x3;
	v21 =	vshll.u32 v21, $0x3;
	v29 =	vmov s22  }
0x158: {  	v18 =	vshll.u32 v18, $0x3;
	v23 =	vshll.u32 v23, $0x3;
	v30 =	vshll.u32 v29, $0x3  }
0x159: {  	v22 =	vshll.u32 v22, $0x3;
	v29 =	vand.u32 $0x7D, v29;
	v30 =	vand.u32 $0xC00, v30  }
0x15a: {  	v28 =	vand.u32 $0xC00, v28;
	v17 =	vshll.u32 v17, $0x3;
	v29 =	vor.u32 v29, v30  }
0x15b: {  	v27 =	vand.u32 $0xC00, v27;
	v19 =	vor.u32 v19, v28;
	v28 =	vadd.s32 v0, v29  }
0x15c: {  	v26 =	vand.u32 $0xC00, v26;
	v16 =	vor.u32 v16, v27;
	v19 =	vadd.s32 v0, v19  }
0x15d: {  	v25 =	vand.u32 $0xC00, v25;
	v15 =	vor.u32 v15, v26;
	v16 =	vadd.s32 v0, v16  }
0x15e: {  	v14 =	vor.u32 v14, v25;
	v25 =	vand.u32 $0xC00, v8;
	v15 =	vadd.s32 v0, v15;
	v8 =	vld.idx.msk [tilespmem:v2+s30+$0x0], $0xffff  }
0x15f: {  	v13 =	vor.u32 v13, v25;
	v2 =	vadd.s32 v0, v14;
	v14 =	vand.u32 $0xC00, v24;
	v4 =	vld.idx.msk [tilespmem:v4+s30+$0x0], $0xffff  }
0x160: {  	v13 =	vadd.s32 v0, v13;
	v12 =	vor.u32 v12, v14;
	v14 =	vand.u32 $0xC00, v20;
	v20 =	vld.idx.msk [tilespmem:v28+s30+$0x0], $0xffff  }
0x161: {  	v12 =	vadd.s32 v0, v12;
	v11 =	vor.u32 v11, v14;
	v14 =	vand.u32 $0xC00, v21;
	v19 =	vld.idx.msk [tilespmem:v19+s30+$0x0], $0xffff  }
0x162: {  	v11 =	vadd.s32 v0, v11;
	v10 =	vor.u32 v10, v14;
	v14 =	vand.u32 $0xC00, v18;
	v16 =	vld.idx.msk [tilespmem:v16+s30+$0x0], $0xffff  }
0x163: {  	s20 =	sadd.s32 $0x200, s20;
	v10 =	vadd.s32 v0, v10;
	v9 =	vor.u32 v9, v14;
	v14 =	vand.u32 $0xC00, v23;
	v15 =	vld.idx.msk [tilespmem:v15+s30+$0x0], $0xffff  }
0x164: {  	s3 =	sadd.s32 $0xFFFFFFE0, s20;
	s9 =	sor.u32 $0x70, s20;
	v9 =	vadd.s32 v0, v9;
	v7 =	vor.u32 v7, v14;
	v14 =	vand.u32 $0xC00, v22;
	v2 =	vld.idx.msk [tilespmem:v2+s30+$0x0], $0xffff  }
0x165: {  	s19 =	sadd.s32 $0x200, s19;
	s22 =	sor.u32 $0x60, s3;
	v7 =	vadd.s32 v0, v7;
	v6 =	vor.u32 v6, v14;
	v14 =	vand.u32 $0xC00, v17;
	v13 =	vld.idx.msk [tilespmem:v13+s30+$0x0], $0xffff;
	[tilespmem:s9+$0xA000] =	vst v4  }
0x166: {  	v3 =	vand.u32 $0xC00, v3;
	s3 =	sadd.s32 $0xE, s21;
	v4 =	vadd.s32 v0, v6;
	v5 =	vor.u32 v5, v14;
	v12 =	vld.idx.msk [tilespmem:v12+s30+$0x0], $0xffff;
	[tilespmem:s19+$0xE0] =	vst v20  }
0x167: {  	v1 =	vor.u32 v1, v3;
	v6 =	vmov s3;
	s3 =	sadd.s32 $0xF, s21;
	v3 =	vadd.s32 v0, v5;
	[tilespmem:s19+$0xFFFFFFA0] =	vst v19;
	v11 =	vld.idx.msk [tilespmem:v11+s30+$0x0], $0xffff  }
0x168: {  	v17 =	vadd.s32 v0, v1;
	v5 =	vshll.u32 v6, $0x3;
	v14 =	vmov s3;
	[tilespmem:s19+$0xFFFFFFB0] =	vst v16;
	v10 =	vld.idx.msk [tilespmem:v10+s30+$0x0], $0xffff  }
0x169: {  	v1 =	vand.u32 $0x7E, v6;
	v5 =	vand.u32 $0xC00, v5;
	v6 =	vshll.u32 v14, $0x3;
	[tilespmem:s19+$0xFFFFFFC0] =	vst v15;
	v9 =	vld.idx.msk [tilespmem:v9+s30+$0x0], $0xffff  }
0x16a: {  	v1 =	vor.u32 v1, v5;
	v5 =	vand.u32 $0x7F, v14;
	v6 =	vand.u32 $0xC00, v6;
	[tilespmem:s19+$0xFFFFFFD0] =	vst v2;
	v7 =	vld.idx.msk [tilespmem:v7+s30+$0x0], $0xffff  }
0x16b: {  	s3 =	sadd.s32 $0x1, s21;
	v14 =	vmov s21;
	v5 =	vor.u32 v5, v6;
	v2 =	vadd.s32 v0, v1;
	[tilespmem:s19+$0xFFFFFFE0] =	vst v13;
	v6 =	vld.idx.msk [tilespmem:v4+s30+$0x0], $0xffff  }
0x16c: {  	s9 =	sadd.s32 $0x3, s21;
	v24 =	vmov s3;
	s3 =	sadd.s32 $0x2, s21;
	v1 =	vand.u32 $0x70, v14;
	v4 =	vadd.s32 v0, v5;
	[tilespmem:s19+$0xFFFFFFF0] =	vst v12;
	v5 =	vld.idx.msk [tilespmem:v3+s30+$0x0], $0xffff  }
0x16d: {  	s23 =	sadd.s32 $0x6, s21;
	v26 =	vmov s9;
	s9 =	sadd.s32 $0x5, s21;
	v25 =	vmov s3;
	s3 =	sadd.s32 $0x4, s21;
	v3 =	vshll.u32 v14, $0x3;
	v27 =	vld.idx.msk [tilespmem:v17+s30+$0x0], $0xffff;
	[tilespmem:s19+$0x0] =	vst v11  }
0x16e: {  	v31 =	vmov s23;
	s23 =	sadd.s32 $0x9, s21;
	v30 =	vmov s9;
	s9 =	sadd.s32 $0x8, s21;
	v29 =	vmov s3;
	s3 =	sadd.s32 $0x7, s21;
	[tilespmem:s19+$0x90] =	vst v10  }
0x16f: {  	v18 =	vmov s23;
	s23 =	sadd.s32 $0xC, s21;
	v21 =	vmov s9;
	s9 =	sadd.s32 $0xB, s21;
	v20 =	vmov s3;
	s3 =	sadd.s32 $0xA, s21;
	[tilespmem:s19+$0xA0] =	vst v9  }
0x170: {  	v22 =	vmov s9;
	v23 =	vmov s3;
	v17 =	vmov s23;
	[tilespmem:s19+$0xB0] =	vst v7  }
0x171: {  	v19 =	vand.u32 $0x71, v24;
	v16 =	vand.u32 $0x72, v25;
	v15 =	vand.u32 $0x73, v26;
	[tilespmem:s19+$0xC0] =	vst v6  }
.Ltmp8:
0x172: {  	v13 =	vand.u32 $0x75, v30;
	v14 =	vand.u32 $0x74, v29;
	v12 =	vand.u32 $0x76, v31;
	[tilespmem:s19+$0xD0] =	vst v5;
	(pc) =	sbr.rel @p2 .LBB2_15-.Ltmp8, $4  }
0x173: {  	v11 =	vand.u32 $0x77, v20;
	v10 =	vand.u32 $0x78, v21;
	v9 =	vand.u32 $0x79, v18;
	[tilespmem:s19+$0xFFFFFF90] =	vst v27  }
0x174: {  	v7 =	vand.u32 $0x7A, v23;
	v6 =	vand.u32 $0x7B, v22;
	v5 =	vand.u32 $0x7C, v17;
	[tilespmem:s22+$0xA000] =	vst v8  }
0x175: {  	v28 =	vshll.u32 v24, $0x3;
	v26 =	vshll.u32 v26, $0x3;
	v27 =	vshll.u32 v25, $0x3  }
0x176: {  	v24 =	vshll.u32 v31, $0x3;
	v25 =	vshll.u32 v29, $0x3;
	v8 =	vshll.u32 v30, $0x3;
	s22 =	sadd.s32 $0xD, s21;
	s21 =	sadd.s32 $0x10, s21  }
0x177: {  	v20 =	vshll.u32 v20, $0x3;
	v21 =	vshll.u32 v21, $0x3;
	v29 =	vmov s22  }
0x178: {  	v18 =	vshll.u32 v18, $0x3;
	v23 =	vshll.u32 v23, $0x3;
	v22 =	vshll.u32 v22, $0x3  }
0x179: {  	v28 =	vand.u32 $0xC00, v28;
	v17 =	vshll.u32 v17, $0x3;
	v27 =	vand.u32 $0xC00, v27  }
0x17a: {  	v26 =	vand.u32 $0xC00, v26;
	v25 =	vand.u32 $0xC00, v25;
	v19 =	vor.u32 v19, v28  }
0x17b: {  	v8 =	vand.u32 $0xC00, v8;
	v16 =	vor.u32 v16, v27;
	v19 =	vadd.s32 v0, v19  }
0x17c: {  	v53 =	vand.u32 $0xC00, v24;
	v15 =	vor.u32 v15, v26;
	v16 =	vadd.s32 v0, v16  }
0x17d: {  	v3 =	vand.u32 $0xC00, v3;
	v14 =	vor.u32 v14, v25;
	v15 =	vadd.s32 v0, v15  }
0x17e: {  	v4 =	vld.idx.msk [tilespmem:v4+s30+$0x0], $0xffff;
	v30 =	vshll.u32 v29, $0x3;
	v8 =	vor.u32 v13, v8;
	v14 =	vadd.s32 v0, v14  }
0x17f: {  	v2 =	vld.idx.msk [tilespmem:v2+s30+$0x0], $0xffff;
	v29 =	vand.u32 $0x7D, v29;
	v12 =	vor.u32 v12, v53;
	v8 =	vadd.s32 v0, v8  }
0x180: {  	v54 =	vand.u32 $0xC00, v20;
	v1 =	vor.u32 v1, v3;
	v12 =	vadd.s32 v0, v12;
	v19 =	vld.idx.msk [tilespmem:v19+s30+$0x0], $0xffff  }
0x181: {  	s3 =	sadd.s32 $0x200, s20;
	v56 =	vand.u32 $0xC00, v21;
	v11 =	vor.u32 v11, v54;
	v1 =	vadd.s32 v0, v1;
	v16 =	vld.idx.msk [tilespmem:v16+s30+$0x0], $0xffff  }
0x182: {  	v57 =	vand.u32 $0xC00, v18;
	s9 =	sor.u32 $0x70, s3;
	s3 =	sadd.s32 $0xFFFFFFE0, s3;
	v10 =	vor.u32 v10, v56;
	v11 =	vadd.s32 v0, v11;
	v15 =	vld.idx.msk [tilespmem:v15+s30+$0x0], $0xffff  }
0x183: {  	v58 =	vand.u32 $0xC00, v23;
	v9 =	vor.u32 v9, v57;
	s3 =	sor.u32 $0x60, s3;
	v10 =	vadd.s32 v0, v10;
	[tilespmem:s9+$0xA000] =	vst v4;
	v14 =	vld.idx.msk [tilespmem:v14+s30+$0x0], $0xffff  }
0x184: {  	s29 =	sadd.s32 $0x200, s19;
	v59 =	vand.u32 $0xC00, v22;
	v7 =	vor.u32 v7, v58;
	v9 =	vadd.s32 v0, v9;
	[tilespmem:s3+$0xA000] =	vst v2;
	v60 =	vld.idx.msk [tilespmem:v8+s30+$0x0], $0xffff  }
0x185: {  	v61 =	vand.u32 $0xC00, v17;
	v6 =	vor.u32 v6, v59;
	v7 =	vadd.s32 v0, v7;
	v12 =	vld.idx.msk [tilespmem:v12+s30+$0x0], $0xffff;
	[tilespmem:s29+$0xFFFFFFA0] =	vst v19  }
0x186: {  	v30 =	vand.u32 $0xC00, v30;
	v5 =	vor.u32 v5, v61;
	v6 =	vadd.s32 v0, v6;
	v1 =	vld.idx.msk [tilespmem:v1+s30+$0x0], $0xffff;
	[tilespmem:s29+$0xFFFFFFB0] =	vst v16  }
0x187: {  	v29 =	vor.u32 v29, v30;
	v5 =	vadd.s32 v0, v5;
	v3 =	vld.idx.msk [tilespmem:v11+s30+$0x0], $0xffff;
	[tilespmem:s29+$0xFFFFFFC0] =	vst v15  }
0x188: {  	v52 =	vadd.s32 v0, v29;
	v62 =	vld.idx.msk [tilespmem:v10+s30+$0x0], $0xffff;
	[tilespmem:s29+$0xFFFFFFD0] =	vst v14  }
0x189: {  	v9 =	vld.idx.msk [tilespmem:v9+s30+$0x0], $0xffff;
	[tilespmem:s29+$0xFFFFFFE0] =	vst v60  }
0x18a: {  	v7 =	vld.idx.msk [tilespmem:v7+s30+$0x0], $0xffff;
	[tilespmem:s29+$0xFFFFFFF0] =	vst v12  }
0x18b: {  	v63 =	vld.idx.msk [tilespmem:v6+s30+$0x0], $0xffff;
	[tilespmem:s29+$0xFFFFFF90] =	vst v1  }
0x18c: {  	v5 =	vld.idx.msk [tilespmem:v5+s30+$0x0], $0xffff;
	[tilespmem:s29+$0x0] =	vst v3  }
0x18d: {  	v55 =	vld.idx.msk [tilespmem:v52+s30+$0x0], $0xffff;
	[tilespmem:s29+$0x90] =	vst v62  }
0x18e: {  	[tilespmem:s29+$0xA0] =	vst v9  }
0x18f: {  	[tilespmem:s29+$0xB0] =	vst v7  }
0x190: {  	s18 =	sshll.u32 s18, $0xA;
	[tilespmem:s29+$0xC0] =	vst v63  }
0x191: {  	s19 =	simm.s32 $0xA080;
	s18 =	sadd.s32 s7, s18;
	[tilespmem:s29+$0xD0] =	vst v5  }
0x192: {  	s20 =	simm.s32 $0x10;
	s21 =	simm.s32 $0xA180;
	s22 =	sadd.s32 $0x0, s18;
	[tilespmem:s29+$0xE0] =	vst v55  }
.LBB2_17:
0x193: {  	[hbm4b:s22+s5] =	stream.linear.scatter [tilespmem:s19], [sflag:$0x4], $0x80, $0x38;
	[tilespmem:$0xE000] =	vst v63  }
0x194: {  	s3 =	smov.u32 s20;
	s19 =	smov.u32 s21;
	p2 =	sne.s32 s20, $0x3F0  }
.Ltmp9:
0x195: {  	s20 =	sadd.s32 $0x10, s20;
	(pc) =	sbr.rel @p2 .LBB2_17-.Ltmp9, $2  }
0x196: {  	_ =	sdelay $0x2  }
0x197: {  	s21 =	sadd.s32 $0x100, s21;
	s22 =	sadd.s32 s3, s18  }
.Ltmp10:
0x198: {  	(pc) =	sbr.rel @p1 .LBB2_20-.Ltmp10, $2  }
0x199: {  	_ =	sdelay $0x2  }
0x19a: {  	[hbm4b:s22+s5] =	stream.linear.scatter [tilespmem:s19], [sflag:$0x4], $0x80, $0x38;
	[tilespmem:$0xE000] =	vst v63  }
0x19b: {  	s3 =	sadd.s32 s14, s17  }
0x19c: {  	s9 =	smulhi.u32 $0x8639F003, s3;
	_ =	sdelay $0x1  }
0x19d: {  	s9 =	sshrl.u32 s9, $0xA  }
0x19e: {  	s9 =	smul.u32 $0x7A1, s9;
	_ =	sdelay $0x1  }
0x19f: {  	s3 =	ssub.s32 s3, s9  }
0x1a0: {  	s3 =	sshll.u32 s3, $0x9  }
0x1a1: {  	s29 =	sadd.s32 s1, s3  }
0x1a2: {  	[tilespmem:s30], [sflag:$0x2] =	stream.linear.gather [hbm4b:s29+s5], $0x1000, $0x38;
	[tilespmem:$0xE000] =	vst v63  }
0x1a3: {  	s9 =	sadd.s32 $0xF4280, s29  }
0x1a4: {  	[tilespmem:s31], [sflag:$0x2] =	stream.linear.gather [hbm4b:s9+s5], $0x1000, $0x38;
	[tilespmem:$0xE000] =	vst v63  }
.Ltmp11:
0x1a5: {  	_ = 	snop;
	(pc) =	sbr.rel .LBB2_2-.Ltmp11, $4  }
0x1a6: {  	s3 =	sadd.s32 s2, s3  }
0x1a7: {  	[tilespmem:s0], [sflag:$0x2] =	stream.linear.gather [hbm4b:s3+s5], $0x1000, $0x38;
	[tilespmem:$0xE000] =	vst v63  }
0x1a8: {  	s16 =	sadd.s32 $0x1, s16;
	s3 =	sadd.s32 $0xF4280, s3  }
0x1a9: {  	[tilespmem:s4], [sflag:$0x2] =	stream.linear.gather [hbm4b:s3+s5], $0x1000, $0x38;
	[tilespmem:$0xE000] =	vst v63  }
.LBB2_21:
0x1aa: {  	_ =	sfence.sel $0x180000  }
0x1ab: {  	[bflag:$0x0] =	sbarrier.arrive $0xFFFF  }
0x1ac: {  	_ =	strace $0x90000047  }
0x1ad: {  	s0 =	stileid.u32;
	[bflag:$0x2] =	sbarrier.arrive $0xFFFF  }
0x1ae: {  	p0 =	sne.s32 s0, $0x0;
	s0 =	rddreg [dreg:$0x4]  }
0x1af: {  	s0 =	sadd.s32 @!p0 $0x100000, s0  }
0x1b0: {  	[sflag:s0] =	ssyncadd.tile.s32 @!p0 $0x1;
	_ =	shalt  }
.Lfunc_end2:
_tile_overlayer_lowered:
.L_overlay_start_2:
0x1b1: {  	(tag) =	ssettag $0x2  }
0x1b2: {  	s0 =	rddreg [dreg:$0x0];
	s2 =	stileid.u32  }
0x1b3: {  	s1 =	rddreg [dreg:$0x1];
	p0 =	sne.s32 s2, $0x0  }
0x1b4: {  	s3 =	rddreg [dreg:$0x2];
	[bflag:$0x3] =	sbarrier.arrive $0xFFFF;
	s2 =	simm.s32 @!p0 $0x1C05  }
0x1b5: {  	[timem:s3], [sflag:s2] =	dma.local @!p0 [hbm:s0], s1  }
0x1b6: {  	s0 =	simm.s32 @!p0 $0x5  }
0x1b7: {  	_ =	swait.ge @!p0 [sflag:s0], s1  }
0x1b8: {  	s1 =	ssub.s32 @!p0 $0x0, s1;
	[sflag:s0] =	ssyncset.done @!p0 $0x0  }
0x1b9: {  	[sflag:s0] =	ssyncadd.s32 @!p0 s1  }
0x1ba: {  	[bflag:$0x3] =	sbarrier.arrive $0xFFFF  }
0x1bb: {  	_ =	shalt  }

// kernel: kernel.7.cloned.1.call-start
scs
__scs_entry_jumppad:
0x0: {  	(pc) =	sbr.rel $0x88, $3  }
0x1: {  	(tag) =	ssettag $0x0;
	lr =	simm.s32 $0x1  }
0x2: {  	[smem:$0x3F9E] =	sst lr;
	_ =	strace $0xD0000000  }
0x3: {  	_ = 	snop  }
0x4: {  	_ = 	snop  }
0x5: {  	_ = 	snop  }
0x6: {  	_ = 	snop  }
0x7: {  	_ = 	snop  }
__scs_overlays_trampoline_lowered:
0x8: {  	[smem:$0x3FAD] =	sst s0  }
0x9: {  	[smem:$0x3FAE] =	sst s1  }
0xa: {  	[smem:$0x3FAF] =	sst s2  }
0xb: {  	[smem:$0x3FB0] =	sst s3  }
0xc: {  	[smem:$0x3FB1] =	sst s4  }
0xd: {  	[smem:$0x3FB2] =	sst s5  }
0xe: {  	[smem:$0x3FB3] =	sst s6  }
0xf: {  	[smem:$0x3FB4] =	sst s7  }
0x10: {  	[smem:$0x3FB5] =	sst s8  }
0x11: {  	[smem:$0x3FB6] =	sst s9;
	s0 =	simm.s32 @!p0 $0x0  }
0x12: {  	s1 =	sld [smem:$0x3F9C];
	s0 =	simm.s32 @p0 $0x1  }
0x13: {  	[smem:$0x3FB7] =	sst s0;
	s0 =	simm.s32 @!p1 $0x0  }
0x14: {  	s2 =	sld [smem:$0x3F9B];
	s0 =	simm.s32 @p1 $0x1  }
0x15: {  	[smem:$0x3FB8] =	sst s0;
	s0 =	simm.s32 @!p2 $0x0  }
0x16: {  	s3 =	sld [smem:$0x3FDB];
	s0 =	simm.s32 @p2 $0x1  }
0x17: {  	s4 =	simm.s32 $0x1BF5;
	[smem:$0x3FBA] =	sst s0  }
0x18: {  	s0 =	sld [smem:$0x3F9D];
	_ =	swait.ge [sflag:s4], $0x0  }
0x19: {  	s7 =	sld [smem:$0x3F9E]  }
0x1a: {  	s8 =	sadd.s32 $0xFFFFE003, lr  }
0x1b: {  	s9 =	sadd.s32 $0xFFFFFEF7, lr;
	s5 =	simm.s32 $0xFFFFFFFF;
	p2 =	slt.u32 s8, $0xFFFFF086  }
0x1c: {  	p1 =	slt.u32 s9, $0xF7A;
	s5 =	simm.s32 @!p2 $0x0  }
0x1d: {  	s5 =	simm.s32 @p1 $0x1;
	p0 =	seq.s32 s7, s2  }
0x1e: {  	s7 =	smul.u32 @!p0 $0xF7A, s2;
	p2 =	seq.s32 @!p0 s5, $0x0  }
0x1f: {  	s9 =	smul.u32 $0xF7A, s1;
	s8 =	simm.s32 @!p0 $0x1BF5;
	p2 =	por !p2, p0  }
0x20: {  	[sflag:s8] =	ssyncset.s32 @!p0 $0xFFFFF086;
	s6 =	sadd.s32 @!p0 s3, s7;
	s7 =	simm.s32 @!p0 $0x108  }
0x21: {  	s3 =	sadd.s32 s3, s9;
	s6 =	sadd.s32 @!p0 $0x88, s6;
	s7 =	simm.s32 @p2 $0x1082  }
0x22: {  	[simem:s7], [sflag:s8] =	dma.local @!p0 [hbm:s6], $0xF7A  }
0x23: {  	s9 =	sor.u32 $0xD0000000, s2;
	s6 =	simm.s32 $0x108;
	_ =	swait.ge @!p0 [sflag:s8], $0x0  }
0x24: {  	s3 =	sadd.s32 $0x88, s3;
	s6 =	simm.s32 @!p1 $0x1082;
	[sflag:s4] =	ssyncset.s32 $0xFFFFF086  }
0x25: {  	[simem:s6], [sflag:s4] =	dma.local [hbm:s3], $0xF7A  }
0x26: {  	[smem:$0x3F9E] =	sst s1;
	(tag) =	ssettag s2;
	_ =	strace s9  }
0x27: {  	s1 =	sld [smem:$0x3FAE]  }
0x28: {  	s2 =	sld [smem:$0x3FAF]  }
0x29: {  	s4 =	sld [smem:$0x3FB1]  }
0x2a: {  	p0 =	seq.s32 s5, $0x0;
	s5 =	sld [smem:$0x3FB2]  }
0x2b: {  	s6 =	sld [smem:$0x3FB3]  }
0x2c: {  	s7 =	sld [smem:$0x3FB4]  }
0x2d: {  	s3 =	simm.s32 $0x108;
	s8 =	sld [smem:$0x3FB5]  }
0x2e: {  	s3 =	simm.s32 @!p0 $0x1082;
	s9 =	sld [smem:$0x3FB6]  }
0x2f: {  	lr =	sadd.s32 s0, s3;
	s0 =	sld [smem:$0x3FAD]  }
0x30: {  	s3 =	sld [smem:$0x3FB0]  }
0x31: {  	[smem:$0x3FB9] =	sst s10  }
0x32: {  	s10 =	sld [smem:$0x3FB7];
	_ =	sdelay $0x3  }
0x33: {  	p0 =	seq.s32 s10, $0x1;
	s10 =	sld [smem:$0x3FB9];
	_ =	sdelay $0x3  }
0x34: {  	[smem:$0x3FB9] =	sst s10  }
0x35: {  	s10 =	sld [smem:$0x3FB8];
	_ =	sdelay $0x3  }
0x36: {  	p1 =	seq.s32 s10, $0x1;
	s10 =	sld [smem:$0x3FB9];
	_ =	sdelay $0x3  }
0x37: {  	[smem:$0x3FB9] =	sst s10  }
0x38: {  	s10 =	sld [smem:$0x3FBA]  }
0x39: {  	_ = 	snop;
	(pc) =	sbr.ind lr, $3  }
0x3a: {  	_ = 	snop  }
0x3b: {  	_ = 	snop  }
0x3c: {  	p2 =	seq.s32 s10, $0x1;
	s10 =	sld [smem:$0x3FB9]  }
0x3d: {  	_ =	shalt  }
0x3e: {  	_ =	shalt  }
0x3f: {  	_ =	shalt  }
0x40: {  	_ =	shalt  }
0x41: {  	_ =	shalt  }
0x42: {  	_ =	shalt  }
0x43: {  	_ =	shalt  }
0x44: {  	_ =	shalt  }
0x45: {  	_ =	shalt  }
0x46: {  	_ =	shalt  }
0x47: {  	_ =	shalt  }
0x48: {  	_ =	shalt  }
0x49: {  	_ =	shalt  }
0x4a: {  	_ =	shalt  }
0x4b: {  	_ =	shalt  }
0x4c: {  	_ =	shalt  }
0x4d: {  	_ =	shalt  }
0x4e: {  	_ =	shalt  }
0x4f: {  	_ =	shalt  }
0x50: {  	_ =	shalt  }
0x51: {  	_ =	shalt  }
0x52: {  	_ =	shalt  }
0x53: {  	_ =	shalt  }
0x54: {  	_ =	shalt  }
0x55: {  	_ =	shalt  }
0x56: {  	_ =	shalt  }
0x57: {  	_ =	shalt  }
0x58: {  	_ =	shalt  }
0x59: {  	_ =	shalt  }
0x5a: {  	_ =	shalt  }
0x5b: {  	_ =	shalt  }
0x5c: {  	_ =	shalt  }
0x5d: {  	_ =	shalt  }
0x5e: {  	_ =	shalt  }
0x5f: {  	_ =	shalt  }
0x60: {  	_ =	shalt  }
0x61: {  	_ =	shalt  }
0x62: {  	_ =	shalt  }
0x63: {  	_ =	shalt  }
0x64: {  	_ =	shalt  }
0x65: {  	_ =	shalt  }
0x66: {  	_ =	shalt  }
0x67: {  	_ =	shalt  }
0x68: {  	_ =	shalt  }
0x69: {  	_ =	shalt  }
0x6a: {  	_ =	shalt  }
0x6b: {  	_ =	shalt  }
0x6c: {  	_ =	shalt  }
0x6d: {  	_ =	shalt  }
0x6e: {  	_ =	shalt  }
0x6f: {  	_ =	shalt  }
0x70: {  	_ =	shalt  }
0x71: {  	_ =	shalt  }
0x72: {  	_ =	shalt  }
0x73: {  	_ =	shalt  }
0x74: {  	_ =	shalt  }
0x75: {  	_ =	shalt  }
0x76: {  	_ =	shalt  }
0x77: {  	_ =	shalt  }
0x78: {  	_ =	shalt  }
0x79: {  	_ =	shalt  }
0x7a: {  	_ =	shalt  }
0x7b: {  	_ =	shalt  }
0x7c: {  	_ =	shalt  }
0x7d: {  	_ =	shalt  }
0x7e: {  	_ =	shalt  }
0x7f: {  	_ =	shalt  }
0x80: {  	_ =	shalt  }
0x81: {  	_ =	shalt  }
0x82: {  	_ =	shalt  }
0x83: {  	_ =	shalt  }
0x84: {  	_ =	shalt  }
0x85: {  	_ =	shalt  }
0x86: {  	_ =	shalt  }
0x87: {  	_ =	shalt  }
.Lfunc_end0:
.L_simem_size_0:
called_computation.1_lowered:
.L_overlay_start_0:
0x88: {  	s2 =	sld [smem:$0x3FD9]  }
0x89: {  	s3 =	sld [smem:$0x3FFE];
	_ =	sdelay $0x1  }
0x8a: {  	s1 =	srdreg.scid  }
0x8b: {  	s0 =	sand.u32 $0x1, s1  }
0x8c: {  	s17 =	sshll.u32 s0, $0xA;
	s2 =	sadd.s32 s3, s2  }
0x8d: {  	s2 =	sadd.s32 s2, s17  }
0x8e: {  	[smem:$0x3FC5] =	sst s2  }
0x8f: {  	_ = 	snop  }
0x90: {  	s2 =	sld [smem:$0x3FD0];
	(tm) =	ssettm $0x1  }
0x91: {  	s18 =	sld [smem:$0x3FFB];
	_ =	sdelay $0x3  }
0x92: {  	_ =	strace s18  }
0x93: {  	s3 =	sld [smem:$0x3FFC];
	_ =	sdelay $0x3  }
0x94: {  	_ =	strace s3  }
0x95: {  	s3 =	sld [smem:$0x3FFD];
	_ =	sdelay $0x3  }
0x96: {  	_ =	strace s3  }
0x97: {  	_ =	strace $0x8FFFFFFF  }
0x98: {  	s19 =	sld [smem:$0x3FDB];
	_ =	sdelay $0x1  }
0x99: {  	s4 =	simm.s32 $_scs_section_size  }
0x9a: {  	s5 =	simm.s32 $_size__tile_overlayer_lowered;
	s6 =	simm.s32 $_tile_overlayer_lowered  }
0x9b: {  	s22 =	simm.s32 $0x1BFF;
	s21 =	sshll.u32 s6, $0x1;
	s3 =	sadd.s32 s4, s19  }
0x9c: {  	s7 =	simm.s32 $0x0;
	s20 =	sshll.u32 s5, $0x1;
	s5 =	sadd.s32 s21, s3  }
0x9d: {  	[timem:s7], [sflag:s22] =	dma.local [hbm:s5], s20  }
0x9e: {  	_ =	swait.ge [sflag:s22], s20  }
0x9f: {  	s4 =	ssub.s32 $0x0, s20;
	[sflag:s22] =	ssyncset.done $0x0  }
0xa0: {  	[sflag:s22] =	ssyncadd.s32 s4;
	_ =	sdelay $0x1  }
0xa1: {  	s23 =	simm.s32 $0x1B8B  }
0xa2: {  	_ =	swait.ge [sflag:s23], $0x1  }
0xa3: {  	[sflag:s23] =	ssyncset.done $0x0  }
0xa4: {  	s25 =	simm.s32 $0x1B8E;
	s24 =	sld [smem:$0x3FFE];
	[sflag:s23] =	ssyncadd.s32 $0xFFFFFFFF  }
0xa5: {  	s26 =	simm.s32 $execute0_lowered;
	[smem:$0x3FD2] =	sst s25  }
0xa6: {  	s5 =	sshll.u32 s26, $0x1;
	_ =	strace $0x80000049;
	[dreg:$0x1] =	wrdreg $0xFFFFFFFF  }
0xa7: {  	s28 =	simm.s32 $_size_execute0_lowered;
	s3 =	sadd.s32 s3, s5;
	[dreg:$0x0] =	wrdreg $0x0  }
0xa8: {  	s5 =	sshll.u32 s28, $0x1;
	[dreg:$0x2] =	wrdreg s3  }
0xa9: {  	[dreg:$0x3] =	wrdreg s5  }
0xaa: {  	[dreg:$0x4] =	wrdreg $0xC0  }
0xab: {  	_ =	task [dreg:s7], $0x5FFFF  }
0xac: {  	[dreg:$0x1] =	wrdreg $0xFFFFFFFF  }
0xad: {  	[dreg:$0x0] =	wrdreg $0x60  }
0xae: {  	[dreg:$0x2] =	wrdreg s24  }
0xaf: {  	[dreg:$0x3] =	wrdreg s2  }
0xb0: {  	[dreg:$0x4] =	wrdreg $0x9  }
0xb1: {  	_ =	task.clear_ibuf [dreg:s7], $0x5FFFF;
	_ =	strace $0x90000049  }
0xb2: {  	s29 =	simm.s32 $0x9;
	_ =	strace $0x8000004B  }
0xb3: {  	_ =	swait.ge [sflag:s29], $0x1  }
0xb4: {  	[sflag:s29] =	ssyncadd.s32 $0xFFFFFFFF  }
0xb5: {  	_ =	strace $0x9000004B  }
0xb6: {  	_ =	sfence  }
0xb7: {  	s30 =	sld [smem:$0x0];
	_ =	sdelay $0x2  }
0xb8: {  	s31 =	sshll.u32 s1, $0xD;
	s1 =	sshrl.u32 s1, $0x2  }
0xb9: {  	s3 =	sand.u32 $0x4000, s31;
	s1 =	sadd.s32 s1, s30  }
0xba: {  	s0 =	sor.u32 s3, s0;
	s1 =	sshll.u32 s1, $0x11  }
0xbb: {  	s0 =	sor.u32 s1, s0  }
0xbc: {  	s0 =	sadd.s32 $0x8F2B, s0  }
0xbd: {  	[sflag:s0] =	ssyncadd.remote.s32 $0x1  }
0xbe: {  	_ =	sfence.sel $0xFFFF  }
0xbf: {  	[dreg:$0x0] =	wrdreg $0xFFFFFFFF;
	(pc) =	sbr.abs _section_cstart, $3  }
0xc0: {  	[dreg:$0x1] =	wrdreg $0xFFFFFFFF  }
0xc1: {  	_ =	task.clear_ibuf [dreg:s7], $0x2FFFF;
	_ =	strace $0x9FFFFFFF  }
0xc2: {  	(tm) =	ssettm $0x7FFFFFFF  }
0xc3: {  	_ =	shalt  }
tec
execute0_lowered:
.L_overlay_start_1:
0x0: {  	(tag) =	ssettag $0x1  }
0x1: {  	s0 =	rddreg [dreg:$0x0];
	s1 =	srdreg.scid  }
0x2: {  	s3 =	stileid.u32;
	s2 =	rddreg [dreg:$0x1];
	s13 =	simm.s32 $0x1  }
0x3: {  	s14 =	simm.s32 $0xA400;
	s10 =	simm.s32 $0xC480;
	s16 =	simm.s32 $0xDDE0  }
0x4: {  	s17 =	simm.s32 $0xDFE8;
	s18 =	simm.s32 $0xE1F0;
	s19 =	simm.s32 $0xE3F8  }
0x5: {  	s20 =	simm.s32 $0xD640;
	s21 =	simm.s32 $0xD848;
	s22 =	simm.s32 $0xDA50  }
0x6: {  	s23 =	simm.s32 $0xDC58;
	s24 =	simm.s32 $0xDE60;
	s25 =	simm.s32 $0xE068  }
0x7: {  	s26 =	simm.s32 $0xE270;
	s1 =	sand.u32 $0x1, s1;
	s4 =	sshll.u32 s3, $0x1  }
0x8: {  	s28 =	simm.s32 $0xE478;
	s8 =	simm.s32 $0x0;
	s5 =	sor.u32 s1, s4  }
0x9: {  	s3 =	simm.s32 $0x0;
	s1 =	ssub.s32 $0x2, s1;
	s4 =	smul.u32 $0xC80, s5  }
.Ltmp0:
0xa: {  	[smem:$0x7FF] =	sst s3;
	s6 =	sshrl.u32 s1, $0x1;
	(pc) =	sbr.rel .LBB2_1-.Ltmp0, $4  }
0xb: {  	s12 =	simm.s32 $0x200;
	_ =	strace $0x8000004A;
	s30 =	ssub.s32 s1, s6  }
0xc: {  	s7 =	sadd.s32 s4, s0;
	s4 =	sadd.s32 $0xA00, s0;
	s0 =	smax.u32 s30, $0x1  }
0xd: {  	v0 =	vlaneseq.u32;
	s5 =	smul.u32 $0x32, s5;
	s31 =	sadd.s32 $0x1E9000, s7;
	[dreg:$0x4] =	wrdreg s0  }
0xe: {  	v0 =	vmul.u32 $0x208, v0;
	s1 =	simm.s32 $0x2;
	s7 =	sadd.s32 $0x4000, s2;
	[dreg:$0x3] =	wrdreg s31  }
.LBB2_8:
0xf: {  	s0 =	simm.s32 $0x3  }
0x10: {  	_ =	swait.ge [sflag:s0], $0x400  }
0x11: {  	[sflag:s0] =	ssyncset.done $0x0  }
0x12: {  	[sflag:s0] =	ssyncadd.s32 $0xFFFFFC00  }
0x13: {  	_ =	swait.ge [sflag:s0], $0x400  }
0x14: {  	[sflag:s0] =	ssyncset.done $0x0  }
0x15: {  	[sflag:s0] =	ssyncadd.s32 $0xFFFFFC00  }
0x16: {  	_ =	swait.ge [sflag:s0], $0x400  }
0x17: {  	[sflag:s0] =	ssyncset.done $0x0  }
0x18: {  	[sflag:s0] =	ssyncadd.s32 $0xFFFFFC00  }
0x19: {  	_ =	swait.ge [sflag:s0], $0x400  }
0x1a: {  	[sflag:s0] =	ssyncset.done $0x0  }
0x1b: {  	[sflag:s0] =	ssyncadd.s32 $0xFFFFFC00  }
0x1c: {  	_ =	swait.ge [sflag:s0], $0x400  }
0x1d: {  	[sflag:s0] =	ssyncset.done $0x0  }
0x1e: {  	[sflag:s0] =	ssyncadd.s32 $0xFFFFFC00  }
0x1f: {  	_ =	swait.ge [sflag:s0], $0x400  }
0x20: {  	[sflag:s0] =	ssyncset.done $0x0  }
0x21: {  	[sflag:s0] =	ssyncadd.s32 $0xFFFFFC00  }
0x22: {  	_ =	swait.ge [sflag:s0], $0x400  }
0x23: {  	[sflag:s0] =	ssyncset.done $0x0  }
0x24: {  	[sflag:s0] =	ssyncadd.s32 $0xFFFFFC00  }
0x25: {  	_ =	swait.ge [sflag:s0], $0x400  }
0x26: {  	[sflag:s0] =	ssyncset.done $0x0  }
0x27: {  	s6 =	simm.s32 $0x4;
	[sflag:s0] =	ssyncadd.s32 $0xFFFFFC00  }
0x28: {  	_ =	swait.ge [sflag:s6], $0x400  }
0x29: {  	[sflag:s6] =	ssyncset.done $0x0  }
0x2a: {  	[sflag:s6] =	ssyncadd.s32 $0xFFFFFC00  }
0x2b: {  	_ =	swait.ge [sflag:s6], $0x400  }
0x2c: {  	[sflag:s6] =	ssyncset.done $0x0  }
0x2d: {  	[sflag:s6] =	ssyncadd.s32 $0xFFFFFC00  }
0x2e: {  	_ =	swait.ge [sflag:s6], $0x400  }
0x2f: {  	[sflag:s6] =	ssyncset.done $0x0  }
0x30: {  	[sflag:s6] =	ssyncadd.s32 $0xFFFFFC00  }
0x31: {  	_ =	swait.ge [sflag:s6], $0x400  }
0x32: {  	[sflag:s6] =	ssyncset.done $0x0  }
0x33: {  	[sflag:s6] =	ssyncadd.s32 $0xFFFFFC00  }
0x34: {  	_ =	swait.ge [sflag:s6], $0x400  }
0x35: {  	[sflag:s6] =	ssyncset.done $0x0  }
0x36: {  	[sflag:s6] =	ssyncadd.s32 $0xFFFFFC00  }
0x37: {  	_ =	swait.ge [sflag:s6], $0x400  }
0x38: {  	[sflag:s6] =	ssyncset.done $0x0  }
0x39: {  	[sflag:s6] =	ssyncadd.s32 $0xFFFFFC00  }
0x3a: {  	_ =	swait.ge [sflag:s6], $0x400  }
0x3b: {  	[sflag:s6] =	ssyncset.done $0x0  }
0x3c: {  	[sflag:s6] =	ssyncadd.s32 $0xFFFFFC00  }
0x3d: {  	_ =	swait.ge [sflag:s6], $0x400  }
0x3e: {  	s8 =	rddreg [dreg:$0x5]  }
0x3f: {  	s31 =	rddreg [dreg:$0x4];
	s8 =	sadd.s32 $0x1, s8  }
0x40: {  	p0 =	sne.s32 s8, s31  }
.Ltmp1:
0x41: {  	_ = 	snop;
	(pc) =	sbr.rel @!p0 .LBB2_9-.Ltmp1, $3  }
0x42: {  	_ =	sdelay $0x1  }
0x43: {  	[sflag:s6] =	ssyncset.done $0x0  }
0x44: {  	[sflag:s6] =	ssyncadd.s32 $0xFFFFFC00  }
.LBB2_1:
0x45: {  	[dreg:$0x5] =	wrdreg s8  }
0x46: {  	s0 =	rddreg [dreg:$0x3];
	s15 =	simm.s32 $0x5  }
0x47: {  	[tilespmem:s3], [sflag:$0x5] =	stream.linear.gather [hbm4b:s0+s3], $0x6400, $0x38;
	[tilespmem:$0xE500] =	vst v63  }
0x48: {  	_ =	swait.ge [sflag:s15], $0x6400  }
0x49: {  	[sflag:s15] =	ssyncset.done $0x0  }
0x4a: {  	s30 =	simm.s32 $0x200;
	s6 =	simm.s32 $0x6400;
	[sflag:s15] =	ssyncadd.s32 $0xFFFF9C00  }
0x4b: {  	[tilespmem:s6], [sflag:$0x1] =	stream.indirect.gather [hbm4b:s4+s30], $0x10, s3, s30, $0xb8;
	[tilespmem:$0xE500] =	vst v63  }
0x4c: {  	s31 =	simm.s32 $0x8400;
	s29 =	simm.s32 $0x0  }
0x4d: {  	[tilespmem:s31], [sflag:$0x2] =	stream.indirect.gather [hbm4b:s4+s30], $0x10, s30, s30, $0xb8;
	[tilespmem:$0xE500] =	vst v63  }
.LBB2_2:
0x4e: {  	_ =	swait.ge [sflag:s13], $0x2000  }
0x4f: {  	p0 =	seq.s32 s29, $0x0;
	[sflag:s13] =	ssyncset.done $0x0  }
0x50: {  	s0 =	simm.s32 @!p0 $0x3;
	[sflag:s13] =	ssyncadd.s32 $0xFFFFE000  }
0x51: {  	_ =	swait.ge @!p0 [sflag:s0], $0x400  }
0x52: {  	[sflag:s0] =	ssyncset.done @!p0 $0x0  }
0x53: {  	[sflag:s0] =	ssyncadd.s32 @!p0 $0xFFFFFC00  }
0x54: {  	_ =	swait.ge @!p0 [sflag:s0], $0x400  }
0x55: {  	[sflag:s0] =	ssyncset.done @!p0 $0x0  }
0x56: {  	[sflag:s0] =	ssyncadd.s32 @!p0 $0xFFFFFC00  }
0x57: {  	_ =	swait.ge @!p0 [sflag:s0], $0x400  }
0x58: {  	[sflag:s0] =	ssyncset.done @!p0 $0x0  }
0x59: {  	[sflag:s0] =	ssyncadd.s32 @!p0 $0xFFFFFC00  }
0x5a: {  	_ =	swait.ge @!p0 [sflag:s0], $0x400  }
0x5b: {  	[sflag:s0] =	ssyncset.done @!p0 $0x0  }
0x5c: {  	[sflag:s0] =	ssyncadd.s32 @!p0 $0xFFFFFC00  }
0x5d: {  	_ =	swait.ge @!p0 [sflag:s0], $0x400  }
0x5e: {  	[sflag:s0] =	ssyncset.done @!p0 $0x0  }
0x5f: {  	[sflag:s0] =	ssyncadd.s32 @!p0 $0xFFFFFC00  }
0x60: {  	_ =	swait.ge @!p0 [sflag:s0], $0x400  }
0x61: {  	[sflag:s0] =	ssyncset.done @!p0 $0x0  }
0x62: {  	[sflag:s0] =	ssyncadd.s32 @!p0 $0xFFFFFC00  }
0x63: {  	_ =	swait.ge @!p0 [sflag:s0], $0x400  }
0x64: {  	[sflag:s0] =	ssyncset.done @!p0 $0x0  }
0x65: {  	[sflag:s0] =	ssyncadd.s32 @!p0 $0xFFFFFC00  }
0x66: {  	_ =	swait.ge @!p0 [sflag:s0], $0x400  }
0x67: {  	s6 =	simm.s32 $0x3;
	s11 =	simm.s32 $0x1;
	[sflag:s0] =	ssyncset.done @!p0 $0x0  }
0x68: {  	s15 =	simm.s32 $0x2;
	v1 =	vmov s6;
	v2 =	vmov s11;
	[sflag:s0] =	ssyncadd.s32 @!p0 $0xFFFFFC00;
	s0 =	simm.s32 $0x6420  }
0x69: {  	s31 =	simm.s32 $0x0;
	v5 =	vmov s15;
	v1 =	vand.u32 $0x1FF, v1;
	v4 =	vand.u32 $0x1FD, v2;
	v2 =	vld [tilespmem:s0+$0x10]  }
0x6a: {  	v6 =	vmov s31;
	v8 =	vand.u32 $0x1FE, v5;
	v3 =	vadd.s32 v0, v1;
	v1 =	vld [tilespmem:s0+$0xFFFFFFF0]  }
0x6b: {  	s30 =	sshll.u32 s29, $0x1;
	s6 =	simm.s32 $0x4;
	v7 =	vand.u32 $0x1FC, v6;
	v5 =	vadd.s32 v0, v4;
	v6 =	vadd.s32 v0, v8;
	v4 =	vld [tilespmem:s0+$0x0]  }
.LBB2_3:
0x6c: {  	s11 =	sadd.s32 $0x3, s6  }
0x6d: {  	p1 =	slt.u32 s6, $0x1FC;
	v8 =	vld [tilespmem:s0+$0xFFFFFFE0];
	v9 =	vadd.s32 v0, v7;
	s31 =	smov.u32 s6;
	s6 =	sadd.s32 $0x4, s6  }
.Ltmp2:
0x6e: {  	s8 =	sadd.s32 $0x1, s31;
	v7 =	vmov s11;
	(pc) =	sbr.rel @p1 .LBB2_3-.Ltmp2, $4  }
0x6f: {  	s0 =	sadd.s32 $0x40, s0;
	v10 =	vmov s8;
	s8 =	sadd.s32 $0x2, s31;
	v7 =	vand.u32 $0x1FF, v7;
	[tilespmem:v3+s14+$0x0] =	vst.idx.msk $0xffff, v2  }
0x70: {  	v10 =	vand.u32 $0x1FD, v10;
	v11 =	vmov s8;
	v2 =	vld [tilespmem:s0+$0x10];
	v3 =	vadd.s32 v0, v7;
	[tilespmem:v5+s14+$0x0] =	vst.idx.msk $0xffff, v1  }
0x71: {  	v7 =	vmov s31;
	v1 =	vld [tilespmem:s0+$0xFFFFFFF0];
	v5 =	vadd.s32 v0, v10;
	v10 =	vand.u32 $0x1FE, v11;
	[tilespmem:v6+s14+$0x0] =	vst.idx.msk $0xffff, v4  }
0x72: {  	v7 =	vand.u32 $0x1FC, v7;
	v4 =	vld [tilespmem:s0+$0x0];
	v6 =	vadd.s32 v0, v10;
	[tilespmem:v9+s14+$0x0] =	vst.idx.msk $0xffff, v8  }
0x73: {  	_ =	sdelay $0x1  }
0x74: {  	v8 =	vld [tilespmem:s0+$0xFFFFFFE0];
	v7 =	vadd.s32 v0, v7;
	s8 =	sadd.s32 s5, s30  }
0x75: {  	s6 =	sshll.u32 s8, $0xC;
	s0 =	sshll.u32 s8, $0xD  }
0x76: {  	[tilespmem:v3+s14+$0x0] =	vst.idx.msk $0xffff, v2;
	s6 =	sand.u32 $0x1E000, s6;
	s0 =	sand.u32 $0x7FFC0000, s0  }
0x77: {  	[tilespmem:v5+s14+$0x0] =	vst.idx.msk $0xffff, v1;
	s0 =	sor.u32 s6, s0  }
0x78: {  	[tilespmem:v6+s14+$0x0] =	vst.idx.msk $0xffff, v4;
	s31 =	sshrl.u32 s0, $0x3  }
0x79: {  	[tilespmem:v7+s14+$0x0] =	vst.idx.msk $0xffff, v8;
	s0 =	sadd.s32 s2, s31  }
0x7a: {  	[hbm4b:s0+s3] =	stream.linear.scatter [tilespmem:s14], [sflag:$0x3], $0x80, $0x38;
	[tilespmem:$0xE500] =	vst v63  }
0x7b: {  	s8 =	simm.s32 $0xA608;
	s9 =	sadd.s32 $0x10, s0  }
0x7c: {  	[hbm4b:s9+s3] =	stream.linear.scatter [tilespmem:s8], [sflag:$0x3], $0x80, $0x38;
	[tilespmem:$0xE500] =	vst v63  }
0x7d: {  	s15 =	simm.s32 $0xA810;
	s11 =	sadd.s32 $0x20, s0  }
0x7e: {  	[hbm4b:s11+s3] =	stream.linear.scatter [tilespmem:s15], [sflag:$0x3], $0x80, $0x38;
	[tilespmem:$0xE500] =	vst v63  }
0x7f: {  	s8 =	sadd.s32 $0x30, s0;
	s9 =	simm.s32 $0xAA18  }
0x80: {  	[hbm4b:s8+s3] =	stream.linear.scatter [tilespmem:s9], [sflag:$0x3], $0x80, $0x38;
	[tilespmem:$0xE500] =	vst v63  }
0x81: {  	s11 =	sadd.s32 $0x40, s0;
	s15 =	simm.s32 $0xAC20  }
0x82: {  	[hbm4b:s11+s3] =	stream.linear.scatter [tilespmem:s15], [sflag:$0x3], $0x80, $0x38;
	[tilespmem:$0xE500] =	vst v63  }
0x83: {  	s8 =	sadd.s32 $0x50, s0;
	s9 =	simm.s32 $0xAE28  }
0x84: {  	[hbm4b:s8+s3] =	stream.linear.scatter [tilespmem:s9], [sflag:$0x3], $0x80, $0x38;
	[tilespmem:$0xE500] =	vst v63  }
0x85: {  	s11 =	sadd.s32 $0x60, s0;
	s15 =	simm.s32 $0xB030  }
0x86: {  	[hbm4b:s11+s3] =	stream.linear.scatter [tilespmem:s15], [sflag:$0x3], $0x80, $0x38;
	[tilespmem:$0xE500] =	vst v63  }
0x87: {  	s0 =	sadd.s32 $0x70, s0;
	s9 =	simm.s32 $0xB238  }
0x88: {  	[hbm4b:s0+s3] =	stream.linear.scatter [tilespmem:s9], [sflag:$0x3], $0x80, $0x38;
	[tilespmem:$0xE500] =	vst v63  }
0x89: {  	s0 =	sor.u32 $0x80, s31  }
0x8a: {  	s11 =	simm.s32 $0xA480;
	s6 =	sadd.s32 s2, s0  }
0x8b: {  	[hbm4b:s6+s3] =	stream.linear.scatter [tilespmem:s11], [sflag:$0x3], $0x80, $0x38;
	[tilespmem:$0xE500] =	vst v63  }
0x8c: {  	s9 =	simm.s32 $0xA688;
	s15 =	sadd.s32 $0x10, s6  }
0x8d: {  	[hbm4b:s15+s3] =	stream.linear.scatter [tilespmem:s9], [sflag:$0x3], $0x80, $0x38;
	[tilespmem:$0xE500] =	vst v63  }
0x8e: {  	s11 =	sadd.s32 $0x20, s6;
	s15 =	simm.s32 $0xA890  }
0x8f: {  	[hbm4b:s11+s3] =	stream.linear.scatter [tilespmem:s15], [sflag:$0x3], $0x80, $0x38;
	[tilespmem:$0xE500] =	vst v63  }
0x90: {  	s11 =	sadd.s32 $0x30, s6;
	s15 =	simm.s32 $0xAA98  }
0x91: {  	[hbm4b:s11+s3] =	stream.linear.scatter [tilespmem:s15], [sflag:$0x3], $0x80, $0x38;
	[tilespmem:$0xE500] =	vst v63  }
0x92: {  	s11 =	sadd.s32 $0x40, s6;
	s15 =	simm.s32 $0xACA0  }
0x93: {  	[hbm4b:s11+s3] =	stream.linear.scatter [tilespmem:s15], [sflag:$0x3], $0x80, $0x38;
	[tilespmem:$0xE500] =	vst v63  }
0x94: {  	s11 =	sadd.s32 $0x50, s6;
	s15 =	simm.s32 $0xAEA8  }
0x95: {  	[hbm4b:s11+s3] =	stream.linear.scatter [tilespmem:s15], [sflag:$0x3], $0x80, $0x38;
	[tilespmem:$0xE500] =	vst v63  }
0x96: {  	s11 =	sadd.s32 $0x60, s6;
	s15 =	simm.s32 $0xB0B0  }
0x97: {  	[hbm4b:s11+s3] =	stream.linear.scatter [tilespmem:s15], [sflag:$0x3], $0x80, $0x38;
	[tilespmem:$0xE500] =	vst v63  }
0x98: {  	s6 =	sadd.s32 $0x70, s6;
	s11 =	simm.s32 $0xB2B8  }
0x99: {  	[hbm4b:s6+s3] =	stream.linear.scatter [tilespmem:s11], [sflag:$0x3], $0x80, $0x38;
	[tilespmem:$0xE500] =	vst v63  }
0x9a: {  	s11 =	sor.u32 $0x100, s31  }
0x9b: {  	s15 =	simm.s32 $0xA500;
	s6 =	sadd.s32 s2, s11  }
0x9c: {  	[hbm4b:s6+s3] =	stream.linear.scatter [tilespmem:s15], [sflag:$0x3], $0x80, $0x38;
	[tilespmem:$0xE500] =	vst v63  }
0x9d: {  	s9 =	sadd.s32 $0x10, s6;
	s15 =	simm.s32 $0xA708  }
0x9e: {  	[hbm4b:s9+s3] =	stream.linear.scatter [tilespmem:s15], [sflag:$0x3], $0x80, $0x38;
	[tilespmem:$0xE500] =	vst v63  }
0x9f: {  	s9 =	sadd.s32 $0x20, s6;
	s15 =	simm.s32 $0xA910  }
0xa0: {  	[hbm4b:s9+s3] =	stream.linear.scatter [tilespmem:s15], [sflag:$0x3], $0x80, $0x38;
	[tilespmem:$0xE500] =	vst v63  }
0xa1: {  	s9 =	sadd.s32 $0x30, s6;
	s15 =	simm.s32 $0xAB18  }
0xa2: {  	[hbm4b:s9+s3] =	stream.linear.scatter [tilespmem:s15], [sflag:$0x3], $0x80, $0x38;
	[tilespmem:$0xE500] =	vst v63  }
0xa3: {  	s9 =	sadd.s32 $0x40, s6;
	s15 =	simm.s32 $0xAD20  }
0xa4: {  	[hbm4b:s9+s3] =	stream.linear.scatter [tilespmem:s15], [sflag:$0x3], $0x80, $0x38;
	[tilespmem:$0xE500] =	vst v63  }
0xa5: {  	s9 =	sadd.s32 $0x50, s6;
	s15 =	simm.s32 $0xAF28  }
0xa6: {  	[hbm4b:s9+s3] =	stream.linear.scatter [tilespmem:s15], [sflag:$0x3], $0x80, $0x38;
	[tilespmem:$0xE500] =	vst v63  }
0xa7: {  	s9 =	sadd.s32 $0x60, s6;
	s15 =	simm.s32 $0xB130  }
0xa8: {  	[hbm4b:s9+s3] =	stream.linear.scatter [tilespmem:s15], [sflag:$0x3], $0x80, $0x38;
	[tilespmem:$0xE500] =	vst v63  }
0xa9: {  	s6 =	sadd.s32 $0x70, s6;
	s9 =	simm.s32 $0xB338  }
0xaa: {  	[hbm4b:s6+s3] =	stream.linear.scatter [tilespmem:s9], [sflag:$0x3], $0x80, $0x38;
	[tilespmem:$0xE500] =	vst v63  }
0xab: {  	s6 =	sor.u32 $0x180, s31  }
0xac: {  	s15 =	simm.s32 $0xA580;
	s8 =	sadd.s32 s2, s6  }
0xad: {  	[hbm4b:s8+s3] =	stream.linear.scatter [tilespmem:s15], [sflag:$0x3], $0x80, $0x38;
	[tilespmem:$0xE500] =	vst v63  }
0xae: {  	s9 =	sadd.s32 $0x10, s8;
	s15 =	simm.s32 $0xA788  }
0xaf: {  	[hbm4b:s9+s3] =	stream.linear.scatter [tilespmem:s15], [sflag:$0x3], $0x80, $0x38;
	[tilespmem:$0xE500] =	vst v63  }
0xb0: {  	s9 =	sadd.s32 $0x20, s8;
	s15 =	simm.s32 $0xA990  }
0xb1: {  	[hbm4b:s9+s3] =	stream.linear.scatter [tilespmem:s15], [sflag:$0x3], $0x80, $0x38;
	[tilespmem:$0xE500] =	vst v63  }
0xb2: {  	s9 =	sadd.s32 $0x30, s8;
	s15 =	simm.s32 $0xAB98  }
0xb3: {  	[hbm4b:s9+s3] =	stream.linear.scatter [tilespmem:s15], [sflag:$0x3], $0x80, $0x38;
	[tilespmem:$0xE500] =	vst v63  }
0xb4: {  	s9 =	sadd.s32 $0x40, s8;
	s15 =	simm.s32 $0xADA0  }
0xb5: {  	[hbm4b:s9+s3] =	stream.linear.scatter [tilespmem:s15], [sflag:$0x3], $0x80, $0x38;
	[tilespmem:$0xE500] =	vst v63  }
0xb6: {  	s9 =	sadd.s32 $0x50, s8;
	s15 =	simm.s32 $0xAFA8  }
0xb7: {  	[hbm4b:s9+s3] =	stream.linear.scatter [tilespmem:s15], [sflag:$0x3], $0x80, $0x38;
	[tilespmem:$0xE500] =	vst v63  }
0xb8: {  	s9 =	sadd.s32 $0x60, s8;
	s15 =	simm.s32 $0xB1B0  }
0xb9: {  	[hbm4b:s9+s3] =	stream.linear.scatter [tilespmem:s15], [sflag:$0x3], $0x80, $0x38;
	[tilespmem:$0xE500] =	vst v63  }
0xba: {  	s8 =	sadd.s32 $0x70, s8;
	s15 =	simm.s32 $0xB3B8  }
0xbb: {  	[hbm4b:s8+s3] =	stream.linear.scatter [tilespmem:s15], [sflag:$0x3], $0x80, $0x38;
	[tilespmem:$0xE500] =	vst v63  }
0xbc: {  	s8 =	sadd.s32 s31, s7;
	s31 =	simm.s32 $0xB440  }
0xbd: {  	[hbm4b:s8+s3] =	stream.linear.scatter [tilespmem:s31], [sflag:$0x3], $0x80, $0x38;
	[tilespmem:$0xE500] =	vst v63  }
0xbe: {  	s15 =	sadd.s32 $0x10, s8;
	s31 =	simm.s32 $0xB648  }
0xbf: {  	[hbm4b:s15+s3] =	stream.linear.scatter [tilespmem:s31], [sflag:$0x3], $0x80, $0x38;
	[tilespmem:$0xE500] =	vst v63  }
0xc0: {  	s15 =	sadd.s32 $0x20, s8;
	s31 =	simm.s32 $0xB850  }
0xc1: {  	[hbm4b:s15+s3] =	stream.linear.scatter [tilespmem:s31], [sflag:$0x3], $0x80, $0x38;
	[tilespmem:$0xE500] =	vst v63  }
0xc2: {  	s15 =	sadd.s32 $0x30, s8;
	s31 =	simm.s32 $0xBA58  }
0xc3: {  	[hbm4b:s15+s3] =	stream.linear.scatter [tilespmem:s31], [sflag:$0x3], $0x80, $0x38;
	[tilespmem:$0xE500] =	vst v63  }
0xc4: {  	s15 =	sadd.s32 $0x40, s8;
	s31 =	simm.s32 $0xBC60  }
0xc5: {  	[hbm4b:s15+s3] =	stream.linear.scatter [tilespmem:s31], [sflag:$0x3], $0x80, $0x38;
	[tilespmem:$0xE500] =	vst v63  }
0xc6: {  	s15 =	sadd.s32 $0x50, s8;
	s31 =	simm.s32 $0xBE68  }
0xc7: {  	[hbm4b:s15+s3] =	stream.linear.scatter [tilespmem:s31], [sflag:$0x3], $0x80, $0x38;
	[tilespmem:$0xE500] =	vst v63  }
0xc8: {  	s15 =	sadd.s32 $0x60, s8;
	s31 =	simm.s32 $0xC070  }
0xc9: {  	[hbm4b:s15+s3] =	stream.linear.scatter [tilespmem:s31], [sflag:$0x3], $0x80, $0x38;
	[tilespmem:$0xE500] =	vst v63  }
0xca: {  	s8 =	sadd.s32 $0x70, s8;
	s31 =	simm.s32 $0xC278  }
0xcb: {  	[hbm4b:s8+s3] =	stream.linear.scatter [tilespmem:s31], [sflag:$0x3], $0x80, $0x38;
	[tilespmem:$0xE500] =	vst v63  }
0xcc: {  	s0 =	sadd.s32 s0, s7;
	s9 =	simm.s32 $0xB4C0  }
0xcd: {  	[hbm4b:s0+s3] =	stream.linear.scatter [tilespmem:s9], [sflag:$0x3], $0x80, $0x38;
	[tilespmem:$0xE500] =	vst v63  }
0xce: {  	s15 =	sadd.s32 $0x10, s0;
	s31 =	simm.s32 $0xB6C8  }
0xcf: {  	[hbm4b:s15+s3] =	stream.linear.scatter [tilespmem:s31], [sflag:$0x3], $0x80, $0x38;
	[tilespmem:$0xE500] =	vst v63  }
0xd0: {  	s15 =	sadd.s32 $0x20, s0;
	s31 =	simm.s32 $0xB8D0  }
0xd1: {  	[hbm4b:s15+s3] =	stream.linear.scatter [tilespmem:s31], [sflag:$0x3], $0x80, $0x38;
	[tilespmem:$0xE500] =	vst v63  }
0xd2: {  	s15 =	sadd.s32 $0x30, s0;
	s31 =	simm.s32 $0xBAD8  }
0xd3: {  	[hbm4b:s15+s3] =	stream.linear.scatter [tilespmem:s31], [sflag:$0x3], $0x80, $0x38;
	[tilespmem:$0xE500] =	vst v63  }
0xd4: {  	s15 =	sadd.s32 $0x40, s0;
	s31 =	simm.s32 $0xBCE0  }
0xd5: {  	[hbm4b:s15+s3] =	stream.linear.scatter [tilespmem:s31], [sflag:$0x3], $0x80, $0x38;
	[tilespmem:$0xE500] =	vst v63  }
0xd6: {  	s15 =	sadd.s32 $0x50, s0;
	s31 =	simm.s32 $0xBEE8  }
0xd7: {  	[hbm4b:s15+s3] =	stream.linear.scatter [tilespmem:s31], [sflag:$0x3], $0x80, $0x38;
	[tilespmem:$0xE500] =	vst v63  }
0xd8: {  	s15 =	sadd.s32 $0x60, s0;
	s31 =	simm.s32 $0xC0F0  }
0xd9: {  	[hbm4b:s15+s3] =	stream.linear.scatter [tilespmem:s31], [sflag:$0x3], $0x80, $0x38;
	[tilespmem:$0xE500] =	vst v63  }
0xda: {  	s9 =	simm.s32 $0xC2F8;
	s0 =	sadd.s32 $0x70, s0  }
0xdb: {  	[hbm4b:s0+s3] =	stream.linear.scatter [tilespmem:s9], [sflag:$0x3], $0x80, $0x38;
	[tilespmem:$0xE500] =	vst v63  }
0xdc: {  	s0 =	sadd.s32 s11, s7;
	s11 =	simm.s32 $0xB540  }
0xdd: {  	[hbm4b:s0+s3] =	stream.linear.scatter [tilespmem:s11], [sflag:$0x3], $0x80, $0x38;
	[tilespmem:$0xE500] =	vst v63  }
0xde: {  	s31 =	simm.s32 $0xB748;
	s15 =	sadd.s32 $0x10, s0  }
0xdf: {  	[hbm4b:s15+s3] =	stream.linear.scatter [tilespmem:s31], [sflag:$0x3], $0x80, $0x38;
	[tilespmem:$0xE500] =	vst v63  }
0xe0: {  	s9 =	sadd.s32 $0x20, s0;
	s11 =	simm.s32 $0xB950  }
0xe1: {  	[hbm4b:s9+s3] =	stream.linear.scatter [tilespmem:s11], [sflag:$0x3], $0x80, $0x38;
	[tilespmem:$0xE500] =	vst v63  }
0xe2: {  	s15 =	sadd.s32 $0x30, s0;
	s31 =	simm.s32 $0xBB58  }
0xe3: {  	[hbm4b:s15+s3] =	stream.linear.scatter [tilespmem:s31], [sflag:$0x3], $0x80, $0x38;
	[tilespmem:$0xE500] =	vst v63  }
0xe4: {  	s9 =	sadd.s32 $0x40, s0;
	s11 =	simm.s32 $0xBD60  }
0xe5: {  	[hbm4b:s9+s3] =	stream.linear.scatter [tilespmem:s11], [sflag:$0x3], $0x80, $0x38;
	[tilespmem:$0xE500] =	vst v63  }
0xe6: {  	s15 =	sadd.s32 $0x50, s0;
	s31 =	simm.s32 $0xBF68  }
0xe7: {  	[hbm4b:s15+s3] =	stream.linear.scatter [tilespmem:s31], [sflag:$0x3], $0x80, $0x38;
	[tilespmem:$0xE500] =	vst v63  }
0xe8: {  	s11 =	sadd.s32 $0x60, s0;
	s15 =	simm.s32 $0xC170  }
0xe9: {  	[hbm4b:s11+s3] =	stream.linear.scatter [tilespmem:s15], [sflag:$0x3], $0x80, $0x38;
	[tilespmem:$0xE500] =	vst v63  }
0xea: {  	s0 =	sadd.s32 $0x70, s0;
	s31 =	simm.s32 $0xC378  }
0xeb: {  	[hbm4b:s0+s3] =	stream.linear.scatter [tilespmem:s31], [sflag:$0x3], $0x80, $0x38;
	[tilespmem:$0xE500] =	vst v63  }
0xec: {  	s8 =	simm.s32 $0xB5C0;
	s0 =	sadd.s32 s6, s7  }
0xed: {  	[hbm4b:s0+s3] =	stream.linear.scatter [tilespmem:s8], [sflag:$0x3], $0x80, $0x38;
	[tilespmem:$0xE500] =	vst v63  }
0xee: {  	s11 =	simm.s32 $0xB7C8;
	s9 =	sadd.s32 $0x10, s0  }
0xef: {  	[hbm4b:s9+s3] =	stream.linear.scatter [tilespmem:s11], [sflag:$0x3], $0x80, $0x38;
	[tilespmem:$0xE500] =	vst v63  }
0xf0: {  	s31 =	simm.s32 $0xB9D0;
	s15 =	sadd.s32 $0x20, s0  }
0xf1: {  	[hbm4b:s15+s3] =	stream.linear.scatter [tilespmem:s31], [sflag:$0x3], $0x80, $0x38;
	[tilespmem:$0xE500] =	vst v63  }
0xf2: {  	s9 =	sadd.s32 $0x30, s0;
	s11 =	simm.s32 $0xBBD8  }
0xf3: {  	[hbm4b:s9+s3] =	stream.linear.scatter [tilespmem:s11], [sflag:$0x3], $0x80, $0x38;
	[tilespmem:$0xE500] =	vst v63  }
0xf4: {  	s15 =	sadd.s32 $0x40, s0;
	s31 =	simm.s32 $0xBDE0  }
0xf5: {  	[hbm4b:s15+s3] =	stream.linear.scatter [tilespmem:s31], [sflag:$0x3], $0x80, $0x38;
	[tilespmem:$0xE500] =	vst v63  }
0xf6: {  	s9 =	sadd.s32 $0x50, s0;
	s11 =	simm.s32 $0xBFE8  }
0xf7: {  	[hbm4b:s9+s3] =	stream.linear.scatter [tilespmem:s11], [sflag:$0x3], $0x80, $0x38;
	[tilespmem:$0xE500] =	vst v63  }
0xf8: {  	s15 =	sadd.s32 $0x60, s0;
	s31 =	simm.s32 $0xC1F0  }
0xf9: {  	[hbm4b:s15+s3] =	stream.linear.scatter [tilespmem:s31], [sflag:$0x3], $0x80, $0x38;
	[tilespmem:$0xE500] =	vst v63  }
0xfa: {  	p1 =	seq.s32 s29, $0x18;
	s8 =	simm.s32 $0xC3F8;
	s0 =	sadd.s32 $0x70, s0  }
0xfb: {  	[hbm4b:s0+s3] =	stream.linear.scatter [tilespmem:s8], [sflag:$0x3], $0x80, $0x38;
	[tilespmem:$0xE500] =	vst v63  }
0xfc: {  	s0 =	sshll.u32 @!p1 s29, $0xA  }
0xfd: {  	s0 =	sand.u32 @!p1 $0x3FFFFC00, s0  }
0xfe: {  	s6 =	simm.s32 @!p1 $0x200;
	s8 =	simm.s32 @!p1 $0x6400;
	s0 =	sadd.s32 @!p1 $0x400, s0  }
0xff: {  	[tilespmem:s8], [sflag:$0x1] =	stream.indirect.gather @!p1 [hbm4b:s4+s6], $0x10, s0, s6, $0xb8;
	[tilespmem:$0xE500] =	vst v63  }
0x100: {  	_ =	swait.ge [sflag:s1], $0x2000  }
0x101: {  	[sflag:s1] =	ssyncset.done $0x0  }
0x102: {  	s0 =	simm.s32 @!p0 $0x4;
	[sflag:s1] =	ssyncadd.s32 $0xFFFFE000  }
0x103: {  	_ =	swait.ge @!p0 [sflag:s0], $0x400  }
0x104: {  	[sflag:s0] =	ssyncset.done @!p0 $0x0  }
0x105: {  	[sflag:s0] =	ssyncadd.s32 @!p0 $0xFFFFFC00  }
0x106: {  	_ =	swait.ge @!p0 [sflag:s0], $0x400  }
0x107: {  	[sflag:s0] =	ssyncset.done @!p0 $0x0  }
0x108: {  	[sflag:s0] =	ssyncadd.s32 @!p0 $0xFFFFFC00  }
0x109: {  	_ =	swait.ge @!p0 [sflag:s0], $0x400  }
0x10a: {  	[sflag:s0] =	ssyncset.done @!p0 $0x0  }
0x10b: {  	[sflag:s0] =	ssyncadd.s32 @!p0 $0xFFFFFC00  }
0x10c: {  	_ =	swait.ge @!p0 [sflag:s0], $0x400  }
0x10d: {  	[sflag:s0] =	ssyncset.done @!p0 $0x0  }
0x10e: {  	[sflag:s0] =	ssyncadd.s32 @!p0 $0xFFFFFC00  }
0x10f: {  	_ =	swait.ge @!p0 [sflag:s0], $0x400  }
0x110: {  	[sflag:s0] =	ssyncset.done @!p0 $0x0  }
0x111: {  	[sflag:s0] =	ssyncadd.s32 @!p0 $0xFFFFFC00  }
0x112: {  	_ =	swait.ge @!p0 [sflag:s0], $0x400  }
0x113: {  	[sflag:s0] =	ssyncset.done @!p0 $0x0  }
0x114: {  	[sflag:s0] =	ssyncadd.s32 @!p0 $0xFFFFFC00  }
0x115: {  	_ =	swait.ge @!p0 [sflag:s0], $0x400  }
0x116: {  	[sflag:s0] =	ssyncset.done @!p0 $0x0  }
0x117: {  	[sflag:s0] =	ssyncadd.s32 @!p0 $0xFFFFFC00  }
0x118: {  	_ =	swait.ge @!p0 [sflag:s0], $0x400  }
0x119: {  	s9 =	simm.s32 $0x3;
	s11 =	simm.s32 $0x1;
	[sflag:s0] =	ssyncset.done @!p0 $0x0  }
0x11a: {  	v1 =	vmov s9;
	v2 =	vmov s11;
	s15 =	simm.s32 $0x2;
	[sflag:s0] =	ssyncadd.s32 @!p0 $0xFFFFFC00;
	s0 =	simm.s32 $0x8430  }
0x11b: {  	s31 =	simm.s32 $0x0;
	v1 =	vand.u32 $0x1FF, v1;
	v5 =	vand.u32 $0x1FD, v2;
	v4 =	vmov s15;
	v2 =	vld [tilespmem:s0+$0x0]  }
0x11c: {  	v3 =	vadd.s32 v0, v1;
	v6 =	vmov s31;
	v8 =	vand.u32 $0x1FE, v4;
	v1 =	vld [tilespmem:s0+$0xFFFFFFE0]  }
0x11d: {  	s11 =	simm.s32 $0x4;
	v5 =	vadd.s32 v0, v5;
	v7 =	vand.u32 $0x1FC, v6;
	v6 =	vadd.s32 v0, v8;
	s6 =	sor.u32 $0x1, s30;
	v4 =	vld [tilespmem:s0+$0xFFFFFFF0]  }
.LBB2_5:
0x11e: {  	s8 =	sadd.s32 $0x3, s11  }
0x11f: {  	p0 =	slt.u32 s11, $0x1FC;
	v8 =	vld [tilespmem:s0+$0xFFFFFFD0];
	v9 =	vadd.s32 v0, v7;
	s9 =	smov.u32 s11;
	s11 =	sadd.s32 $0x4, s11  }
.Ltmp3:
0x120: {  	s30 =	sadd.s32 $0x1, s9;
	v7 =	vmov s8;
	(pc) =	sbr.rel @p0 .LBB2_5-.Ltmp3, $4  }
0x121: {  	s0 =	sadd.s32 $0x40, s0;
	s8 =	sadd.s32 $0x2, s9;
	v10 =	vmov s30;
	v7 =	vand.u32 $0x1FF, v7;
	[tilespmem:v3+s10+$0x0] =	vst.idx.msk $0xffff, v2  }
0x122: {  	v11 =	vmov s8;
	v10 =	vand.u32 $0x1FD, v10;
	v2 =	vld [tilespmem:s0+$0x0];
	v3 =	vadd.s32 v0, v7;
	[tilespmem:v5+s10+$0x0] =	vst.idx.msk $0xffff, v1  }
0x123: {  	v7 =	vmov s9;
	v1 =	vld [tilespmem:s0+$0xFFFFFFE0];
	v5 =	vadd.s32 v0, v10;
	v10 =	vand.u32 $0x1FE, v11;
	[tilespmem:v6+s10+$0x0] =	vst.idx.msk $0xffff, v4  }
0x124: {  	v7 =	vand.u32 $0x1FC, v7;
	v4 =	vld [tilespmem:s0+$0xFFFFFFF0];
	v6 =	vadd.s32 v0, v10;
	[tilespmem:v9+s10+$0x0] =	vst.idx.msk $0xffff, v8  }
0x125: {  	_ =	sdelay $0x1  }
0x126: {  	v8 =	vld [tilespmem:s0+$0xFFFFFFD0];
	v7 =	vadd.s32 v0, v7;
	s30 =	sadd.s32 s5, s6  }
0x127: {  	s6 =	sshll.u32 s30, $0xC;
	s0 =	sshll.u32 s30, $0xD  }
0x128: {  	[tilespmem:v3+s10+$0x0] =	vst.idx.msk $0xffff, v2;
	s6 =	sand.u32 $0x1F000, s6;
	s0 =	sand.u32 $0x7FFC0000, s0  }
0x129: {  	[tilespmem:v5+s10+$0x0] =	vst.idx.msk $0xffff, v1;
	s0 =	sor.u32 s6, s0  }
0x12a: {  	[tilespmem:v6+s10+$0x0] =	vst.idx.msk $0xffff, v4;
	s30 =	sshrl.u32 s0, $0x3  }
0x12b: {  	[tilespmem:v7+s10+$0x0] =	vst.idx.msk $0xffff, v8;
	s0 =	sadd.s32 s2, s30  }
0x12c: {  	[hbm4b:s0+s3] =	stream.linear.scatter [tilespmem:s10], [sflag:$0x4], $0x80, $0x38;
	[tilespmem:$0xE500] =	vst v63  }
0x12d: {  	s8 =	simm.s32 $0xC688;
	s31 =	sadd.s32 $0x10, s0  }
0x12e: {  	[hbm4b:s31+s3] =	stream.linear.scatter [tilespmem:s8], [sflag:$0x4], $0x80, $0x38;
	[tilespmem:$0xE500] =	vst v63  }
0x12f: {  	s11 =	simm.s32 $0xC890;
	s9 =	sadd.s32 $0x20, s0  }
0x130: {  	[hbm4b:s9+s3] =	stream.linear.scatter [tilespmem:s11], [sflag:$0x4], $0x80, $0x38;
	[tilespmem:$0xE500] =	vst v63  }
0x131: {  	s15 =	sadd.s32 $0x30, s0;
	s31 =	simm.s32 $0xCA98  }
0x132: {  	[hbm4b:s15+s3] =	stream.linear.scatter [tilespmem:s31], [sflag:$0x4], $0x80, $0x38;
	[tilespmem:$0xE500] =	vst v63  }
0x133: {  	s9 =	sadd.s32 $0x40, s0;
	s11 =	simm.s32 $0xCCA0  }
0x134: {  	[hbm4b:s9+s3] =	stream.linear.scatter [tilespmem:s11], [sflag:$0x4], $0x80, $0x38;
	[tilespmem:$0xE500] =	vst v63  }
0x135: {  	s15 =	sadd.s32 $0x50, s0;
	s31 =	simm.s32 $0xCEA8  }
0x136: {  	[hbm4b:s15+s3] =	stream.linear.scatter [tilespmem:s31], [sflag:$0x4], $0x80, $0x38;
	[tilespmem:$0xE500] =	vst v63  }
0x137: {  	s8 =	sadd.s32 $0x60, s0;
	s9 =	simm.s32 $0xD0B0  }
0x138: {  	[hbm4b:s8+s3] =	stream.linear.scatter [tilespmem:s9], [sflag:$0x4], $0x80, $0x38;
	[tilespmem:$0xE500] =	vst v63  }
0x139: {  	s0 =	sadd.s32 $0x70, s0;
	s11 =	simm.s32 $0xD2B8  }
0x13a: {  	[hbm4b:s0+s3] =	stream.linear.scatter [tilespmem:s11], [sflag:$0x4], $0x80, $0x38;
	[tilespmem:$0xE500] =	vst v63  }
0x13b: {  	s0 =	sor.u32 $0x80, s30  }
0x13c: {  	s15 =	simm.s32 $0xC500;
	s6 =	sadd.s32 s2, s0  }
0x13d: {  	[hbm4b:s6+s3] =	stream.linear.scatter [tilespmem:s15], [sflag:$0x4], $0x80, $0x38;
	[tilespmem:$0xE500] =	vst v63  }
0x13e: {  	s9 =	simm.s32 $0xC708;
	s31 =	sadd.s32 $0x10, s6  }
0x13f: {  	[hbm4b:s31+s3] =	stream.linear.scatter [tilespmem:s9], [sflag:$0x4], $0x80, $0x38;
	[tilespmem:$0xE500] =	vst v63  }
0x140: {  	s11 =	simm.s32 $0xC910;
	s9 =	sadd.s32 $0x20, s6  }
0x141: {  	[hbm4b:s9+s3] =	stream.linear.scatter [tilespmem:s11], [sflag:$0x4], $0x80, $0x38;
	[tilespmem:$0xE500] =	vst v63  }
0x142: {  	s15 =	sadd.s32 $0x30, s6;
	s31 =	simm.s32 $0xCB18  }
0x143: {  	[hbm4b:s15+s3] =	stream.linear.scatter [tilespmem:s31], [sflag:$0x4], $0x80, $0x38;
	[tilespmem:$0xE500] =	vst v63  }
0x144: {  	s9 =	sadd.s32 $0x40, s6;
	s11 =	simm.s32 $0xCD20  }
0x145: {  	[hbm4b:s9+s3] =	stream.linear.scatter [tilespmem:s11], [sflag:$0x4], $0x80, $0x38;
	[tilespmem:$0xE500] =	vst v63  }
0x146: {  	s15 =	sadd.s32 $0x50, s6;
	s31 =	simm.s32 $0xCF28  }
0x147: {  	[hbm4b:s15+s3] =	stream.linear.scatter [tilespmem:s31], [sflag:$0x4], $0x80, $0x38;
	[tilespmem:$0xE500] =	vst v63  }
0x148: {  	s11 =	sadd.s32 $0x60, s6;
	s15 =	simm.s32 $0xD130  }
0x149: {  	[hbm4b:s11+s3] =	stream.linear.scatter [tilespmem:s15], [sflag:$0x4], $0x80, $0x38;
	[tilespmem:$0xE500] =	vst v63  }
0x14a: {  	s6 =	sadd.s32 $0x70, s6;
	s31 =	simm.s32 $0xD338;
	s11 =	sor.u32 $0x100, s30  }
0x14b: {  	[hbm4b:s6+s3] =	stream.linear.scatter [tilespmem:s31], [sflag:$0x4], $0x80, $0x38;
	[tilespmem:$0xE500] =	vst v63  }
0x14c: {  	s9 =	simm.s32 $0xC580;
	s6 =	sadd.s32 s2, s11  }
0x14d: {  	[hbm4b:s6+s3] =	stream.linear.scatter [tilespmem:s9], [sflag:$0x4], $0x80, $0x38;
	[tilespmem:$0xE500] =	vst v63  }
0x14e: {  	s31 =	simm.s32 $0xC788;
	s15 =	sadd.s32 $0x10, s6  }
0x14f: {  	[hbm4b:s15+s3] =	stream.linear.scatter [tilespmem:s31], [sflag:$0x4], $0x80, $0x38;
	[tilespmem:$0xE500] =	vst v63  }
0x150: {  	s15 =	sadd.s32 $0x20, s6;
	s31 =	simm.s32 $0xC990  }
0x151: {  	[hbm4b:s15+s3] =	stream.linear.scatter [tilespmem:s31], [sflag:$0x4], $0x80, $0x38;
	[tilespmem:$0xE500] =	vst v63  }
0x152: {  	s15 =	sadd.s32 $0x30, s6;
	s31 =	simm.s32 $0xCB98  }
0x153: {  	[hbm4b:s15+s3] =	stream.linear.scatter [tilespmem:s31], [sflag:$0x4], $0x80, $0x38;
	[tilespmem:$0xE500] =	vst v63  }
0x154: {  	s15 =	sadd.s32 $0x40, s6;
	s31 =	simm.s32 $0xCDA0  }
0x155: {  	[hbm4b:s15+s3] =	stream.linear.scatter [tilespmem:s31], [sflag:$0x4], $0x80, $0x38;
	[tilespmem:$0xE500] =	vst v63  }
0x156: {  	s15 =	sadd.s32 $0x50, s6;
	s31 =	simm.s32 $0xCFA8  }
0x157: {  	[hbm4b:s15+s3] =	stream.linear.scatter [tilespmem:s31], [sflag:$0x4], $0x80, $0x38;
	[tilespmem:$0xE500] =	vst v63  }
0x158: {  	s15 =	sadd.s32 $0x60, s6;
	s31 =	simm.s32 $0xD1B0  }
0x159: {  	[hbm4b:s15+s3] =	stream.linear.scatter [tilespmem:s31], [sflag:$0x4], $0x80, $0x38;
	[tilespmem:$0xE500] =	vst v63  }
0x15a: {  	s9 =	simm.s32 $0xD3B8;
	s6 =	sadd.s32 $0x70, s6  }
0x15b: {  	[hbm4b:s6+s3] =	stream.linear.scatter [tilespmem:s9], [sflag:$0x4], $0x80, $0x38;
	[tilespmem:$0xE500] =	vst v63  }
0x15c: {  	s6 =	sor.u32 $0x180, s30  }
0x15d: {  	s15 =	simm.s32 $0xC600;
	s8 =	sadd.s32 s2, s6  }
0x15e: {  	[hbm4b:s8+s3] =	stream.linear.scatter [tilespmem:s15], [sflag:$0x4], $0x80, $0x38;
	[tilespmem:$0xE500] =	vst v63  }
0x15f: {  	s31 =	sadd.s32 $0x10, s8;
	s15 =	simm.s32 $0xC808  }
0x160: {  	[hbm4b:s31+s3] =	stream.linear.scatter [tilespmem:s15], [sflag:$0x4], $0x80, $0x38;
	[tilespmem:$0xE500] =	vst v63  }
0x161: {  	s15 =	sadd.s32 $0x20, s8;
	s31 =	simm.s32 $0xCA10  }
0x162: {  	[hbm4b:s15+s3] =	stream.linear.scatter [tilespmem:s31], [sflag:$0x4], $0x80, $0x38;
	[tilespmem:$0xE500] =	vst v63  }
0x163: {  	s15 =	sadd.s32 $0x30, s8;
	s31 =	simm.s32 $0xCC18  }
0x164: {  	[hbm4b:s15+s3] =	stream.linear.scatter [tilespmem:s31], [sflag:$0x4], $0x80, $0x38;
	[tilespmem:$0xE500] =	vst v63  }
0x165: {  	s15 =	sadd.s32 $0x40, s8;
	s31 =	simm.s32 $0xCE20  }
0x166: {  	[hbm4b:s15+s3] =	stream.linear.scatter [tilespmem:s31], [sflag:$0x4], $0x80, $0x38;
	[tilespmem:$0xE500] =	vst v63  }
0x167: {  	s15 =	sadd.s32 $0x50, s8;
	s31 =	simm.s32 $0xD028  }
0x168: {  	[hbm4b:s15+s3] =	stream.linear.scatter [tilespmem:s31], [sflag:$0x4], $0x80, $0x38;
	[tilespmem:$0xE500] =	vst v63  }
0x169: {  	s15 =	sadd.s32 $0x60, s8;
	s31 =	simm.s32 $0xD230  }
0x16a: {  	[hbm4b:s15+s3] =	stream.linear.scatter [tilespmem:s31], [sflag:$0x4], $0x80, $0x38;
	[tilespmem:$0xE500] =	vst v63  }
0x16b: {  	s8 =	sadd.s32 $0x70, s8;
	s31 =	simm.s32 $0xD438  }
0x16c: {  	[hbm4b:s8+s3] =	stream.linear.scatter [tilespmem:s31], [sflag:$0x4], $0x80, $0x38;
	[tilespmem:$0xE500] =	vst v63  }
0x16d: {  	s15 =	simm.s32 $0xD4C0;
	s8 =	sadd.s32 s30, s7  }
0x16e: {  	[hbm4b:s8+s3] =	stream.linear.scatter [tilespmem:s15], [sflag:$0x4], $0x80, $0x38;
	[tilespmem:$0xE500] =	vst v63  }
0x16f: {  	s31 =	simm.s32 $0xD6C8;
	s30 =	sadd.s32 $0x10, s8  }
0x170: {  	[hbm4b:s30+s3] =	stream.linear.scatter [tilespmem:s31], [sflag:$0x4], $0x80, $0x38;
	[tilespmem:$0xE500] =	vst v63  }
0x171: {  	s30 =	sadd.s32 $0x20, s8;
	s31 =	simm.s32 $0xD8D0  }
0x172: {  	[hbm4b:s30+s3] =	stream.linear.scatter [tilespmem:s31], [sflag:$0x4], $0x80, $0x38;
	[tilespmem:$0xE500] =	vst v63  }
0x173: {  	s30 =	sadd.s32 $0x30, s8;
	s31 =	simm.s32 $0xDAD8  }
0x174: {  	[hbm4b:s30+s3] =	stream.linear.scatter [tilespmem:s31], [sflag:$0x4], $0x80, $0x38;
	[tilespmem:$0xE500] =	vst v63  }
0x175: {  	s30 =	sadd.s32 $0x40, s8;
	s31 =	simm.s32 $0xDCE0  }
0x176: {  	[hbm4b:s30+s3] =	stream.linear.scatter [tilespmem:s31], [sflag:$0x4], $0x80, $0x38;
	[tilespmem:$0xE500] =	vst v63  }
0x177: {  	s30 =	sadd.s32 $0x50, s8;
	s31 =	simm.s32 $0xDEE8  }
0x178: {  	[hbm4b:s30+s3] =	stream.linear.scatter [tilespmem:s31], [sflag:$0x4], $0x80, $0x38;
	[tilespmem:$0xE500] =	vst v63  }
0x179: {  	s15 =	sadd.s32 $0x60, s8;
	s30 =	simm.s32 $0xE0F0  }
0x17a: {  	[hbm4b:s15+s3] =	stream.linear.scatter [tilespmem:s30], [sflag:$0x4], $0x80, $0x38;
	[tilespmem:$0xE500] =	vst v63  }
0x17b: {  	s8 =	sadd.s32 $0x70, s8;
	s31 =	simm.s32 $0xE2F8  }
0x17c: {  	[hbm4b:s8+s3] =	stream.linear.scatter [tilespmem:s31], [sflag:$0x4], $0x80, $0x38;
	[tilespmem:$0xE500] =	vst v63  }
0x17d: {  	s0 =	sadd.s32 s0, s7;
	s15 =	simm.s32 $0xD540  }
0x17e: {  	[hbm4b:s0+s3] =	stream.linear.scatter [tilespmem:s15], [sflag:$0x4], $0x80, $0x38;
	[tilespmem:$0xE500] =	vst v63  }
0x17f: {  	s30 =	sadd.s32 $0x10, s0;
	s31 =	simm.s32 $0xD748  }
0x180: {  	[hbm4b:s30+s3] =	stream.linear.scatter [tilespmem:s31], [sflag:$0x4], $0x80, $0x38;
	[tilespmem:$0xE500] =	vst v63  }
0x181: {  	s9 =	sadd.s32 $0x20, s0;
	s15 =	simm.s32 $0xD950  }
0x182: {  	[hbm4b:s9+s3] =	stream.linear.scatter [tilespmem:s15], [sflag:$0x4], $0x80, $0x38;
	[tilespmem:$0xE500] =	vst v63  }
0x183: {  	s30 =	sadd.s32 $0x30, s0;
	s31 =	simm.s32 $0xDB58  }
0x184: {  	[hbm4b:s30+s3] =	stream.linear.scatter [tilespmem:s31], [sflag:$0x4], $0x80, $0x38;
	[tilespmem:$0xE500] =	vst v63  }
0x185: {  	s9 =	sadd.s32 $0x40, s0;
	s15 =	simm.s32 $0xDD60  }
0x186: {  	[hbm4b:s9+s3] =	stream.linear.scatter [tilespmem:s15], [sflag:$0x4], $0x80, $0x38;
	[tilespmem:$0xE500] =	vst v63  }
0x187: {  	s30 =	sadd.s32 $0x50, s0;
	s31 =	simm.s32 $0xDF68  }
0x188: {  	[hbm4b:s30+s3] =	stream.linear.scatter [tilespmem:s31], [sflag:$0x4], $0x80, $0x38;
	[tilespmem:$0xE500] =	vst v63  }
0x189: {  	s15 =	sadd.s32 $0x60, s0;
	s30 =	simm.s32 $0xE170  }
0x18a: {  	[hbm4b:s15+s3] =	stream.linear.scatter [tilespmem:s30], [sflag:$0x4], $0x80, $0x38;
	[tilespmem:$0xE500] =	vst v63  }
0x18b: {  	s0 =	sadd.s32 $0x70, s0;
	s31 =	simm.s32 $0xE378  }
0x18c: {  	[hbm4b:s0+s3] =	stream.linear.scatter [tilespmem:s31], [sflag:$0x4], $0x80, $0x38;
	[tilespmem:$0xE500] =	vst v63  }
0x18d: {  	s9 =	simm.s32 $0xD5C0;
	s0 =	sadd.s32 s11, s7  }
0x18e: {  	[hbm4b:s0+s3] =	stream.linear.scatter [tilespmem:s9], [sflag:$0x4], $0x80, $0x38;
	[tilespmem:$0xE500] =	vst v63  }
0x18f: {  	s15 =	simm.s32 $0xD7C8;
	s11 =	sadd.s32 $0x10, s0  }
0x190: {  	[hbm4b:s11+s3] =	stream.linear.scatter [tilespmem:s15], [sflag:$0x4], $0x80, $0x38;
	[tilespmem:$0xE500] =	vst v63  }
0x191: {  	s31 =	simm.s32 $0xD9D0;
	s30 =	sadd.s32 $0x20, s0  }
0x192: {  	[hbm4b:s30+s3] =	stream.linear.scatter [tilespmem:s31], [sflag:$0x4], $0x80, $0x38;
	[tilespmem:$0xE500] =	vst v63  }
0x193: {  	s9 =	sadd.s32 $0x30, s0;
	s11 =	simm.s32 $0xDBD8  }
0x194: {  	[hbm4b:s9+s3] =	stream.linear.scatter [tilespmem:s11], [sflag:$0x4], $0x80, $0x38;
	[tilespmem:$0xE500] =	vst v63  }
0x195: {  	s15 =	sadd.s32 $0x40, s0  }
0x196: {  	[hbm4b:s15+s3] =	stream.linear.scatter [tilespmem:s16], [sflag:$0x4], $0x80, $0x38;
	[tilespmem:$0xE500] =	vst v63  }
0x197: {  	s30 =	sadd.s32 $0x50, s0  }
0x198: {  	[hbm4b:s30+s3] =	stream.linear.scatter [tilespmem:s17], [sflag:$0x4], $0x80, $0x38;
	[tilespmem:$0xE500] =	vst v63  }
0x199: {  	s31 =	sadd.s32 $0x60, s0  }
0x19a: {  	[hbm4b:s31+s3] =	stream.linear.scatter [tilespmem:s18], [sflag:$0x4], $0x80, $0x38;
	[tilespmem:$0xE500] =	vst v63  }
0x19b: {  	s0 =	sadd.s32 $0x70, s0  }
0x19c: {  	[hbm4b:s0+s3] =	stream.linear.scatter [tilespmem:s19], [sflag:$0x4], $0x80, $0x38;
	[tilespmem:$0xE500] =	vst v63  }
0x19d: {  	s8 =	sadd.s32 s6, s7  }
0x19e: {  	[hbm4b:s8+s3] =	stream.linear.scatter [tilespmem:s20], [sflag:$0x4], $0x80, $0x38;
	[tilespmem:$0xE500] =	vst v63  }
0x19f: {  	s6 =	sadd.s32 $0x10, s8  }
0x1a0: {  	[hbm4b:s6+s3] =	stream.linear.scatter [tilespmem:s21], [sflag:$0x4], $0x80, $0x38;
	[tilespmem:$0xE500] =	vst v63  }
0x1a1: {  	s9 =	sadd.s32 $0x20, s8  }
0x1a2: {  	[hbm4b:s9+s3] =	stream.linear.scatter [tilespmem:s22], [sflag:$0x4], $0x80, $0x38;
	[tilespmem:$0xE500] =	vst v63  }
0x1a3: {  	s11 =	sadd.s32 $0x30, s8  }
0x1a4: {  	[hbm4b:s11+s3] =	stream.linear.scatter [tilespmem:s23], [sflag:$0x4], $0x80, $0x38;
	[tilespmem:$0xE500] =	vst v63  }
0x1a5: {  	s15 =	sadd.s32 $0x40, s8  }
0x1a6: {  	[hbm4b:s15+s3] =	stream.linear.scatter [tilespmem:s24], [sflag:$0x4], $0x80, $0x38;
	[tilespmem:$0xE500] =	vst v63  }
0x1a7: {  	s30 =	sadd.s32 $0x50, s8  }
0x1a8: {  	[hbm4b:s30+s3] =	stream.linear.scatter [tilespmem:s25], [sflag:$0x4], $0x80, $0x38;
	[tilespmem:$0xE500] =	vst v63  }
.Ltmp4:
0x1a9: {  	_ = 	snop;
	(pc) =	sbr.rel @p1 .LBB2_8-.Ltmp4, $4  }
0x1aa: {  	s31 =	sadd.s32 $0x60, s8  }
0x1ab: {  	[hbm4b:s31+s3] =	stream.linear.scatter [tilespmem:s26], [sflag:$0x4], $0x80, $0x38;
	[tilespmem:$0xE500] =	vst v63  }
0x1ac: {  	s0 =	sadd.s32 $0x70, s8  }
0x1ad: {  	[hbm4b:s0+s3] =	stream.linear.scatter [tilespmem:s28], [sflag:$0x4], $0x80, $0x38;
	[tilespmem:$0xE500] =	vst v63  }
.Ltmp5:
0x1ae: {  	(pc) =	sbr.rel .LBB2_2-.Ltmp5, $4  }
0x1af: {  	s0 =	sshll.u32 s29, $0xA  }
0x1b0: {  	s0 =	sand.u32 $0x3FFFFC00, s0  }
0x1b1: {  	s6 =	simm.s32 $0x8400;
	s29 =	sadd.s32 $0x1, s29;
	s0 =	sadd.s32 $0x600, s0  }
0x1b2: {  	[tilespmem:s6], [sflag:$0x2] =	stream.indirect.gather [hbm4b:s4+s12], $0x10, s0, s12, $0xb8;
	[tilespmem:$0xE500] =	vst v63  }
.LBB2_9:
0x1b3: {  	_ =	sfence.sel $0x180000  }
0x1b4: {  	[bflag:$0x0] =	sbarrier.arrive $0xFFFF  }
0x1b5: {  	_ =	strace $0x9000004A  }
0x1b6: {  	s0 =	stileid.u32;
	[bflag:$0x2] =	sbarrier.arrive $0xFFFF  }
0x1b7: {  	p0 =	sne.s32 s0, $0x0;
	s0 =	rddreg [dreg:$0x2]  }
0x1b8: {  	s0 =	sadd.s32 @!p0 $0x100000, s0  }
0x1b9: {  	[sflag:s0] =	ssyncadd.tile.s32 @!p0 $0x1;
	_ =	shalt  }
.Lfunc_end2:
_tile_overlayer_lowered:
.L_overlay_start_2:
0x1ba: {  	(tag) =	ssettag $0x2  }
0x1bb: {  	s0 =	rddreg [dreg:$0x0];
	s2 =	stileid.u32  }
0x1bc: {  	s1 =	rddreg [dreg:$0x1];
	p0 =	sne.s32 s2, $0x0  }
0x1bd: {  	s3 =	rddreg [dreg:$0x2];
	[bflag:$0x3] =	sbarrier.arrive $0xFFFF;
	s2 =	simm.s32 @!p0 $0x1C05  }
0x1be: {  	[timem:s3], [sflag:s2] =	dma.local @!p0 [hbm:s0], s1  }
0x1bf: {  	s0 =	simm.s32 @!p0 $0x5  }
0x1c0: {  	_ =	swait.ge @!p0 [sflag:s0], s1  }
0x1c1: {  	s1 =	ssub.s32 @!p0 $0x0, s1;
	[sflag:s0] =	ssyncset.done @!p0 $0x0  }
0x1c2: {  	[sflag:s0] =	ssyncadd.s32 @!p0 s1  }
0x1c3: {  	[bflag:$0x3] =	sbarrier.arrive $0xFFFF  }
0x1c4: {  	_ =	shalt  }

</sc_bundles>
